<compile_context>
chip_gen: v7x
topology: tpu7x:2x2x1
jax: 0.10.2.dev20260603
libtpu: 0.0.44.dev20260713+nightly
codegen_flags: <defaults>
</compile_context>

<pallas_src>
import functools

import jax
import jax.numpy as jnp
from jax import lax
from jax.experimental import pallas as pl
from jax.experimental.pallas import tpu as pltpu
from jax.experimental.pallas import tpu_sc as plsc

N = 10000
E = 160000
D_IN = 256
D_H = 256
D_L = 128
EPS = 1e-5

LANES = 128
CHUNK = 128
EPAD = 163840
NPAD = 10240
NT = NPAD // 16
QT = 4
SLOTS = 2


def _sc_segsum(rows_core0: int, rows_core1: int):
    rts = (rows_core0 // 16, rows_core1 // 16)
    for rows, rt in zip((rows_core0, rows_core1), rts):
        ntt = rt // QT
        assert rt * 16 == rows and ntt * QT == rt and ntt % 2 == 0

    mesh = plsc.VectorSubcoreMesh(core_axis_name="c", subcore_axis_name="s")

    @functools.partial(
        pl.kernel,
        out_type=jax.ShapeDtypeStruct((2, NPAD, LANES), jnp.float32),
        mesh=mesh,
        scratch_types=[
            pltpu.VMEM((2, QT, CHUNK), jnp.int32),
            pltpu.VMEM((2, QT, CHUNK), jnp.int32),
            [pltpu.VMEM((CHUNK, LANES), jnp.float32) for _ in range(SLOTS)],
            pltpu.VMEM_SHARED((NPAD, LANES), jnp.float32),
            [pltpu.SemaphoreType.DMA for _ in range(SLOTS)],
            [pltpu.SemaphoreType.DMA for _ in range(SLOTS)],
            pltpu.SemaphoreType.DMA,
        ],
    )
    def k(table, srci, dsti, out, src_v, dst_v, rows, acc, gsem, ssem, isem):
        c = lax.axis_index("c")
        s = lax.axis_index("s")
        rt = jnp.where(c == 0, rts[0], rts[1])
        ntt = rt // QT
        base = s * rt

        z16 = jnp.zeros((16,), jnp.float32)

        def zrow(i, _):
            for j in range(8):
                rows[0][i, pl.ds(j * 16, 16)] = z16
            return _

        lax.fori_loop(0, CHUNK, zrow, None)
        for b in range(NT // CHUNK):
            pltpu.sync_copy(rows[0], acc.at[pl.ds(s * NT + b * CHUNK, CHUNK)])
        pltpu.sync_copy(srci.at[c, pl.ds(base, QT)], src_v.at[0])
        pltpu.sync_copy(dsti.at[c, pl.ds(base, QT)], dst_v.at[0])
        plsc.subcore_barrier()

        def gather(ib, q, b):
            pltpu.async_copy(table.at[src_v.at[ib].at[q]], rows[b], gsem[b])

        def gather_wait(b):
            pltpu.make_async_copy(
                table.at[src_v.at[0].at[0]], rows[b], gsem[b]).wait()

        def scatter(ib, q, b):
            pltpu.async_copy(
                rows[b], acc.at[dst_v.at[ib].at[q]], ssem[b], add=True)

        def scatter_wait(b):
            pltpu.make_async_copy(
                rows[b], acc.at[dst_v.at[0].at[0]], ssem[b]).wait()

        def idx_wait(ib):
            pltpu.make_async_copy(
                srci.at[c, pl.ds(base, QT)], src_v.at[ib], isem).wait()
            pltpu.make_async_copy(
                dsti.at[c, pl.ds(base, QT)], dst_v.at[ib], isem).wait()

        for b in range(SLOTS - 1):
            gather(0, b, b)

        def turn(tt, cur):
            nxt = 1 - cur
            for q in range(QT):
                j = tt * QT + q
                b = q % 2
                gather_wait(b)
                scatter(cur, q, b)

                @pl.when(j >= 1)
                def _():
                    scatter_wait(1 - b)

                if q == 0:
                    @pl.when(tt < ntt - 1)
                    def _():
                        nb = base + (tt + 1) * QT
                        pltpu.async_copy(
                            srci.at[c, pl.ds(nb, QT)], src_v.at[nxt], isem)
                        pltpu.async_copy(
                            dsti.at[c, pl.ds(nb, QT)], dst_v.at[nxt], isem)

                if q < QT - 1:
                    gather(cur, q + 1, 1 - b)
                else:
                    @pl.when(tt < ntt - 1)
                    def _():
                        idx_wait(nxt)
                        gather(nxt, 0, 1 - b)

        def two_turns(t2, _):
            turn(2 * t2, 0)
            turn(2 * t2 + 1, 1)
            return _

        lax.fori_loop(0, ntt // 2, two_turns, None)
        scatter_wait(SLOTS - 1)
        plsc.subcore_barrier()

        pltpu.sync_copy(acc.at[pl.ds(s * NT, NT)], out.at[c, pl.ds(s * NT, NT)])

    return k


def _tc_matmul_split(x, w):
    bm = 1000
    gi = N // bm

    def body(x_ref, w_ref, o_ref):
        o_ref[...] = jnp.dot(x_ref[...], w_ref[...],
                             preferred_element_type=jnp.float32)

    return pl.pallas_call(
        body,
        grid=(2, gi),
        in_specs=[
            pl.BlockSpec((bm, D_IN), lambda h, i: (i, 0)),
            pl.BlockSpec((D_IN, D_L), lambda h, i: (0, h)),
        ],
        out_specs=pl.BlockSpec((bm, D_L), lambda h, i: (h * gi + i, 0)),
        out_shape=jax.ShapeDtypeStruct((2 * N, D_L), jnp.float32),
    )(x, w)


def _tc_bn_matmul(agg, b1, gamma1, beta1, w2):

    def body(a_ref, b_ref, g_ref, be_ref, w_ref, o_ref):
        h = jnp.concatenate([a_ref[0, :N, :], a_ref[1, :N, :]], axis=1)
        h = h + b_ref[...]
        mean = jnp.mean(h, axis=0, keepdims=True)
        hc = h - mean
        var = jnp.mean(hc * hc, axis=0, keepdims=True)
        hn = hc * lax.rsqrt(var + EPS) * g_ref[...] + be_ref[...]
        o_ref[...] = jnp.dot(hn, w_ref[...], preferred_element_type=jnp.float32)

    return pl.pallas_call(
        body,
        out_shape=jax.ShapeDtypeStruct((N, D_L), jnp.float32),
    )(agg, b1.reshape(1, D_H), gamma1.reshape(1, D_H), beta1.reshape(1, D_H), w2)


def _tc_add_bn(parts, b2, gamma2, beta2):

    def body(p_ref, b_ref, g_ref, be_ref, o_ref):
        h = p_ref[0, :N, :] + p_ref[1, :N, :] + b_ref[...]
        mean = jnp.mean(h, axis=0, keepdims=True)
        hc = h - mean
        var = jnp.mean(hc * hc, axis=0, keepdims=True)
        o_ref[...] = hc * lax.rsqrt(var + EPS) * g_ref[...] + be_ref[...]

    return pl.pallas_call(
        body,
        out_shape=jax.ShapeDtypeStruct((N, D_L), jnp.float32),
    )(parts, b2.reshape(1, D_L), gamma2.reshape(1, D_L), beta2.reshape(1, D_L))


def kernel(x, edge_index, W1, b1, gamma1, beta1, W2, b2, gamma2, beta2):
    src = edge_index[0]
    dst = edge_index[1]

    pad = EPAD - E
    srcp = jnp.concatenate([src, jnp.zeros((pad,), jnp.int32)])
    dstp = jnp.concatenate([dst, jnp.full((pad,), N, jnp.int32)])

    rows_all = EPAD // CHUNK
    sh1 = (2, rows_all, CHUNK)
    l1_src = jnp.stack([srcp, srcp + N]).reshape(sh1)
    l1_dst = jnp.stack([dstp, dstp]).reshape(sh1)
    r2_0 = rows_all * 9 // 10
    r2_1 = rows_all - r2_0
    src_rows = srcp.reshape(rows_all, CHUNK)
    dst_rows = dstp.reshape(rows_all, CHUNK)
    padr = jnp.zeros((r2_0 - r2_1, CHUNK), jnp.int32)
    l2_src = jnp.stack(
        [src_rows[:r2_0], jnp.concatenate([src_rows[r2_0:], padr])])
    l2_dst = jnp.stack(
        [dst_rows[:r2_0], jnp.concatenate([dst_rows[r2_0:], padr])])

    y1 = _tc_matmul_split(x, W1)
    agg1 = _sc_segsum(rows_all, rows_all)(y1, l1_src, l1_dst)
    t2 = _tc_bn_matmul(agg1, b1, gamma1, beta1, W2)
    parts = _sc_segsum(r2_0, r2_1)(t2, l2_src, l2_dst)
    return _tc_add_bn(parts, b2, gamma2, beta2)

# --- scband reference (transcript-rebuilt; emitter-appended) ---
"""Pipeline reference for scband-encoder-5128190951933 (READ-ONLY COPY).

The authoritative reference and input builder live on the scoring server;
editing this copy changes nothing except your own understanding.
"""

import jax, jax.numpy as jnp
import numpy as np

N = 10000
E = 160000
D_IN = 256
D_H = 256
D_L = 128
EPS = 1e-5


def setup_inputs(seed: int = 0) -> dict:
    key = jax.random.key(seed)
    ks = jax.random.split(key, 12)
    x = jax.random.normal(ks[0], (N, D_IN), dtype=jnp.float32)
    edge_index = jax.random.randint(ks[1], (2, E), 0, N, dtype=jnp.int32)
    W1 = jax.random.normal(ks[2], (D_IN, D_H), dtype=jnp.float32) * 0.05
    b1 = jnp.zeros((D_H,), dtype=jnp.float32)
    gamma1 = jnp.ones((D_H,), dtype=jnp.float32)
    beta1 = jnp.zeros((D_H,), dtype=jnp.float32)
    W2 = jax.random.normal(ks[3], (D_H, D_L), dtype=jnp.float32) * 0.05
    b2 = jnp.zeros((D_L,), dtype=jnp.float32)
    gamma2 = jnp.ones((D_L,), dtype=jnp.float32)
    beta2 = jnp.zeros((D_L,), dtype=jnp.float32)
    return {"x": x, "edge_index": edge_index, "W1": W1, "b1": b1,
            "gamma1": gamma1, "beta1": beta1, "W2": W2, "b2": b2,
            "gamma2": gamma2, "beta2": beta2}


def _g_conv(x, src, dst, W, b):
    # message passing: gather source node features, scatter-add to destination
    msg = jnp.take(x, src, axis=0)
    agg = jax.ops.segment_sum(msg, dst, num_segments=N)
    return agg @ W + b


def _batch_norm(h, gamma, beta):
    # BatchNorm1d in training mode: batch statistics over the node dimension
    mean = jnp.mean(h, axis=0)
    var = jnp.var(h, axis=0)
    return (h - mean) * jax.lax.rsqrt(var + EPS) * gamma + beta


def reference(x, edge_index, W1, b1, gamma1, beta1, W2, b2, gamma2, beta2):
    src = edge_index[0]
    dst = edge_index[1]
    h = _g_conv(x, src, dst, W1, b1)
    h = _batch_norm(h, gamma1, beta1)
    z = _g_conv(h, src, dst, W2, b2)
    z = _batch_norm(z, gamma2, beta2)
    return z

if __name__ == "__main__":
    import jax
    _d = setup_inputs()
    print(jax.jit(kernel)(*tuple(_d.values())))

</pallas_src>

<mosaic_0001>
#map = affine_map<(d0, d1) -> (0, 0)>
#map1 = affine_map<(d0, d1) -> (0, 0, 0)>
module attributes {stable_mosaic.version = 14 : i64} {
  func.func @k(%arg0: i32, %arg1: i32, %arg2: memref<20000x128xf32, #tpu.memory_space<hbm>>, %arg3: memref<2x1280x128xi32, #tpu.memory_space<hbm>>, %arg4: memref<2x1280x128xi32, #tpu.memory_space<hbm>>, %arg5: memref<2x10240x128xf32, #tpu.memory_space<hbm>>, %arg6: memref<2x4x128xi32, #tpu.memory_space<vmem>>, %arg7: memref<2x4x128xi32, #tpu.memory_space<vmem>>, %arg8: memref<128x128xf32, #tpu.memory_space<vmem>>, %arg9: memref<128x128xf32, #tpu.memory_space<vmem>>, %arg10: memref<10240x128xf32, #tpu.memory_space<vmem_shared>>, %arg11: memref<!tpu.dma_semaphore, #tpu.memory_space<semaphore_mem>>, %arg12: memref<!tpu.dma_semaphore, #tpu.memory_space<semaphore_mem>>, %arg13: memref<!tpu.dma_semaphore, #tpu.memory_space<semaphore_mem>>, %arg14: memref<!tpu.dma_semaphore, #tpu.memory_space<semaphore_mem>>, %arg15: memref<!tpu.dma_semaphore, #tpu.memory_space<semaphore_mem>>) attributes {dimension_semantics = [#tpu.dimension_semantics<core_parallel>, #tpu.dimension_semantics<subcore_parallel>], iteration_bounds = array<i64: 2, 16>, scalar_prefetch = 0 : i64, scratch_operands = 10 : i64, tpu.core_type = #tpu.core_type<sc_vector_subcore>, window_params = [{transform_indices = #map}, {transform_indices = #map1}, {transform_indices = #map1}, {transform_indices = #map1}]} {
    %eq3A = arith.constant 0 : i32
    %eq3A_0 = arith.cmpi eq, %arg0, %eq3A : i32
    %jit3A = arith.constant 80 : i32
    %jit3A_1 = arith.constant 80 : i32
    %select_n3A = arith.select %eq3A_0, %jit3A, %jit3A_1 : i32
    %jit3A_2 = arith.constant 4 : i32
    %div3A = arith.divsi %select_n3A, %jit3A_2 : i32
    %sign3A = arith.constant 0 : i32
    %sign3A_3 = arith.cmpi sgt, %select_n3A, %sign3A : i32
    %sign3A_4 = arith.extui %sign3A_3 : i1 to i32
    %sign3A_5 = arith.constant 0 : i32
    %sign3A_6 = arith.cmpi slt, %select_n3A, %sign3A_5 : i32
    %sign3A_7 = arith.extui %sign3A_6 : i1 to i32
    %sign3A_8 = arith.subi %sign3A_4, %sign3A_7 : i32
    %sign3A_9 = arith.constant 0 : i32
    %sign3A_10 = arith.cmpi sgt, %jit3A_2, %sign3A_9 : i32
    %sign3A_11 = arith.extui %sign3A_10 : i1 to i32
    %sign3A_12 = arith.constant 0 : i32
    %sign3A_13 = arith.cmpi slt, %jit3A_2, %sign3A_12 : i32
    %sign3A_14 = arith.extui %sign3A_13 : i1 to i32
    %sign3A_15 = arith.subi %sign3A_11, %sign3A_14 : i32
    %ne3A = arith.cmpi ne, %sign3A_8, %sign3A_15 : i32
    %rem3A = arith.remsi %select_n3A, %jit3A_2 : i32
    %ne3A_16 = arith.constant 0 : i32
    %ne3A_17 = arith.cmpi ne, %rem3A, %ne3A_16 : i32
    %and3A = arith.andi %ne3A, %ne3A_17 : i1
    %sub3A = arith.constant 1 : i32
    %sub3A_18 = arith.subi %div3A, %sub3A : i32
    %select_n3A_19 = arith.select %and3A, %sub3A_18, %div3A : i32
    %mul3A = arith.muli %arg1, %select_n3A : i32
    %broadcast_in_dim3A = arith.constant 0.000000e+00 : f32
    %broadcast_in_dim3A_20 = vector.broadcast %broadcast_in_dim3A : f32 to vector<16xf32>
    %scan3A = arith.constant 0 : i32
    %scan3A_21 = arith.constant 128 : i32
    %scan3A_22 = arith.addi %scan3A, %scan3A_21 : i32
    %scan3A_23 = arith.constant 1 : i32
    scf.for %scan3A_104 = %scan3A to %scan3A_22 step %scan3A_23  : i32 {
      %swap3A = arith.index_cast %scan3A_104 : i32 to index
      %swap3A_105 = arith.constant 0 : index
      %swap3A_106 = tpu.vector_load %arg8[%swap3A, %swap3A_105] {strides = array<i32>} : memref<128x128xf32, #tpu.memory_space<vmem>>, vector<1x16xf32>,
      %swap3A_107 = vector.shape_cast %swap3A_106 : vector<1x16xf32> to vector<16xf32>
      %swap3A_108 = vector.shape_cast %broadcast_in_dim3A_20 : vector<16xf32> to vector<1x16xf32>
      tpu.vector_store %arg8[%swap3A, %swap3A_105], %swap3A_108 {strides = array<i32>} : memref<128x128xf32, #tpu.memory_space<vmem>>, vector<1x16xf32>,
      %swap3A_109 = arith.index_cast %scan3A_104 : i32 to index
      %swap3A_110 = arith.constant 16 : index
      %swap3A_111 = tpu.vector_load %arg8[%swap3A_109, %swap3A_110] {strides = array<i32>} : memref<128x128xf32, #tpu.memory_space<vmem>>, vector<1x16xf32>,
      %swap3A_112 = vector.shape_cast %swap3A_111 : vector<1x16xf32> to vector<16xf32>
      %swap3A_113 = vector.shape_cast %broadcast_in_dim3A_20 : vector<16xf32> to vector<1x16xf32>
      tpu.vector_store %arg8[%swap3A_109, %swap3A_110], %swap3A_113 {strides = array<i32>} : memref<128x128xf32, #tpu.memory_space<vmem>>, vector<1x16xf32>,
      %swap3A_114 = arith.index_cast %scan3A_104 : i32 to index
      %swap3A_115 = arith.constant 32 : index
      %swap3A_116 = tpu.vector_load %arg8[%swap3A_114, %swap3A_115] {strides = array<i32>} : memref<128x128xf32, #tpu.memory_space<vmem>>, vector<1x16xf32>,
      %swap3A_117 = vector.shape_cast %swap3A_116 : vector<1x16xf32> to vector<16xf32>
      %swap3A_118 = vector.shape_cast %broadcast_in_dim3A_20 : vector<16xf32> to vector<1x16xf32>
      tpu.vector_store %arg8[%swap3A_114, %swap3A_115], %swap3A_118 {strides = array<i32>} : memref<128x128xf32, #tpu.memory_space<vmem>>, vector<1x16xf32>,
      %swap3A_119 = arith.index_cast %scan3A_104 : i32 to index
      %swap3A_120 = arith.constant 48 : index
      %swap3A_121 = tpu.vector_load %arg8[%swap3A_119, %swap3A_120] {strides = array<i32>} : memref<128x128xf32, #tpu.memory_space<vmem>>, vector<1x16xf32>,
      %swap3A_122 = vector.shape_cast %swap3A_121 : vector<1x16xf32> to vector<16xf32>
      %swap3A_123 = vector.shape_cast %broadcast_in_dim3A_20 : vector<16xf32> to vector<1x16xf32>
      tpu.vector_store %arg8[%swap3A_119, %swap3A_120], %swap3A_123 {strides = array<i32>} : memref<128x128xf32, #tpu.memory_space<vmem>>, vector<1x16xf32>,
      %swap3A_124 = arith.index_cast %scan3A_104 : i32 to index
      %swap3A_125 = arith.constant 64 : index
      %swap3A_126 = tpu.vector_load %arg8[%swap3A_124, %swap3A_125] {strides = array<i32>} : memref<128x128xf32, #tpu.memory_space<vmem>>, vector<1x16xf32>,
      %swap3A_127 = vector.shape_cast %swap3A_126 : vector<1x16xf32> to vector<16xf32>
      %swap3A_128 = vector.shape_cast %broadcast_in_dim3A_20 : vector<16xf32> to vector<1x16xf32>
      tpu.vector_store %arg8[%swap3A_124, %swap3A_125], %swap3A_128 {strides = array<i32>} : memref<128x128xf32, #tpu.memory_space<vmem>>, vector<1x16xf32>,
      %swap3A_129 = arith.index_cast %scan3A_104 : i32 to index
      %swap3A_130 = arith.constant 80 : index
      %swap3A_131 = tpu.vector_load %arg8[%swap3A_129, %swap3A_130] {strides = array<i32>} : memref<128x128xf32, #tpu.memory_space<vmem>>, vector<1x16xf32>,
      %swap3A_132 = vector.shape_cast %swap3A_131 : vector<1x16xf32> to vector<16xf32>
      %swap3A_133 = vector.shape_cast %broadcast_in_dim3A_20 : vector<16xf32> to vector<1x16xf32>
      tpu.vector_store %arg8[%swap3A_129, %swap3A_130], %swap3A_133 {strides = array<i32>} : memref<128x128xf32, #tpu.memory_space<vmem>>, vector<1x16xf32>,
      %swap3A_134 = arith.index_cast %scan3A_104 : i32 to index
      %swap3A_135 = arith.constant 96 : index
      %swap3A_136 = tpu.vector_load %arg8[%swap3A_134, %swap3A_135] {strides = array<i32>} : memref<128x128xf32, #tpu.memory_space<vmem>>, vector<1x16xf32>,
      %swap3A_137 = vector.shape_cast %swap3A_136 : vector<1x16xf32> to vector<16xf32>
      %swap3A_138 = vector.shape_cast %broadcast_in_dim3A_20 : vector<16xf32> to vector<1x16xf32>
      tpu.vector_store %arg8[%swap3A_134, %swap3A_135], %swap3A_138 {strides = array<i32>} : memref<128x128xf32, #tpu.memory_space<vmem>>, vector<1x16xf32>,
      %swap3A_139 = arith.index_cast %scan3A_104 : i32 to index
      %swap3A_140 = arith.constant 112 : index
      %swap3A_141 = tpu.vector_load %arg8[%swap3A_139, %swap3A_140] {strides = array<i32>} : memref<128x128xf32, #tpu.memory_space<vmem>>, vector<1x16xf32>,
      %swap3A_142 = vector.shape_cast %swap3A_141 : vector<1x16xf32> to vector<16xf32>
      %swap3A_143 = vector.shape_cast %broadcast_in_dim3A_20 : vector<16xf32> to vector<1x16xf32>
      tpu.vector_store %arg8[%swap3A_139, %swap3A_140], %swap3A_143 {strides = array<i32>} : memref<128x128xf32, #tpu.memory_space<vmem>>, vector<1x16xf32>,
    }
    %scan3A_24 = arith.constant 128 : i32
    %mul3A_25 = arith.constant 640 : i32
    %mul3A_26 = arith.muli %arg1, %mul3A_25 : i32
    %add3A = arith.constant 0 : i32
    %add3A_27 = arith.addi %mul3A_26, %add3A : i32
    "tpu.region"() ({
      %run_scoped3A_104 = tpu.sem_alloc : memref<!tpu.dma_semaphore, #tpu.memory_space<semaphore_mem>>
      %dma_start3A_105 = arith.constant 0 : i32
      %dma_start3A_106 = tpu.memref_slice %arg10[%add3A_27, %dma_start3A_105] : memref<10240x128xf32, #tpu.memory_space<vmem_shared>> -> memref<128x128xf32, #tpu.memory_space<vmem_shared>>
      %dma_start3A_107 = arith.constant 0 : i32
      %dma_start3A_108 = tpu.memref_slice %arg10[%add3A_27, %dma_start3A_107] : memref<10240x128xf32, #tpu.memory_space<vmem_shared>> -> memref<128x128xf32, #tpu.memory_space<vmem_shared>>
      tpu.enqueue_dma source(%arg8 : memref<128x128xf32, #tpu.memory_space<vmem>>) target(%dma_start3A_108 : memref<128x128xf32, #tpu.memory_space<vmem_shared>>) target_semaphore(%run_scoped3A_104 : memref<!tpu.dma_semaphore, #tpu.memory_space<semaphore_mem>>)
      %dma_wait3A_109 = arith.constant 0 : i32
      %dma_wait3A_110 = tpu.memref_slice %arg10[%add3A_27, %dma_wait3A_109] : memref<10240x128xf32, #tpu.memory_space<vmem_shared>> -> memref<128x128xf32, #tpu.memory_space<vmem_shared>>
      %dma_wait3A_111 = arith.constant 0 : i32
      %dma_wait3A_112 = tpu.memref_slice %arg10[%add3A_27, %dma_wait3A_111] : memref<10240x128xf32, #tpu.memory_space<vmem_shared>> -> memref<128x128xf32, #tpu.memory_space<vmem_shared>>
      tpu.wait_dma2 semaphore(%run_scoped3A_104 : memref<!tpu.dma_semaphore, #tpu.memory_space<semaphore_mem>>) src(%arg8 : memref<128x128xf32, #tpu.memory_space<vmem>>) dst(%dma_wait3A_112 : memref<128x128xf32, #tpu.memory_space<vmem_shared>>)
      tpu.yield
    }) : () -> ()
    %mul3A_28 = arith.constant 640 : i32
    %mul3A_29 = arith.muli %arg1, %mul3A_28 : i32
    %add3A_30 = arith.constant 128 : i32
    %add3A_31 = arith.addi %mul3A_29, %add3A_30 : i32
    "tpu.region"() ({
      %run_scoped3A_104 = tpu.sem_alloc : memref<!tpu.dma_semaphore, #tpu.memory_space<semaphore_mem>>
      %dma_start3A_105 = arith.constant 0 : i32
      %dma_start3A_106 = tpu.memref_slice %arg10[%add3A_31, %dma_start3A_105] : memref<10240x128xf32, #tpu.memory_space<vmem_shared>> -> memref<128x128xf32, #tpu.memory_space<vmem_shared>>
      %dma_start3A_107 = arith.constant 0 : i32
      %dma_start3A_108 = tpu.memref_slice %arg10[%add3A_31, %dma_start3A_107] : memref<10240x128xf32, #tpu.memory_space<vmem_shared>> -> memref<128x128xf32, #tpu.memory_space<vmem_shared>>
      tpu.enqueue_dma source(%arg8 : memref<128x128xf32, #tpu.memory_space<vmem>>) target(%dma_start3A_108 : memref<128x128xf32, #tpu.memory_space<vmem_shared>>) target_semaphore(%run_scoped3A_104 : memref<!tpu.dma_semaphore, #tpu.memory_space<semaphore_mem>>)
      %dma_wait3A_109 = arith.constant 0 : i32
      %dma_wait3A_110 = tpu.memref_slice %arg10[%add3A_31, %dma_wait3A_109] : memref<10240x128xf32, #tpu.memory_space<vmem_shared>> -> memref<128x128xf32, #tpu.memory_space<vmem_shared>>
      %dma_wait3A_111 = arith.constant 0 : i32
      %dma_wait3A_112 = tpu.memref_slice %arg10[%add3A_31, %dma_wait3A_111] : memref<10240x128xf32, #tpu.memory_space<vmem_shared>> -> memref<128x128xf32, #tpu.memory_space<vmem_shared>>
      tpu.wait_dma2 semaphore(%run_scoped3A_104 : memref<!tpu.dma_semaphore, #tpu.memory_space<semaphore_mem>>) src(%arg8 : memref<128x128xf32, #tpu.memory_space<vmem>>) dst(%dma_wait3A_112 : memref<128x128xf32, #tpu.memory_space<vmem_shared>>)
      tpu.yield
    }) : () -> ()
    %mul3A_32 = arith.constant 640 : i32
    %mul3A_33 = arith.muli %arg1, %mul3A_32 : i32
    %add3A_34 = arith.constant 256 : i32
    %add3A_35 = arith.addi %mul3A_33, %add3A_34 : i32
    "tpu.region"() ({
      %run_scoped3A_104 = tpu.sem_alloc : memref<!tpu.dma_semaphore, #tpu.memory_space<semaphore_mem>>
      %dma_start3A_105 = arith.constant 0 : i32
      %dma_start3A_106 = tpu.memref_slice %arg10[%add3A_35, %dma_start3A_105] : memref<10240x128xf32, #tpu.memory_space<vmem_shared>> -> memref<128x128xf32, #tpu.memory_space<vmem_shared>>
      %dma_start3A_107 = arith.constant 0 : i32
      %dma_start3A_108 = tpu.memref_slice %arg10[%add3A_35, %dma_start3A_107] : memref<10240x128xf32, #tpu.memory_space<vmem_shared>> -> memref<128x128xf32, #tpu.memory_space<vmem_shared>>
      tpu.enqueue_dma source(%arg8 : memref<128x128xf32, #tpu.memory_space<vmem>>) target(%dma_start3A_108 : memref<128x128xf32, #tpu.memory_space<vmem_shared>>) target_semaphore(%run_scoped3A_104 : memref<!tpu.dma_semaphore, #tpu.memory_space<semaphore_mem>>)
      %dma_wait3A_109 = arith.constant 0 : i32
      %dma_wait3A_110 = tpu.memref_slice %arg10[%add3A_35, %dma_wait3A_109] : memref<10240x128xf32, #tpu.memory_space<vmem_shared>> -> memref<128x128xf32, #tpu.memory_space<vmem_shared>>
      %dma_wait3A_111 = arith.constant 0 : i32
      %dma_wait3A_112 = tpu.memref_slice %arg10[%add3A_35, %dma_wait3A_111] : memref<10240x128xf32, #tpu.memory_space<vmem_shared>> -> memref<128x128xf32, #tpu.memory_space<vmem_shared>>
      tpu.wait_dma2 semaphore(%run_scoped3A_104 : memref<!tpu.dma_semaphore, #tpu.memory_space<semaphore_mem>>) src(%arg8 : memref<128x128xf32, #tpu.memory_space<vmem>>) dst(%dma_wait3A_112 : memref<128x128xf32, #tpu.memory_space<vmem_shared>>)
      tpu.yield
    }) : () -> ()
    %mul3A_36 = arith.constant 640 : i32
    %mul3A_37 = arith.muli %arg1, %mul3A_36 : i32
    %add3A_38 = arith.constant 384 : i32
    %add3A_39 = arith.addi %mul3A_37, %add3A_38 : i32
    "tpu.region"() ({
      %run_scoped3A_104 = tpu.sem_alloc : memref<!tpu.dma_semaphore, #tpu.memory_space<semaphore_mem>>
      %dma_start3A_105 = arith.constant 0 : i32
      %dma_start3A_106 = tpu.memref_slice %arg10[%add3A_39, %dma_start3A_105] : memref<10240x128xf32, #tpu.memory_space<vmem_shared>> -> memref<128x128xf32, #tpu.memory_space<vmem_shared>>
      %dma_start3A_107 = arith.constant 0 : i32
      %dma_start3A_108 = tpu.memref_slice %arg10[%add3A_39, %dma_start3A_107] : memref<10240x128xf32, #tpu.memory_space<vmem_shared>> -> memref<128x128xf32, #tpu.memory_space<vmem_shared>>
      tpu.enqueue_dma source(%arg8 : memref<128x128xf32, #tpu.memory_space<vmem>>) target(%dma_start3A_108 : memref<128x128xf32, #tpu.memory_space<vmem_shared>>) target_semaphore(%run_scoped3A_104 : memref<!tpu.dma_semaphore, #tpu.memory_space<semaphore_mem>>)
      %dma_wait3A_109 = arith.constant 0 : i32
      %dma_wait3A_110 = tpu.memref_slice %arg10[%add3A_39, %dma_wait3A_109] : memref<10240x128xf32, #tpu.memory_space<vmem_shared>> -> memref<128x128xf32, #tpu.memory_space<vmem_shared>>
      %dma_wait3A_111 = arith.constant 0 : i32
      %dma_wait3A_112 = tpu.memref_slice %arg10[%add3A_39, %dma_wait3A_111] : memref<10240x128xf32, #tpu.memory_space<vmem_shared>> -> memref<128x128xf32, #tpu.memory_space<vmem_shared>>
      tpu.wait_dma2 semaphore(%run_scoped3A_104 : memref<!tpu.dma_semaphore, #tpu.memory_space<semaphore_mem>>) src(%arg8 : memref<128x128xf32, #tpu.memory_space<vmem>>) dst(%dma_wait3A_112 : memref<128x128xf32, #tpu.memory_space<vmem_shared>>)
      tpu.yield
    }) : () -> ()
    %mul3A_40 = arith.constant 640 : i32
    %mul3A_41 = arith.muli %arg1, %mul3A_40 : i32
    %add3A_42 = arith.constant 512 : i32
    %add3A_43 = arith.addi %mul3A_41, %add3A_42 : i32
    "tpu.region"() ({
      %run_scoped3A_104 = tpu.sem_alloc : memref<!tpu.dma_semaphore, #tpu.memory_space<semaphore_mem>>
      %dma_start3A_105 = arith.constant 0 : i32
      %dma_start3A_106 = tpu.memref_slice %arg10[%add3A_43, %dma_start3A_105] : memref<10240x128xf32, #tpu.memory_space<vmem_shared>> -> memref<128x128xf32, #tpu.memory_space<vmem_shared>>
      %dma_start3A_107 = arith.constant 0 : i32
      %dma_start3A_108 = tpu.memref_slice %arg10[%add3A_43, %dma_start3A_107] : memref<10240x128xf32, #tpu.memory_space<vmem_shared>> -> memref<128x128xf32, #tpu.memory_space<vmem_shared>>
      tpu.enqueue_dma source(%arg8 : memref<128x128xf32, #tpu.memory_space<vmem>>) target(%dma_start3A_108 : memref<128x128xf32, #tpu.memory_space<vmem_shared>>) target_semaphore(%run_scoped3A_104 : memref<!tpu.dma_semaphore, #tpu.memory_space<semaphore_mem>>)
      %dma_wait3A_109 = arith.constant 0 : i32
      %dma_wait3A_110 = tpu.memref_slice %arg10[%add3A_43, %dma_wait3A_109] : memref<10240x128xf32, #tpu.memory_space<vmem_shared>> -> memref<128x128xf32, #tpu.memory_space<vmem_shared>>
      %dma_wait3A_111 = arith.constant 0 : i32
      %dma_wait3A_112 = tpu.memref_slice %arg10[%add3A_43, %dma_wait3A_111] : memref<10240x128xf32, #tpu.memory_space<vmem_shared>> -> memref<128x128xf32, #tpu.memory_space<vmem_shared>>
      tpu.wait_dma2 semaphore(%run_scoped3A_104 : memref<!tpu.dma_semaphore, #tpu.memory_space<semaphore_mem>>) src(%arg8 : memref<128x128xf32, #tpu.memory_space<vmem>>) dst(%dma_wait3A_112 : memref<128x128xf32, #tpu.memory_space<vmem_shared>>)
      tpu.yield
    }) : () -> ()
    %run_scoped3A = arith.constant 0 : i32
    "tpu.region"() ({
      %run_scoped3A_104 = tpu.sem_alloc : memref<!tpu.dma_semaphore, #tpu.memory_space<semaphore_mem>>
      %dma_start3A_105 = arith.constant 0 : i32
      %dma_start3A_106 = arith.constant 0 : i32
      %dma_start3A_107 = tpu.memref_slice %arg6[%run_scoped3A, %dma_start3A_105, %dma_start3A_106] : memref<2x4x128xi32, #tpu.memory_space<vmem>> -> memref<1x4x128xi32, #tpu.memory_space<vmem>>
      %dma_start3A_108 = tpu.memref_squeeze %dma_start3A_107 : memref<1x4x128xi32, #tpu.memory_space<vmem>> -> memref<4x128xi32, #tpu.memory_space<vmem>>
      %dma_start3A_109 = arith.constant 0 : i32
      %dma_start3A_110 = tpu.memref_slice %arg3[%arg0, %mul3A, %dma_start3A_109] : memref<2x1280x128xi32, #tpu.memory_space<hbm>> -> memref<1x4x128xi32, #tpu.memory_space<hbm>>
      %dma_start3A_111 = tpu.memref_squeeze %dma_start3A_110 : memref<1x4x128xi32, #tpu.memory_space<hbm>> -> memref<4x128xi32, #tpu.memory_space<hbm>>
      %dma_start3A_112 = arith.constant 0 : i32
      %dma_start3A_113 = arith.constant 0 : i32
      %dma_start3A_114 = tpu.memref_slice %arg6[%run_scoped3A, %dma_start3A_112, %dma_start3A_113] : memref<2x4x128xi32, #tpu.memory_space<vmem>> -> memref<1x4x128xi32, #tpu.memory_space<vmem>>
      %dma_start3A_115 = tpu.memref_squeeze %dma_start3A_114 : memref<1x4x128xi32, #tpu.memory_space<vmem>> -> memref<4x128xi32, #tpu.memory_space<vmem>>
      %dma_start3A_116 = arith.constant 0 : i32
      %dma_start3A_117 = tpu.memref_slice %arg3[%arg0, %mul3A, %dma_start3A_116] : memref<2x1280x128xi32, #tpu.memory_space<hbm>> -> memref<1x4x128xi32, #tpu.memory_space<hbm>>
      %dma_start3A_118 = tpu.memref_squeeze %dma_start3A_117 : memref<1x4x128xi32, #tpu.memory_space<hbm>> -> memref<4x128xi32, #tpu.memory_space<hbm>>
      tpu.enqueue_dma source(%dma_start3A_118 : memref<4x128xi32, #tpu.memory_space<hbm>>) target(%dma_start3A_115 : memref<4x128xi32, #tpu.memory_space<vmem>>) target_semaphore(%run_scoped3A_104 : memref<!tpu.dma_semaphore, #tpu.memory_space<semaphore_mem>>)
      %dma_wait3A_119 = arith.constant 0 : i32
      %dma_wait3A_120 = arith.constant 0 : i32
      %dma_wait3A_121 = tpu.memref_slice %arg6[%run_scoped3A, %dma_wait3A_119, %dma_wait3A_120] : memref<2x4x128xi32, #tpu.memory_space<vmem>> -> memref<1x4x128xi32, #tpu.memory_space<vmem>>
      %dma_wait3A_122 = tpu.memref_squeeze %dma_wait3A_121 : memref<1x4x128xi32, #tpu.memory_space<vmem>> -> memref<4x128xi32, #tpu.memory_space<vmem>>
      %dma_wait3A_123 = arith.constant 0 : i32
      %dma_wait3A_124 = tpu.memref_slice %arg3[%arg0, %mul3A, %dma_wait3A_123] : memref<2x1280x128xi32, #tpu.memory_space<hbm>> -> memref<1x4x128xi32, #tpu.memory_space<hbm>>
      %dma_wait3A_125 = tpu.memref_squeeze %dma_wait3A_124 : memref<1x4x128xi32, #tpu.memory_space<hbm>> -> memref<4x128xi32, #tpu.memory_space<hbm>>
      %dma_wait3A_126 = arith.constant 0 : i32
      %dma_wait3A_127 = arith.constant 0 : i32
      %dma_wait3A_128 = tpu.memref_slice %arg6[%run_scoped3A, %dma_wait3A_126, %dma_wait3A_127] : memref<2x4x128xi32, #tpu.memory_space<vmem>> -> memref<1x4x128xi32, #tpu.memory_space<vmem>>
      %dma_wait3A_129 = tpu.memref_squeeze %dma_wait3A_128 : memref<1x4x128xi32, #tpu.memory_space<vmem>> -> memref<4x128xi32, #tpu.memory_space<vmem>>
      %dma_wait3A_130 = arith.constant 0 : i32
      %dma_wait3A_131 = tpu.memref_slice %arg3[%arg0, %mul3A, %dma_wait3A_130] : memref<2x1280x128xi32, #tpu.memory_space<hbm>> -> memref<1x4x128xi32, #tpu.memory_space<hbm>>
      %dma_wait3A_132 = tpu.memref_squeeze %dma_wait3A_131 : memref<1x4x128xi32, #tpu.memory_space<hbm>> -> memref<4x128xi32, #tpu.memory_space<hbm>>
      tpu.wait_dma2 semaphore(%run_scoped3A_104 : memref<!tpu.dma_semaphore, #tpu.memory_space<semaphore_mem>>) src(%dma_wait3A_132 : memref<4x128xi32, #tpu.memory_space<hbm>>) dst(%dma_wait3A_129 : memref<4x128xi32, #tpu.memory_space<vmem>>)
      tpu.yield
    }) : () -> ()
    %run_scoped3A_44 = arith.constant 0 : i32
    "tpu.region"() ({
      %run_scoped3A_104 = tpu.sem_alloc : memref<!tpu.dma_semaphore, #tpu.memory_space<semaphore_mem>>
      %dma_start3A_105 = arith.constant 0 : i32
      %dma_start3A_106 = arith.constant 0 : i32
      %dma_start3A_107 = tpu.memref_slice %arg7[%run_scoped3A_44, %dma_start3A_105, %dma_start3A_106] : memref<2x4x128xi32, #tpu.memory_space<vmem>> -> memref<1x4x128xi32, #tpu.memory_space<vmem>>
      %dma_start3A_108 = tpu.memref_squeeze %dma_start3A_107 : memref<1x4x128xi32, #tpu.memory_space<vmem>> -> memref<4x128xi32, #tpu.memory_space<vmem>>
      %dma_start3A_109 = arith.constant 0 : i32
      %dma_start3A_110 = tpu.memref_slice %arg4[%arg0, %mul3A, %dma_start3A_109] : memref<2x1280x128xi32, #tpu.memory_space<hbm>> -> memref<1x4x128xi32, #tpu.memory_space<hbm>>
      %dma_start3A_111 = tpu.memref_squeeze %dma_start3A_110 : memref<1x4x128xi32, #tpu.memory_space<hbm>> -> memref<4x128xi32, #tpu.memory_space<hbm>>
      %dma_start3A_112 = arith.constant 0 : i32
      %dma_start3A_113 = arith.constant 0 : i32
      %dma_start3A_114 = tpu.memref_slice %arg7[%run_scoped3A_44, %dma_start3A_112, %dma_start3A_113] : memref<2x4x128xi32, #tpu.memory_space<vmem>> -> memref<1x4x128xi32, #tpu.memory_space<vmem>>
      %dma_start3A_115 = tpu.memref_squeeze %dma_start3A_114 : memref<1x4x128xi32, #tpu.memory_space<vmem>> -> memref<4x128xi32, #tpu.memory_space<vmem>>
      %dma_start3A_116 = arith.constant 0 : i32
      %dma_start3A_117 = tpu.memref_slice %arg4[%arg0, %mul3A, %dma_start3A_116] : memref<2x1280x128xi32, #tpu.memory_space<hbm>> -> memref<1x4x128xi32, #tpu.memory_space<hbm>>
      %dma_start3A_118 = tpu.memref_squeeze %dma_start3A_117 : memref<1x4x128xi32, #tpu.memory_space<hbm>> -> memref<4x128xi32, #tpu.memory_space<hbm>>
      tpu.enqueue_dma source(%dma_start3A_118 : memref<4x128xi32, #tpu.memory_space<hbm>>) target(%dma_start3A_115 : memref<4x128xi32, #tpu.memory_space<vmem>>) target_semaphore(%run_scoped3A_104 : memref<!tpu.dma_semaphore, #tpu.memory_space<semaphore_mem>>)
      %dma_wait3A_119 = arith.constant 0 : i32
      %dma_wait3A_120 = arith.constant 0 : i32
      %dma_wait3A_121 = tpu.memref_slice %arg7[%run_scoped3A_44, %dma_wait3A_119, %dma_wait3A_120] : memref<2x4x128xi32, #tpu.memory_space<vmem>> -> memref<1x4x128xi32, #tpu.memory_space<vmem>>
      %dma_wait3A_122 = tpu.memref_squeeze %dma_wait3A_121 : memref<1x4x128xi32, #tpu.memory_space<vmem>> -> memref<4x128xi32, #tpu.memory_space<vmem>>
      %dma_wait3A_123 = arith.constant 0 : i32
      %dma_wait3A_124 = tpu.memref_slice %arg4[%arg0, %mul3A, %dma_wait3A_123] : memref<2x1280x128xi32, #tpu.memory_space<hbm>> -> memref<1x4x128xi32, #tpu.memory_space<hbm>>
      %dma_wait3A_125 = tpu.memref_squeeze %dma_wait3A_124 : memref<1x4x128xi32, #tpu.memory_space<hbm>> -> memref<4x128xi32, #tpu.memory_space<hbm>>
      %dma_wait3A_126 = arith.constant 0 : i32
      %dma_wait3A_127 = arith.constant 0 : i32
      %dma_wait3A_128 = tpu.memref_slice %arg7[%run_scoped3A_44, %dma_wait3A_126, %dma_wait3A_127] : memref<2x4x128xi32, #tpu.memory_space<vmem>> -> memref<1x4x128xi32, #tpu.memory_space<vmem>>
      %dma_wait3A_129 = tpu.memref_squeeze %dma_wait3A_128 : memref<1x4x128xi32, #tpu.memory_space<vmem>> -> memref<4x128xi32, #tpu.memory_space<vmem>>
      %dma_wait3A_130 = arith.constant 0 : i32
      %dma_wait3A_131 = tpu.memref_slice %arg4[%arg0, %mul3A, %dma_wait3A_130] : memref<2x1280x128xi32, #tpu.memory_space<hbm>> -> memref<1x4x128xi32, #tpu.memory_space<hbm>>
      %dma_wait3A_132 = tpu.memref_squeeze %dma_wait3A_131 : memref<1x4x128xi32, #tpu.memory_space<hbm>> -> memref<4x128xi32, #tpu.memory_space<hbm>>
      tpu.wait_dma2 semaphore(%run_scoped3A_104 : memref<!tpu.dma_semaphore, #tpu.memory_space<semaphore_mem>>) src(%dma_wait3A_132 : memref<4x128xi32, #tpu.memory_space<hbm>>) dst(%dma_wait3A_129 : memref<4x128xi32, #tpu.memory_space<vmem>>)
      tpu.yield
    }) : () -> ()
    %barrier3A = arith.constant 0 : index
    tpu.barrier barrier_id(%barrier3A)
    %dma_start3A = arith.constant 0 : i32
    %dma_start3A_45 = arith.constant 0 : i32
    %dma_start3A_46 = arith.constant 0 : i32
    %dma_start3A_47 = arith.constant 0 : i32
    %dma_start3A_48 = tpu.memref_slice %arg6[%dma_start3A, %dma_start3A_46, %dma_start3A_47] : memref<2x4x128xi32, #tpu.memory_space<vmem>> -> memref<1x4x128xi32, #tpu.memory_space<vmem>>
    %dma_start3A_49 = tpu.memref_squeeze %dma_start3A_48 : memref<1x4x128xi32, #tpu.memory_space<vmem>> -> memref<4x128xi32, #tpu.memory_space<vmem>>
    %dma_start3A_50 = arith.constant 0 : i32
    %dma_start3A_51 = tpu.memref_slice %dma_start3A_49[%dma_start3A_45, %dma_start3A_50] : memref<4x128xi32, #tpu.memory_space<vmem>> -> memref<1x128xi32, #tpu.memory_space<vmem>>
    %dma_start3A_52 = tpu.memref_squeeze %dma_start3A_51 : memref<1x128xi32, #tpu.memory_space<vmem>> -> memref<128xi32, #tpu.memory_space<vmem>>
    %dma_start3A_53 = arith.constant 0 : i32
    %dma_start3A_54 = arith.constant 0 : i32
    %dma_start3A_55 = tpu.memref_slice %arg2[%dma_start3A_53, %dma_start3A_54] : memref<20000x128xf32, #tpu.memory_space<hbm>> -> memref<20000x128xf32, #tpu.memory_space<hbm>>
    tpu.enqueue_indirect_dma source(%dma_start3A_55 : memref<20000x128xf32, #tpu.memory_space<hbm>>) target(%arg8 : memref<128x128xf32, #tpu.memory_space<vmem>>) offsets(%dma_start3A_52 : memref<128xi32, #tpu.memory_space<vmem>>) semaphore(%arg11 : memref<!tpu.dma_semaphore, #tpu.memory_space<semaphore_mem>>)
    %jit3A_56 = arith.constant 2 : i32
    %div3A_57 = arith.divsi %select_n3A_19, %jit3A_56 : i32
    %sign3A_58 = arith.constant 0 : i32
    %sign3A_59 = arith.cmpi sgt, %select_n3A_19, %sign3A_58 : i32
    %sign3A_60 = arith.extui %sign3A_59 : i1 to i32
    %sign3A_61 = arith.constant 0 : i32
    %sign3A_62 = arith.cmpi slt, %select_n3A_19, %sign3A_61 : i32
    %sign3A_63 = arith.extui %sign3A_62 : i1 to i32
    %sign3A_64 = arith.subi %sign3A_60, %sign3A_63 : i32
    %sign3A_65 = arith.constant 0 : i32
    %sign3A_66 = arith.cmpi sgt, %jit3A_56, %sign3A_65 : i32
    %sign3A_67 = arith.extui %sign3A_66 : i1 to i32
    %sign3A_68 = arith.constant 0 : i32
    %sign3A_69 = arith.cmpi slt, %jit3A_56, %sign3A_68 : i32
    %sign3A_70 = arith.extui %sign3A_69 : i1 to i32
    %sign3A_71 = arith.subi %sign3A_67, %sign3A_70 : i32
    %ne3A_72 = arith.cmpi ne, %sign3A_64, %sign3A_71 : i32
    %rem3A_73 = arith.remsi %select_n3A_19, %jit3A_56 : i32
    %ne3A_74 = arith.constant 0 : i32
    %ne3A_75 = arith.cmpi ne, %rem3A_73, %ne3A_74 : i32
    %and3A_76 = arith.andi %ne3A_72, %ne3A_75 : i1
    %sub3A_77 = arith.constant 1 : i32
    %sub3A_78 = arith.subi %div3A_57, %sub3A_77 : i32
    %select_n3A_79 = arith.select %and3A_76, %sub3A_78, %div3A_57 : i32
    %while3A = arith.constant 0 : i32
    %while3A_80 = arith.subi %select_n3A_79, %while3A : i32
    %while3A_81 = arith.addi %while3A, %while3A_80 : i32
    %while3A_82 = arith.constant 1 : i32
    %while3A_83 = arith.divsi %while3A_80, %while3A_82 : i32
    %while3A_84 = arith.muli %while3A_83, %while3A_82 : i32
    %while3A_85 = arith.addi %while3A, %while3A_84 : i32
    %while3A_86 = arith.constant 1 : i32
    scf.for %while3A_104 = %while3A to %while3A_85 step %while3A_86  : i32 {
      %mul3A_105 = arith.constant 2 : i32
      %mul3A_106 = arith.muli %mul3A_105, %while3A_104 : i32
      %mul3A_107 = arith.constant 4 : i32
      %mul3A_108 = arith.muli %mul3A_106, %mul3A_107 : i32
      %add3A_109 = arith.constant 0 : i32
      %add3A_110 = arith.addi %mul3A_108, %add3A_109 : i32
      %dma_wait3A_111 = arith.constant 0 : i32
      %dma_wait3A_112 = arith.constant 0 : i32
      %dma_wait3A_113 = arith.constant 0 : i32
      %dma_wait3A_114 = arith.constant 0 : i32
      %dma_wait3A_115 = tpu.memref_slice %arg6[%dma_wait3A_111, %dma_wait3A_113, %dma_wait3A_114] : memref<2x4x128xi32, #tpu.memory_space<vmem>> -> memref<1x4x128xi32, #tpu.memory_space<vmem>>
      %dma_wait3A_116 = tpu.memref_squeeze %dma_wait3A_115 : memref<1x4x128xi32, #tpu.memory_space<vmem>> -> memref<4x128xi32, #tpu.memory_space<vmem>>
      %dma_wait3A_117 = arith.constant 0 : i32
      %dma_wait3A_118 = tpu.memref_slice %dma_wait3A_116[%dma_wait3A_112, %dma_wait3A_117] : memref<4x128xi32, #tpu.memory_space<vmem>> -> memref<1x128xi32, #tpu.memory_space<vmem>>
      %dma_wait3A_119 = tpu.memref_squeeze %dma_wait3A_118 : memref<1x128xi32, #tpu.memory_space<vmem>> -> memref<128xi32, #tpu.memory_space<vmem>>
      %dma_wait3A_120 = arith.constant 0 : i32
      %dma_wait3A_121 = arith.constant 0 : i32
      %dma_wait3A_122 = tpu.memref_slice %arg2[%dma_wait3A_120, %dma_wait3A_121] : memref<20000x128xf32, #tpu.memory_space<hbm>> -> memref<20000x128xf32, #tpu.memory_space<hbm>>
      tpu.wait_indirect_dma semaphore(%arg11 : memref<!tpu.dma_semaphore, #tpu.memory_space<semaphore_mem>>) src(%dma_wait3A_122 : memref<20000x128xf32, #tpu.memory_space<hbm>>) dst(%arg8 : memref<128x128xf32, #tpu.memory_space<vmem>>)
      %dma_start3A_123 = arith.constant 0 : i32
      %dma_start3A_124 = arith.constant 0 : i32
      %dma_start3A_125 = arith.constant 0 : i32
      %dma_start3A_126 = arith.constant 0 : i32
      %dma_start3A_127 = tpu.memref_slice %arg7[%dma_start3A_123, %dma_start3A_125, %dma_start3A_126] : memref<2x4x128xi32, #tpu.memory_space<vmem>> -> memref<1x4x128xi32, #tpu.memory_space<vmem>>
      %dma_start3A_128 = tpu.memref_squeeze %dma_start3A_127 : memref<1x4x128xi32, #tpu.memory_space<vmem>> -> memref<4x128xi32, #tpu.memory_space<vmem>>
      %dma_start3A_129 = arith.constant 0 : i32
      %dma_start3A_130 = tpu.memref_slice %dma_start3A_128[%dma_start3A_124, %dma_start3A_129] : memref<4x128xi32, #tpu.memory_space<vmem>> -> memref<1x128xi32, #tpu.memory_space<vmem>>
      %dma_start3A_131 = tpu.memref_squeeze %dma_start3A_130 : memref<1x128xi32, #tpu.memory_space<vmem>> -> memref<128xi32, #tpu.memory_space<vmem>>
      %dma_start3A_132 = arith.constant 0 : i32
      %dma_start3A_133 = arith.constant 0 : i32
      %dma_start3A_134 = tpu.memref_slice %arg10[%dma_start3A_132, %dma_start3A_133] : memref<10240x128xf32, #tpu.memory_space<vmem_shared>> -> memref<10240x128xf32, #tpu.memory_space<vmem_shared>>
      tpu.enqueue_indirect_dma source(%arg8 : memref<128x128xf32, #tpu.memory_space<vmem>>) target(%dma_start3A_134 : memref<10240x128xf32, #tpu.memory_space<vmem_shared>>) offsets(%dma_start3A_131 : memref<128xi32, #tpu.memory_space<vmem>>) semaphore(%arg13 : memref<!tpu.dma_semaphore, #tpu.memory_space<semaphore_mem>>) {add = true}
      %ge3A = arith.constant 1 : i32
      %ge3A_135 = arith.cmpi sge, %add3A_110, %ge3A : i32
      %convert_element_type3A = arith.extui %ge3A_135 : i1 to i32
      %cond3A = arith.constant 0 : i32
      %cond3A_136 = arith.cmpi ne, %convert_element_type3A, %cond3A : i32
      scf.if %cond3A_136 {
        %dma_wait3A_467 = arith.constant 0 : i32
        %dma_wait3A_468 = arith.constant 0 : i32
        %dma_wait3A_469 = arith.constant 0 : i32
        %dma_wait3A_470 = arith.constant 0 : i32
        %dma_wait3A_471 = tpu.memref_slice %arg7[%dma_wait3A_467, %dma_wait3A_469, %dma_wait3A_470] : memref<2x4x128xi32, #tpu.memory_space<vmem>> -> memref<1x4x128xi32, #tpu.memory_space<vmem>>
        %dma_wait3A_472 = tpu.memref_squeeze %dma_wait3A_471 : memref<1x4x128xi32, #tpu.memory_space<vmem>> -> memref<4x128xi32, #tpu.memory_space<vmem>>
        %dma_wait3A_473 = arith.constant 0 : i32
        %dma_wait3A_474 = tpu.memref_slice %dma_wait3A_472[%dma_wait3A_468, %dma_wait3A_473] : memref<4x128xi32, #tpu.memory_space<vmem>> -> memref<1x128xi32, #tpu.memory_space<vmem>>
        %dma_wait3A_475 = tpu.memref_squeeze %dma_wait3A_474 : memref<1x128xi32, #tpu.memory_space<vmem>> -> memref<128xi32, #tpu.memory_space<vmem>>
        %dma_wait3A_476 = arith.constant 0 : i32
        %dma_wait3A_477 = arith.constant 0 : i32
        %dma_wait3A_478 = tpu.memref_slice %arg10[%dma_wait3A_476, %dma_wait3A_477] : memref<10240x128xf32, #tpu.memory_space<vmem_shared>> -> memref<10240x128xf32, #tpu.memory_space<vmem_shared>>
        tpu.wait_indirect_dma semaphore(%arg14 : memref<!tpu.dma_semaphore, #tpu.memory_space<semaphore_mem>>) src(%arg9 : memref<128x128xf32, #tpu.memory_space<vmem>>) dst(%dma_wait3A_478 : memref<10240x128xf32, #tpu.memory_space<vmem_shared>>)
      } else {
      }
      %sub3A_137 = arith.constant 1 : i32
      %sub3A_138 = arith.subi %select_n3A_19, %sub3A_137 : i32
      %lt3A = arith.cmpi slt, %mul3A_106, %sub3A_138 : i32
      %convert_element_type3A_139 = arith.extui %lt3A : i1 to i32
      %cond3A_140 = arith.constant 0 : i32
      %cond3A_141 = arith.cmpi ne, %convert_element_type3A_139, %cond3A_140 : i32
      scf.if %cond3A_141 {
        %add3A_467 = arith.constant 1 : i32
        %add3A_468 = arith.addi %mul3A_106, %add3A_467 : i32
        %mul3A_469 = arith.constant 4 : i32
        %mul3A_470 = arith.muli %add3A_468, %mul3A_469 : i32
        %add3A_471 = arith.addi %mul3A, %mul3A_470 : i32
        %dma_start3A_472 = arith.constant 1 : i32
        %dma_start3A_473 = arith.constant 0 : i32
        %dma_start3A_474 = arith.constant 0 : i32
        %dma_start3A_475 = tpu.memref_slice %arg6[%dma_start3A_472, %dma_start3A_473, %dma_start3A_474] : memref<2x4x128xi32, #tpu.memory_space<vmem>> -> memref<1x4x128xi32, #tpu.memory_space<vmem>>
        %dma_start3A_476 = tpu.memref_squeeze %dma_start3A_475 : memref<1x4x128xi32, #tpu.memory_space<vmem>> -> memref<4x128xi32, #tpu.memory_space<vmem>>
        %dma_start3A_477 = arith.constant 0 : i32
        %dma_start3A_478 = tpu.memref_slice %arg3[%arg0, %add3A_471, %dma_start3A_477] : memref<2x1280x128xi32, #tpu.memory_space<hbm>> -> memref<1x4x128xi32, #tpu.memory_space<hbm>>
        %dma_start3A_479 = tpu.memref_squeeze %dma_start3A_478 : memref<1x4x128xi32, #tpu.memory_space<hbm>> -> memref<4x128xi32, #tpu.memory_space<hbm>>
        %dma_start3A_480 = arith.constant 0 : i32
        %dma_start3A_481 = arith.constant 0 : i32
        %dma_start3A_482 = tpu.memref_slice %arg6[%dma_start3A_472, %dma_start3A_480, %dma_start3A_481] : memref<2x4x128xi32, #tpu.memory_space<vmem>> -> memref<1x4x128xi32, #tpu.memory_space<vmem>>
        %dma_start3A_483 = tpu.memref_squeeze %dma_start3A_482 : memref<1x4x128xi32, #tpu.memory_space<vmem>> -> memref<4x128xi32, #tpu.memory_space<vmem>>
        %dma_start3A_484 = arith.constant 0 : i32
        %dma_start3A_485 = tpu.memref_slice %arg3[%arg0, %add3A_471, %dma_start3A_484] : memref<2x1280x128xi32, #tpu.memory_space<hbm>> -> memref<1x4x128xi32, #tpu.memory_space<hbm>>
        %dma_start3A_486 = tpu.memref_squeeze %dma_start3A_485 : memref<1x4x128xi32, #tpu.memory_space<hbm>> -> memref<4x128xi32, #tpu.memory_space<hbm>>
        tpu.enqueue_dma source(%dma_start3A_486 : memref<4x128xi32, #tpu.memory_space<hbm>>) target(%dma_start3A_483 : memref<4x128xi32, #tpu.memory_space<vmem>>) target_semaphore(%arg15 : memref<!tpu.dma_semaphore, #tpu.memory_space<semaphore_mem>>)
        %dma_start3A_487 = arith.constant 1 : i32
        %dma_start3A_488 = arith.constant 0 : i32
        %dma_start3A_489 = arith.constant 0 : i32
        %dma_start3A_490 = tpu.memref_slice %arg7[%dma_start3A_487, %dma_start3A_488, %dma_start3A_489] : memref<2x4x128xi32, #tpu.memory_space<vmem>> -> memref<1x4x128xi32, #tpu.memory_space<vmem>>
        %dma_start3A_491 = tpu.memref_squeeze %dma_start3A_490 : memref<1x4x128xi32, #tpu.memory_space<vmem>> -> memref<4x128xi32, #tpu.memory_space<vmem>>
        %dma_start3A_492 = arith.constant 0 : i32
        %dma_start3A_493 = tpu.memref_slice %arg4[%arg0, %add3A_471, %dma_start3A_492] : memref<2x1280x128xi32, #tpu.memory_space<hbm>> -> memref<1x4x128xi32, #tpu.memory_space<hbm>>
        %dma_start3A_494 = tpu.memref_squeeze %dma_start3A_493 : memref<1x4x128xi32, #tpu.memory_space<hbm>> -> memref<4x128xi32, #tpu.memory_space<hbm>>
        %dma_start3A_495 = arith.constant 0 : i32
        %dma_start3A_496 = arith.constant 0 : i32
        %dma_start3A_497 = tpu.memref_slice %arg7[%dma_start3A_487, %dma_start3A_495, %dma_start3A_496] : memref<2x4x128xi32, #tpu.memory_space<vmem>> -> memref<1x4x128xi32, #tpu.memory_space<vmem>>
        %dma_start3A_498 = tpu.memref_squeeze %dma_start3A_497 : memref<1x4x128xi32, #tpu.memory_space<vmem>> -> memref<4x128xi32, #tpu.memory_space<vmem>>
        %dma_start3A_499 = arith.constant 0 : i32
        %dma_start3A_500 = tpu.memref_slice %arg4[%arg0, %add3A_471, %dma_start3A_499] : memref<2x1280x128xi32, #tpu.memory_space<hbm>> -> memref<1x4x128xi32, #tpu.memory_space<hbm>>
        %dma_start3A_501 = tpu.memref_squeeze %dma_start3A_500 : memref<1x4x128xi32, #tpu.memory_space<hbm>> -> memref<4x128xi32, #tpu.memory_space<hbm>>
        tpu.enqueue_dma source(%dma_start3A_501 : memref<4x128xi32, #tpu.memory_space<hbm>>) target(%dma_start3A_498 : memref<4x128xi32, #tpu.memory_space<vmem>>) target_semaphore(%arg15 : memref<!tpu.dma_semaphore, #tpu.memory_space<semaphore_mem>>)
      } else {
      }
      %dma_start3A_142 = arith.constant 0 : i32
      %dma_start3A_143 = arith.constant 1 : i32
      %dma_start3A_144 = arith.constant 0 : i32
      %dma_start3A_145 = arith.constant 0 : i32
      %dma_start3A_146 = tpu.memref_slice %arg6[%dma_start3A_142, %dma_start3A_144, %dma_start3A_145] : memref<2x4x128xi32, #tpu.memory_space<vmem>> -> memref<1x4x128xi32, #tpu.memory_space<vmem>>
      %dma_start3A_147 = tpu.memref_squeeze %dma_start3A_146 : memref<1x4x128xi32, #tpu.memory_space<vmem>> -> memref<4x128xi32, #tpu.memory_space<vmem>>
      %dma_start3A_148 = arith.constant 0 : i32
      %dma_start3A_149 = tpu.memref_slice %dma_start3A_147[%dma_start3A_143, %dma_start3A_148] : memref<4x128xi32, #tpu.memory_space<vmem>> -> memref<1x128xi32, #tpu.memory_space<vmem>>
      %dma_start3A_150 = tpu.memref_squeeze %dma_start3A_149 : memref<1x128xi32, #tpu.memory_space<vmem>> -> memref<128xi32, #tpu.memory_space<vmem>>
      %dma_start3A_151 = arith.constant 0 : i32
      %dma_start3A_152 = arith.constant 0 : i32
      %dma_start3A_153 = tpu.memref_slice %arg2[%dma_start3A_151, %dma_start3A_152] : memref<20000x128xf32, #tpu.memory_space<hbm>> -> memref<20000x128xf32, #tpu.memory_space<hbm>>
      tpu.enqueue_indirect_dma source(%dma_start3A_153 : memref<20000x128xf32, #tpu.memory_space<hbm>>) target(%arg9 : memref<128x128xf32, #tpu.memory_space<vmem>>) offsets(%dma_start3A_150 : memref<128xi32, #tpu.memory_space<vmem>>) semaphore(%arg12 : memref<!tpu.dma_semaphore, #tpu.memory_space<semaphore_mem>>)
      %mul3A_154 = arith.constant 4 : i32
      %mul3A_155 = arith.muli %mul3A_106, %mul3A_154 : i32
      %add3A_156 = arith.constant 1 : i32
      %add3A_157 = arith.addi %mul3A_155, %add3A_156 : i32
      %dma_wait3A_158 = arith.constant 0 : i32
      %dma_wait3A_159 = arith.constant 0 : i32
      %dma_wait3A_160 = arith.constant 0 : i32
      %dma_wait3A_161 = arith.constant 0 : i32
      %dma_wait3A_162 = tpu.memref_slice %arg6[%dma_wait3A_158, %dma_wait3A_160, %dma_wait3A_161] : memref<2x4x128xi32, #tpu.memory_space<vmem>> -> memref<1x4x128xi32, #tpu.memory_space<vmem>>
      %dma_wait3A_163 = tpu.memref_squeeze %dma_wait3A_162 : memref<1x4x128xi32, #tpu.memory_space<vmem>> -> memref<4x128xi32, #tpu.memory_space<vmem>>
      %dma_wait3A_164 = arith.constant 0 : i32
      %dma_wait3A_165 = tpu.memref_slice %dma_wait3A_163[%dma_wait3A_159, %dma_wait3A_164] : memref<4x128xi32, #tpu.memory_space<vmem>> -> memref<1x128xi32, #tpu.memory_space<vmem>>
      %dma_wait3A_166 = tpu.memref_squeeze %dma_wait3A_165 : memref<1x128xi32, #tpu.memory_space<vmem>> -> memref<128xi32, #tpu.memory_space<vmem>>
      %dma_wait3A_167 = arith.constant 0 : i32
      %dma_wait3A_168 = arith.constant 0 : i32
      %dma_wait3A_169 = tpu.memref_slice %arg2[%dma_wait3A_167, %dma_wait3A_168] : memref<20000x128xf32, #tpu.memory_space<hbm>> -> memref<20000x128xf32, #tpu.memory_space<hbm>>
      tpu.wait_indirect_dma semaphore(%arg12 : memref<!tpu.dma_semaphore, #tpu.memory_space<semaphore_mem>>) src(%dma_wait3A_169 : memref<20000x128xf32, #tpu.memory_space<hbm>>) dst(%arg9 : memref<128x128xf32, #tpu.memory_space<vmem>>)
      %dma_start3A_170 = arith.constant 0 : i32
      %dma_start3A_171 = arith.constant 1 : i32
      %dma_start3A_172 = arith.constant 0 : i32
      %dma_start3A_173 = arith.constant 0 : i32
      %dma_start3A_174 = tpu.memref_slice %arg7[%dma_start3A_170, %dma_start3A_172, %dma_start3A_173] : memref<2x4x128xi32, #tpu.memory_space<vmem>> -> memref<1x4x128xi32, #tpu.memory_space<vmem>>
      %dma_start3A_175 = tpu.memref_squeeze %dma_start3A_174 : memref<1x4x128xi32, #tpu.memory_space<vmem>> -> memref<4x128xi32, #tpu.memory_space<vmem>>
      %dma_start3A_176 = arith.constant 0 : i32
      %dma_start3A_177 = tpu.memref_slice %dma_start3A_175[%dma_start3A_171, %dma_start3A_176] : memref<4x128xi32, #tpu.memory_space<vmem>> -> memref<1x128xi32, #tpu.memory_space<vmem>>
      %dma_start3A_178 = tpu.memref_squeeze %dma_start3A_177 : memref<1x128xi32, #tpu.memory_space<vmem>> -> memref<128xi32, #tpu.memory_space<vmem>>
      %dma_start3A_179 = arith.constant 0 : i32
      %dma_start3A_180 = arith.constant 0 : i32
      %dma_start3A_181 = tpu.memref_slice %arg10[%dma_start3A_179, %dma_start3A_180] : memref<10240x128xf32, #tpu.memory_space<vmem_shared>> -> memref<10240x128xf32, #tpu.memory_space<vmem_shared>>
      tpu.enqueue_indirect_dma source(%arg9 : memref<128x128xf32, #tpu.memory_space<vmem>>) target(%dma_start3A_181 : memref<10240x128xf32, #tpu.memory_space<vmem_shared>>) offsets(%dma_start3A_178 : memref<128xi32, #tpu.memory_space<vmem>>) semaphore(%arg14 : memref<!tpu.dma_semaphore, #tpu.memory_space<semaphore_mem>>) {add = true}
      %ge3A_182 = arith.constant 1 : i32
      %ge3A_183 = arith.cmpi sge, %add3A_157, %ge3A_182 : i32
      %convert_element_type3A_184 = arith.extui %ge3A_183 : i1 to i32
      %cond3A_185 = arith.constant 0 : i32
      %cond3A_186 = arith.cmpi ne, %convert_element_type3A_184, %cond3A_185 : i32
      scf.if %cond3A_186 {
        %dma_wait3A_467 = arith.constant 0 : i32
        %dma_wait3A_468 = arith.constant 0 : i32
        %dma_wait3A_469 = arith.constant 0 : i32
        %dma_wait3A_470 = arith.constant 0 : i32
        %dma_wait3A_471 = tpu.memref_slice %arg7[%dma_wait3A_467, %dma_wait3A_469, %dma_wait3A_470] : memref<2x4x128xi32, #tpu.memory_space<vmem>> -> memref<1x4x128xi32, #tpu.memory_space<vmem>>
        %dma_wait3A_472 = tpu.memref_squeeze %dma_wait3A_471 : memref<1x4x128xi32, #tpu.memory_space<vmem>> -> memref<4x128xi32, #tpu.memory_space<vmem>>
        %dma_wait3A_473 = arith.constant 0 : i32
        %dma_wait3A_474 = tpu.memref_slice %dma_wait3A_472[%dma_wait3A_468, %dma_wait3A_473] : memref<4x128xi32, #tpu.memory_space<vmem>> -> memref<1x128xi32, #tpu.memory_space<vmem>>
        %dma_wait3A_475 = tpu.memref_squeeze %dma_wait3A_474 : memref<1x128xi32, #tpu.memory_space<vmem>> -> memref<128xi32, #tpu.memory_space<vmem>>
        %dma_wait3A_476 = arith.constant 0 : i32
        %dma_wait3A_477 = arith.constant 0 : i32
        %dma_wait3A_478 = tpu.memref_slice %arg10[%dma_wait3A_476, %dma_wait3A_477] : memref<10240x128xf32, #tpu.memory_space<vmem_shared>> -> memref<10240x128xf32, #tpu.memory_space<vmem_shared>>
        tpu.wait_indirect_dma semaphore(%arg13 : memref<!tpu.dma_semaphore, #tpu.memory_space<semaphore_mem>>) src(%arg8 : memref<128x128xf32, #tpu.memory_space<vmem>>) dst(%dma_wait3A_478 : memref<10240x128xf32, #tpu.memory_space<vmem_shared>>)
      } else {
      }
      %dma_start3A_187 = arith.constant 0 : i32
      %dma_start3A_188 = arith.constant 2 : i32
      %dma_start3A_189 = arith.constant 0 : i32
      %dma_start3A_190 = arith.constant 0 : i32
      %dma_start3A_191 = tpu.memref_slice %arg6[%dma_start3A_187, %dma_start3A_189, %dma_start3A_190] : memref<2x4x128xi32, #tpu.memory_space<vmem>> -> memref<1x4x128xi32, #tpu.memory_space<vmem>>
      %dma_start3A_192 = tpu.memref_squeeze %dma_start3A_191 : memref<1x4x128xi32, #tpu.memory_space<vmem>> -> memref<4x128xi32, #tpu.memory_space<vmem>>
      %dma_start3A_193 = arith.constant 0 : i32
      %dma_start3A_194 = tpu.memref_slice %dma_start3A_192[%dma_start3A_188, %dma_start3A_193] : memref<4x128xi32, #tpu.memory_space<vmem>> -> memref<1x128xi32, #tpu.memory_space<vmem>>
      %dma_start3A_195 = tpu.memref_squeeze %dma_start3A_194 : memref<1x128xi32, #tpu.memory_space<vmem>> -> memref<128xi32, #tpu.memory_space<vmem>>
      %dma_start3A_196 = arith.constant 0 : i32
      %dma_start3A_197 = arith.constant 0 : i32
      %dma_start3A_198 = tpu.memref_slice %arg2[%dma_start3A_196, %dma_start3A_197] : memref<20000x128xf32, #tpu.memory_space<hbm>> -> memref<20000x128xf32, #tpu.memory_space<hbm>>
      tpu.enqueue_indirect_dma source(%dma_start3A_198 : memref<20000x128xf32, #tpu.memory_space<hbm>>) target(%arg8 : memref<128x128xf32, #tpu.memory_space<vmem>>) offsets(%dma_start3A_195 : memref<128xi32, #tpu.memory_space<vmem>>) semaphore(%arg11 : memref<!tpu.dma_semaphore, #tpu.memory_space<semaphore_mem>>)
      %mul3A_199 = arith.constant 4 : i32
      %mul3A_200 = arith.muli %mul3A_106, %mul3A_199 : i32
      %add3A_201 = arith.constant 2 : i32
      %add3A_202 = arith.addi %mul3A_200, %add3A_201 : i32
      %dma_wait3A_203 = arith.constant 0 : i32
      %dma_wait3A_204 = arith.constant 0 : i32
      %dma_wait3A_205 = arith.constant 0 : i32
      %dma_wait3A_206 = arith.constant 0 : i32
      %dma_wait3A_207 = tpu.memref_slice %arg6[%dma_wait3A_203, %dma_wait3A_205, %dma_wait3A_206] : memref<2x4x128xi32, #tpu.memory_space<vmem>> -> memref<1x4x128xi32, #tpu.memory_space<vmem>>
      %dma_wait3A_208 = tpu.memref_squeeze %dma_wait3A_207 : memref<1x4x128xi32, #tpu.memory_space<vmem>> -> memref<4x128xi32, #tpu.memory_space<vmem>>
      %dma_wait3A_209 = arith.constant 0 : i32
      %dma_wait3A_210 = tpu.memref_slice %dma_wait3A_208[%dma_wait3A_204, %dma_wait3A_209] : memref<4x128xi32, #tpu.memory_space<vmem>> -> memref<1x128xi32, #tpu.memory_space<vmem>>
      %dma_wait3A_211 = tpu.memref_squeeze %dma_wait3A_210 : memref<1x128xi32, #tpu.memory_space<vmem>> -> memref<128xi32, #tpu.memory_space<vmem>>
      %dma_wait3A_212 = arith.constant 0 : i32
      %dma_wait3A_213 = arith.constant 0 : i32
      %dma_wait3A_214 = tpu.memref_slice %arg2[%dma_wait3A_212, %dma_wait3A_213] : memref<20000x128xf32, #tpu.memory_space<hbm>> -> memref<20000x128xf32, #tpu.memory_space<hbm>>
      tpu.wait_indirect_dma semaphore(%arg11 : memref<!tpu.dma_semaphore, #tpu.memory_space<semaphore_mem>>) src(%dma_wait3A_214 : memref<20000x128xf32, #tpu.memory_space<hbm>>) dst(%arg8 : memref<128x128xf32, #tpu.memory_space<vmem>>)
      %dma_start3A_215 = arith.constant 0 : i32
      %dma_start3A_216 = arith.constant 2 : i32
      %dma_start3A_217 = arith.constant 0 : i32
      %dma_start3A_218 = arith.constant 0 : i32
      %dma_start3A_219 = tpu.memref_slice %arg7[%dma_start3A_215, %dma_start3A_217, %dma_start3A_218] : memref<2x4x128xi32, #tpu.memory_space<vmem>> -> memref<1x4x128xi32, #tpu.memory_space<vmem>>
      %dma_start3A_220 = tpu.memref_squeeze %dma_start3A_219 : memref<1x4x128xi32, #tpu.memory_space<vmem>> -> memref<4x128xi32, #tpu.memory_space<vmem>>
      %dma_start3A_221 = arith.constant 0 : i32
      %dma_start3A_222 = tpu.memref_slice %dma_start3A_220[%dma_start3A_216, %dma_start3A_221] : memref<4x128xi32, #tpu.memory_space<vmem>> -> memref<1x128xi32, #tpu.memory_space<vmem>>
      %dma_start3A_223 = tpu.memref_squeeze %dma_start3A_222 : memref<1x128xi32, #tpu.memory_space<vmem>> -> memref<128xi32, #tpu.memory_space<vmem>>
      %dma_start3A_224 = arith.constant 0 : i32
      %dma_start3A_225 = arith.constant 0 : i32
      %dma_start3A_226 = tpu.memref_slice %arg10[%dma_start3A_224, %dma_start3A_225] : memref<10240x128xf32, #tpu.memory_space<vmem_shared>> -> memref<10240x128xf32, #tpu.memory_space<vmem_shared>>
      tpu.enqueue_indirect_dma source(%arg8 : memref<128x128xf32, #tpu.memory_space<vmem>>) target(%dma_start3A_226 : memref<10240x128xf32, #tpu.memory_space<vmem_shared>>) offsets(%dma_start3A_223 : memref<128xi32, #tpu.memory_space<vmem>>) semaphore(%arg13 : memref<!tpu.dma_semaphore, #tpu.memory_space<semaphore_mem>>) {add = true}
      %ge3A_227 = arith.constant 1 : i32
      %ge3A_228 = arith.cmpi sge, %add3A_202, %ge3A_227 : i32
      %convert_element_type3A_229 = arith.extui %ge3A_228 : i1 to i32
      %cond3A_230 = arith.constant 0 : i32
      %cond3A_231 = arith.cmpi ne, %convert_element_type3A_229, %cond3A_230 : i32
      scf.if %cond3A_231 {
        %dma_wait3A_467 = arith.constant 0 : i32
        %dma_wait3A_468 = arith.constant 0 : i32
        %dma_wait3A_469 = arith.constant 0 : i32
        %dma_wait3A_470 = arith.constant 0 : i32
        %dma_wait3A_471 = tpu.memref_slice %arg7[%dma_wait3A_467, %dma_wait3A_469, %dma_wait3A_470] : memref<2x4x128xi32, #tpu.memory_space<vmem>> -> memref<1x4x128xi32, #tpu.memory_space<vmem>>
        %dma_wait3A_472 = tpu.memref_squeeze %dma_wait3A_471 : memref<1x4x128xi32, #tpu.memory_space<vmem>> -> memref<4x128xi32, #tpu.memory_space<vmem>>
        %dma_wait3A_473 = arith.constant 0 : i32
        %dma_wait3A_474 = tpu.memref_slice %dma_wait3A_472[%dma_wait3A_468, %dma_wait3A_473] : memref<4x128xi32, #tpu.memory_space<vmem>> -> memref<1x128xi32, #tpu.memory_space<vmem>>
        %dma_wait3A_475 = tpu.memref_squeeze %dma_wait3A_474 : memref<1x128xi32, #tpu.memory_space<vmem>> -> memref<128xi32, #tpu.memory_space<vmem>>
        %dma_wait3A_476 = arith.constant 0 : i32
        %dma_wait3A_477 = arith.constant 0 : i32
        %dma_wait3A_478 = tpu.memref_slice %arg10[%dma_wait3A_476, %dma_wait3A_477] : memref<10240x128xf32, #tpu.memory_space<vmem_shared>> -> memref<10240x128xf32, #tpu.memory_space<vmem_shared>>
        tpu.wait_indirect_dma semaphore(%arg14 : memref<!tpu.dma_semaphore, #tpu.memory_space<semaphore_mem>>) src(%arg9 : memref<128x128xf32, #tpu.memory_space<vmem>>) dst(%dma_wait3A_478 : memref<10240x128xf32, #tpu.memory_space<vmem_shared>>)
      } else {
      }
      %dma_start3A_232 = arith.constant 0 : i32
      %dma_start3A_233 = arith.constant 3 : i32
      %dma_start3A_234 = arith.constant 0 : i32
      %dma_start3A_235 = arith.constant 0 : i32
      %dma_start3A_236 = tpu.memref_slice %arg6[%dma_start3A_232, %dma_start3A_234, %dma_start3A_235] : memref<2x4x128xi32, #tpu.memory_space<vmem>> -> memref<1x4x128xi32, #tpu.memory_space<vmem>>
      %dma_start3A_237 = tpu.memref_squeeze %dma_start3A_236 : memref<1x4x128xi32, #tpu.memory_space<vmem>> -> memref<4x128xi32, #tpu.memory_space<vmem>>
      %dma_start3A_238 = arith.constant 0 : i32
      %dma_start3A_239 = tpu.memref_slice %dma_start3A_237[%dma_start3A_233, %dma_start3A_238] : memref<4x128xi32, #tpu.memory_space<vmem>> -> memref<1x128xi32, #tpu.memory_space<vmem>>
      %dma_start3A_240 = tpu.memref_squeeze %dma_start3A_239 : memref<1x128xi32, #tpu.memory_space<vmem>> -> memref<128xi32, #tpu.memory_space<vmem>>
      %dma_start3A_241 = arith.constant 0 : i32
      %dma_start3A_242 = arith.constant 0 : i32
      %dma_start3A_243 = tpu.memref_slice %arg2[%dma_start3A_241, %dma_start3A_242] : memref<20000x128xf32, #tpu.memory_space<hbm>> -> memref<20000x128xf32, #tpu.memory_space<hbm>>
      tpu.enqueue_indirect_dma source(%dma_start3A_243 : memref<20000x128xf32, #tpu.memory_space<hbm>>) target(%arg9 : memref<128x128xf32, #tpu.memory_space<vmem>>) offsets(%dma_start3A_240 : memref<128xi32, #tpu.memory_space<vmem>>) semaphore(%arg12 : memref<!tpu.dma_semaphore, #tpu.memory_space<semaphore_mem>>)
      %mul3A_244 = arith.constant 4 : i32
      %mul3A_245 = arith.muli %mul3A_106, %mul3A_244 : i32
      %add3A_246 = arith.constant 3 : i32
      %add3A_247 = arith.addi %mul3A_245, %add3A_246 : i32
      %dma_wait3A_248 = arith.constant 0 : i32
      %dma_wait3A_249 = arith.constant 0 : i32
      %dma_wait3A_250 = arith.constant 0 : i32
      %dma_wait3A_251 = arith.constant 0 : i32
      %dma_wait3A_252 = tpu.memref_slice %arg6[%dma_wait3A_248, %dma_wait3A_250, %dma_wait3A_251] : memref<2x4x128xi32, #tpu.memory_space<vmem>> -> memref<1x4x128xi32, #tpu.memory_space<vmem>>
      %dma_wait3A_253 = tpu.memref_squeeze %dma_wait3A_252 : memref<1x4x128xi32, #tpu.memory_space<vmem>> -> memref<4x128xi32, #tpu.memory_space<vmem>>
      %dma_wait3A_254 = arith.constant 0 : i32
      %dma_wait3A_255 = tpu.memref_slice %dma_wait3A_253[%dma_wait3A_249, %dma_wait3A_254] : memref<4x128xi32, #tpu.memory_space<vmem>> -> memref<1x128xi32, #tpu.memory_space<vmem>>
      %dma_wait3A_256 = tpu.memref_squeeze %dma_wait3A_255 : memref<1x128xi32, #tpu.memory_space<vmem>> -> memref<128xi32, #tpu.memory_space<vmem>>
      %dma_wait3A_257 = arith.constant 0 : i32
      %dma_wait3A_258 = arith.constant 0 : i32
      %dma_wait3A_259 = tpu.memref_slice %arg2[%dma_wait3A_257, %dma_wait3A_258] : memref<20000x128xf32, #tpu.memory_space<hbm>> -> memref<20000x128xf32, #tpu.memory_space<hbm>>
      tpu.wait_indirect_dma semaphore(%arg12 : memref<!tpu.dma_semaphore, #tpu.memory_space<semaphore_mem>>) src(%dma_wait3A_259 : memref<20000x128xf32, #tpu.memory_space<hbm>>) dst(%arg9 : memref<128x128xf32, #tpu.memory_space<vmem>>)
      %dma_start3A_260 = arith.constant 0 : i32
      %dma_start3A_261 = arith.constant 3 : i32
      %dma_start3A_262 = arith.constant 0 : i32
      %dma_start3A_263 = arith.constant 0 : i32
      %dma_start3A_264 = tpu.memref_slice %arg7[%dma_start3A_260, %dma_start3A_262, %dma_start3A_263] : memref<2x4x128xi32, #tpu.memory_space<vmem>> -> memref<1x4x128xi32, #tpu.memory_space<vmem>>
      %dma_start3A_265 = tpu.memref_squeeze %dma_start3A_264 : memref<1x4x128xi32, #tpu.memory_space<vmem>> -> memref<4x128xi32, #tpu.memory_space<vmem>>
      %dma_start3A_266 = arith.constant 0 : i32
      %dma_start3A_267 = tpu.memref_slice %dma_start3A_265[%dma_start3A_261, %dma_start3A_266] : memref<4x128xi32, #tpu.memory_space<vmem>> -> memref<1x128xi32, #tpu.memory_space<vmem>>
      %dma_start3A_268 = tpu.memref_squeeze %dma_start3A_267 : memref<1x128xi32, #tpu.memory_space<vmem>> -> memref<128xi32, #tpu.memory_space<vmem>>
      %dma_start3A_269 = arith.constant 0 : i32
      %dma_start3A_270 = arith.constant 0 : i32
      %dma_start3A_271 = tpu.memref_slice %arg10[%dma_start3A_269, %dma_start3A_270] : memref<10240x128xf32, #tpu.memory_space<vmem_shared>> -> memref<10240x128xf32, #tpu.memory_space<vmem_shared>>
      tpu.enqueue_indirect_dma source(%arg9 : memref<128x128xf32, #tpu.memory_space<vmem>>) target(%dma_start3A_271 : memref<10240x128xf32, #tpu.memory_space<vmem_shared>>) offsets(%dma_start3A_268 : memref<128xi32, #tpu.memory_space<vmem>>) semaphore(%arg14 : memref<!tpu.dma_semaphore, #tpu.memory_space<semaphore_mem>>) {add = true}
      %ge3A_272 = arith.constant 1 : i32
      %ge3A_273 = arith.cmpi sge, %add3A_247, %ge3A_272 : i32
      %convert_element_type3A_274 = arith.extui %ge3A_273 : i1 to i32
      %cond3A_275 = arith.constant 0 : i32
      %cond3A_276 = arith.cmpi ne, %convert_element_type3A_274, %cond3A_275 : i32
      scf.if %cond3A_276 {
        %dma_wait3A_467 = arith.constant 0 : i32
        %dma_wait3A_468 = arith.constant 0 : i32
        %dma_wait3A_469 = arith.constant 0 : i32
        %dma_wait3A_470 = arith.constant 0 : i32
        %dma_wait3A_471 = tpu.memref_slice %arg7[%dma_wait3A_467, %dma_wait3A_469, %dma_wait3A_470] : memref<2x4x128xi32, #tpu.memory_space<vmem>> -> memref<1x4x128xi32, #tpu.memory_space<vmem>>
        %dma_wait3A_472 = tpu.memref_squeeze %dma_wait3A_471 : memref<1x4x128xi32, #tpu.memory_space<vmem>> -> memref<4x128xi32, #tpu.memory_space<vmem>>
        %dma_wait3A_473 = arith.constant 0 : i32
        %dma_wait3A_474 = tpu.memref_slice %dma_wait3A_472[%dma_wait3A_468, %dma_wait3A_473] : memref<4x128xi32, #tpu.memory_space<vmem>> -> memref<1x128xi32, #tpu.memory_space<vmem>>
        %dma_wait3A_475 = tpu.memref_squeeze %dma_wait3A_474 : memref<1x128xi32, #tpu.memory_space<vmem>> -> memref<128xi32, #tpu.memory_space<vmem>>
        %dma_wait3A_476 = arith.constant 0 : i32
        %dma_wait3A_477 = arith.constant 0 : i32
        %dma_wait3A_478 = tpu.memref_slice %arg10[%dma_wait3A_476, %dma_wait3A_477] : memref<10240x128xf32, #tpu.memory_space<vmem_shared>> -> memref<10240x128xf32, #tpu.memory_space<vmem_shared>>
        tpu.wait_indirect_dma semaphore(%arg13 : memref<!tpu.dma_semaphore, #tpu.memory_space<semaphore_mem>>) src(%arg8 : memref<128x128xf32, #tpu.memory_space<vmem>>) dst(%dma_wait3A_478 : memref<10240x128xf32, #tpu.memory_space<vmem_shared>>)
      } else {
      }
      %sub3A_277 = arith.constant 1 : i32
      %sub3A_278 = arith.subi %select_n3A_19, %sub3A_277 : i32
      %lt3A_279 = arith.cmpi slt, %mul3A_106, %sub3A_278 : i32
      %convert_element_type3A_280 = arith.extui %lt3A_279 : i1 to i32
      %cond3A_281 = arith.constant 0 : i32
      %cond3A_282 = arith.cmpi ne, %convert_element_type3A_280, %cond3A_281 : i32
      scf.if %cond3A_282 {
        %dma_wait3A_467 = arith.constant 1 : i32
        %dma_wait3A_468 = arith.constant 0 : i32
        %dma_wait3A_469 = arith.constant 0 : i32
        %dma_wait3A_470 = tpu.memref_slice %arg6[%dma_wait3A_467, %dma_wait3A_468, %dma_wait3A_469] : memref<2x4x128xi32, #tpu.memory_space<vmem>> -> memref<1x4x128xi32, #tpu.memory_space<vmem>>
        %dma_wait3A_471 = tpu.memref_squeeze %dma_wait3A_470 : memref<1x4x128xi32, #tpu.memory_space<vmem>> -> memref<4x128xi32, #tpu.memory_space<vmem>>
        %dma_wait3A_472 = arith.constant 0 : i32
        %dma_wait3A_473 = tpu.memref_slice %arg3[%arg0, %mul3A, %dma_wait3A_472] : memref<2x1280x128xi32, #tpu.memory_space<hbm>> -> memref<1x4x128xi32, #tpu.memory_space<hbm>>
        %dma_wait3A_474 = tpu.memref_squeeze %dma_wait3A_473 : memref<1x4x128xi32, #tpu.memory_space<hbm>> -> memref<4x128xi32, #tpu.memory_space<hbm>>
        %dma_wait3A_475 = arith.constant 0 : i32
        %dma_wait3A_476 = arith.constant 0 : i32
        %dma_wait3A_477 = tpu.memref_slice %arg6[%dma_wait3A_467, %dma_wait3A_475, %dma_wait3A_476] : memref<2x4x128xi32, #tpu.memory_space<vmem>> -> memref<1x4x128xi32, #tpu.memory_space<vmem>>
        %dma_wait3A_478 = tpu.memref_squeeze %dma_wait3A_477 : memref<1x4x128xi32, #tpu.memory_space<vmem>> -> memref<4x128xi32, #tpu.memory_space<vmem>>
        %dma_wait3A_479 = arith.constant 0 : i32
        %dma_wait3A_480 = tpu.memref_slice %arg3[%arg0, %mul3A, %dma_wait3A_479] : memref<2x1280x128xi32, #tpu.memory_space<hbm>> -> memref<1x4x128xi32, #tpu.memory_space<hbm>>
        %dma_wait3A_481 = tpu.memref_squeeze %dma_wait3A_480 : memref<1x4x128xi32, #tpu.memory_space<hbm>> -> memref<4x128xi32, #tpu.memory_space<hbm>>
        tpu.wait_dma2 semaphore(%arg15 : memref<!tpu.dma_semaphore, #tpu.memory_space<semaphore_mem>>) src(%dma_wait3A_481 : memref<4x128xi32, #tpu.memory_space<hbm>>) dst(%dma_wait3A_478 : memref<4x128xi32, #tpu.memory_space<vmem>>)
        %dma_wait3A_482 = arith.constant 1 : i32
        %dma_wait3A_483 = arith.constant 0 : i32
        %dma_wait3A_484 = arith.constant 0 : i32
        %dma_wait3A_485 = tpu.memref_slice %arg7[%dma_wait3A_482, %dma_wait3A_483, %dma_wait3A_484] : memref<2x4x128xi32, #tpu.memory_space<vmem>> -> memref<1x4x128xi32, #tpu.memory_space<vmem>>
        %dma_wait3A_486 = tpu.memref_squeeze %dma_wait3A_485 : memref<1x4x128xi32, #tpu.memory_space<vmem>> -> memref<4x128xi32, #tpu.memory_space<vmem>>
        %dma_wait3A_487 = arith.constant 0 : i32
        %dma_wait3A_488 = tpu.memref_slice %arg4[%arg0, %mul3A, %dma_wait3A_487] : memref<2x1280x128xi32, #tpu.memory_space<hbm>> -> memref<1x4x128xi32, #tpu.memory_space<hbm>>
        %dma_wait3A_489 = tpu.memref_squeeze %dma_wait3A_488 : memref<1x4x128xi32, #tpu.memory_space<hbm>> -> memref<4x128xi32, #tpu.memory_space<hbm>>
        %dma_wait3A_490 = arith.constant 0 : i32
        %dma_wait3A_491 = arith.constant 0 : i32
        %dma_wait3A_492 = tpu.memref_slice %arg7[%dma_wait3A_482, %dma_wait3A_490, %dma_wait3A_491] : memref<2x4x128xi32, #tpu.memory_space<vmem>> -> memref<1x4x128xi32, #tpu.memory_space<vmem>>
        %dma_wait3A_493 = tpu.memref_squeeze %dma_wait3A_492 : memref<1x4x128xi32, #tpu.memory_space<vmem>> -> memref<4x128xi32, #tpu.memory_space<vmem>>
        %dma_wait3A_494 = arith.constant 0 : i32
        %dma_wait3A_495 = tpu.memref_slice %arg4[%arg0, %mul3A, %dma_wait3A_494] : memref<2x1280x128xi32, #tpu.memory_space<hbm>> -> memref<1x4x128xi32, #tpu.memory_space<hbm>>
        %dma_wait3A_496 = tpu.memref_squeeze %dma_wait3A_495 : memref<1x4x128xi32, #tpu.memory_space<hbm>> -> memref<4x128xi32, #tpu.memory_space<hbm>>
        tpu.wait_dma2 semaphore(%arg15 : memref<!tpu.dma_semaphore, #tpu.memory_space<semaphore_mem>>) src(%dma_wait3A_496 : memref<4x128xi32, #tpu.memory_space<hbm>>) dst(%dma_wait3A_493 : memref<4x128xi32, #tpu.memory_space<vmem>>)
        %dma_start3A_497 = arith.constant 1 : i32
        %dma_start3A_498 = arith.constant 0 : i32
        %dma_start3A_499 = arith.constant 0 : i32
        %dma_start3A_500 = arith.constant 0 : i32
        %dma_start3A_501 = tpu.memref_slice %arg6[%dma_start3A_497, %dma_start3A_499, %dma_start3A_500] : memref<2x4x128xi32, #tpu.memory_space<vmem>> -> memref<1x4x128xi32, #tpu.memory_space<vmem>>
        %dma_start3A_502 = tpu.memref_squeeze %dma_start3A_501 : memref<1x4x128xi32, #tpu.memory_space<vmem>> -> memref<4x128xi32, #tpu.memory_space<vmem>>
        %dma_start3A_503 = arith.constant 0 : i32
        %dma_start3A_504 = tpu.memref_slice %dma_start3A_502[%dma_start3A_498, %dma_start3A_503] : memref<4x128xi32, #tpu.memory_space<vmem>> -> memref<1x128xi32, #tpu.memory_space<vmem>>
        %dma_start3A_505 = tpu.memref_squeeze %dma_start3A_504 : memref<1x128xi32, #tpu.memory_space<vmem>> -> memref<128xi32, #tpu.memory_space<vmem>>
        %dma_start3A_506 = arith.constant 0 : i32
        %dma_start3A_507 = arith.constant 0 : i32
        %dma_start3A_508 = tpu.memref_slice %arg2[%dma_start3A_506, %dma_start3A_507] : memref<20000x128xf32, #tpu.memory_space<hbm>> -> memref<20000x128xf32, #tpu.memory_space<hbm>>
        tpu.enqueue_indirect_dma source(%dma_start3A_508 : memref<20000x128xf32, #tpu.memory_space<hbm>>) target(%arg8 : memref<128x128xf32, #tpu.memory_space<vmem>>) offsets(%dma_start3A_505 : memref<128xi32, #tpu.memory_space<vmem>>) semaphore(%arg11 : memref<!tpu.dma_semaphore, #tpu.memory_space<semaphore_mem>>)
      } else {
      }
      %mul3A_283 = arith.constant 2 : i32
      %mul3A_284 = arith.muli %mul3A_283, %while3A_104 : i32
      %add3A_285 = arith.constant 1 : i32
      %add3A_286 = arith.addi %mul3A_284, %add3A_285 : i32
      %mul3A_287 = arith.constant 4 : i32
      %mul3A_288 = arith.muli %add3A_286, %mul3A_287 : i32
      %add3A_289 = arith.constant 0 : i32
      %add3A_290 = arith.addi %mul3A_288, %add3A_289 : i32
      %dma_wait3A_291 = arith.constant 0 : i32
      %dma_wait3A_292 = arith.constant 0 : i32
      %dma_wait3A_293 = arith.constant 0 : i32
      %dma_wait3A_294 = arith.constant 0 : i32
      %dma_wait3A_295 = tpu.memref_slice %arg6[%dma_wait3A_291, %dma_wait3A_293, %dma_wait3A_294] : memref<2x4x128xi32, #tpu.memory_space<vmem>> -> memref<1x4x128xi32, #tpu.memory_space<vmem>>
      %dma_wait3A_296 = tpu.memref_squeeze %dma_wait3A_295 : memref<1x4x128xi32, #tpu.memory_space<vmem>> -> memref<4x128xi32, #tpu.memory_space<vmem>>
      %dma_wait3A_297 = arith.constant 0 : i32
      %dma_wait3A_298 = tpu.memref_slice %dma_wait3A_296[%dma_wait3A_292, %dma_wait3A_297] : memref<4x128xi32, #tpu.memory_space<vmem>> -> memref<1x128xi32, #tpu.memory_space<vmem>>
      %dma_wait3A_299 = tpu.memref_squeeze %dma_wait3A_298 : memref<1x128xi32, #tpu.memory_space<vmem>> -> memref<128xi32, #tpu.memory_space<vmem>>
      %dma_wait3A_300 = arith.constant 0 : i32
      %dma_wait3A_301 = arith.constant 0 : i32
      %dma_wait3A_302 = tpu.memref_slice %arg2[%dma_wait3A_300, %dma_wait3A_301] : memref<20000x128xf32, #tpu.memory_space<hbm>> -> memref<20000x128xf32, #tpu.memory_space<hbm>>
      tpu.wait_indirect_dma semaphore(%arg11 : memref<!tpu.dma_semaphore, #tpu.memory_space<semaphore_mem>>) src(%dma_wait3A_302 : memref<20000x128xf32, #tpu.memory_space<hbm>>) dst(%arg8 : memref<128x128xf32, #tpu.memory_space<vmem>>)
      %dma_start3A_303 = arith.constant 1 : i32
      %dma_start3A_304 = arith.constant 0 : i32
      %dma_start3A_305 = arith.constant 0 : i32
      %dma_start3A_306 = arith.constant 0 : i32
      %dma_start3A_307 = tpu.memref_slice %arg7[%dma_start3A_303, %dma_start3A_305, %dma_start3A_306] : memref<2x4x128xi32, #tpu.memory_space<vmem>> -> memref<1x4x128xi32, #tpu.memory_space<vmem>>
      %dma_start3A_308 = tpu.memref_squeeze %dma_start3A_307 : memref<1x4x128xi32, #tpu.memory_space<vmem>> -> memref<4x128xi32, #tpu.memory_space<vmem>>
      %dma_start3A_309 = arith.constant 0 : i32
      %dma_start3A_310 = tpu.memref_slice %dma_start3A_308[%dma_start3A_304, %dma_start3A_309] : memref<4x128xi32, #tpu.memory_space<vmem>> -> memref<1x128xi32, #tpu.memory_space<vmem>>
      %dma_start3A_311 = tpu.memref_squeeze %dma_start3A_310 : memref<1x128xi32, #tpu.memory_space<vmem>> -> memref<128xi32, #tpu.memory_space<vmem>>
      %dma_start3A_312 = arith.constant 0 : i32
      %dma_start3A_313 = arith.constant 0 : i32
      %dma_start3A_314 = tpu.memref_slice %arg10[%dma_start3A_312, %dma_start3A_313] : memref<10240x128xf32, #tpu.memory_space<vmem_shared>> -> memref<10240x128xf32, #tpu.memory_space<vmem_shared>>
      tpu.enqueue_indirect_dma source(%arg8 : memref<128x128xf32, #tpu.memory_space<vmem>>) target(%dma_start3A_314 : memref<10240x128xf32, #tpu.memory_space<vmem_shared>>) offsets(%dma_start3A_311 : memref<128xi32, #tpu.memory_space<vmem>>) semaphore(%arg13 : memref<!tpu.dma_semaphore, #tpu.memory_space<semaphore_mem>>) {add = true}
      %ge3A_315 = arith.constant 1 : i32
      %ge3A_316 = arith.cmpi sge, %add3A_290, %ge3A_315 : i32
      %convert_element_type3A_317 = arith.extui %ge3A_316 : i1 to i32
      %cond3A_318 = arith.constant 0 : i32
      %cond3A_319 = arith.cmpi ne, %convert_element_type3A_317, %cond3A_318 : i32
      scf.if %cond3A_319 {
        %dma_wait3A_467 = arith.constant 0 : i32
        %dma_wait3A_468 = arith.constant 0 : i32
        %dma_wait3A_469 = arith.constant 0 : i32
        %dma_wait3A_470 = arith.constant 0 : i32
        %dma_wait3A_471 = tpu.memref_slice %arg7[%dma_wait3A_467, %dma_wait3A_469, %dma_wait3A_470] : memref<2x4x128xi32, #tpu.memory_space<vmem>> -> memref<1x4x128xi32, #tpu.memory_space<vmem>>
        %dma_wait3A_472 = tpu.memref_squeeze %dma_wait3A_471 : memref<1x4x128xi32, #tpu.memory_space<vmem>> -> memref<4x128xi32, #tpu.memory_space<vmem>>
        %dma_wait3A_473 = arith.constant 0 : i32
        %dma_wait3A_474 = tpu.memref_slice %dma_wait3A_472[%dma_wait3A_468, %dma_wait3A_473] : memref<4x128xi32, #tpu.memory_space<vmem>> -> memref<1x128xi32, #tpu.memory_space<vmem>>
        %dma_wait3A_475 = tpu.memref_squeeze %dma_wait3A_474 : memref<1x128xi32, #tpu.memory_space<vmem>> -> memref<128xi32, #tpu.memory_space<vmem>>
        %dma_wait3A_476 = arith.constant 0 : i32
        %dma_wait3A_477 = arith.constant 0 : i32
        %dma_wait3A_478 = tpu.memref_slice %arg10[%dma_wait3A_476, %dma_wait3A_477] : memref<10240x128xf32, #tpu.memory_space<vmem_shared>> -> memref<10240x128xf32, #tpu.memory_space<vmem_shared>>
        tpu.wait_indirect_dma semaphore(%arg14 : memref<!tpu.dma_semaphore, #tpu.memory_space<semaphore_mem>>) src(%arg9 : memref<128x128xf32, #tpu.memory_space<vmem>>) dst(%dma_wait3A_478 : memref<10240x128xf32, #tpu.memory_space<vmem_shared>>)
      } else {
      }
      %sub3A_320 = arith.constant 1 : i32
      %sub3A_321 = arith.subi %select_n3A_19, %sub3A_320 : i32
      %lt3A_322 = arith.cmpi slt, %add3A_286, %sub3A_321 : i32
      %convert_element_type3A_323 = arith.extui %lt3A_322 : i1 to i32
      %cond3A_324 = arith.constant 0 : i32
      %cond3A_325 = arith.cmpi ne, %convert_element_type3A_323, %cond3A_324 : i32
      scf.if %cond3A_325 {
        %add3A_467 = arith.constant 1 : i32
        %add3A_468 = arith.addi %add3A_286, %add3A_467 : i32
        %mul3A_469 = arith.constant 4 : i32
        %mul3A_470 = arith.muli %add3A_468, %mul3A_469 : i32
        %add3A_471 = arith.addi %mul3A, %mul3A_470 : i32
        %dma_start3A_472 = arith.constant 0 : i32
        %dma_start3A_473 = arith.constant 0 : i32
        %dma_start3A_474 = arith.constant 0 : i32
        %dma_start3A_475 = tpu.memref_slice %arg6[%dma_start3A_472, %dma_start3A_473, %dma_start3A_474] : memref<2x4x128xi32, #tpu.memory_space<vmem>> -> memref<1x4x128xi32, #tpu.memory_space<vmem>>
        %dma_start3A_476 = tpu.memref_squeeze %dma_start3A_475 : memref<1x4x128xi32, #tpu.memory_space<vmem>> -> memref<4x128xi32, #tpu.memory_space<vmem>>
        %dma_start3A_477 = arith.constant 0 : i32
        %dma_start3A_478 = tpu.memref_slice %arg3[%arg0, %add3A_471, %dma_start3A_477] : memref<2x1280x128xi32, #tpu.memory_space<hbm>> -> memref<1x4x128xi32, #tpu.memory_space<hbm>>
        %dma_start3A_479 = tpu.memref_squeeze %dma_start3A_478 : memref<1x4x128xi32, #tpu.memory_space<hbm>> -> memref<4x128xi32, #tpu.memory_space<hbm>>
        %dma_start3A_480 = arith.constant 0 : i32
        %dma_start3A_481 = arith.constant 0 : i32
        %dma_start3A_482 = tpu.memref_slice %arg6[%dma_start3A_472, %dma_start3A_480, %dma_start3A_481] : memref<2x4x128xi32, #tpu.memory_space<vmem>> -> memref<1x4x128xi32, #tpu.memory_space<vmem>>
        %dma_start3A_483 = tpu.memref_squeeze %dma_start3A_482 : memref<1x4x128xi32, #tpu.memory_space<vmem>> -> memref<4x128xi32, #tpu.memory_space<vmem>>
        %dma_start3A_484 = arith.constant 0 : i32
        %dma_start3A_485 = tpu.memref_slice %arg3[%arg0, %add3A_471, %dma_start3A_484] : memref<2x1280x128xi32, #tpu.memory_space<hbm>> -> memref<1x4x128xi32, #tpu.memory_space<hbm>>
        %dma_start3A_486 = tpu.memref_squeeze %dma_start3A_485 : memref<1x4x128xi32, #tpu.memory_space<hbm>> -> memref<4x128xi32, #tpu.memory_space<hbm>>
        tpu.enqueue_dma source(%dma_start3A_486 : memref<4x128xi32, #tpu.memory_space<hbm>>) target(%dma_start3A_483 : memref<4x128xi32, #tpu.memory_space<vmem>>) target_semaphore(%arg15 : memref<!tpu.dma_semaphore, #tpu.memory_space<semaphore_mem>>)
        %dma_start3A_487 = arith.constant 0 : i32
        %dma_start3A_488 = arith.constant 0 : i32
        %dma_start3A_489 = arith.constant 0 : i32
        %dma_start3A_490 = tpu.memref_slice %arg7[%dma_start3A_487, %dma_start3A_488, %dma_start3A_489] : memref<2x4x128xi32, #tpu.memory_space<vmem>> -> memref<1x4x128xi32, #tpu.memory_space<vmem>>
        %dma_start3A_491 = tpu.memref_squeeze %dma_start3A_490 : memref<1x4x128xi32, #tpu.memory_space<vmem>> -> memref<4x128xi32, #tpu.memory_space<vmem>>
        %dma_start3A_492 = arith.constant 0 : i32
        %dma_start3A_493 = tpu.memref_slice %arg4[%arg0, %add3A_471, %dma_start3A_492] : memref<2x1280x128xi32, #tpu.memory_space<hbm>> -> memref<1x4x128xi32, #tpu.memory_space<hbm>>
        %dma_start3A_494 = tpu.memref_squeeze %dma_start3A_493 : memref<1x4x128xi32, #tpu.memory_space<hbm>> -> memref<4x128xi32, #tpu.memory_space<hbm>>
        %dma_start3A_495 = arith.constant 0 : i32
        %dma_start3A_496 = arith.constant 0 : i32
        %dma_start3A_497 = tpu.memref_slice %arg7[%dma_start3A_487, %dma_start3A_495, %dma_start3A_496] : memref<2x4x128xi32, #tpu.memory_space<vmem>> -> memref<1x4x128xi32, #tpu.memory_space<vmem>>
        %dma_start3A_498 = tpu.memref_squeeze %dma_start3A_497 : memref<1x4x128xi32, #tpu.memory_space<vmem>> -> memref<4x128xi32, #tpu.memory_space<vmem>>
        %dma_start3A_499 = arith.constant 0 : i32
        %dma_start3A_500 = tpu.memref_slice %arg4[%arg0, %add3A_471, %dma_start3A_499] : memref<2x1280x128xi32, #tpu.memory_space<hbm>> -> memref<1x4x128xi32, #tpu.memory_space<hbm>>
        %dma_start3A_501 = tpu.memref_squeeze %dma_start3A_500 : memref<1x4x128xi32, #tpu.memory_space<hbm>> -> memref<4x128xi32, #tpu.memory_space<hbm>>
        tpu.enqueue_dma source(%dma_start3A_501 : memref<4x128xi32, #tpu.memory_space<hbm>>) target(%dma_start3A_498 : memref<4x128xi32, #tpu.memory_space<vmem>>) target_semaphore(%arg15 : memref<!tpu.dma_semaphore, #tpu.memory_space<semaphore_mem>>)
      } else {
      }
      %dma_start3A_326 = arith.constant 1 : i32
      %dma_start3A_327 = arith.constant 1 : i32
      %dma_start3A_328 = arith.constant 0 : i32
      %dma_start3A_329 = arith.constant 0 : i32
      %dma_start3A_330 = tpu.memref_slice %arg6[%dma_start3A_326, %dma_start3A_328, %dma_start3A_329] : memref<2x4x128xi32, #tpu.memory_space<vmem>> -> memref<1x4x128xi32, #tpu.memory_space<vmem>>
      %dma_start3A_331 = tpu.memref_squeeze %dma_start3A_330 : memref<1x4x128xi32, #tpu.memory_space<vmem>> -> memref<4x128xi32, #tpu.memory_space<vmem>>
      %dma_start3A_332 = arith.constant 0 : i32
      %dma_start3A_333 = tpu.memref_slice %dma_start3A_331[%dma_start3A_327, %dma_start3A_332] : memref<4x128xi32, #tpu.memory_space<vmem>> -> memref<1x128xi32, #tpu.memory_space<vmem>>
      %dma_start3A_334 = tpu.memref_squeeze %dma_start3A_333 : memref<1x128xi32, #tpu.memory_space<vmem>> -> memref<128xi32, #tpu.memory_space<vmem>>
      %dma_start3A_335 = arith.constant 0 : i32
      %dma_start3A_336 = arith.constant 0 : i32
      %dma_start3A_337 = tpu.memref_slice %arg2[%dma_start3A_335, %dma_start3A_336] : memref<20000x128xf32, #tpu.memory_space<hbm>> -> memref<20000x128xf32, #tpu.memory_space<hbm>>
      tpu.enqueue_indirect_dma source(%dma_start3A_337 : memref<20000x128xf32, #tpu.memory_space<hbm>>) target(%arg9 : memref<128x128xf32, #tpu.memory_space<vmem>>) offsets(%dma_start3A_334 : memref<128xi32, #tpu.memory_space<vmem>>) semaphore(%arg12 : memref<!tpu.dma_semaphore, #tpu.memory_space<semaphore_mem>>)
      %mul3A_338 = arith.constant 4 : i32
      %mul3A_339 = arith.muli %add3A_286, %mul3A_338 : i32
      %add3A_340 = arith.constant 1 : i32
      %add3A_341 = arith.addi %mul3A_339, %add3A_340 : i32
      %dma_wait3A_342 = arith.constant 0 : i32
      %dma_wait3A_343 = arith.constant 0 : i32
      %dma_wait3A_344 = arith.constant 0 : i32
      %dma_wait3A_345 = arith.constant 0 : i32
      %dma_wait3A_346 = tpu.memref_slice %arg6[%dma_wait3A_342, %dma_wait3A_344, %dma_wait3A_345] : memref<2x4x128xi32, #tpu.memory_space<vmem>> -> memref<1x4x128xi32, #tpu.memory_space<vmem>>
      %dma_wait3A_347 = tpu.memref_squeeze %dma_wait3A_346 : memref<1x4x128xi32, #tpu.memory_space<vmem>> -> memref<4x128xi32, #tpu.memory_space<vmem>>
      %dma_wait3A_348 = arith.constant 0 : i32
      %dma_wait3A_349 = tpu.memref_slice %dma_wait3A_347[%dma_wait3A_343, %dma_wait3A_348] : memref<4x128xi32, #tpu.memory_space<vmem>> -> memref<1x128xi32, #tpu.memory_space<vmem>>
      %dma_wait3A_350 = tpu.memref_squeeze %dma_wait3A_349 : memref<1x128xi32, #tpu.memory_space<vmem>> -> memref<128xi32, #tpu.memory_space<vmem>>
      %dma_wait3A_351 = arith.constant 0 : i32
      %dma_wait3A_352 = arith.constant 0 : i32
      %dma_wait3A_353 = tpu.memref_slice %arg2[%dma_wait3A_351, %dma_wait3A_352] : memref<20000x128xf32, #tpu.memory_space<hbm>> -> memref<20000x128xf32, #tpu.memory_space<hbm>>
      tpu.wait_indirect_dma semaphore(%arg12 : memref<!tpu.dma_semaphore, #tpu.memory_space<semaphore_mem>>) src(%dma_wait3A_353 : memref<20000x128xf32, #tpu.memory_space<hbm>>) dst(%arg9 : memref<128x128xf32, #tpu.memory_space<vmem>>)
      %dma_start3A_354 = arith.constant 1 : i32
      %dma_start3A_355 = arith.constant 1 : i32
      %dma_start3A_356 = arith.constant 0 : i32
      %dma_start3A_357 = arith.constant 0 : i32
      %dma_start3A_358 = tpu.memref_slice %arg7[%dma_start3A_354, %dma_start3A_356, %dma_start3A_357] : memref<2x4x128xi32, #tpu.memory_space<vmem>> -> memref<1x4x128xi32, #tpu.memory_space<vmem>>
      %dma_start3A_359 = tpu.memref_squeeze %dma_start3A_358 : memref<1x4x128xi32, #tpu.memory_space<vmem>> -> memref<4x128xi32, #tpu.memory_space<vmem>>
      %dma_start3A_360 = arith.constant 0 : i32
      %dma_start3A_361 = tpu.memref_slice %dma_start3A_359[%dma_start3A_355, %dma_start3A_360] : memref<4x128xi32, #tpu.memory_space<vmem>> -> memref<1x128xi32, #tpu.memory_space<vmem>>
      %dma_start3A_362 = tpu.memref_squeeze %dma_start3A_361 : memref<1x128xi32, #tpu.memory_space<vmem>> -> memref<128xi32, #tpu.memory_space<vmem>>
      %dma_start3A_363 = arith.constant 0 : i32
      %dma_start3A_364 = arith.constant 0 : i32
      %dma_start3A_365 = tpu.memref_slice %arg10[%dma_start3A_363, %dma_start3A_364] : memref<10240x128xf32, #tpu.memory_space<vmem_shared>> -> memref<10240x128xf32, #tpu.memory_space<vmem_shared>>
      tpu.enqueue_indirect_dma source(%arg9 : memref<128x128xf32, #tpu.memory_space<vmem>>) target(%dma_start3A_365 : memref<10240x128xf32, #tpu.memory_space<vmem_shared>>) offsets(%dma_start3A_362 : memref<128xi32, #tpu.memory_space<vmem>>) semaphore(%arg14 : memref<!tpu.dma_semaphore, #tpu.memory_space<semaphore_mem>>) {add = true}
      %ge3A_366 = arith.constant 1 : i32
      %ge3A_367 = arith.cmpi sge, %add3A_341, %ge3A_366 : i32
      %convert_element_type3A_368 = arith.extui %ge3A_367 : i1 to i32
      %cond3A_369 = arith.constant 0 : i32
      %cond3A_370 = arith.cmpi ne, %convert_element_type3A_368, %cond3A_369 : i32
      scf.if %cond3A_370 {
        %dma_wait3A_467 = arith.constant 0 : i32
        %dma_wait3A_468 = arith.constant 0 : i32
        %dma_wait3A_469 = arith.constant 0 : i32
        %dma_wait3A_470 = arith.constant 0 : i32
        %dma_wait3A_471 = tpu.memref_slice %arg7[%dma_wait3A_467, %dma_wait3A_469, %dma_wait3A_470] : memref<2x4x128xi32, #tpu.memory_space<vmem>> -> memref<1x4x128xi32, #tpu.memory_space<vmem>>
        %dma_wait3A_472 = tpu.memref_squeeze %dma_wait3A_471 : memref<1x4x128xi32, #tpu.memory_space<vmem>> -> memref<4x128xi32, #tpu.memory_space<vmem>>
        %dma_wait3A_473 = arith.constant 0 : i32
        %dma_wait3A_474 = tpu.memref_slice %dma_wait3A_472[%dma_wait3A_468, %dma_wait3A_473] : memref<4x128xi32, #tpu.memory_space<vmem>> -> memref<1x128xi32, #tpu.memory_space<vmem>>
        %dma_wait3A_475 = tpu.memref_squeeze %dma_wait3A_474 : memref<1x128xi32, #tpu.memory_space<vmem>> -> memref<128xi32, #tpu.memory_space<vmem>>
        %dma_wait3A_476 = arith.constant 0 : i32
        %dma_wait3A_477 = arith.constant 0 : i32
        %dma_wait3A_478 = tpu.memref_slice %arg10[%dma_wait3A_476, %dma_wait3A_477] : memref<10240x128xf32, #tpu.memory_space<vmem_shared>> -> memref<10240x128xf32, #tpu.memory_space<vmem_shared>>
        tpu.wait_indirect_dma semaphore(%arg13 : memref<!tpu.dma_semaphore, #tpu.memory_space<semaphore_mem>>) src(%arg8 : memref<128x128xf32, #tpu.memory_space<vmem>>) dst(%dma_wait3A_478 : memref<10240x128xf32, #tpu.memory_space<vmem_shared>>)
      } else {
      }
      %dma_start3A_371 = arith.constant 1 : i32
      %dma_start3A_372 = arith.constant 2 : i32
      %dma_start3A_373 = arith.constant 0 : i32
      %dma_start3A_374 = arith.constant 0 : i32
      %dma_start3A_375 = tpu.memref_slice %arg6[%dma_start3A_371, %dma_start3A_373, %dma_start3A_374] : memref<2x4x128xi32, #tpu.memory_space<vmem>> -> memref<1x4x128xi32, #tpu.memory_space<vmem>>
      %dma_start3A_376 = tpu.memref_squeeze %dma_start3A_375 : memref<1x4x128xi32, #tpu.memory_space<vmem>> -> memref<4x128xi32, #tpu.memory_space<vmem>>
      %dma_start3A_377 = arith.constant 0 : i32
      %dma_start3A_378 = tpu.memref_slice %dma_start3A_376[%dma_start3A_372, %dma_start3A_377] : memref<4x128xi32, #tpu.memory_space<vmem>> -> memref<1x128xi32, #tpu.memory_space<vmem>>
      %dma_start3A_379 = tpu.memref_squeeze %dma_start3A_378 : memref<1x128xi32, #tpu.memory_space<vmem>> -> memref<128xi32, #tpu.memory_space<vmem>>
      %dma_start3A_380 = arith.constant 0 : i32
      %dma_start3A_381 = arith.constant 0 : i32
      %dma_start3A_382 = tpu.memref_slice %arg2[%dma_start3A_380, %dma_start3A_381] : memref<20000x128xf32, #tpu.memory_space<hbm>> -> memref<20000x128xf32, #tpu.memory_space<hbm>>
      tpu.enqueue_indirect_dma source(%dma_start3A_382 : memref<20000x128xf32, #tpu.memory_space<hbm>>) target(%arg8 : memref<128x128xf32, #tpu.memory_space<vmem>>) offsets(%dma_start3A_379 : memref<128xi32, #tpu.memory_space<vmem>>) semaphore(%arg11 : memref<!tpu.dma_semaphore, #tpu.memory_space<semaphore_mem>>)
      %mul3A_383 = arith.constant 4 : i32
      %mul3A_384 = arith.muli %add3A_286, %mul3A_383 : i32
      %add3A_385 = arith.constant 2 : i32
      %add3A_386 = arith.addi %mul3A_384, %add3A_385 : i32
      %dma_wait3A_387 = arith.constant 0 : i32
      %dma_wait3A_388 = arith.constant 0 : i32
      %dma_wait3A_389 = arith.constant 0 : i32
      %dma_wait3A_390 = arith.constant 0 : i32
      %dma_wait3A_391 = tpu.memref_slice %arg6[%dma_wait3A_387, %dma_wait3A_389, %dma_wait3A_390] : memref<2x4x128xi32, #tpu.memory_space<vmem>> -> memref<1x4x128xi32, #tpu.memory_space<vmem>>
      %dma_wait3A_392 = tpu.memref_squeeze %dma_wait3A_391 : memref<1x4x128xi32, #tpu.memory_space<vmem>> -> memref<4x128xi32, #tpu.memory_space<vmem>>
      %dma_wait3A_393 = arith.constant 0 : i32
      %dma_wait3A_394 = tpu.memref_slice %dma_wait3A_392[%dma_wait3A_388, %dma_wait3A_393] : memref<4x128xi32, #tpu.memory_space<vmem>> -> memref<1x128xi32, #tpu.memory_space<vmem>>
      %dma_wait3A_395 = tpu.memref_squeeze %dma_wait3A_394 : memref<1x128xi32, #tpu.memory_space<vmem>> -> memref<128xi32, #tpu.memory_space<vmem>>
      %dma_wait3A_396 = arith.constant 0 : i32
      %dma_wait3A_397 = arith.constant 0 : i32
      %dma_wait3A_398 = tpu.memref_slice %arg2[%dma_wait3A_396, %dma_wait3A_397] : memref<20000x128xf32, #tpu.memory_space<hbm>> -> memref<20000x128xf32, #tpu.memory_space<hbm>>
      tpu.wait_indirect_dma semaphore(%arg11 : memref<!tpu.dma_semaphore, #tpu.memory_space<semaphore_mem>>) src(%dma_wait3A_398 : memref<20000x128xf32, #tpu.memory_space<hbm>>) dst(%arg8 : memref<128x128xf32, #tpu.memory_space<vmem>>)
      %dma_start3A_399 = arith.constant 1 : i32
      %dma_start3A_400 = arith.constant 2 : i32
      %dma_start3A_401 = arith.constant 0 : i32
      %dma_start3A_402 = arith.constant 0 : i32
      %dma_start3A_403 = tpu.memref_slice %arg7[%dma_start3A_399, %dma_start3A_401, %dma_start3A_402] : memref<2x4x128xi32, #tpu.memory_space<vmem>> -> memref<1x4x128xi32, #tpu.memory_space<vmem>>
      %dma_start3A_404 = tpu.memref_squeeze %dma_start3A_403 : memref<1x4x128xi32, #tpu.memory_space<vmem>> -> memref<4x128xi32, #tpu.memory_space<vmem>>
      %dma_start3A_405 = arith.constant 0 : i32
      %dma_start3A_406 = tpu.memref_slice %dma_start3A_404[%dma_start3A_400, %dma_start3A_405] : memref<4x128xi32, #tpu.memory_space<vmem>> -> memref<1x128xi32, #tpu.memory_space<vmem>>
      %dma_start3A_407 = tpu.memref_squeeze %dma_start3A_406 : memref<1x128xi32, #tpu.memory_space<vmem>> -> memref<128xi32, #tpu.memory_space<vmem>>
      %dma_start3A_408 = arith.constant 0 : i32
      %dma_start3A_409 = arith.constant 0 : i32
      %dma_start3A_410 = tpu.memref_slice %arg10[%dma_start3A_408, %dma_start3A_409] : memref<10240x128xf32, #tpu.memory_space<vmem_shared>> -> memref<10240x128xf32, #tpu.memory_space<vmem_shared>>
      tpu.enqueue_indirect_dma source(%arg8 : memref<128x128xf32, #tpu.memory_space<vmem>>) target(%dma_start3A_410 : memref<10240x128xf32, #tpu.memory_space<vmem_shared>>) offsets(%dma_start3A_407 : memref<128xi32, #tpu.memory_space<vmem>>) semaphore(%arg13 : memref<!tpu.dma_semaphore, #tpu.memory_space<semaphore_mem>>) {add = true}
      %ge3A_411 = arith.constant 1 : i32
      %ge3A_412 = arith.cmpi sge, %add3A_386, %ge3A_411 : i32
      %convert_element_type3A_413 = arith.extui %ge3A_412 : i1 to i32
      %cond3A_414 = arith.constant 0 : i32
      %cond3A_415 = arith.cmpi ne, %convert_element_type3A_413, %cond3A_414 : i32
      scf.if %cond3A_415 {
        %dma_wait3A_467 = arith.constant 0 : i32
        %dma_wait3A_468 = arith.constant 0 : i32
        %dma_wait3A_469 = arith.constant 0 : i32
        %dma_wait3A_470 = arith.constant 0 : i32
        %dma_wait3A_471 = tpu.memref_slice %arg7[%dma_wait3A_467, %dma_wait3A_469, %dma_wait3A_470] : memref<2x4x128xi32, #tpu.memory_space<vmem>> -> memref<1x4x128xi32, #tpu.memory_space<vmem>>
        %dma_wait3A_472 = tpu.memref_squeeze %dma_wait3A_471 : memref<1x4x128xi32, #tpu.memory_space<vmem>> -> memref<4x128xi32, #tpu.memory_space<vmem>>
        %dma_wait3A_473 = arith.constant 0 : i32
        %dma_wait3A_474 = tpu.memref_slice %dma_wait3A_472[%dma_wait3A_468, %dma_wait3A_473] : memref<4x128xi32, #tpu.memory_space<vmem>> -> memref<1x128xi32, #tpu.memory_space<vmem>>
        %dma_wait3A_475 = tpu.memref_squeeze %dma_wait3A_474 : memref<1x128xi32, #tpu.memory_space<vmem>> -> memref<128xi32, #tpu.memory_space<vmem>>
        %dma_wait3A_476 = arith.constant 0 : i32
        %dma_wait3A_477 = arith.constant 0 : i32
        %dma_wait3A_478 = tpu.memref_slice %arg10[%dma_wait3A_476, %dma_wait3A_477] : memref<10240x128xf32, #tpu.memory_space<vmem_shared>> -> memref<10240x128xf32, #tpu.memory_space<vmem_shared>>
        tpu.wait_indirect_dma semaphore(%arg14 : memref<!tpu.dma_semaphore, #tpu.memory_space<semaphore_mem>>) src(%arg9 : memref<128x128xf32, #tpu.memory_space<vmem>>) dst(%dma_wait3A_478 : memref<10240x128xf32, #tpu.memory_space<vmem_shared>>)
      } else {
      }
      %dma_start3A_416 = arith.constant 1 : i32
      %dma_start3A_417 = arith.constant 3 : i32
      %dma_start3A_418 = arith.constant 0 : i32
      %dma_start3A_419 = arith.constant 0 : i32
      %dma_start3A_420 = tpu.memref_slice %arg6[%dma_start3A_416, %dma_start3A_418, %dma_start3A_419] : memref<2x4x128xi32, #tpu.memory_space<vmem>> -> memref<1x4x128xi32, #tpu.memory_space<vmem>>
      %dma_start3A_421 = tpu.memref_squeeze %dma_start3A_420 : memref<1x4x128xi32, #tpu.memory_space<vmem>> -> memref<4x128xi32, #tpu.memory_space<vmem>>
      %dma_start3A_422 = arith.constant 0 : i32
      %dma_start3A_423 = tpu.memref_slice %dma_start3A_421[%dma_start3A_417, %dma_start3A_422] : memref<4x128xi32, #tpu.memory_space<vmem>> -> memref<1x128xi32, #tpu.memory_space<vmem>>
      %dma_start3A_424 = tpu.memref_squeeze %dma_start3A_423 : memref<1x128xi32, #tpu.memory_space<vmem>> -> memref<128xi32, #tpu.memory_space<vmem>>
      %dma_start3A_425 = arith.constant 0 : i32
      %dma_start3A_426 = arith.constant 0 : i32
      %dma_start3A_427 = tpu.memref_slice %arg2[%dma_start3A_425, %dma_start3A_426] : memref<20000x128xf32, #tpu.memory_space<hbm>> -> memref<20000x128xf32, #tpu.memory_space<hbm>>
      tpu.enqueue_indirect_dma source(%dma_start3A_427 : memref<20000x128xf32, #tpu.memory_space<hbm>>) target(%arg9 : memref<128x128xf32, #tpu.memory_space<vmem>>) offsets(%dma_start3A_424 : memref<128xi32, #tpu.memory_space<vmem>>) semaphore(%arg12 : memref<!tpu.dma_semaphore, #tpu.memory_space<semaphore_mem>>)
      %mul3A_428 = arith.constant 4 : i32
      %mul3A_429 = arith.muli %add3A_286, %mul3A_428 : i32
      %add3A_430 = arith.constant 3 : i32
      %add3A_431 = arith.addi %mul3A_429, %add3A_430 : i32
      %dma_wait3A_432 = arith.constant 0 : i32
      %dma_wait3A_433 = arith.constant 0 : i32
      %dma_wait3A_434 = arith.constant 0 : i32
      %dma_wait3A_435 = arith.constant 0 : i32
      %dma_wait3A_436 = tpu.memref_slice %arg6[%dma_wait3A_432, %dma_wait3A_434, %dma_wait3A_435] : memref<2x4x128xi32, #tpu.memory_space<vmem>> -> memref<1x4x128xi32, #tpu.memory_space<vmem>>
      %dma_wait3A_437 = tpu.memref_squeeze %dma_wait3A_436 : memref<1x4x128xi32, #tpu.memory_space<vmem>> -> memref<4x128xi32, #tpu.memory_space<vmem>>
      %dma_wait3A_438 = arith.constant 0 : i32
      %dma_wait3A_439 = tpu.memref_slice %dma_wait3A_437[%dma_wait3A_433, %dma_wait3A_438] : memref<4x128xi32, #tpu.memory_space<vmem>> -> memref<1x128xi32, #tpu.memory_space<vmem>>
      %dma_wait3A_440 = tpu.memref_squeeze %dma_wait3A_439 : memref<1x128xi32, #tpu.memory_space<vmem>> -> memref<128xi32, #tpu.memory_space<vmem>>
      %dma_wait3A_441 = arith.constant 0 : i32
      %dma_wait3A_442 = arith.constant 0 : i32
      %dma_wait3A_443 = tpu.memref_slice %arg2[%dma_wait3A_441, %dma_wait3A_442] : memref<20000x128xf32, #tpu.memory_space<hbm>> -> memref<20000x128xf32, #tpu.memory_space<hbm>>
      tpu.wait_indirect_dma semaphore(%arg12 : memref<!tpu.dma_semaphore, #tpu.memory_space<semaphore_mem>>) src(%dma_wait3A_443 : memref<20000x128xf32, #tpu.memory_space<hbm>>) dst(%arg9 : memref<128x128xf32, #tpu.memory_space<vmem>>)
      %dma_start3A_444 = arith.constant 1 : i32
      %dma_start3A_445 = arith.constant 3 : i32
      %dma_start3A_446 = arith.constant 0 : i32
      %dma_start3A_447 = arith.constant 0 : i32
      %dma_start3A_448 = tpu.memref_slice %arg7[%dma_start3A_444, %dma_start3A_446, %dma_start3A_447] : memref<2x4x128xi32, #tpu.memory_space<vmem>> -> memref<1x4x128xi32, #tpu.memory_space<vmem>>
      %dma_start3A_449 = tpu.memref_squeeze %dma_start3A_448 : memref<1x4x128xi32, #tpu.memory_space<vmem>> -> memref<4x128xi32, #tpu.memory_space<vmem>>
      %dma_start3A_450 = arith.constant 0 : i32
      %dma_start3A_451 = tpu.memref_slice %dma_start3A_449[%dma_start3A_445, %dma_start3A_450] : memref<4x128xi32, #tpu.memory_space<vmem>> -> memref<1x128xi32, #tpu.memory_space<vmem>>
      %dma_start3A_452 = tpu.memref_squeeze %dma_start3A_451 : memref<1x128xi32, #tpu.memory_space<vmem>> -> memref<128xi32, #tpu.memory_space<vmem>>
      %dma_start3A_453 = arith.constant 0 : i32
      %dma_start3A_454 = arith.constant 0 : i32
      %dma_start3A_455 = tpu.memref_slice %arg10[%dma_start3A_453, %dma_start3A_454] : memref<10240x128xf32, #tpu.memory_space<vmem_shared>> -> memref<10240x128xf32, #tpu.memory_space<vmem_shared>>
      tpu.enqueue_indirect_dma source(%arg9 : memref<128x128xf32, #tpu.memory_space<vmem>>) target(%dma_start3A_455 : memref<10240x128xf32, #tpu.memory_space<vmem_shared>>) offsets(%dma_start3A_452 : memref<128xi32, #tpu.memory_space<vmem>>) semaphore(%arg14 : memref<!tpu.dma_semaphore, #tpu.memory_space<semaphore_mem>>) {add = true}
      %ge3A_456 = arith.constant 1 : i32
      %ge3A_457 = arith.cmpi sge, %add3A_431, %ge3A_456 : i32
      %convert_element_type3A_458 = arith.extui %ge3A_457 : i1 to i32
      %cond3A_459 = arith.constant 0 : i32
      %cond3A_460 = arith.cmpi ne, %convert_element_type3A_458, %cond3A_459 : i32
      scf.if %cond3A_460 {
        %dma_wait3A_467 = arith.constant 0 : i32
        %dma_wait3A_468 = arith.constant 0 : i32
        %dma_wait3A_469 = arith.constant 0 : i32
        %dma_wait3A_470 = arith.constant 0 : i32
        %dma_wait3A_471 = tpu.memref_slice %arg7[%dma_wait3A_467, %dma_wait3A_469, %dma_wait3A_470] : memref<2x4x128xi32, #tpu.memory_space<vmem>> -> memref<1x4x128xi32, #tpu.memory_space<vmem>>
        %dma_wait3A_472 = tpu.memref_squeeze %dma_wait3A_471 : memref<1x4x128xi32, #tpu.memory_space<vmem>> -> memref<4x128xi32, #tpu.memory_space<vmem>>
        %dma_wait3A_473 = arith.constant 0 : i32
        %dma_wait3A_474 = tpu.memref_slice %dma_wait3A_472[%dma_wait3A_468, %dma_wait3A_473] : memref<4x128xi32, #tpu.memory_space<vmem>> -> memref<1x128xi32, #tpu.memory_space<vmem>>
        %dma_wait3A_475 = tpu.memref_squeeze %dma_wait3A_474 : memref<1x128xi32, #tpu.memory_space<vmem>> -> memref<128xi32, #tpu.memory_space<vmem>>
        %dma_wait3A_476 = arith.constant 0 : i32
        %dma_wait3A_477 = arith.constant 0 : i32
        %dma_wait3A_478 = tpu.memref_slice %arg10[%dma_wait3A_476, %dma_wait3A_477] : memref<10240x128xf32, #tpu.memory_space<vmem_shared>> -> memref<10240x128xf32, #tpu.memory_space<vmem_shared>>
        tpu.wait_indirect_dma semaphore(%arg13 : memref<!tpu.dma_semaphore, #tpu.memory_space<semaphore_mem>>) src(%arg8 : memref<128x128xf32, #tpu.memory_space<vmem>>) dst(%dma_wait3A_478 : memref<10240x128xf32, #tpu.memory_space<vmem_shared>>)
      } else {
      }
      %sub3A_461 = arith.constant 1 : i32
      %sub3A_462 = arith.subi %select_n3A_19, %sub3A_461 : i32
      %lt3A_463 = arith.cmpi slt, %add3A_286, %sub3A_462 : i32
      %convert_element_type3A_464 = arith.extui %lt3A_463 : i1 to i32
      %cond3A_465 = arith.constant 0 : i32
      %cond3A_466 = arith.cmpi ne, %convert_element_type3A_464, %cond3A_465 : i32
      scf.if %cond3A_466 {
        %dma_wait3A_467 = arith.constant 0 : i32
        %dma_wait3A_468 = arith.constant 0 : i32
        %dma_wait3A_469 = arith.constant 0 : i32
        %dma_wait3A_470 = tpu.memref_slice %arg6[%dma_wait3A_467, %dma_wait3A_468, %dma_wait3A_469] : memref<2x4x128xi32, #tpu.memory_space<vmem>> -> memref<1x4x128xi32, #tpu.memory_space<vmem>>
        %dma_wait3A_471 = tpu.memref_squeeze %dma_wait3A_470 : memref<1x4x128xi32, #tpu.memory_space<vmem>> -> memref<4x128xi32, #tpu.memory_space<vmem>>
        %dma_wait3A_472 = arith.constant 0 : i32
        %dma_wait3A_473 = tpu.memref_slice %arg3[%arg0, %mul3A, %dma_wait3A_472] : memref<2x1280x128xi32, #tpu.memory_space<hbm>> -> memref<1x4x128xi32, #tpu.memory_space<hbm>>
        %dma_wait3A_474 = tpu.memref_squeeze %dma_wait3A_473 : memref<1x4x128xi32, #tpu.memory_space<hbm>> -> memref<4x128xi32, #tpu.memory_space<hbm>>
        %dma_wait3A_475 = arith.constant 0 : i32
        %dma_wait3A_476 = arith.constant 0 : i32
        %dma_wait3A_477 = tpu.memref_slice %arg6[%dma_wait3A_467, %dma_wait3A_475, %dma_wait3A_476] : memref<2x4x128xi32, #tpu.memory_space<vmem>> -> memref<1x4x128xi32, #tpu.memory_space<vmem>>
        %dma_wait3A_478 = tpu.memref_squeeze %dma_wait3A_477 : memref<1x4x128xi32, #tpu.memory_space<vmem>> -> memref<4x128xi32, #tpu.memory_space<vmem>>
        %dma_wait3A_479 = arith.constant 0 : i32
        %dma_wait3A_480 = tpu.memref_slice %arg3[%arg0, %mul3A, %dma_wait3A_479] : memref<2x1280x128xi32, #tpu.memory_space<hbm>> -> memref<1x4x128xi32, #tpu.memory_space<hbm>>
        %dma_wait3A_481 = tpu.memref_squeeze %dma_wait3A_480 : memref<1x4x128xi32, #tpu.memory_space<hbm>> -> memref<4x128xi32, #tpu.memory_space<hbm>>
        tpu.wait_dma2 semaphore(%arg15 : memref<!tpu.dma_semaphore, #tpu.memory_space<semaphore_mem>>) src(%dma_wait3A_481 : memref<4x128xi32, #tpu.memory_space<hbm>>) dst(%dma_wait3A_478 : memref<4x128xi32, #tpu.memory_space<vmem>>)
        %dma_wait3A_482 = arith.constant 0 : i32
        %dma_wait3A_483 = arith.constant 0 : i32
        %dma_wait3A_484 = arith.constant 0 : i32
        %dma_wait3A_485 = tpu.memref_slice %arg7[%dma_wait3A_482, %dma_wait3A_483, %dma_wait3A_484] : memref<2x4x128xi32, #tpu.memory_space<vmem>> -> memref<1x4x128xi32, #tpu.memory_space<vmem>>
        %dma_wait3A_486 = tpu.memref_squeeze %dma_wait3A_485 : memref<1x4x128xi32, #tpu.memory_space<vmem>> -> memref<4x128xi32, #tpu.memory_space<vmem>>
        %dma_wait3A_487 = arith.constant 0 : i32
        %dma_wait3A_488 = tpu.memref_slice %arg4[%arg0, %mul3A, %dma_wait3A_487] : memref<2x1280x128xi32, #tpu.memory_space<hbm>> -> memref<1x4x128xi32, #tpu.memory_space<hbm>>
        %dma_wait3A_489 = tpu.memref_squeeze %dma_wait3A_488 : memref<1x4x128xi32, #tpu.memory_space<hbm>> -> memref<4x128xi32, #tpu.memory_space<hbm>>
        %dma_wait3A_490 = arith.constant 0 : i32
        %dma_wait3A_491 = arith.constant 0 : i32
        %dma_wait3A_492 = tpu.memref_slice %arg7[%dma_wait3A_482, %dma_wait3A_490, %dma_wait3A_491] : memref<2x4x128xi32, #tpu.memory_space<vmem>> -> memref<1x4x128xi32, #tpu.memory_space<vmem>>
        %dma_wait3A_493 = tpu.memref_squeeze %dma_wait3A_492 : memref<1x4x128xi32, #tpu.memory_space<vmem>> -> memref<4x128xi32, #tpu.memory_space<vmem>>
        %dma_wait3A_494 = arith.constant 0 : i32
        %dma_wait3A_495 = tpu.memref_slice %arg4[%arg0, %mul3A, %dma_wait3A_494] : memref<2x1280x128xi32, #tpu.memory_space<hbm>> -> memref<1x4x128xi32, #tpu.memory_space<hbm>>
        %dma_wait3A_496 = tpu.memref_squeeze %dma_wait3A_495 : memref<1x4x128xi32, #tpu.memory_space<hbm>> -> memref<4x128xi32, #tpu.memory_space<hbm>>
        tpu.wait_dma2 semaphore(%arg15 : memref<!tpu.dma_semaphore, #tpu.memory_space<semaphore_mem>>) src(%dma_wait3A_496 : memref<4x128xi32, #tpu.memory_space<hbm>>) dst(%dma_wait3A_493 : memref<4x128xi32, #tpu.memory_space<vmem>>)
        %dma_start3A_497 = arith.constant 0 : i32
        %dma_start3A_498 = arith.constant 0 : i32
        %dma_start3A_499 = arith.constant 0 : i32
        %dma_start3A_500 = arith.constant 0 : i32
        %dma_start3A_501 = tpu.memref_slice %arg6[%dma_start3A_497, %dma_start3A_499, %dma_start3A_500] : memref<2x4x128xi32, #tpu.memory_space<vmem>> -> memref<1x4x128xi32, #tpu.memory_space<vmem>>
        %dma_start3A_502 = tpu.memref_squeeze %dma_start3A_501 : memref<1x4x128xi32, #tpu.memory_space<vmem>> -> memref<4x128xi32, #tpu.memory_space<vmem>>
        %dma_start3A_503 = arith.constant 0 : i32
        %dma_start3A_504 = tpu.memref_slice %dma_start3A_502[%dma_start3A_498, %dma_start3A_503] : memref<4x128xi32, #tpu.memory_space<vmem>> -> memref<1x128xi32, #tpu.memory_space<vmem>>
        %dma_start3A_505 = tpu.memref_squeeze %dma_start3A_504 : memref<1x128xi32, #tpu.memory_space<vmem>> -> memref<128xi32, #tpu.memory_space<vmem>>
        %dma_start3A_506 = arith.constant 0 : i32
        %dma_start3A_507 = arith.constant 0 : i32
        %dma_start3A_508 = tpu.memref_slice %arg2[%dma_start3A_506, %dma_start3A_507] : memref<20000x128xf32, #tpu.memory_space<hbm>> -> memref<20000x128xf32, #tpu.memory_space<hbm>>
        tpu.enqueue_indirect_dma source(%dma_start3A_508 : memref<20000x128xf32, #tpu.memory_space<hbm>>) target(%arg8 : memref<128x128xf32, #tpu.memory_space<vmem>>) offsets(%dma_start3A_505 : memref<128xi32, #tpu.memory_space<vmem>>) semaphore(%arg11 : memref<!tpu.dma_semaphore, #tpu.memory_space<semaphore_mem>>)
      } else {
      }
    }
    %while3A_87 = arith.constant 1 : i32
    scf.for %while3A_104 = %while3A_85 to %while3A_81 step %while3A_87  : i32 {
      %mul3A_105 = arith.constant 2 : i32
      %mul3A_106 = arith.muli %mul3A_105, %while3A_104 : i32
      %mul3A_107 = arith.constant 4 : i32
      %mul3A_108 = arith.muli %mul3A_106, %mul3A_107 : i32
      %add3A_109 = arith.constant 0 : i32
      %add3A_110 = arith.addi %mul3A_108, %add3A_109 : i32
      %dma_wait3A_111 = arith.constant 0 : i32
      %dma_wait3A_112 = arith.constant 0 : i32
      %dma_wait3A_113 = arith.constant 0 : i32
      %dma_wait3A_114 = arith.constant 0 : i32
      %dma_wait3A_115 = tpu.memref_slice %arg6[%dma_wait3A_111, %dma_wait3A_113, %dma_wait3A_114] : memref<2x4x128xi32, #tpu.memory_space<vmem>> -> memref<1x4x128xi32, #tpu.memory_space<vmem>>
      %dma_wait3A_116 = tpu.memref_squeeze %dma_wait3A_115 : memref<1x4x128xi32, #tpu.memory_space<vmem>> -> memref<4x128xi32, #tpu.memory_space<vmem>>
      %dma_wait3A_117 = arith.constant 0 : i32
      %dma_wait3A_118 = tpu.memref_slice %dma_wait3A_116[%dma_wait3A_112, %dma_wait3A_117] : memref<4x128xi32, #tpu.memory_space<vmem>> -> memref<1x128xi32, #tpu.memory_space<vmem>>
      %dma_wait3A_119 = tpu.memref_squeeze %dma_wait3A_118 : memref<1x128xi32, #tpu.memory_space<vmem>> -> memref<128xi32, #tpu.memory_space<vmem>>
      %dma_wait3A_120 = arith.constant 0 : i32
      %dma_wait3A_121 = arith.constant 0 : i32
      %dma_wait3A_122 = tpu.memref_slice %arg2[%dma_wait3A_120, %dma_wait3A_121] : memref<20000x128xf32, #tpu.memory_space<hbm>> -> memref<20000x128xf32, #tpu.memory_space<hbm>>
      tpu.wait_indirect_dma semaphore(%arg11 : memref<!tpu.dma_semaphore, #tpu.memory_space<semaphore_mem>>) src(%dma_wait3A_122 : memref<20000x128xf32, #tpu.memory_space<hbm>>) dst(%arg8 : memref<128x128xf32, #tpu.memory_space<vmem>>)
      %dma_start3A_123 = arith.constant 0 : i32
      %dma_start3A_124 = arith.constant 0 : i32
      %dma_start3A_125 = arith.constant 0 : i32
      %dma_start3A_126 = arith.constant 0 : i32
      %dma_start3A_127 = tpu.memref_slice %arg7[%dma_start3A_123, %dma_start3A_125, %dma_start3A_126] : memref<2x4x128xi32, #tpu.memory_space<vmem>> -> memref<1x4x128xi32, #tpu.memory_space<vmem>>
      %dma_start3A_128 = tpu.memref_squeeze %dma_start3A_127 : memref<1x4x128xi32, #tpu.memory_space<vmem>> -> memref<4x128xi32, #tpu.memory_space<vmem>>
      %dma_start3A_129 = arith.constant 0 : i32
      %dma_start3A_130 = tpu.memref_slice %dma_start3A_128[%dma_start3A_124, %dma_start3A_129] : memref<4x128xi32, #tpu.memory_space<vmem>> -> memref<1x128xi32, #tpu.memory_space<vmem>>
      %dma_start3A_131 = tpu.memref_squeeze %dma_start3A_130 : memref<1x128xi32, #tpu.memory_space<vmem>> -> memref<128xi32, #tpu.memory_space<vmem>>
      %dma_start3A_132 = arith.constant 0 : i32
      %dma_start3A_133 = arith.constant 0 : i32
      %dma_start3A_134 = tpu.memref_slice %arg10[%dma_start3A_132, %dma_start3A_133] : memref<10240x128xf32, #tpu.memory_space<vmem_shared>> -> memref<10240x128xf32, #tpu.memory_space<vmem_shared>>
      tpu.enqueue_indirect_dma source(%arg8 : memref<128x128xf32, #tpu.memory_space<vmem>>) target(%dma_start3A_134 : memref<10240x128xf32, #tpu.memory_space<vmem_shared>>) offsets(%dma_start3A_131 : memref<128xi32, #tpu.memory_space<vmem>>) semaphore(%arg13 : memref<!tpu.dma_semaphore, #tpu.memory_space<semaphore_mem>>) {add = true}
      %ge3A = arith.constant 1 : i32
      %ge3A_135 = arith.cmpi sge, %add3A_110, %ge3A : i32
      %convert_element_type3A = arith.extui %ge3A_135 : i1 to i32
      %cond3A = arith.constant 0 : i32
      %cond3A_136 = arith.cmpi ne, %convert_element_type3A, %cond3A : i32
      scf.if %cond3A_136 {
        %dma_wait3A_467 = arith.constant 0 : i32
        %dma_wait3A_468 = arith.constant 0 : i32
        %dma_wait3A_469 = arith.constant 0 : i32
        %dma_wait3A_470 = arith.constant 0 : i32
        %dma_wait3A_471 = tpu.memref_slice %arg7[%dma_wait3A_467, %dma_wait3A_469, %dma_wait3A_470] : memref<2x4x128xi32, #tpu.memory_space<vmem>> -> memref<1x4x128xi32, #tpu.memory_space<vmem>>
        %dma_wait3A_472 = tpu.memref_squeeze %dma_wait3A_471 : memref<1x4x128xi32, #tpu.memory_space<vmem>> -> memref<4x128xi32, #tpu.memory_space<vmem>>
        %dma_wait3A_473 = arith.constant 0 : i32
        %dma_wait3A_474 = tpu.memref_slice %dma_wait3A_472[%dma_wait3A_468, %dma_wait3A_473] : memref<4x128xi32, #tpu.memory_space<vmem>> -> memref<1x128xi32, #tpu.memory_space<vmem>>
        %dma_wait3A_475 = tpu.memref_squeeze %dma_wait3A_474 : memref<1x128xi32, #tpu.memory_space<vmem>> -> memref<128xi32, #tpu.memory_space<vmem>>
        %dma_wait3A_476 = arith.constant 0 : i32
        %dma_wait3A_477 = arith.constant 0 : i32
        %dma_wait3A_478 = tpu.memref_slice %arg10[%dma_wait3A_476, %dma_wait3A_477] : memref<10240x128xf32, #tpu.memory_space<vmem_shared>> -> memref<10240x128xf32, #tpu.memory_space<vmem_shared>>
        tpu.wait_indirect_dma semaphore(%arg14 : memref<!tpu.dma_semaphore, #tpu.memory_space<semaphore_mem>>) src(%arg9 : memref<128x128xf32, #tpu.memory_space<vmem>>) dst(%dma_wait3A_478 : memref<10240x128xf32, #tpu.memory_space<vmem_shared>>)
      } else {
      }
      %sub3A_137 = arith.constant 1 : i32
      %sub3A_138 = arith.subi %select_n3A_19, %sub3A_137 : i32
      %lt3A = arith.cmpi slt, %mul3A_106, %sub3A_138 : i32
      %convert_element_type3A_139 = arith.extui %lt3A : i1 to i32
      %cond3A_140 = arith.constant 0 : i32
      %cond3A_141 = arith.cmpi ne, %convert_element_type3A_139, %cond3A_140 : i32
      scf.if %cond3A_141 {
        %add3A_467 = arith.constant 1 : i32
        %add3A_468 = arith.addi %mul3A_106, %add3A_467 : i32
        %mul3A_469 = arith.constant 4 : i32
        %mul3A_470 = arith.muli %add3A_468, %mul3A_469 : i32
        %add3A_471 = arith.addi %mul3A, %mul3A_470 : i32
        %dma_start3A_472 = arith.constant 1 : i32
        %dma_start3A_473 = arith.constant 0 : i32
        %dma_start3A_474 = arith.constant 0 : i32
        %dma_start3A_475 = tpu.memref_slice %arg6[%dma_start3A_472, %dma_start3A_473, %dma_start3A_474] : memref<2x4x128xi32, #tpu.memory_space<vmem>> -> memref<1x4x128xi32, #tpu.memory_space<vmem>>
        %dma_start3A_476 = tpu.memref_squeeze %dma_start3A_475 : memref<1x4x128xi32, #tpu.memory_space<vmem>> -> memref<4x128xi32, #tpu.memory_space<vmem>>
        %dma_start3A_477 = arith.constant 0 : i32
        %dma_start3A_478 = tpu.memref_slice %arg3[%arg0, %add3A_471, %dma_start3A_477] : memref<2x1280x128xi32, #tpu.memory_space<hbm>> -> memref<1x4x128xi32, #tpu.memory_space<hbm>>
        %dma_start3A_479 = tpu.memref_squeeze %dma_start3A_478 : memref<1x4x128xi32, #tpu.memory_space<hbm>> -> memref<4x128xi32, #tpu.memory_space<hbm>>
        %dma_start3A_480 = arith.constant 0 : i32
        %dma_start3A_481 = arith.constant 0 : i32
        %dma_start3A_482 = tpu.memref_slice %arg6[%dma_start3A_472, %dma_start3A_480, %dma_start3A_481] : memref<2x4x128xi32, #tpu.memory_space<vmem>> -> memref<1x4x128xi32, #tpu.memory_space<vmem>>
        %dma_start3A_483 = tpu.memref_squeeze %dma_start3A_482 : memref<1x4x128xi32, #tpu.memory_space<vmem>> -> memref<4x128xi32, #tpu.memory_space<vmem>>
        %dma_start3A_484 = arith.constant 0 : i32
        %dma_start3A_485 = tpu.memref_slice %arg3[%arg0, %add3A_471, %dma_start3A_484] : memref<2x1280x128xi32, #tpu.memory_space<hbm>> -> memref<1x4x128xi32, #tpu.memory_space<hbm>>
        %dma_start3A_486 = tpu.memref_squeeze %dma_start3A_485 : memref<1x4x128xi32, #tpu.memory_space<hbm>> -> memref<4x128xi32, #tpu.memory_space<hbm>>
        tpu.enqueue_dma source(%dma_start3A_486 : memref<4x128xi32, #tpu.memory_space<hbm>>) target(%dma_start3A_483 : memref<4x128xi32, #tpu.memory_space<vmem>>) target_semaphore(%arg15 : memref<!tpu.dma_semaphore, #tpu.memory_space<semaphore_mem>>)
        %dma_start3A_487 = arith.constant 1 : i32
        %dma_start3A_488 = arith.constant 0 : i32
        %dma_start3A_489 = arith.constant 0 : i32
        %dma_start3A_490 = tpu.memref_slice %arg7[%dma_start3A_487, %dma_start3A_488, %dma_start3A_489] : memref<2x4x128xi32, #tpu.memory_space<vmem>> -> memref<1x4x128xi32, #tpu.memory_space<vmem>>
        %dma_start3A_491 = tpu.memref_squeeze %dma_start3A_490 : memref<1x4x128xi32, #tpu.memory_space<vmem>> -> memref<4x128xi32, #tpu.memory_space<vmem>>
        %dma_start3A_492 = arith.constant 0 : i32
        %dma_start3A_493 = tpu.memref_slice %arg4[%arg0, %add3A_471, %dma_start3A_492] : memref<2x1280x128xi32, #tpu.memory_space<hbm>> -> memref<1x4x128xi32, #tpu.memory_space<hbm>>
        %dma_start3A_494 = tpu.memref_squeeze %dma_start3A_493 : memref<1x4x128xi32, #tpu.memory_space<hbm>> -> memref<4x128xi32, #tpu.memory_space<hbm>>
        %dma_start3A_495 = arith.constant 0 : i32
        %dma_start3A_496 = arith.constant 0 : i32
        %dma_start3A_497 = tpu.memref_slice %arg7[%dma_start3A_487, %dma_start3A_495, %dma_start3A_496] : memref<2x4x128xi32, #tpu.memory_space<vmem>> -> memref<1x4x128xi32, #tpu.memory_space<vmem>>
        %dma_start3A_498 = tpu.memref_squeeze %dma_start3A_497 : memref<1x4x128xi32, #tpu.memory_space<vmem>> -> memref<4x128xi32, #tpu.memory_space<vmem>>
        %dma_start3A_499 = arith.constant 0 : i32
        %dma_start3A_500 = tpu.memref_slice %arg4[%arg0, %add3A_471, %dma_start3A_499] : memref<2x1280x128xi32, #tpu.memory_space<hbm>> -> memref<1x4x128xi32, #tpu.memory_space<hbm>>
        %dma_start3A_501 = tpu.memref_squeeze %dma_start3A_500 : memref<1x4x128xi32, #tpu.memory_space<hbm>> -> memref<4x128xi32, #tpu.memory_space<hbm>>
        tpu.enqueue_dma source(%dma_start3A_501 : memref<4x128xi32, #tpu.memory_space<hbm>>) target(%dma_start3A_498 : memref<4x128xi32, #tpu.memory_space<vmem>>) target_semaphore(%arg15 : memref<!tpu.dma_semaphore, #tpu.memory_space<semaphore_mem>>)
      } else {
      }
      %dma_start3A_142 = arith.constant 0 : i32
      %dma_start3A_143 = arith.constant 1 : i32
      %dma_start3A_144 = arith.constant 0 : i32
      %dma_start3A_145 = arith.constant 0 : i32
      %dma_start3A_146 = tpu.memref_slice %arg6[%dma_start3A_142, %dma_start3A_144, %dma_start3A_145] : memref<2x4x128xi32, #tpu.memory_space<vmem>> -> memref<1x4x128xi32, #tpu.memory_space<vmem>>
      %dma_start3A_147 = tpu.memref_squeeze %dma_start3A_146 : memref<1x4x128xi32, #tpu.memory_space<vmem>> -> memref<4x128xi32, #tpu.memory_space<vmem>>
      %dma_start3A_148 = arith.constant 0 : i32
      %dma_start3A_149 = tpu.memref_slice %dma_start3A_147[%dma_start3A_143, %dma_start3A_148] : memref<4x128xi32, #tpu.memory_space<vmem>> -> memref<1x128xi32, #tpu.memory_space<vmem>>
      %dma_start3A_150 = tpu.memref_squeeze %dma_start3A_149 : memref<1x128xi32, #tpu.memory_space<vmem>> -> memref<128xi32, #tpu.memory_space<vmem>>
      %dma_start3A_151 = arith.constant 0 : i32
      %dma_start3A_152 = arith.constant 0 : i32
      %dma_start3A_153 = tpu.memref_slice %arg2[%dma_start3A_151, %dma_start3A_152] : memref<20000x128xf32, #tpu.memory_space<hbm>> -> memref<20000x128xf32, #tpu.memory_space<hbm>>
      tpu.enqueue_indirect_dma source(%dma_start3A_153 : memref<20000x128xf32, #tpu.memory_space<hbm>>) target(%arg9 : memref<128x128xf32, #tpu.memory_space<vmem>>) offsets(%dma_start3A_150 : memref<128xi32, #tpu.memory_space<vmem>>) semaphore(%arg12 : memref<!tpu.dma_semaphore, #tpu.memory_space<semaphore_mem>>)
      %mul3A_154 = arith.constant 4 : i32
      %mul3A_155 = arith.muli %mul3A_106, %mul3A_154 : i32
      %add3A_156 = arith.constant 1 : i32
      %add3A_157 = arith.addi %mul3A_155, %add3A_156 : i32
      %dma_wait3A_158 = arith.constant 0 : i32
      %dma_wait3A_159 = arith.constant 0 : i32
      %dma_wait3A_160 = arith.constant 0 : i32
      %dma_wait3A_161 = arith.constant 0 : i32
      %dma_wait3A_162 = tpu.memref_slice %arg6[%dma_wait3A_158, %dma_wait3A_160, %dma_wait3A_161] : memref<2x4x128xi32, #tpu.memory_space<vmem>> -> memref<1x4x128xi32, #tpu.memory_space<vmem>>
      %dma_wait3A_163 = tpu.memref_squeeze %dma_wait3A_162 : memref<1x4x128xi32, #tpu.memory_space<vmem>> -> memref<4x128xi32, #tpu.memory_space<vmem>>
      %dma_wait3A_164 = arith.constant 0 : i32
      %dma_wait3A_165 = tpu.memref_slice %dma_wait3A_163[%dma_wait3A_159, %dma_wait3A_164] : memref<4x128xi32, #tpu.memory_space<vmem>> -> memref<1x128xi32, #tpu.memory_space<vmem>>
      %dma_wait3A_166 = tpu.memref_squeeze %dma_wait3A_165 : memref<1x128xi32, #tpu.memory_space<vmem>> -> memref<128xi32, #tpu.memory_space<vmem>>
      %dma_wait3A_167 = arith.constant 0 : i32
      %dma_wait3A_168 = arith.constant 0 : i32
      %dma_wait3A_169 = tpu.memref_slice %arg2[%dma_wait3A_167, %dma_wait3A_168] : memref<20000x128xf32, #tpu.memory_space<hbm>> -> memref<20000x128xf32, #tpu.memory_space<hbm>>
      tpu.wait_indirect_dma semaphore(%arg12 : memref<!tpu.dma_semaphore, #tpu.memory_space<semaphore_mem>>) src(%dma_wait3A_169 : memref<20000x128xf32, #tpu.memory_space<hbm>>) dst(%arg9 : memref<128x128xf32, #tpu.memory_space<vmem>>)
      %dma_start3A_170 = arith.constant 0 : i32
      %dma_start3A_171 = arith.constant 1 : i32
      %dma_start3A_172 = arith.constant 0 : i32
      %dma_start3A_173 = arith.constant 0 : i32
      %dma_start3A_174 = tpu.memref_slice %arg7[%dma_start3A_170, %dma_start3A_172, %dma_start3A_173] : memref<2x4x128xi32, #tpu.memory_space<vmem>> -> memref<1x4x128xi32, #tpu.memory_space<vmem>>
      %dma_start3A_175 = tpu.memref_squeeze %dma_start3A_174 : memref<1x4x128xi32, #tpu.memory_space<vmem>> -> memref<4x128xi32, #tpu.memory_space<vmem>>
      %dma_start3A_176 = arith.constant 0 : i32
      %dma_start3A_177 = tpu.memref_slice %dma_start3A_175[%dma_start3A_171, %dma_start3A_176] : memref<4x128xi32, #tpu.memory_space<vmem>> -> memref<1x128xi32, #tpu.memory_space<vmem>>
      %dma_start3A_178 = tpu.memref_squeeze %dma_start3A_177 : memref<1x128xi32, #tpu.memory_space<vmem>> -> memref<128xi32, #tpu.memory_space<vmem>>
      %dma_start3A_179 = arith.constant 0 : i32
      %dma_start3A_180 = arith.constant 0 : i32
      %dma_start3A_181 = tpu.memref_slice %arg10[%dma_start3A_179, %dma_start3A_180] : memref<10240x128xf32, #tpu.memory_space<vmem_shared>> -> memref<10240x128xf32, #tpu.memory_space<vmem_shared>>
      tpu.enqueue_indirect_dma source(%arg9 : memref<128x128xf32, #tpu.memory_space<vmem>>) target(%dma_start3A_181 : memref<10240x128xf32, #tpu.memory_space<vmem_shared>>) offsets(%dma_start3A_178 : memref<128xi32, #tpu.memory_space<vmem>>) semaphore(%arg14 : memref<!tpu.dma_semaphore, #tpu.memory_space<semaphore_mem>>) {add = true}
      %ge3A_182 = arith.constant 1 : i32
      %ge3A_183 = arith.cmpi sge, %add3A_157, %ge3A_182 : i32
      %convert_element_type3A_184 = arith.extui %ge3A_183 : i1 to i32
      %cond3A_185 = arith.constant 0 : i32
      %cond3A_186 = arith.cmpi ne, %convert_element_type3A_184, %cond3A_185 : i32
      scf.if %cond3A_186 {
        %dma_wait3A_467 = arith.constant 0 : i32
        %dma_wait3A_468 = arith.constant 0 : i32
        %dma_wait3A_469 = arith.constant 0 : i32
        %dma_wait3A_470 = arith.constant 0 : i32
        %dma_wait3A_471 = tpu.memref_slice %arg7[%dma_wait3A_467, %dma_wait3A_469, %dma_wait3A_470] : memref<2x4x128xi32, #tpu.memory_space<vmem>> -> memref<1x4x128xi32, #tpu.memory_space<vmem>>
        %dma_wait3A_472 = tpu.memref_squeeze %dma_wait3A_471 : memref<1x4x128xi32, #tpu.memory_space<vmem>> -> memref<4x128xi32, #tpu.memory_space<vmem>>
        %dma_wait3A_473 = arith.constant 0 : i32
        %dma_wait3A_474 = tpu.memref_slice %dma_wait3A_472[%dma_wait3A_468, %dma_wait3A_473] : memref<4x128xi32, #tpu.memory_space<vmem>> -> memref<1x128xi32, #tpu.memory_space<vmem>>
        %dma_wait3A_475 = tpu.memref_squeeze %dma_wait3A_474 : memref<1x128xi32, #tpu.memory_space<vmem>> -> memref<128xi32, #tpu.memory_space<vmem>>
        %dma_wait3A_476 = arith.constant 0 : i32
        %dma_wait3A_477 = arith.constant 0 : i32
        %dma_wait3A_478 = tpu.memref_slice %arg10[%dma_wait3A_476, %dma_wait3A_477] : memref<10240x128xf32, #tpu.memory_space<vmem_shared>> -> memref<10240x128xf32, #tpu.memory_space<vmem_shared>>
        tpu.wait_indirect_dma semaphore(%arg13 : memref<!tpu.dma_semaphore, #tpu.memory_space<semaphore_mem>>) src(%arg8 : memref<128x128xf32, #tpu.memory_space<vmem>>) dst(%dma_wait3A_478 : memref<10240x128xf32, #tpu.memory_space<vmem_shared>>)
      } else {
      }
      %dma_start3A_187 = arith.constant 0 : i32
      %dma_start3A_188 = arith.constant 2 : i32
      %dma_start3A_189 = arith.constant 0 : i32
      %dma_start3A_190 = arith.constant 0 : i32
      %dma_start3A_191 = tpu.memref_slice %arg6[%dma_start3A_187, %dma_start3A_189, %dma_start3A_190] : memref<2x4x128xi32, #tpu.memory_space<vmem>> -> memref<1x4x128xi32, #tpu.memory_space<vmem>>
      %dma_start3A_192 = tpu.memref_squeeze %dma_start3A_191 : memref<1x4x128xi32, #tpu.memory_space<vmem>> -> memref<4x128xi32, #tpu.memory_space<vmem>>
      %dma_start3A_193 = arith.constant 0 : i32
      %dma_start3A_194 = tpu.memref_slice %dma_start3A_192[%dma_start3A_188, %dma_start3A_193] : memref<4x128xi32, #tpu.memory_space<vmem>> -> memref<1x128xi32, #tpu.memory_space<vmem>>
      %dma_start3A_195 = tpu.memref_squeeze %dma_start3A_194 : memref<1x128xi32, #tpu.memory_space<vmem>> -> memref<128xi32, #tpu.memory_space<vmem>>
      %dma_start3A_196 = arith.constant 0 : i32
      %dma_start3A_197 = arith.constant 0 : i32
      %dma_start3A_198 = tpu.memref_slice %arg2[%dma_start3A_196, %dma_start3A_197] : memref<20000x128xf32, #tpu.memory_space<hbm>> -> memref<20000x128xf32, #tpu.memory_space<hbm>>
      tpu.enqueue_indirect_dma source(%dma_start3A_198 : memref<20000x128xf32, #tpu.memory_space<hbm>>) target(%arg8 : memref<128x128xf32, #tpu.memory_space<vmem>>) offsets(%dma_start3A_195 : memref<128xi32, #tpu.memory_space<vmem>>) semaphore(%arg11 : memref<!tpu.dma_semaphore, #tpu.memory_space<semaphore_mem>>)
      %mul3A_199 = arith.constant 4 : i32
      %mul3A_200 = arith.muli %mul3A_106, %mul3A_199 : i32
      %add3A_201 = arith.constant 2 : i32
      %add3A_202 = arith.addi %mul3A_200, %add3A_201 : i32
      %dma_wait3A_203 = arith.constant 0 : i32
      %dma_wait3A_204 = arith.constant 0 : i32
      %dma_wait3A_205 = arith.constant 0 : i32
      %dma_wait3A_206 = arith.constant 0 : i32
      %dma_wait3A_207 = tpu.memref_slice %arg6[%dma_wait3A_203, %dma_wait3A_205, %dma_wait3A_206] : memref<2x4x128xi32, #tpu.memory_space<vmem>> -> memref<1x4x128xi32, #tpu.memory_space<vmem>>
      %dma_wait3A_208 = tpu.memref_squeeze %dma_wait3A_207 : memref<1x4x128xi32, #tpu.memory_space<vmem>> -> memref<4x128xi32, #tpu.memory_space<vmem>>
      %dma_wait3A_209 = arith.constant 0 : i32
      %dma_wait3A_210 = tpu.memref_slice %dma_wait3A_208[%dma_wait3A_204, %dma_wait3A_209] : memref<4x128xi32, #tpu.memory_space<vmem>> -> memref<1x128xi32, #tpu.memory_space<vmem>>
      %dma_wait3A_211 = tpu.memref_squeeze %dma_wait3A_210 : memref<1x128xi32, #tpu.memory_space<vmem>> -> memref<128xi32, #tpu.memory_space<vmem>>
      %dma_wait3A_212 = arith.constant 0 : i32
      %dma_wait3A_213 = arith.constant 0 : i32
      %dma_wait3A_214 = tpu.memref_slice %arg2[%dma_wait3A_212, %dma_wait3A_213] : memref<20000x128xf32, #tpu.memory_space<hbm>> -> memref<20000x128xf32, #tpu.memory_space<hbm>>
      tpu.wait_indirect_dma semaphore(%arg11 : memref<!tpu.dma_semaphore, #tpu.memory_space<semaphore_mem>>) src(%dma_wait3A_214 : memref<20000x128xf32, #tpu.memory_space<hbm>>) dst(%arg8 : memref<128x128xf32, #tpu.memory_space<vmem>>)
      %dma_start3A_215 = arith.constant 0 : i32
      %dma_start3A_216 = arith.constant 2 : i32
      %dma_start3A_217 = arith.constant 0 : i32
      %dma_start3A_218 = arith.constant 0 : i32
      %dma_start3A_219 = tpu.memref_slice %arg7[%dma_start3A_215, %dma_start3A_217, %dma_start3A_218] : memref<2x4x128xi32, #tpu.memory_space<vmem>> -> memref<1x4x128xi32, #tpu.memory_space<vmem>>
      %dma_start3A_220 = tpu.memref_squeeze %dma_start3A_219 : memref<1x4x128xi32, #tpu.memory_space<vmem>> -> memref<4x128xi32, #tpu.memory_space<vmem>>
      %dma_start3A_221 = arith.constant 0 : i32
      %dma_start3A_222 = tpu.memref_slice %dma_start3A_220[%dma_start3A_216, %dma_start3A_221] : memref<4x128xi32, #tpu.memory_space<vmem>> -> memref<1x128xi32, #tpu.memory_space<vmem>>
      %dma_start3A_223 = tpu.memref_squeeze %dma_start3A_222 : memref<1x128xi32, #tpu.memory_space<vmem>> -> memref<128xi32, #tpu.memory_space<vmem>>
      %dma_start3A_224 = arith.constant 0 : i32
      %dma_start3A_225 = arith.constant 0 : i32
      %dma_start3A_226 = tpu.memref_slice %arg10[%dma_start3A_224, %dma_start3A_225] : memref<10240x128xf32, #tpu.memory_space<vmem_shared>> -> memref<10240x128xf32, #tpu.memory_space<vmem_shared>>
      tpu.enqueue_indirect_dma source(%arg8 : memref<128x128xf32, #tpu.memory_space<vmem>>) target(%dma_start3A_226 : memref<10240x128xf32, #tpu.memory_space<vmem_shared>>) offsets(%dma_start3A_223 : memref<128xi32, #tpu.memory_space<vmem>>) semaphore(%arg13 : memref<!tpu.dma_semaphore, #tpu.memory_space<semaphore_mem>>) {add = true}
      %ge3A_227 = arith.constant 1 : i32
      %ge3A_228 = arith.cmpi sge, %add3A_202, %ge3A_227 : i32
      %convert_element_type3A_229 = arith.extui %ge3A_228 : i1 to i32
      %cond3A_230 = arith.constant 0 : i32
      %cond3A_231 = arith.cmpi ne, %convert_element_type3A_229, %cond3A_230 : i32
      scf.if %cond3A_231 {
        %dma_wait3A_467 = arith.constant 0 : i32
        %dma_wait3A_468 = arith.constant 0 : i32
        %dma_wait3A_469 = arith.constant 0 : i32
        %dma_wait3A_470 = arith.constant 0 : i32
        %dma_wait3A_471 = tpu.memref_slice %arg7[%dma_wait3A_467, %dma_wait3A_469, %dma_wait3A_470] : memref<2x4x128xi32, #tpu.memory_space<vmem>> -> memref<1x4x128xi32, #tpu.memory_space<vmem>>
        %dma_wait3A_472 = tpu.memref_squeeze %dma_wait3A_471 : memref<1x4x128xi32, #tpu.memory_space<vmem>> -> memref<4x128xi32, #tpu.memory_space<vmem>>
        %dma_wait3A_473 = arith.constant 0 : i32
        %dma_wait3A_474 = tpu.memref_slice %dma_wait3A_472[%dma_wait3A_468, %dma_wait3A_473] : memref<4x128xi32, #tpu.memory_space<vmem>> -> memref<1x128xi32, #tpu.memory_space<vmem>>
        %dma_wait3A_475 = tpu.memref_squeeze %dma_wait3A_474 : memref<1x128xi32, #tpu.memory_space<vmem>> -> memref<128xi32, #tpu.memory_space<vmem>>
        %dma_wait3A_476 = arith.constant 0 : i32
        %dma_wait3A_477 = arith.constant 0 : i32
        %dma_wait3A_478 = tpu.memref_slice %arg10[%dma_wait3A_476, %dma_wait3A_477] : memref<10240x128xf32, #tpu.memory_space<vmem_shared>> -> memref<10240x128xf32, #tpu.memory_space<vmem_shared>>
        tpu.wait_indirect_dma semaphore(%arg14 : memref<!tpu.dma_semaphore, #tpu.memory_space<semaphore_mem>>) src(%arg9 : memref<128x128xf32, #tpu.memory_space<vmem>>) dst(%dma_wait3A_478 : memref<10240x128xf32, #tpu.memory_space<vmem_shared>>)
      } else {
      }
      %dma_start3A_232 = arith.constant 0 : i32
      %dma_start3A_233 = arith.constant 3 : i32
      %dma_start3A_234 = arith.constant 0 : i32
      %dma_start3A_235 = arith.constant 0 : i32
      %dma_start3A_236 = tpu.memref_slice %arg6[%dma_start3A_232, %dma_start3A_234, %dma_start3A_235] : memref<2x4x128xi32, #tpu.memory_space<vmem>> -> memref<1x4x128xi32, #tpu.memory_space<vmem>>
      %dma_start3A_237 = tpu.memref_squeeze %dma_start3A_236 : memref<1x4x128xi32, #tpu.memory_space<vmem>> -> memref<4x128xi32, #tpu.memory_space<vmem>>
      %dma_start3A_238 = arith.constant 0 : i32
      %dma_start3A_239 = tpu.memref_slice %dma_start3A_237[%dma_start3A_233, %dma_start3A_238] : memref<4x128xi32, #tpu.memory_space<vmem>> -> memref<1x128xi32, #tpu.memory_space<vmem>>
      %dma_start3A_240 = tpu.memref_squeeze %dma_start3A_239 : memref<1x128xi32, #tpu.memory_space<vmem>> -> memref<128xi32, #tpu.memory_space<vmem>>
      %dma_start3A_241 = arith.constant 0 : i32
      %dma_start3A_242 = arith.constant 0 : i32
      %dma_start3A_243 = tpu.memref_slice %arg2[%dma_start3A_241, %dma_start3A_242] : memref<20000x128xf32, #tpu.memory_space<hbm>> -> memref<20000x128xf32, #tpu.memory_space<hbm>>
      tpu.enqueue_indirect_dma source(%dma_start3A_243 : memref<20000x128xf32, #tpu.memory_space<hbm>>) target(%arg9 : memref<128x128xf32, #tpu.memory_space<vmem>>) offsets(%dma_start3A_240 : memref<128xi32, #tpu.memory_space<vmem>>) semaphore(%arg12 : memref<!tpu.dma_semaphore, #tpu.memory_space<semaphore_mem>>)
      %mul3A_244 = arith.constant 4 : i32
      %mul3A_245 = arith.muli %mul3A_106, %mul3A_244 : i32
      %add3A_246 = arith.constant 3 : i32
      %add3A_247 = arith.addi %mul3A_245, %add3A_246 : i32
      %dma_wait3A_248 = arith.constant 0 : i32
      %dma_wait3A_249 = arith.constant 0 : i32
      %dma_wait3A_250 = arith.constant 0 : i32
      %dma_wait3A_251 = arith.constant 0 : i32
      %dma_wait3A_252 = tpu.memref_slice %arg6[%dma_wait3A_248, %dma_wait3A_250, %dma_wait3A_251] : memref<2x4x128xi32, #tpu.memory_space<vmem>> -> memref<1x4x128xi32, #tpu.memory_space<vmem>>
      %dma_wait3A_253 = tpu.memref_squeeze %dma_wait3A_252 : memref<1x4x128xi32, #tpu.memory_space<vmem>> -> memref<4x128xi32, #tpu.memory_space<vmem>>
      %dma_wait3A_254 = arith.constant 0 : i32
      %dma_wait3A_255 = tpu.memref_slice %dma_wait3A_253[%dma_wait3A_249, %dma_wait3A_254] : memref<4x128xi32, #tpu.memory_space<vmem>> -> memref<1x128xi32, #tpu.memory_space<vmem>>
      %dma_wait3A_256 = tpu.memref_squeeze %dma_wait3A_255 : memref<1x128xi32, #tpu.memory_space<vmem>> -> memref<128xi32, #tpu.memory_space<vmem>>
      %dma_wait3A_257 = arith.constant 0 : i32
      %dma_wait3A_258 = arith.constant 0 : i32
      %dma_wait3A_259 = tpu.memref_slice %arg2[%dma_wait3A_257, %dma_wait3A_258] : memref<20000x128xf32, #tpu.memory_space<hbm>> -> memref<20000x128xf32, #tpu.memory_space<hbm>>
      tpu.wait_indirect_dma semaphore(%arg12 : memref<!tpu.dma_semaphore, #tpu.memory_space<semaphore_mem>>) src(%dma_wait3A_259 : memref<20000x128xf32, #tpu.memory_space<hbm>>) dst(%arg9 : memref<128x128xf32, #tpu.memory_space<vmem>>)
      %dma_start3A_260 = arith.constant 0 : i32
      %dma_start3A_261 = arith.constant 3 : i32
      %dma_start3A_262 = arith.constant 0 : i32
      %dma_start3A_263 = arith.constant 0 : i32
      %dma_start3A_264 = tpu.memref_slice %arg7[%dma_start3A_260, %dma_start3A_262, %dma_start3A_263] : memref<2x4x128xi32, #tpu.memory_space<vmem>> -> memref<1x4x128xi32, #tpu.memory_space<vmem>>
      %dma_start3A_265 = tpu.memref_squeeze %dma_start3A_264 : memref<1x4x128xi32, #tpu.memory_space<vmem>> -> memref<4x128xi32, #tpu.memory_space<vmem>>
      %dma_start3A_266 = arith.constant 0 : i32
      %dma_start3A_267 = tpu.memref_slice %dma_start3A_265[%dma_start3A_261, %dma_start3A_266] : memref<4x128xi32, #tpu.memory_space<vmem>> -> memref<1x128xi32, #tpu.memory_space<vmem>>
      %dma_start3A_268 = tpu.memref_squeeze %dma_start3A_267 : memref<1x128xi32, #tpu.memory_space<vmem>> -> memref<128xi32, #tpu.memory_space<vmem>>
      %dma_start3A_269 = arith.constant 0 : i32
      %dma_start3A_270 = arith.constant 0 : i32
      %dma_start3A_271 = tpu.memref_slice %arg10[%dma_start3A_269, %dma_start3A_270] : memref<10240x128xf32, #tpu.memory_space<vmem_shared>> -> memref<10240x128xf32, #tpu.memory_space<vmem_shared>>
      tpu.enqueue_indirect_dma source(%arg9 : memref<128x128xf32, #tpu.memory_space<vmem>>) target(%dma_start3A_271 : memref<10240x128xf32, #tpu.memory_space<vmem_shared>>) offsets(%dma_start3A_268 : memref<128xi32, #tpu.memory_space<vmem>>) semaphore(%arg14 : memref<!tpu.dma_semaphore, #tpu.memory_space<semaphore_mem>>) {add = true}
      %ge3A_272 = arith.constant 1 : i32
      %ge3A_273 = arith.cmpi sge, %add3A_247, %ge3A_272 : i32
      %convert_element_type3A_274 = arith.extui %ge3A_273 : i1 to i32
      %cond3A_275 = arith.constant 0 : i32
      %cond3A_276 = arith.cmpi ne, %convert_element_type3A_274, %cond3A_275 : i32
      scf.if %cond3A_276 {
        %dma_wait3A_467 = arith.constant 0 : i32
        %dma_wait3A_468 = arith.constant 0 : i32
        %dma_wait3A_469 = arith.constant 0 : i32
        %dma_wait3A_470 = arith.constant 0 : i32
        %dma_wait3A_471 = tpu.memref_slice %arg7[%dma_wait3A_467, %dma_wait3A_469, %dma_wait3A_470] : memref<2x4x128xi32, #tpu.memory_space<vmem>> -> memref<1x4x128xi32, #tpu.memory_space<vmem>>
        %dma_wait3A_472 = tpu.memref_squeeze %dma_wait3A_471 : memref<1x4x128xi32, #tpu.memory_space<vmem>> -> memref<4x128xi32, #tpu.memory_space<vmem>>
        %dma_wait3A_473 = arith.constant 0 : i32
        %dma_wait3A_474 = tpu.memref_slice %dma_wait3A_472[%dma_wait3A_468, %dma_wait3A_473] : memref<4x128xi32, #tpu.memory_space<vmem>> -> memref<1x128xi32, #tpu.memory_space<vmem>>
        %dma_wait3A_475 = tpu.memref_squeeze %dma_wait3A_474 : memref<1x128xi32, #tpu.memory_space<vmem>> -> memref<128xi32, #tpu.memory_space<vmem>>
        %dma_wait3A_476 = arith.constant 0 : i32
        %dma_wait3A_477 = arith.constant 0 : i32
        %dma_wait3A_478 = tpu.memref_slice %arg10[%dma_wait3A_476, %dma_wait3A_477] : memref<10240x128xf32, #tpu.memory_space<vmem_shared>> -> memref<10240x128xf32, #tpu.memory_space<vmem_shared>>
        tpu.wait_indirect_dma semaphore(%arg13 : memref<!tpu.dma_semaphore, #tpu.memory_space<semaphore_mem>>) src(%arg8 : memref<128x128xf32, #tpu.memory_space<vmem>>) dst(%dma_wait3A_478 : memref<10240x128xf32, #tpu.memory_space<vmem_shared>>)
      } else {
      }
      %sub3A_277 = arith.constant 1 : i32
      %sub3A_278 = arith.subi %select_n3A_19, %sub3A_277 : i32
      %lt3A_279 = arith.cmpi slt, %mul3A_106, %sub3A_278 : i32
      %convert_element_type3A_280 = arith.extui %lt3A_279 : i1 to i32
      %cond3A_281 = arith.constant 0 : i32
      %cond3A_282 = arith.cmpi ne, %convert_element_type3A_280, %cond3A_281 : i32
      scf.if %cond3A_282 {
        %dma_wait3A_467 = arith.constant 1 : i32
        %dma_wait3A_468 = arith.constant 0 : i32
        %dma_wait3A_469 = arith.constant 0 : i32
        %dma_wait3A_470 = tpu.memref_slice %arg6[%dma_wait3A_467, %dma_wait3A_468, %dma_wait3A_469] : memref<2x4x128xi32, #tpu.memory_space<vmem>> -> memref<1x4x128xi32, #tpu.memory_space<vmem>>
        %dma_wait3A_471 = tpu.memref_squeeze %dma_wait3A_470 : memref<1x4x128xi32, #tpu.memory_space<vmem>> -> memref<4x128xi32, #tpu.memory_space<vmem>>
        %dma_wait3A_472 = arith.constant 0 : i32
        %dma_wait3A_473 = tpu.memref_slice %arg3[%arg0, %mul3A, %dma_wait3A_472] : memref<2x1280x128xi32, #tpu.memory_space<hbm>> -> memref<1x4x128xi32, #tpu.memory_space<hbm>>
        %dma_wait3A_474 = tpu.memref_squeeze %dma_wait3A_473 : memref<1x4x128xi32, #tpu.memory_space<hbm>> -> memref<4x128xi32, #tpu.memory_space<hbm>>
        %dma_wait3A_475 = arith.constant 0 : i32
        %dma_wait3A_476 = arith.constant 0 : i32
        %dma_wait3A_477 = tpu.memref_slice %arg6[%dma_wait3A_467, %dma_wait3A_475, %dma_wait3A_476] : memref<2x4x128xi32, #tpu.memory_space<vmem>> -> memref<1x4x128xi32, #tpu.memory_space<vmem>>
        %dma_wait3A_478 = tpu.memref_squeeze %dma_wait3A_477 : memref<1x4x128xi32, #tpu.memory_space<vmem>> -> memref<4x128xi32, #tpu.memory_space<vmem>>
        %dma_wait3A_479 = arith.constant 0 : i32
        %dma_wait3A_480 = tpu.memref_slice %arg3[%arg0, %mul3A, %dma_wait3A_479] : memref<2x1280x128xi32, #tpu.memory_space<hbm>> -> memref<1x4x128xi32, #tpu.memory_space<hbm>>
        %dma_wait3A_481 = tpu.memref_squeeze %dma_wait3A_480 : memref<1x4x128xi32, #tpu.memory_space<hbm>> -> memref<4x128xi32, #tpu.memory_space<hbm>>
        tpu.wait_dma2 semaphore(%arg15 : memref<!tpu.dma_semaphore, #tpu.memory_space<semaphore_mem>>) src(%dma_wait3A_481 : memref<4x128xi32, #tpu.memory_space<hbm>>) dst(%dma_wait3A_478 : memref<4x128xi32, #tpu.memory_space<vmem>>)
        %dma_wait3A_482 = arith.constant 1 : i32
        %dma_wait3A_483 = arith.constant 0 : i32
        %dma_wait3A_484 = arith.constant 0 : i32
        %dma_wait3A_485 = tpu.memref_slice %arg7[%dma_wait3A_482, %dma_wait3A_483, %dma_wait3A_484] : memref<2x4x128xi32, #tpu.memory_space<vmem>> -> memref<1x4x128xi32, #tpu.memory_space<vmem>>
        %dma_wait3A_486 = tpu.memref_squeeze %dma_wait3A_485 : memref<1x4x128xi32, #tpu.memory_space<vmem>> -> memref<4x128xi32, #tpu.memory_space<vmem>>
        %dma_wait3A_487 = arith.constant 0 : i32
        %dma_wait3A_488 = tpu.memref_slice %arg4[%arg0, %mul3A, %dma_wait3A_487] : memref<2x1280x128xi32, #tpu.memory_space<hbm>> -> memref<1x4x128xi32, #tpu.memory_space<hbm>>
        %dma_wait3A_489 = tpu.memref_squeeze %dma_wait3A_488 : memref<1x4x128xi32, #tpu.memory_space<hbm>> -> memref<4x128xi32, #tpu.memory_space<hbm>>
        %dma_wait3A_490 = arith.constant 0 : i32
        %dma_wait3A_491 = arith.constant 0 : i32
        %dma_wait3A_492 = tpu.memref_slice %arg7[%dma_wait3A_482, %dma_wait3A_490, %dma_wait3A_491] : memref<2x4x128xi32, #tpu.memory_space<vmem>> -> memref<1x4x128xi32, #tpu.memory_space<vmem>>
        %dma_wait3A_493 = tpu.memref_squeeze %dma_wait3A_492 : memref<1x4x128xi32, #tpu.memory_space<vmem>> -> memref<4x128xi32, #tpu.memory_space<vmem>>
        %dma_wait3A_494 = arith.constant 0 : i32
        %dma_wait3A_495 = tpu.memref_slice %arg4[%arg0, %mul3A, %dma_wait3A_494] : memref<2x1280x128xi32, #tpu.memory_space<hbm>> -> memref<1x4x128xi32, #tpu.memory_space<hbm>>
        %dma_wait3A_496 = tpu.memref_squeeze %dma_wait3A_495 : memref<1x4x128xi32, #tpu.memory_space<hbm>> -> memref<4x128xi32, #tpu.memory_space<hbm>>
        tpu.wait_dma2 semaphore(%arg15 : memref<!tpu.dma_semaphore, #tpu.memory_space<semaphore_mem>>) src(%dma_wait3A_496 : memref<4x128xi32, #tpu.memory_space<hbm>>) dst(%dma_wait3A_493 : memref<4x128xi32, #tpu.memory_space<vmem>>)
        %dma_start3A_497 = arith.constant 1 : i32
        %dma_start3A_498 = arith.constant 0 : i32
        %dma_start3A_499 = arith.constant 0 : i32
        %dma_start3A_500 = arith.constant 0 : i32
        %dma_start3A_501 = tpu.memref_slice %arg6[%dma_start3A_497, %dma_start3A_499, %dma_start3A_500] : memref<2x4x128xi32, #tpu.memory_space<vmem>> -> memref<1x4x128xi32, #tpu.memory_space<vmem>>
        %dma_start3A_502 = tpu.memref_squeeze %dma_start3A_501 : memref<1x4x128xi32, #tpu.memory_space<vmem>> -> memref<4x128xi32, #tpu.memory_space<vmem>>
        %dma_start3A_503 = arith.constant 0 : i32
        %dma_start3A_504 = tpu.memref_slice %dma_start3A_502[%dma_start3A_498, %dma_start3A_503] : memref<4x128xi32, #tpu.memory_space<vmem>> -> memref<1x128xi32, #tpu.memory_space<vmem>>
        %dma_start3A_505 = tpu.memref_squeeze %dma_start3A_504 : memref<1x128xi32, #tpu.memory_space<vmem>> -> memref<128xi32, #tpu.memory_space<vmem>>
        %dma_start3A_506 = arith.constant 0 : i32
        %dma_start3A_507 = arith.constant 0 : i32
        %dma_start3A_508 = tpu.memref_slice %arg2[%dma_start3A_506, %dma_start3A_507] : memref<20000x128xf32, #tpu.memory_space<hbm>> -> memref<20000x128xf32, #tpu.memory_space<hbm>>
        tpu.enqueue_indirect_dma source(%dma_start3A_508 : memref<20000x128xf32, #tpu.memory_space<hbm>>) target(%arg8 : memref<128x128xf32, #tpu.memory_space<vmem>>) offsets(%dma_start3A_505 : memref<128xi32, #tpu.memory_space<vmem>>) semaphore(%arg11 : memref<!tpu.dma_semaphore, #tpu.memory_space<semaphore_mem>>)
      } else {
      }
      %mul3A_283 = arith.constant 2 : i32
      %mul3A_284 = arith.muli %mul3A_283, %while3A_104 : i32
      %add3A_285 = arith.constant 1 : i32
      %add3A_286 = arith.addi %mul3A_284, %add3A_285 : i32
      %mul3A_287 = arith.constant 4 : i32
      %mul3A_288 = arith.muli %add3A_286, %mul3A_287 : i32
      %add3A_289 = arith.constant 0 : i32
      %add3A_290 = arith.addi %mul3A_288, %add3A_289 : i32
      %dma_wait3A_291 = arith.constant 0 : i32
      %dma_wait3A_292 = arith.constant 0 : i32
      %dma_wait3A_293 = arith.constant 0 : i32
      %dma_wait3A_294 = arith.constant 0 : i32
      %dma_wait3A_295 = tpu.memref_slice %arg6[%dma_wait3A_291, %dma_wait3A_293, %dma_wait3A_294] : memref<2x4x128xi32, #tpu.memory_space<vmem>> -> memref<1x4x128xi32, #tpu.memory_space<vmem>>
      %dma_wait3A_296 = tpu.memref_squeeze %dma_wait3A_295 : memref<1x4x128xi32, #tpu.memory_space<vmem>> -> memref<4x128xi32, #tpu.memory_space<vmem>>
      %dma_wait3A_297 = arith.constant 0 : i32
      %dma_wait3A_298 = tpu.memref_slice %dma_wait3A_296[%dma_wait3A_292, %dma_wait3A_297] : memref<4x128xi32, #tpu.memory_space<vmem>> -> memref<1x128xi32, #tpu.memory_space<vmem>>
      %dma_wait3A_299 = tpu.memref_squeeze %dma_wait3A_298 : memref<1x128xi32, #tpu.memory_space<vmem>> -> memref<128xi32, #tpu.memory_space<vmem>>
      %dma_wait3A_300 = arith.constant 0 : i32
      %dma_wait3A_301 = arith.constant 0 : i32
      %dma_wait3A_302 = tpu.memref_slice %arg2[%dma_wait3A_300, %dma_wait3A_301] : memref<20000x128xf32, #tpu.memory_space<hbm>> -> memref<20000x128xf32, #tpu.memory_space<hbm>>
      tpu.wait_indirect_dma semaphore(%arg11 : memref<!tpu.dma_semaphore, #tpu.memory_space<semaphore_mem>>) src(%dma_wait3A_302 : memref<20000x128xf32, #tpu.memory_space<hbm>>) dst(%arg8 : memref<128x128xf32, #tpu.memory_space<vmem>>)
      %dma_start3A_303 = arith.constant 1 : i32
      %dma_start3A_304 = arith.constant 0 : i32
      %dma_start3A_305 = arith.constant 0 : i32
      %dma_start3A_306 = arith.constant 0 : i32
      %dma_start3A_307 = tpu.memref_slice %arg7[%dma_start3A_303, %dma_start3A_305, %dma_start3A_306] : memref<2x4x128xi32, #tpu.memory_space<vmem>> -> memref<1x4x128xi32, #tpu.memory_space<vmem>>
      %dma_start3A_308 = tpu.memref_squeeze %dma_start3A_307 : memref<1x4x128xi32, #tpu.memory_space<vmem>> -> memref<4x128xi32, #tpu.memory_space<vmem>>
      %dma_start3A_309 = arith.constant 0 : i32
      %dma_start3A_310 = tpu.memref_slice %dma_start3A_308[%dma_start3A_304, %dma_start3A_309] : memref<4x128xi32, #tpu.memory_space<vmem>> -> memref<1x128xi32, #tpu.memory_space<vmem>>
      %dma_start3A_311 = tpu.memref_squeeze %dma_start3A_310 : memref<1x128xi32, #tpu.memory_space<vmem>> -> memref<128xi32, #tpu.memory_space<vmem>>
      %dma_start3A_312 = arith.constant 0 : i32
      %dma_start3A_313 = arith.constant 0 : i32
      %dma_start3A_314 = tpu.memref_slice %arg10[%dma_start3A_312, %dma_start3A_313] : memref<10240x128xf32, #tpu.memory_space<vmem_shared>> -> memref<10240x128xf32, #tpu.memory_space<vmem_shared>>
      tpu.enqueue_indirect_dma source(%arg8 : memref<128x128xf32, #tpu.memory_space<vmem>>) target(%dma_start3A_314 : memref<10240x128xf32, #tpu.memory_space<vmem_shared>>) offsets(%dma_start3A_311 : memref<128xi32, #tpu.memory_space<vmem>>) semaphore(%arg13 : memref<!tpu.dma_semaphore, #tpu.memory_space<semaphore_mem>>) {add = true}
      %ge3A_315 = arith.constant 1 : i32
      %ge3A_316 = arith.cmpi sge, %add3A_290, %ge3A_315 : i32
      %convert_element_type3A_317 = arith.extui %ge3A_316 : i1 to i32
      %cond3A_318 = arith.constant 0 : i32
      %cond3A_319 = arith.cmpi ne, %convert_element_type3A_317, %cond3A_318 : i32
      scf.if %cond3A_319 {
        %dma_wait3A_467 = arith.constant 0 : i32
        %dma_wait3A_468 = arith.constant 0 : i32
        %dma_wait3A_469 = arith.constant 0 : i32
        %dma_wait3A_470 = arith.constant 0 : i32
        %dma_wait3A_471 = tpu.memref_slice %arg7[%dma_wait3A_467, %dma_wait3A_469, %dma_wait3A_470] : memref<2x4x128xi32, #tpu.memory_space<vmem>> -> memref<1x4x128xi32, #tpu.memory_space<vmem>>
        %dma_wait3A_472 = tpu.memref_squeeze %dma_wait3A_471 : memref<1x4x128xi32, #tpu.memory_space<vmem>> -> memref<4x128xi32, #tpu.memory_space<vmem>>
        %dma_wait3A_473 = arith.constant 0 : i32
        %dma_wait3A_474 = tpu.memref_slice %dma_wait3A_472[%dma_wait3A_468, %dma_wait3A_473] : memref<4x128xi32, #tpu.memory_space<vmem>> -> memref<1x128xi32, #tpu.memory_space<vmem>>
        %dma_wait3A_475 = tpu.memref_squeeze %dma_wait3A_474 : memref<1x128xi32, #tpu.memory_space<vmem>> -> memref<128xi32, #tpu.memory_space<vmem>>
        %dma_wait3A_476 = arith.constant 0 : i32
        %dma_wait3A_477 = arith.constant 0 : i32
        %dma_wait3A_478 = tpu.memref_slice %arg10[%dma_wait3A_476, %dma_wait3A_477] : memref<10240x128xf32, #tpu.memory_space<vmem_shared>> -> memref<10240x128xf32, #tpu.memory_space<vmem_shared>>
        tpu.wait_indirect_dma semaphore(%arg14 : memref<!tpu.dma_semaphore, #tpu.memory_space<semaphore_mem>>) src(%arg9 : memref<128x128xf32, #tpu.memory_space<vmem>>) dst(%dma_wait3A_478 : memref<10240x128xf32, #tpu.memory_space<vmem_shared>>)
      } else {
      }
      %sub3A_320 = arith.constant 1 : i32
      %sub3A_321 = arith.subi %select_n3A_19, %sub3A_320 : i32
      %lt3A_322 = arith.cmpi slt, %add3A_286, %sub3A_321 : i32
      %convert_element_type3A_323 = arith.extui %lt3A_322 : i1 to i32
      %cond3A_324 = arith.constant 0 : i32
      %cond3A_325 = arith.cmpi ne, %convert_element_type3A_323, %cond3A_324 : i32
      scf.if %cond3A_325 {
        %add3A_467 = arith.constant 1 : i32
        %add3A_468 = arith.addi %add3A_286, %add3A_467 : i32
        %mul3A_469 = arith.constant 4 : i32
        %mul3A_470 = arith.muli %add3A_468, %mul3A_469 : i32
        %add3A_471 = arith.addi %mul3A, %mul3A_470 : i32
        %dma_start3A_472 = arith.constant 0 : i32
        %dma_start3A_473 = arith.constant 0 : i32
        %dma_start3A_474 = arith.constant 0 : i32
        %dma_start3A_475 = tpu.memref_slice %arg6[%dma_start3A_472, %dma_start3A_473, %dma_start3A_474] : memref<2x4x128xi32, #tpu.memory_space<vmem>> -> memref<1x4x128xi32, #tpu.memory_space<vmem>>
        %dma_start3A_476 = tpu.memref_squeeze %dma_start3A_475 : memref<1x4x128xi32, #tpu.memory_space<vmem>> -> memref<4x128xi32, #tpu.memory_space<vmem>>
        %dma_start3A_477 = arith.constant 0 : i32
        %dma_start3A_478 = tpu.memref_slice %arg3[%arg0, %add3A_471, %dma_start3A_477] : memref<2x1280x128xi32, #tpu.memory_space<hbm>> -> memref<1x4x128xi32, #tpu.memory_space<hbm>>
        %dma_start3A_479 = tpu.memref_squeeze %dma_start3A_478 : memref<1x4x128xi32, #tpu.memory_space<hbm>> -> memref<4x128xi32, #tpu.memory_space<hbm>>
        %dma_start3A_480 = arith.constant 0 : i32
        %dma_start3A_481 = arith.constant 0 : i32
        %dma_start3A_482 = tpu.memref_slice %arg6[%dma_start3A_472, %dma_start3A_480, %dma_start3A_481] : memref<2x4x128xi32, #tpu.memory_space<vmem>> -> memref<1x4x128xi32, #tpu.memory_space<vmem>>
        %dma_start3A_483 = tpu.memref_squeeze %dma_start3A_482 : memref<1x4x128xi32, #tpu.memory_space<vmem>> -> memref<4x128xi32, #tpu.memory_space<vmem>>
        %dma_start3A_484 = arith.constant 0 : i32
        %dma_start3A_485 = tpu.memref_slice %arg3[%arg0, %add3A_471, %dma_start3A_484] : memref<2x1280x128xi32, #tpu.memory_space<hbm>> -> memref<1x4x128xi32, #tpu.memory_space<hbm>>
        %dma_start3A_486 = tpu.memref_squeeze %dma_start3A_485 : memref<1x4x128xi32, #tpu.memory_space<hbm>> -> memref<4x128xi32, #tpu.memory_space<hbm>>
        tpu.enqueue_dma source(%dma_start3A_486 : memref<4x128xi32, #tpu.memory_space<hbm>>) target(%dma_start3A_483 : memref<4x128xi32, #tpu.memory_space<vmem>>) target_semaphore(%arg15 : memref<!tpu.dma_semaphore, #tpu.memory_space<semaphore_mem>>)
        %dma_start3A_487 = arith.constant 0 : i32
        %dma_start3A_488 = arith.constant 0 : i32
        %dma_start3A_489 = arith.constant 0 : i32
        %dma_start3A_490 = tpu.memref_slice %arg7[%dma_start3A_487, %dma_start3A_488, %dma_start3A_489] : memref<2x4x128xi32, #tpu.memory_space<vmem>> -> memref<1x4x128xi32, #tpu.memory_space<vmem>>
        %dma_start3A_491 = tpu.memref_squeeze %dma_start3A_490 : memref<1x4x128xi32, #tpu.memory_space<vmem>> -> memref<4x128xi32, #tpu.memory_space<vmem>>
        %dma_start3A_492 = arith.constant 0 : i32
        %dma_start3A_493 = tpu.memref_slice %arg4[%arg0, %add3A_471, %dma_start3A_492] : memref<2x1280x128xi32, #tpu.memory_space<hbm>> -> memref<1x4x128xi32, #tpu.memory_space<hbm>>
        %dma_start3A_494 = tpu.memref_squeeze %dma_start3A_493 : memref<1x4x128xi32, #tpu.memory_space<hbm>> -> memref<4x128xi32, #tpu.memory_space<hbm>>
        %dma_start3A_495 = arith.constant 0 : i32
        %dma_start3A_496 = arith.constant 0 : i32
        %dma_start3A_497 = tpu.memref_slice %arg7[%dma_start3A_487, %dma_start3A_495, %dma_start3A_496] : memref<2x4x128xi32, #tpu.memory_space<vmem>> -> memref<1x4x128xi32, #tpu.memory_space<vmem>>
        %dma_start3A_498 = tpu.memref_squeeze %dma_start3A_497 : memref<1x4x128xi32, #tpu.memory_space<vmem>> -> memref<4x128xi32, #tpu.memory_space<vmem>>
        %dma_start3A_499 = arith.constant 0 : i32
        %dma_start3A_500 = tpu.memref_slice %arg4[%arg0, %add3A_471, %dma_start3A_499] : memref<2x1280x128xi32, #tpu.memory_space<hbm>> -> memref<1x4x128xi32, #tpu.memory_space<hbm>>
        %dma_start3A_501 = tpu.memref_squeeze %dma_start3A_500 : memref<1x4x128xi32, #tpu.memory_space<hbm>> -> memref<4x128xi32, #tpu.memory_space<hbm>>
        tpu.enqueue_dma source(%dma_start3A_501 : memref<4x128xi32, #tpu.memory_space<hbm>>) target(%dma_start3A_498 : memref<4x128xi32, #tpu.memory_space<vmem>>) target_semaphore(%arg15 : memref<!tpu.dma_semaphore, #tpu.memory_space<semaphore_mem>>)
      } else {
      }
      %dma_start3A_326 = arith.constant 1 : i32
      %dma_start3A_327 = arith.constant 1 : i32
      %dma_start3A_328 = arith.constant 0 : i32
      %dma_start3A_329 = arith.constant 0 : i32
      %dma_start3A_330 = tpu.memref_slice %arg6[%dma_start3A_326, %dma_start3A_328, %dma_start3A_329] : memref<2x4x128xi32, #tpu.memory_space<vmem>> -> memref<1x4x128xi32, #tpu.memory_space<vmem>>
      %dma_start3A_331 = tpu.memref_squeeze %dma_start3A_330 : memref<1x4x128xi32, #tpu.memory_space<vmem>> -> memref<4x128xi32, #tpu.memory_space<vmem>>
      %dma_start3A_332 = arith.constant 0 : i32
      %dma_start3A_333 = tpu.memref_slice %dma_start3A_331[%dma_start3A_327, %dma_start3A_332] : memref<4x128xi32, #tpu.memory_space<vmem>> -> memref<1x128xi32, #tpu.memory_space<vmem>>
      %dma_start3A_334 = tpu.memref_squeeze %dma_start3A_333 : memref<1x128xi32, #tpu.memory_space<vmem>> -> memref<128xi32, #tpu.memory_space<vmem>>
      %dma_start3A_335 = arith.constant 0 : i32
      %dma_start3A_336 = arith.constant 0 : i32
      %dma_start3A_337 = tpu.memref_slice %arg2[%dma_start3A_335, %dma_start3A_336] : memref<20000x128xf32, #tpu.memory_space<hbm>> -> memref<20000x128xf32, #tpu.memory_space<hbm>>
      tpu.enqueue_indirect_dma source(%dma_start3A_337 : memref<20000x128xf32, #tpu.memory_space<hbm>>) target(%arg9 : memref<128x128xf32, #tpu.memory_space<vmem>>) offsets(%dma_start3A_334 : memref<128xi32, #tpu.memory_space<vmem>>) semaphore(%arg12 : memref<!tpu.dma_semaphore, #tpu.memory_space<semaphore_mem>>)
      %mul3A_338 = arith.constant 4 : i32
      %mul3A_339 = arith.muli %add3A_286, %mul3A_338 : i32
      %add3A_340 = arith.constant 1 : i32
      %add3A_341 = arith.addi %mul3A_339, %add3A_340 : i32
      %dma_wait3A_342 = arith.constant 0 : i32
      %dma_wait3A_343 = arith.constant 0 : i32
      %dma_wait3A_344 = arith.constant 0 : i32
      %dma_wait3A_345 = arith.constant 0 : i32
      %dma_wait3A_346 = tpu.memref_slice %arg6[%dma_wait3A_342, %dma_wait3A_344, %dma_wait3A_345] : memref<2x4x128xi32, #tpu.memory_space<vmem>> -> memref<1x4x128xi32, #tpu.memory_space<vmem>>
      %dma_wait3A_347 = tpu.memref_squeeze %dma_wait3A_346 : memref<1x4x128xi32, #tpu.memory_space<vmem>> -> memref<4x128xi32, #tpu.memory_space<vmem>>
      %dma_wait3A_348 = arith.constant 0 : i32
      %dma_wait3A_349 = tpu.memref_slice %dma_wait3A_347[%dma_wait3A_343, %dma_wait3A_348] : memref<4x128xi32, #tpu.memory_space<vmem>> -> memref<1x128xi32, #tpu.memory_space<vmem>>
      %dma_wait3A_350 = tpu.memref_squeeze %dma_wait3A_349 : memref<1x128xi32, #tpu.memory_space<vmem>> -> memref<128xi32, #tpu.memory_space<vmem>>
      %dma_wait3A_351 = arith.constant 0 : i32
      %dma_wait3A_352 = arith.constant 0 : i32
      %dma_wait3A_353 = tpu.memref_slice %arg2[%dma_wait3A_351, %dma_wait3A_352] : memref<20000x128xf32, #tpu.memory_space<hbm>> -> memref<20000x128xf32, #tpu.memory_space<hbm>>
      tpu.wait_indirect_dma semaphore(%arg12 : memref<!tpu.dma_semaphore, #tpu.memory_space<semaphore_mem>>) src(%dma_wait3A_353 : memref<20000x128xf32, #tpu.memory_space<hbm>>) dst(%arg9 : memref<128x128xf32, #tpu.memory_space<vmem>>)
      %dma_start3A_354 = arith.constant 1 : i32
      %dma_start3A_355 = arith.constant 1 : i32
      %dma_start3A_356 = arith.constant 0 : i32
      %dma_start3A_357 = arith.constant 0 : i32
      %dma_start3A_358 = tpu.memref_slice %arg7[%dma_start3A_354, %dma_start3A_356, %dma_start3A_357] : memref<2x4x128xi32, #tpu.memory_space<vmem>> -> memref<1x4x128xi32, #tpu.memory_space<vmem>>
      %dma_start3A_359 = tpu.memref_squeeze %dma_start3A_358 : memref<1x4x128xi32, #tpu.memory_space<vmem>> -> memref<4x128xi32, #tpu.memory_space<vmem>>
      %dma_start3A_360 = arith.constant 0 : i32
      %dma_start3A_361 = tpu.memref_slice %dma_start3A_359[%dma_start3A_355, %dma_start3A_360] : memref<4x128xi32, #tpu.memory_space<vmem>> -> memref<1x128xi32, #tpu.memory_space<vmem>>
      %dma_start3A_362 = tpu.memref_squeeze %dma_start3A_361 : memref<1x128xi32, #tpu.memory_space<vmem>> -> memref<128xi32, #tpu.memory_space<vmem>>
      %dma_start3A_363 = arith.constant 0 : i32
      %dma_start3A_364 = arith.constant 0 : i32
      %dma_start3A_365 = tpu.memref_slice %arg10[%dma_start3A_363, %dma_start3A_364] : memref<10240x128xf32, #tpu.memory_space<vmem_shared>> -> memref<10240x128xf32, #tpu.memory_space<vmem_shared>>
      tpu.enqueue_indirect_dma source(%arg9 : memref<128x128xf32, #tpu.memory_space<vmem>>) target(%dma_start3A_365 : memref<10240x128xf32, #tpu.memory_space<vmem_shared>>) offsets(%dma_start3A_362 : memref<128xi32, #tpu.memory_space<vmem>>) semaphore(%arg14 : memref<!tpu.dma_semaphore, #tpu.memory_space<semaphore_mem>>) {add = true}
      %ge3A_366 = arith.constant 1 : i32
      %ge3A_367 = arith.cmpi sge, %add3A_341, %ge3A_366 : i32
      %convert_element_type3A_368 = arith.extui %ge3A_367 : i1 to i32
      %cond3A_369 = arith.constant 0 : i32
      %cond3A_370 = arith.cmpi ne, %convert_element_type3A_368, %cond3A_369 : i32
      scf.if %cond3A_370 {
        %dma_wait3A_467 = arith.constant 0 : i32
        %dma_wait3A_468 = arith.constant 0 : i32
        %dma_wait3A_469 = arith.constant 0 : i32
        %dma_wait3A_470 = arith.constant 0 : i32
        %dma_wait3A_471 = tpu.memref_slice %arg7[%dma_wait3A_467, %dma_wait3A_469, %dma_wait3A_470] : memref<2x4x128xi32, #tpu.memory_space<vmem>> -> memref<1x4x128xi32, #tpu.memory_space<vmem>>
        %dma_wait3A_472 = tpu.memref_squeeze %dma_wait3A_471 : memref<1x4x128xi32, #tpu.memory_space<vmem>> -> memref<4x128xi32, #tpu.memory_space<vmem>>
        %dma_wait3A_473 = arith.constant 0 : i32
        %dma_wait3A_474 = tpu.memref_slice %dma_wait3A_472[%dma_wait3A_468, %dma_wait3A_473] : memref<4x128xi32, #tpu.memory_space<vmem>> -> memref<1x128xi32, #tpu.memory_space<vmem>>
        %dma_wait3A_475 = tpu.memref_squeeze %dma_wait3A_474 : memref<1x128xi32, #tpu.memory_space<vmem>> -> memref<128xi32, #tpu.memory_space<vmem>>
        %dma_wait3A_476 = arith.constant 0 : i32
        %dma_wait3A_477 = arith.constant 0 : i32
        %dma_wait3A_478 = tpu.memref_slice %arg10[%dma_wait3A_476, %dma_wait3A_477] : memref<10240x128xf32, #tpu.memory_space<vmem_shared>> -> memref<10240x128xf32, #tpu.memory_space<vmem_shared>>
        tpu.wait_indirect_dma semaphore(%arg13 : memref<!tpu.dma_semaphore, #tpu.memory_space<semaphore_mem>>) src(%arg8 : memref<128x128xf32, #tpu.memory_space<vmem>>) dst(%dma_wait3A_478 : memref<10240x128xf32, #tpu.memory_space<vmem_shared>>)
      } else {
      }
      %dma_start3A_371 = arith.constant 1 : i32
      %dma_start3A_372 = arith.constant 2 : i32
      %dma_start3A_373 = arith.constant 0 : i32
      %dma_start3A_374 = arith.constant 0 : i32
      %dma_start3A_375 = tpu.memref_slice %arg6[%dma_start3A_371, %dma_start3A_373, %dma_start3A_374] : memref<2x4x128xi32, #tpu.memory_space<vmem>> -> memref<1x4x128xi32, #tpu.memory_space<vmem>>
      %dma_start3A_376 = tpu.memref_squeeze %dma_start3A_375 : memref<1x4x128xi32, #tpu.memory_space<vmem>> -> memref<4x128xi32, #tpu.memory_space<vmem>>
      %dma_start3A_377 = arith.constant 0 : i32
      %dma_start3A_378 = tpu.memref_slice %dma_start3A_376[%dma_start3A_372, %dma_start3A_377] : memref<4x128xi32, #tpu.memory_space<vmem>> -> memref<1x128xi32, #tpu.memory_space<vmem>>
      %dma_start3A_379 = tpu.memref_squeeze %dma_start3A_378 : memref<1x128xi32, #tpu.memory_space<vmem>> -> memref<128xi32, #tpu.memory_space<vmem>>
      %dma_start3A_380 = arith.constant 0 : i32
      %dma_start3A_381 = arith.constant 0 : i32
      %dma_start3A_382 = tpu.memref_slice %arg2[%dma_start3A_380, %dma_start3A_381] : memref<20000x128xf32, #tpu.memory_space<hbm>> -> memref<20000x128xf32, #tpu.memory_space<hbm>>
      tpu.enqueue_indirect_dma source(%dma_start3A_382 : memref<20000x128xf32, #tpu.memory_space<hbm>>) target(%arg8 : memref<128x128xf32, #tpu.memory_space<vmem>>) offsets(%dma_start3A_379 : memref<128xi32, #tpu.memory_space<vmem>>) semaphore(%arg11 : memref<!tpu.dma_semaphore, #tpu.memory_space<semaphore_mem>>)
      %mul3A_383 = arith.constant 4 : i32
      %mul3A_384 = arith.muli %add3A_286, %mul3A_383 : i32
      %add3A_385 = arith.constant 2 : i32
      %add3A_386 = arith.addi %mul3A_384, %add3A_385 : i32
      %dma_wait3A_387 = arith.constant 0 : i32
      %dma_wait3A_388 = arith.constant 0 : i32
      %dma_wait3A_389 = arith.constant 0 : i32
      %dma_wait3A_390 = arith.constant 0 : i32
      %dma_wait3A_391 = tpu.memref_slice %arg6[%dma_wait3A_387, %dma_wait3A_389, %dma_wait3A_390] : memref<2x4x128xi32, #tpu.memory_space<vmem>> -> memref<1x4x128xi32, #tpu.memory_space<vmem>>
      %dma_wait3A_392 = tpu.memref_squeeze %dma_wait3A_391 : memref<1x4x128xi32, #tpu.memory_space<vmem>> -> memref<4x128xi32, #tpu.memory_space<vmem>>
      %dma_wait3A_393 = arith.constant 0 : i32
      %dma_wait3A_394 = tpu.memref_slice %dma_wait3A_392[%dma_wait3A_388, %dma_wait3A_393] : memref<4x128xi32, #tpu.memory_space<vmem>> -> memref<1x128xi32, #tpu.memory_space<vmem>>
      %dma_wait3A_395 = tpu.memref_squeeze %dma_wait3A_394 : memref<1x128xi32, #tpu.memory_space<vmem>> -> memref<128xi32, #tpu.memory_space<vmem>>
      %dma_wait3A_396 = arith.constant 0 : i32
      %dma_wait3A_397 = arith.constant 0 : i32
      %dma_wait3A_398 = tpu.memref_slice %arg2[%dma_wait3A_396, %dma_wait3A_397] : memref<20000x128xf32, #tpu.memory_space<hbm>> -> memref<20000x128xf32, #tpu.memory_space<hbm>>
      tpu.wait_indirect_dma semaphore(%arg11 : memref<!tpu.dma_semaphore, #tpu.memory_space<semaphore_mem>>) src(%dma_wait3A_398 : memref<20000x128xf32, #tpu.memory_space<hbm>>) dst(%arg8 : memref<128x128xf32, #tpu.memory_space<vmem>>)
      %dma_start3A_399 = arith.constant 1 : i32
      %dma_start3A_400 = arith.constant 2 : i32
      %dma_start3A_401 = arith.constant 0 : i32
      %dma_start3A_402 = arith.constant 0 : i32
      %dma_start3A_403 = tpu.memref_slice %arg7[%dma_start3A_399, %dma_start3A_401, %dma_start3A_402] : memref<2x4x128xi32, #tpu.memory_space<vmem>> -> memref<1x4x128xi32, #tpu.memory_space<vmem>>
      %dma_start3A_404 = tpu.memref_squeeze %dma_start3A_403 : memref<1x4x128xi32, #tpu.memory_space<vmem>> -> memref<4x128xi32, #tpu.memory_space<vmem>>
      %dma_start3A_405 = arith.constant 0 : i32
      %dma_start3A_406 = tpu.memref_slice %dma_start3A_404[%dma_start3A_400, %dma_start3A_405] : memref<4x128xi32, #tpu.memory_space<vmem>> -> memref<1x128xi32, #tpu.memory_space<vmem>>
      %dma_start3A_407 = tpu.memref_squeeze %dma_start3A_406 : memref<1x128xi32, #tpu.memory_space<vmem>> -> memref<128xi32, #tpu.memory_space<vmem>>
      %dma_start3A_408 = arith.constant 0 : i32
      %dma_start3A_409 = arith.constant 0 : i32
      %dma_start3A_410 = tpu.memref_slice %arg10[%dma_start3A_408, %dma_start3A_409] : memref<10240x128xf32, #tpu.memory_space<vmem_shared>> -> memref<10240x128xf32, #tpu.memory_space<vmem_shared>>
      tpu.enqueue_indirect_dma source(%arg8 : memref<128x128xf32, #tpu.memory_space<vmem>>) target(%dma_start3A_410 : memref<10240x128xf32, #tpu.memory_space<vmem_shared>>) offsets(%dma_start3A_407 : memref<128xi32, #tpu.memory_space<vmem>>) semaphore(%arg13 : memref<!tpu.dma_semaphore, #tpu.memory_space<semaphore_mem>>) {add = true}
      %ge3A_411 = arith.constant 1 : i32
      %ge3A_412 = arith.cmpi sge, %add3A_386, %ge3A_411 : i32
      %convert_element_type3A_413 = arith.extui %ge3A_412 : i1 to i32
      %cond3A_414 = arith.constant 0 : i32
      %cond3A_415 = arith.cmpi ne, %convert_element_type3A_413, %cond3A_414 : i32
      scf.if %cond3A_415 {
        %dma_wait3A_467 = arith.constant 0 : i32
        %dma_wait3A_468 = arith.constant 0 : i32
        %dma_wait3A_469 = arith.constant 0 : i32
        %dma_wait3A_470 = arith.constant 0 : i32
        %dma_wait3A_471 = tpu.memref_slice %arg7[%dma_wait3A_467, %dma_wait3A_469, %dma_wait3A_470] : memref<2x4x128xi32, #tpu.memory_space<vmem>> -> memref<1x4x128xi32, #tpu.memory_space<vmem>>
        %dma_wait3A_472 = tpu.memref_squeeze %dma_wait3A_471 : memref<1x4x128xi32, #tpu.memory_space<vmem>> -> memref<4x128xi32, #tpu.memory_space<vmem>>
        %dma_wait3A_473 = arith.constant 0 : i32
        %dma_wait3A_474 = tpu.memref_slice %dma_wait3A_472[%dma_wait3A_468, %dma_wait3A_473] : memref<4x128xi32, #tpu.memory_space<vmem>> -> memref<1x128xi32, #tpu.memory_space<vmem>>
        %dma_wait3A_475 = tpu.memref_squeeze %dma_wait3A_474 : memref<1x128xi32, #tpu.memory_space<vmem>> -> memref<128xi32, #tpu.memory_space<vmem>>
        %dma_wait3A_476 = arith.constant 0 : i32
        %dma_wait3A_477 = arith.constant 0 : i32
        %dma_wait3A_478 = tpu.memref_slice %arg10[%dma_wait3A_476, %dma_wait3A_477] : memref<10240x128xf32, #tpu.memory_space<vmem_shared>> -> memref<10240x128xf32, #tpu.memory_space<vmem_shared>>
        tpu.wait_indirect_dma semaphore(%arg14 : memref<!tpu.dma_semaphore, #tpu.memory_space<semaphore_mem>>) src(%arg9 : memref<128x128xf32, #tpu.memory_space<vmem>>) dst(%dma_wait3A_478 : memref<10240x128xf32, #tpu.memory_space<vmem_shared>>)
      } else {
      }
      %dma_start3A_416 = arith.constant 1 : i32
      %dma_start3A_417 = arith.constant 3 : i32
      %dma_start3A_418 = arith.constant 0 : i32
      %dma_start3A_419 = arith.constant 0 : i32
      %dma_start3A_420 = tpu.memref_slice %arg6[%dma_start3A_416, %dma_start3A_418, %dma_start3A_419] : memref<2x4x128xi32, #tpu.memory_space<vmem>> -> memref<1x4x128xi32, #tpu.memory_space<vmem>>
      %dma_start3A_421 = tpu.memref_squeeze %dma_start3A_420 : memref<1x4x128xi32, #tpu.memory_space<vmem>> -> memref<4x128xi32, #tpu.memory_space<vmem>>
      %dma_start3A_422 = arith.constant 0 : i32
      %dma_start3A_423 = tpu.memref_slice %dma_start3A_421[%dma_start3A_417, %dma_start3A_422] : memref<4x128xi32, #tpu.memory_space<vmem>> -> memref<1x128xi32, #tpu.memory_space<vmem>>
      %dma_start3A_424 = tpu.memref_squeeze %dma_start3A_423 : memref<1x128xi32, #tpu.memory_space<vmem>> -> memref<128xi32, #tpu.memory_space<vmem>>
      %dma_start3A_425 = arith.constant 0 : i32
      %dma_start3A_426 = arith.constant 0 : i32
      %dma_start3A_427 = tpu.memref_slice %arg2[%dma_start3A_425, %dma_start3A_426] : memref<20000x128xf32, #tpu.memory_space<hbm>> -> memref<20000x128xf32, #tpu.memory_space<hbm>>
      tpu.enqueue_indirect_dma source(%dma_start3A_427 : memref<20000x128xf32, #tpu.memory_space<hbm>>) target(%arg9 : memref<128x128xf32, #tpu.memory_space<vmem>>) offsets(%dma_start3A_424 : memref<128xi32, #tpu.memory_space<vmem>>) semaphore(%arg12 : memref<!tpu.dma_semaphore, #tpu.memory_space<semaphore_mem>>)
      %mul3A_428 = arith.constant 4 : i32
      %mul3A_429 = arith.muli %add3A_286, %mul3A_428 : i32
      %add3A_430 = arith.constant 3 : i32
      %add3A_431 = arith.addi %mul3A_429, %add3A_430 : i32
      %dma_wait3A_432 = arith.constant 0 : i32
      %dma_wait3A_433 = arith.constant 0 : i32
      %dma_wait3A_434 = arith.constant 0 : i32
      %dma_wait3A_435 = arith.constant 0 : i32
      %dma_wait3A_436 = tpu.memref_slice %arg6[%dma_wait3A_432, %dma_wait3A_434, %dma_wait3A_435] : memref<2x4x128xi32, #tpu.memory_space<vmem>> -> memref<1x4x128xi32, #tpu.memory_space<vmem>>
      %dma_wait3A_437 = tpu.memref_squeeze %dma_wait3A_436 : memref<1x4x128xi32, #tpu.memory_space<vmem>> -> memref<4x128xi32, #tpu.memory_space<vmem>>
      %dma_wait3A_438 = arith.constant 0 : i32
      %dma_wait3A_439 = tpu.memref_slice %dma_wait3A_437[%dma_wait3A_433, %dma_wait3A_438] : memref<4x128xi32, #tpu.memory_space<vmem>> -> memref<1x128xi32, #tpu.memory_space<vmem>>
      %dma_wait3A_440 = tpu.memref_squeeze %dma_wait3A_439 : memref<1x128xi32, #tpu.memory_space<vmem>> -> memref<128xi32, #tpu.memory_space<vmem>>
      %dma_wait3A_441 = arith.constant 0 : i32
      %dma_wait3A_442 = arith.constant 0 : i32
      %dma_wait3A_443 = tpu.memref_slice %arg2[%dma_wait3A_441, %dma_wait3A_442] : memref<20000x128xf32, #tpu.memory_space<hbm>> -> memref<20000x128xf32, #tpu.memory_space<hbm>>
      tpu.wait_indirect_dma semaphore(%arg12 : memref<!tpu.dma_semaphore, #tpu.memory_space<semaphore_mem>>) src(%dma_wait3A_443 : memref<20000x128xf32, #tpu.memory_space<hbm>>) dst(%arg9 : memref<128x128xf32, #tpu.memory_space<vmem>>)
      %dma_start3A_444 = arith.constant 1 : i32
      %dma_start3A_445 = arith.constant 3 : i32
      %dma_start3A_446 = arith.constant 0 : i32
      %dma_start3A_447 = arith.constant 0 : i32
      %dma_start3A_448 = tpu.memref_slice %arg7[%dma_start3A_444, %dma_start3A_446, %dma_start3A_447] : memref<2x4x128xi32, #tpu.memory_space<vmem>> -> memref<1x4x128xi32, #tpu.memory_space<vmem>>
      %dma_start3A_449 = tpu.memref_squeeze %dma_start3A_448 : memref<1x4x128xi32, #tpu.memory_space<vmem>> -> memref<4x128xi32, #tpu.memory_space<vmem>>
      %dma_start3A_450 = arith.constant 0 : i32
      %dma_start3A_451 = tpu.memref_slice %dma_start3A_449[%dma_start3A_445, %dma_start3A_450] : memref<4x128xi32, #tpu.memory_space<vmem>> -> memref<1x128xi32, #tpu.memory_space<vmem>>
      %dma_start3A_452 = tpu.memref_squeeze %dma_start3A_451 : memref<1x128xi32, #tpu.memory_space<vmem>> -> memref<128xi32, #tpu.memory_space<vmem>>
      %dma_start3A_453 = arith.constant 0 : i32
      %dma_start3A_454 = arith.constant 0 : i32
      %dma_start3A_455 = tpu.memref_slice %arg10[%dma_start3A_453, %dma_start3A_454] : memref<10240x128xf32, #tpu.memory_space<vmem_shared>> -> memref<10240x128xf32, #tpu.memory_space<vmem_shared>>
      tpu.enqueue_indirect_dma source(%arg9 : memref<128x128xf32, #tpu.memory_space<vmem>>) target(%dma_start3A_455 : memref<10240x128xf32, #tpu.memory_space<vmem_shared>>) offsets(%dma_start3A_452 : memref<128xi32, #tpu.memory_space<vmem>>) semaphore(%arg14 : memref<!tpu.dma_semaphore, #tpu.memory_space<semaphore_mem>>) {add = true}
      %ge3A_456 = arith.constant 1 : i32
      %ge3A_457 = arith.cmpi sge, %add3A_431, %ge3A_456 : i32
      %convert_element_type3A_458 = arith.extui %ge3A_457 : i1 to i32
      %cond3A_459 = arith.constant 0 : i32
      %cond3A_460 = arith.cmpi ne, %convert_element_type3A_458, %cond3A_459 : i32
      scf.if %cond3A_460 {
        %dma_wait3A_467 = arith.constant 0 : i32
        %dma_wait3A_468 = arith.constant 0 : i32
        %dma_wait3A_469 = arith.constant 0 : i32
        %dma_wait3A_470 = arith.constant 0 : i32
        %dma_wait3A_471 = tpu.memref_slice %arg7[%dma_wait3A_467, %dma_wait3A_469, %dma_wait3A_470] : memref<2x4x128xi32, #tpu.memory_space<vmem>> -> memref<1x4x128xi32, #tpu.memory_space<vmem>>
        %dma_wait3A_472 = tpu.memref_squeeze %dma_wait3A_471 : memref<1x4x128xi32, #tpu.memory_space<vmem>> -> memref<4x128xi32, #tpu.memory_space<vmem>>
        %dma_wait3A_473 = arith.constant 0 : i32
        %dma_wait3A_474 = tpu.memref_slice %dma_wait3A_472[%dma_wait3A_468, %dma_wait3A_473] : memref<4x128xi32, #tpu.memory_space<vmem>> -> memref<1x128xi32, #tpu.memory_space<vmem>>
        %dma_wait3A_475 = tpu.memref_squeeze %dma_wait3A_474 : memref<1x128xi32, #tpu.memory_space<vmem>> -> memref<128xi32, #tpu.memory_space<vmem>>
        %dma_wait3A_476 = arith.constant 0 : i32
        %dma_wait3A_477 = arith.constant 0 : i32
        %dma_wait3A_478 = tpu.memref_slice %arg10[%dma_wait3A_476, %dma_wait3A_477] : memref<10240x128xf32, #tpu.memory_space<vmem_shared>> -> memref<10240x128xf32, #tpu.memory_space<vmem_shared>>
        tpu.wait_indirect_dma semaphore(%arg13 : memref<!tpu.dma_semaphore, #tpu.memory_space<semaphore_mem>>) src(%arg8 : memref<128x128xf32, #tpu.memory_space<vmem>>) dst(%dma_wait3A_478 : memref<10240x128xf32, #tpu.memory_space<vmem_shared>>)
      } else {
      }
      %sub3A_461 = arith.constant 1 : i32
      %sub3A_462 = arith.subi %select_n3A_19, %sub3A_461 : i32
      %lt3A_463 = arith.cmpi slt, %add3A_286, %sub3A_462 : i32
      %convert_element_type3A_464 = arith.extui %lt3A_463 : i1 to i32
      %cond3A_465 = arith.constant 0 : i32
      %cond3A_466 = arith.cmpi ne, %convert_element_type3A_464, %cond3A_465 : i32
      scf.if %cond3A_466 {
        %dma_wait3A_467 = arith.constant 0 : i32
        %dma_wait3A_468 = arith.constant 0 : i32
        %dma_wait3A_469 = arith.constant 0 : i32
        %dma_wait3A_470 = tpu.memref_slice %arg6[%dma_wait3A_467, %dma_wait3A_468, %dma_wait3A_469] : memref<2x4x128xi32, #tpu.memory_space<vmem>> -> memref<1x4x128xi32, #tpu.memory_space<vmem>>
        %dma_wait3A_471 = tpu.memref_squeeze %dma_wait3A_470 : memref<1x4x128xi32, #tpu.memory_space<vmem>> -> memref<4x128xi32, #tpu.memory_space<vmem>>
        %dma_wait3A_472 = arith.constant 0 : i32
        %dma_wait3A_473 = tpu.memref_slice %arg3[%arg0, %mul3A, %dma_wait3A_472] : memref<2x1280x128xi32, #tpu.memory_space<hbm>> -> memref<1x4x128xi32, #tpu.memory_space<hbm>>
        %dma_wait3A_474 = tpu.memref_squeeze %dma_wait3A_473 : memref<1x4x128xi32, #tpu.memory_space<hbm>> -> memref<4x128xi32, #tpu.memory_space<hbm>>
        %dma_wait3A_475 = arith.constant 0 : i32
        %dma_wait3A_476 = arith.constant 0 : i32
        %dma_wait3A_477 = tpu.memref_slice %arg6[%dma_wait3A_467, %dma_wait3A_475, %dma_wait3A_476] : memref<2x4x128xi32, #tpu.memory_space<vmem>> -> memref<1x4x128xi32, #tpu.memory_space<vmem>>
        %dma_wait3A_478 = tpu.memref_squeeze %dma_wait3A_477 : memref<1x4x128xi32, #tpu.memory_space<vmem>> -> memref<4x128xi32, #tpu.memory_space<vmem>>
        %dma_wait3A_479 = arith.constant 0 : i32
        %dma_wait3A_480 = tpu.memref_slice %arg3[%arg0, %mul3A, %dma_wait3A_479] : memref<2x1280x128xi32, #tpu.memory_space<hbm>> -> memref<1x4x128xi32, #tpu.memory_space<hbm>>
        %dma_wait3A_481 = tpu.memref_squeeze %dma_wait3A_480 : memref<1x4x128xi32, #tpu.memory_space<hbm>> -> memref<4x128xi32, #tpu.memory_space<hbm>>
        tpu.wait_dma2 semaphore(%arg15 : memref<!tpu.dma_semaphore, #tpu.memory_space<semaphore_mem>>) src(%dma_wait3A_481 : memref<4x128xi32, #tpu.memory_space<hbm>>) dst(%dma_wait3A_478 : memref<4x128xi32, #tpu.memory_space<vmem>>)
        %dma_wait3A_482 = arith.constant 0 : i32
        %dma_wait3A_483 = arith.constant 0 : i32
        %dma_wait3A_484 = arith.constant 0 : i32
        %dma_wait3A_485 = tpu.memref_slice %arg7[%dma_wait3A_482, %dma_wait3A_483, %dma_wait3A_484] : memref<2x4x128xi32, #tpu.memory_space<vmem>> -> memref<1x4x128xi32, #tpu.memory_space<vmem>>
        %dma_wait3A_486 = tpu.memref_squeeze %dma_wait3A_485 : memref<1x4x128xi32, #tpu.memory_space<vmem>> -> memref<4x128xi32, #tpu.memory_space<vmem>>
        %dma_wait3A_487 = arith.constant 0 : i32
        %dma_wait3A_488 = tpu.memref_slice %arg4[%arg0, %mul3A, %dma_wait3A_487] : memref<2x1280x128xi32, #tpu.memory_space<hbm>> -> memref<1x4x128xi32, #tpu.memory_space<hbm>>
        %dma_wait3A_489 = tpu.memref_squeeze %dma_wait3A_488 : memref<1x4x128xi32, #tpu.memory_space<hbm>> -> memref<4x128xi32, #tpu.memory_space<hbm>>
        %dma_wait3A_490 = arith.constant 0 : i32
        %dma_wait3A_491 = arith.constant 0 : i32
        %dma_wait3A_492 = tpu.memref_slice %arg7[%dma_wait3A_482, %dma_wait3A_490, %dma_wait3A_491] : memref<2x4x128xi32, #tpu.memory_space<vmem>> -> memref<1x4x128xi32, #tpu.memory_space<vmem>>
        %dma_wait3A_493 = tpu.memref_squeeze %dma_wait3A_492 : memref<1x4x128xi32, #tpu.memory_space<vmem>> -> memref<4x128xi32, #tpu.memory_space<vmem>>
        %dma_wait3A_494 = arith.constant 0 : i32
        %dma_wait3A_495 = tpu.memref_slice %arg4[%arg0, %mul3A, %dma_wait3A_494] : memref<2x1280x128xi32, #tpu.memory_space<hbm>> -> memref<1x4x128xi32, #tpu.memory_space<hbm>>
        %dma_wait3A_496 = tpu.memref_squeeze %dma_wait3A_495 : memref<1x4x128xi32, #tpu.memory_space<hbm>> -> memref<4x128xi32, #tpu.memory_space<hbm>>
        tpu.wait_dma2 semaphore(%arg15 : memref<!tpu.dma_semaphore, #tpu.memory_space<semaphore_mem>>) src(%dma_wait3A_496 : memref<4x128xi32, #tpu.memory_space<hbm>>) dst(%dma_wait3A_493 : memref<4x128xi32, #tpu.memory_space<vmem>>)
        %dma_start3A_497 = arith.constant 0 : i32
        %dma_start3A_498 = arith.constant 0 : i32
        %dma_start3A_499 = arith.constant 0 : i32
        %dma_start3A_500 = arith.constant 0 : i32
        %dma_start3A_501 = tpu.memref_slice %arg6[%dma_start3A_497, %dma_start3A_499, %dma_start3A_500] : memref<2x4x128xi32, #tpu.memory_space<vmem>> -> memref<1x4x128xi32, #tpu.memory_space<vmem>>
        %dma_start3A_502 = tpu.memref_squeeze %dma_start3A_501 : memref<1x4x128xi32, #tpu.memory_space<vmem>> -> memref<4x128xi32, #tpu.memory_space<vmem>>
        %dma_start3A_503 = arith.constant 0 : i32
        %dma_start3A_504 = tpu.memref_slice %dma_start3A_502[%dma_start3A_498, %dma_start3A_503] : memref<4x128xi32, #tpu.memory_space<vmem>> -> memref<1x128xi32, #tpu.memory_space<vmem>>
        %dma_start3A_505 = tpu.memref_squeeze %dma_start3A_504 : memref<1x128xi32, #tpu.memory_space<vmem>> -> memref<128xi32, #tpu.memory_space<vmem>>
        %dma_start3A_506 = arith.constant 0 : i32
        %dma_start3A_507 = arith.constant 0 : i32
        %dma_start3A_508 = tpu.memref_slice %arg2[%dma_start3A_506, %dma_start3A_507] : memref<20000x128xf32, #tpu.memory_space<hbm>> -> memref<20000x128xf32, #tpu.memory_space<hbm>>
        tpu.enqueue_indirect_dma source(%dma_start3A_508 : memref<20000x128xf32, #tpu.memory_space<hbm>>) target(%arg8 : memref<128x128xf32, #tpu.memory_space<vmem>>) offsets(%dma_start3A_505 : memref<128xi32, #tpu.memory_space<vmem>>) semaphore(%arg11 : memref<!tpu.dma_semaphore, #tpu.memory_space<semaphore_mem>>)
      } else {
      }
    }
    %dma_wait3A = arith.constant 0 : i32
    %dma_wait3A_88 = arith.constant 0 : i32
    %dma_wait3A_89 = arith.constant 0 : i32
    %dma_wait3A_90 = arith.constant 0 : i32
    %dma_wait3A_91 = tpu.memref_slice %arg7[%dma_wait3A, %dma_wait3A_89, %dma_wait3A_90] : memref<2x4x128xi32, #tpu.memory_space<vmem>> -> memref<1x4x128xi32, #tpu.memory_space<vmem>>
    %dma_wait3A_92 = tpu.memref_squeeze %dma_wait3A_91 : memref<1x4x128xi32, #tpu.memory_space<vmem>> -> memref<4x128xi32, #tpu.memory_space<vmem>>
    %dma_wait3A_93 = arith.constant 0 : i32
    %dma_wait3A_94 = tpu.memref_slice %dma_wait3A_92[%dma_wait3A_88, %dma_wait3A_93] : memref<4x128xi32, #tpu.memory_space<vmem>> -> memref<1x128xi32, #tpu.memory_space<vmem>>
    %dma_wait3A_95 = tpu.memref_squeeze %dma_wait3A_94 : memref<1x128xi32, #tpu.memory_space<vmem>> -> memref<128xi32, #tpu.memory_space<vmem>>
    %dma_wait3A_96 = arith.constant 0 : i32
    %dma_wait3A_97 = arith.constant 0 : i32
    %dma_wait3A_98 = tpu.memref_slice %arg10[%dma_wait3A_96, %dma_wait3A_97] : memref<10240x128xf32, #tpu.memory_space<vmem_shared>> -> memref<10240x128xf32, #tpu.memory_space<vmem_shared>>
    tpu.wait_indirect_dma semaphore(%arg14 : memref<!tpu.dma_semaphore, #tpu.memory_space<semaphore_mem>>) src(%arg9 : memref<128x128xf32, #tpu.memory_space<vmem>>) dst(%dma_wait3A_98 : memref<10240x128xf32, #tpu.memory_space<vmem_shared>>)
    %barrier3A_99 = arith.constant 0 : index
    tpu.barrier barrier_id(%barrier3A_99)
    %mul3A_100 = arith.constant 640 : i32
    %mul3A_101 = arith.muli %arg1, %mul3A_100 : i32
    %mul3A_102 = arith.constant 640 : i32
    %mul3A_103 = arith.muli %arg1, %mul3A_102 : i32
    "tpu.region"() ({
      %run_scoped3A_104 = tpu.sem_alloc : memref<!tpu.dma_semaphore, #tpu.memory_space<semaphore_mem>>
      %dma_start3A_105 = arith.constant 0 : i32
      %dma_start3A_106 = tpu.memref_slice %arg5[%arg0, %mul3A_103, %dma_start3A_105] : memref<2x10240x128xf32, #tpu.memory_space<hbm>> -> memref<1x640x128xf32, #tpu.memory_space<hbm>>
      %dma_start3A_107 = tpu.memref_squeeze %dma_start3A_106 : memref<1x640x128xf32, #tpu.memory_space<hbm>> -> memref<640x128xf32, #tpu.memory_space<hbm>>
      %dma_start3A_108 = arith.constant 0 : i32
      %dma_start3A_109 = tpu.memref_slice %arg10[%mul3A_101, %dma_start3A_108] : memref<10240x128xf32, #tpu.memory_space<vmem_shared>> -> memref<640x128xf32, #tpu.memory_space<vmem_shared>>
      tpu.enqueue_dma source(%dma_start3A_109 : memref<640x128xf32, #tpu.memory_space<vmem_shared>>) target(%dma_start3A_107 : memref<640x128xf32, #tpu.memory_space<hbm>>) target_semaphore(%run_scoped3A_104 : memref<!tpu.dma_semaphore, #tpu.memory_space<semaphore_mem>>)
      %dma_wait3A_110 = arith.constant 0 : i32
      %dma_wait3A_111 = tpu.memref_slice %arg5[%arg0, %mul3A_103, %dma_wait3A_110] : memref<2x10240x128xf32, #tpu.memory_space<hbm>> -> memref<1x640x128xf32, #tpu.memory_space<hbm>>
      %dma_wait3A_112 = tpu.memref_squeeze %dma_wait3A_111 : memref<1x640x128xf32, #tpu.memory_space<hbm>> -> memref<640x128xf32, #tpu.memory_space<hbm>>
      %dma_wait3A_113 = arith.constant 0 : i32
      %dma_wait3A_114 = tpu.memref_slice %arg10[%mul3A_101, %dma_wait3A_113] : memref<10240x128xf32, #tpu.memory_space<vmem_shared>> -> memref<640x128xf32, #tpu.memory_space<vmem_shared>>
      tpu.wait_dma2 semaphore(%run_scoped3A_104 : memref<!tpu.dma_semaphore, #tpu.memory_space<semaphore_mem>>) src(%dma_wait3A_114 : memref<640x128xf32, #tpu.memory_space<vmem_shared>>) dst(%dma_wait3A_112 : memref<640x128xf32, #tpu.memory_space<hbm>>)
      tpu.yield
    }) : () -> ()
    return
  }
}

#map = affine_map<(d0, d1) -> (0, 0)>
#map1 = affine_map<(d0, d1) -> (0, 0, 0)>
module attributes {stable_mosaic.version = 14 : i64} {
  func.func @k(%arg0: i32, %arg1: i32, %arg2: memref<10000x128xf32, #tpu.memory_space<hbm>>, %arg3: memref<2x1152x128xi32, #tpu.memory_space<hbm>>, %arg4: memref<2x1152x128xi32, #tpu.memory_space<hbm>>, %arg5: memref<2x10240x128xf32, #tpu.memory_space<hbm>>, %arg6: memref<2x4x128xi32, #tpu.memory_space<vmem>>, %arg7: memref<2x4x128xi32, #tpu.memory_space<vmem>>, %arg8: memref<128x128xf32, #tpu.memory_space<vmem>>, %arg9: memref<128x128xf32, #tpu.memory_space<vmem>>, %arg10: memref<10240x128xf32, #tpu.memory_space<vmem_shared>>, %arg11: memref<!tpu.dma_semaphore, #tpu.memory_space<semaphore_mem>>, %arg12: memref<!tpu.dma_semaphore, #tpu.memory_space<semaphore_mem>>, %arg13: memref<!tpu.dma_semaphore, #tpu.memory_space<semaphore_mem>>, %arg14: memref<!tpu.dma_semaphore, #tpu.memory_space<semaphore_mem>>, %arg15: memref<!tpu.dma_semaphore, #tpu.memory_space<semaphore_mem>>) attributes {dimension_semantics = [#tpu.dimension_semantics<core_parallel>, #tpu.dimension_semantics<subcore_parallel>], iteration_bounds = array<i64: 2, 16>, scalar_prefetch = 0 : i64, scratch_operands = 10 : i64, tpu.core_type = #tpu.core_type<sc_vector_subcore>, window_params = [{transform_indices = #map}, {transform_indices = #map1}, {transform_indices = #map1}, {transform_indices = #map1}]} {
    %eq3A = arith.constant 0 : i32
    %eq3A_0 = arith.cmpi eq, %arg0, %eq3A : i32
    %jit3A = arith.constant 72 : i32
    %jit3A_1 = arith.constant 8 : i32
    %select_n3A = arith.select %eq3A_0, %jit3A, %jit3A_1 : i32
    %jit3A_2 = arith.constant 4 : i32
    %div3A = arith.divsi %select_n3A, %jit3A_2 : i32
    %sign3A = arith.constant 0 : i32
    %sign3A_3 = arith.cmpi sgt, %select_n3A, %sign3A : i32
    %sign3A_4 = arith.extui %sign3A_3 : i1 to i32
    %sign3A_5 = arith.constant 0 : i32
    %sign3A_6 = arith.cmpi slt, %select_n3A, %sign3A_5 : i32
    %sign3A_7 = arith.extui %sign3A_6 : i1 to i32
    %sign3A_8 = arith.subi %sign3A_4, %sign3A_7 : i32
    %sign3A_9 = arith.constant 0 : i32
    %sign3A_10 = arith.cmpi sgt, %jit3A_2, %sign3A_9 : i32
    %sign3A_11 = arith.extui %sign3A_10 : i1 to i32
    %sign3A_12 = arith.constant 0 : i32
    %sign3A_13 = arith.cmpi slt, %jit3A_2, %sign3A_12 : i32
    %sign3A_14 = arith.extui %sign3A_13 : i1 to i32
    %sign3A_15 = arith.subi %sign3A_11, %sign3A_14 : i32
    %ne3A = arith.cmpi ne, %sign3A_8, %sign3A_15 : i32
    %rem3A = arith.remsi %select_n3A, %jit3A_2 : i32
    %ne3A_16 = arith.constant 0 : i32
    %ne3A_17 = arith.cmpi ne, %rem3A, %ne3A_16 : i32
    %and3A = arith.andi %ne3A, %ne3A_17 : i1
    %sub3A = arith.constant 1 : i32
    %sub3A_18 = arith.subi %div3A, %sub3A : i32
    %select_n3A_19 = arith.select %and3A, %sub3A_18, %div3A : i32
    %mul3A = arith.muli %arg1, %select_n3A : i32
    %broadcast_in_dim3A = arith.constant 0.000000e+00 : f32
    %broadcast_in_dim3A_20 = vector.broadcast %broadcast_in_dim3A : f32 to vector<16xf32>
    %scan3A = arith.constant 0 : i32
    %scan3A_21 = arith.constant 128 : i32
    %scan3A_22 = arith.addi %scan3A, %scan3A_21 : i32
    %scan3A_23 = arith.constant 1 : i32
    scf.for %scan3A_104 = %scan3A to %scan3A_22 step %scan3A_23  : i32 {
      %swap3A = arith.index_cast %scan3A_104 : i32 to index
      %swap3A_105 = arith.constant 0 : index
      %swap3A_106 = tpu.vector_load %arg8[%swap3A, %swap3A_105] {strides = array<i32>} : memref<128x128xf32, #tpu.memory_space<vmem>>, vector<1x16xf32>,
      %swap3A_107 = vector.shape_cast %swap3A_106 : vector<1x16xf32> to vector<16xf32>
      %swap3A_108 = vector.shape_cast %broadcast_in_dim3A_20 : vector<16xf32> to vector<1x16xf32>
      tpu.vector_store %arg8[%swap3A, %swap3A_105], %swap3A_108 {strides = array<i32>} : memref<128x128xf32, #tpu.memory_space<vmem>>, vector<1x16xf32>,
      %swap3A_109 = arith.index_cast %scan3A_104 : i32 to index
      %swap3A_110 = arith.constant 16 : index
      %swap3A_111 = tpu.vector_load %arg8[%swap3A_109, %swap3A_110] {strides = array<i32>} : memref<128x128xf32, #tpu.memory_space<vmem>>, vector<1x16xf32>,
      %swap3A_112 = vector.shape_cast %swap3A_111 : vector<1x16xf32> to vector<16xf32>
      %swap3A_113 = vector.shape_cast %broadcast_in_dim3A_20 : vector<16xf32> to vector<1x16xf32>
      tpu.vector_store %arg8[%swap3A_109, %swap3A_110], %swap3A_113 {strides = array<i32>} : memref<128x128xf32, #tpu.memory_space<vmem>>, vector<1x16xf32>,
      %swap3A_114 = arith.index_cast %scan3A_104 : i32 to index
      %swap3A_115 = arith.constant 32 : index
      %swap3A_116 = tpu.vector_load %arg8[%swap3A_114, %swap3A_115] {strides = array<i32>} : memref<128x128xf32, #tpu.memory_space<vmem>>, vector<1x16xf32>,
      %swap3A_117 = vector.shape_cast %swap3A_116 : vector<1x16xf32> to vector<16xf32>
      %swap3A_118 = vector.shape_cast %broadcast_in_dim3A_20 : vector<16xf32> to vector<1x16xf32>
      tpu.vector_store %arg8[%swap3A_114, %swap3A_115], %swap3A_118 {strides = array<i32>} : memref<128x128xf32, #tpu.memory_space<vmem>>, vector<1x16xf32>,
      %swap3A_119 = arith.index_cast %scan3A_104 : i32 to index
      %swap3A_120 = arith.constant 48 : index
      %swap3A_121 = tpu.vector_load %arg8[%swap3A_119, %swap3A_120] {strides = array<i32>} : memref<128x128xf32, #tpu.memory_space<vmem>>, vector<1x16xf32>,
      %swap3A_122 = vector.shape_cast %swap3A_121 : vector<1x16xf32> to vector<16xf32>
      %swap3A_123 = vector.shape_cast %broadcast_in_dim3A_20 : vector<16xf32> to vector<1x16xf32>
      tpu.vector_store %arg8[%swap3A_119, %swap3A_120], %swap3A_123 {strides = array<i32>} : memref<128x128xf32, #tpu.memory_space<vmem>>, vector<1x16xf32>,
      %swap3A_124 = arith.index_cast %scan3A_104 : i32 to index
      %swap3A_125 = arith.constant 64 : index
      %swap3A_126 = tpu.vector_load %arg8[%swap3A_124, %swap3A_125] {strides = array<i32>} : memref<128x128xf32, #tpu.memory_space<vmem>>, vector<1x16xf32>,
      %swap3A_127 = vector.shape_cast %swap3A_126 : vector<1x16xf32> to vector<16xf32>
      %swap3A_128 = vector.shape_cast %broadcast_in_dim3A_20 : vector<16xf32> to vector<1x16xf32>
      tpu.vector_store %arg8[%swap3A_124, %swap3A_125], %swap3A_128 {strides = array<i32>} : memref<128x128xf32, #tpu.memory_space<vmem>>, vector<1x16xf32>,
      %swap3A_129 = arith.index_cast %scan3A_104 : i32 to index
      %swap3A_130 = arith.constant 80 : index
      %swap3A_131 = tpu.vector_load %arg8[%swap3A_129, %swap3A_130] {strides = array<i32>} : memref<128x128xf32, #tpu.memory_space<vmem>>, vector<1x16xf32>,
      %swap3A_132 = vector.shape_cast %swap3A_131 : vector<1x16xf32> to vector<16xf32>
      %swap3A_133 = vector.shape_cast %broadcast_in_dim3A_20 : vector<16xf32> to vector<1x16xf32>
      tpu.vector_store %arg8[%swap3A_129, %swap3A_130], %swap3A_133 {strides = array<i32>} : memref<128x128xf32, #tpu.memory_space<vmem>>, vector<1x16xf32>,
      %swap3A_134 = arith.index_cast %scan3A_104 : i32 to index
      %swap3A_135 = arith.constant 96 : index
      %swap3A_136 = tpu.vector_load %arg8[%swap3A_134, %swap3A_135] {strides = array<i32>} : memref<128x128xf32, #tpu.memory_space<vmem>>, vector<1x16xf32>,
      %swap3A_137 = vector.shape_cast %swap3A_136 : vector<1x16xf32> to vector<16xf32>
      %swap3A_138 = vector.shape_cast %broadcast_in_dim3A_20 : vector<16xf32> to vector<1x16xf32>
      tpu.vector_store %arg8[%swap3A_134, %swap3A_135], %swap3A_138 {strides = array<i32>} : memref<128x128xf32, #tpu.memory_space<vmem>>, vector<1x16xf32>,
      %swap3A_139 = arith.index_cast %scan3A_104 : i32 to index
      %swap3A_140 = arith.constant 112 : index
      %swap3A_141 = tpu.vector_load %arg8[%swap3A_139, %swap3A_140] {strides = array<i32>} : memref<128x128xf32, #tpu.memory_space<vmem>>, vector<1x16xf32>,
      %swap3A_142 = vector.shape_cast %swap3A_141 : vector<1x16xf32> to vector<16xf32>
      %swap3A_143 = vector.shape_cast %broadcast_in_dim3A_20 : vector<16xf32> to vector<1x16xf32>
      tpu.vector_store %arg8[%swap3A_139, %swap3A_140], %swap3A_143 {strides = array<i32>} : memref<128x128xf32, #tpu.memory_space<vmem>>, vector<1x16xf32>,
    }
    %scan3A_24 = arith.constant 128 : i32
    %mul3A_25 = arith.constant 640 : i32
    %mul3A_26 = arith.muli %arg1, %mul3A_25 : i32
    %add3A = arith.constant 0 : i32
    %add3A_27 = arith.addi %mul3A_26, %add3A : i32
    "tpu.region"() ({
      %run_scoped3A_104 = tpu.sem_alloc : memref<!tpu.dma_semaphore, #tpu.memory_space<semaphore_mem>>
      %dma_start3A_105 = arith.constant 0 : i32
      %dma_start3A_106 = tpu.memref_slice %arg10[%add3A_27, %dma_start3A_105] : memref<10240x128xf32, #tpu.memory_space<vmem_shared>> -> memref<128x128xf32, #tpu.memory_space<vmem_shared>>
      %dma_start3A_107 = arith.constant 0 : i32
      %dma_start3A_108 = tpu.memref_slice %arg10[%add3A_27, %dma_start3A_107] : memref<10240x128xf32, #tpu.memory_space<vmem_shared>> -> memref<128x128xf32, #tpu.memory_space<vmem_shared>>
      tpu.enqueue_dma source(%arg8 : memref<128x128xf32, #tpu.memory_space<vmem>>) target(%dma_start3A_108 : memref<128x128xf32, #tpu.memory_space<vmem_shared>>) target_semaphore(%run_scoped3A_104 : memref<!tpu.dma_semaphore, #tpu.memory_space<semaphore_mem>>)
      %dma_wait3A_109 = arith.constant 0 : i32
      %dma_wait3A_110 = tpu.memref_slice %arg10[%add3A_27, %dma_wait3A_109] : memref<10240x128xf32, #tpu.memory_space<vmem_shared>> -> memref<128x128xf32, #tpu.memory_space<vmem_shared>>
      %dma_wait3A_111 = arith.constant 0 : i32
      %dma_wait3A_112 = tpu.memref_slice %arg10[%add3A_27, %dma_wait3A_111] : memref<10240x128xf32, #tpu.memory_space<vmem_shared>> -> memref<128x128xf32, #tpu.memory_space<vmem_shared>>
      tpu.wait_dma2 semaphore(%run_scoped3A_104 : memref<!tpu.dma_semaphore, #tpu.memory_space<semaphore_mem>>) src(%arg8 : memref<128x128xf32, #tpu.memory_space<vmem>>) dst(%dma_wait3A_112 : memref<128x128xf32, #tpu.memory_space<vmem_shared>>)
      tpu.yield
    }) : () -> ()
    %mul3A_28 = arith.constant 640 : i32
    %mul3A_29 = arith.muli %arg1, %mul3A_28 : i32
    %add3A_30 = arith.constant 128 : i32
    %add3A_31 = arith.addi %mul3A_29, %add3A_30 : i32
    "tpu.region"() ({
      %run_scoped3A_104 = tpu.sem_alloc : memref<!tpu.dma_semaphore, #tpu.memory_space<semaphore_mem>>
      %dma_start3A_105 = arith.constant 0 : i32
      %dma_start3A_106 = tpu.memref_slice %arg10[%add3A_31, %dma_start3A_105] : memref<10240x128xf32, #tpu.memory_space<vmem_shared>> -> memref<128x128xf32, #tpu.memory_space<vmem_shared>>
      %dma_start3A_107 = arith.constant 0 : i32
      %dma_start3A_108 = tpu.memref_slice %arg10[%add3A_31, %dma_start3A_107] : memref<10240x128xf32, #tpu.memory_space<vmem_shared>> -> memref<128x128xf32, #tpu.memory_space<vmem_shared>>
      tpu.enqueue_dma source(%arg8 : memref<128x128xf32, #tpu.memory_space<vmem>>) target(%dma_start3A_108 : memref<128x128xf32, #tpu.memory_space<vmem_shared>>) target_semaphore(%run_scoped3A_104 : memref<!tpu.dma_semaphore, #tpu.memory_space<semaphore_mem>>)
      %dma_wait3A_109 = arith.constant 0 : i32
      %dma_wait3A_110 = tpu.memref_slice %arg10[%add3A_31, %dma_wait3A_109] : memref<10240x128xf32, #tpu.memory_space<vmem_shared>> -> memref<128x128xf32, #tpu.memory_space<vmem_shared>>
      %dma_wait3A_111 = arith.constant 0 : i32
      %dma_wait3A_112 = tpu.memref_slice %arg10[%add3A_31, %dma_wait3A_111] : memref<10240x128xf32, #tpu.memory_space<vmem_shared>> -> memref<128x128xf32, #tpu.memory_space<vmem_shared>>
      tpu.wait_dma2 semaphore(%run_scoped3A_104 : memref<!tpu.dma_semaphore, #tpu.memory_space<semaphore_mem>>) src(%arg8 : memref<128x128xf32, #tpu.memory_space<vmem>>) dst(%dma_wait3A_112 : memref<128x128xf32, #tpu.memory_space<vmem_shared>>)
      tpu.yield
    }) : () -> ()
    %mul3A_32 = arith.constant 640 : i32
    %mul3A_33 = arith.muli %arg1, %mul3A_32 : i32
    %add3A_34 = arith.constant 256 : i32
    %add3A_35 = arith.addi %mul3A_33, %add3A_34 : i32
    "tpu.region"() ({
      %run_scoped3A_104 = tpu.sem_alloc : memref<!tpu.dma_semaphore, #tpu.memory_space<semaphore_mem>>
      %dma_start3A_105 = arith.constant 0 : i32
      %dma_start3A_106 = tpu.memref_slice %arg10[%add3A_35, %dma_start3A_105] : memref<10240x128xf32, #tpu.memory_space<vmem_shared>> -> memref<128x128xf32, #tpu.memory_space<vmem_shared>>
      %dma_start3A_107 = arith.constant 0 : i32
      %dma_start3A_108 = tpu.memref_slice %arg10[%add3A_35, %dma_start3A_107] : memref<10240x128xf32, #tpu.memory_space<vmem_shared>> -> memref<128x128xf32, #tpu.memory_space<vmem_shared>>
      tpu.enqueue_dma source(%arg8 : memref<128x128xf32, #tpu.memory_space<vmem>>) target(%dma_start3A_108 : memref<128x128xf32, #tpu.memory_space<vmem_shared>>) target_semaphore(%run_scoped3A_104 : memref<!tpu.dma_semaphore, #tpu.memory_space<semaphore_mem>>)
      %dma_wait3A_109 = arith.constant 0 : i32
      %dma_wait3A_110 = tpu.memref_slice %arg10[%add3A_35, %dma_wait3A_109] : memref<10240x128xf32, #tpu.memory_space<vmem_shared>> -> memref<128x128xf32, #tpu.memory_space<vmem_shared>>
      %dma_wait3A_111 = arith.constant 0 : i32
      %dma_wait3A_112 = tpu.memref_slice %arg10[%add3A_35, %dma_wait3A_111] : memref<10240x128xf32, #tpu.memory_space<vmem_shared>> -> memref<128x128xf32, #tpu.memory_space<vmem_shared>>
      tpu.wait_dma2 semaphore(%run_scoped3A_104 : memref<!tpu.dma_semaphore, #tpu.memory_space<semaphore_mem>>) src(%arg8 : memref<128x128xf32, #tpu.memory_space<vmem>>) dst(%dma_wait3A_112 : memref<128x128xf32, #tpu.memory_space<vmem_shared>>)
      tpu.yield
    }) : () -> ()
    %mul3A_36 = arith.constant 640 : i32
    %mul3A_37 = arith.muli %arg1, %mul3A_36 : i32
    %add3A_38 = arith.constant 384 : i32
    %add3A_39 = arith.addi %mul3A_37, %add3A_38 : i32
    "tpu.region"() ({
      %run_scoped3A_104 = tpu.sem_alloc : memref<!tpu.dma_semaphore, #tpu.memory_space<semaphore_mem>>
      %dma_start3A_105 = arith.constant 0 : i32
      %dma_start3A_106 = tpu.memref_slice %arg10[%add3A_39, %dma_start3A_105] : memref<10240x128xf32, #tpu.memory_space<vmem_shared>> -> memref<128x128xf32, #tpu.memory_space<vmem_shared>>
      %dma_start3A_107 = arith.constant 0 : i32
      %dma_start3A_108 = tpu.memref_slice %arg10[%add3A_39, %dma_start3A_107] : memref<10240x128xf32, #tpu.memory_space<vmem_shared>> -> memref<128x128xf32, #tpu.memory_space<vmem_shared>>
      tpu.enqueue_dma source(%arg8 : memref<128x128xf32, #tpu.memory_space<vmem>>) target(%dma_start3A_108 : memref<128x128xf32, #tpu.memory_space<vmem_shared>>) target_semaphore(%run_scoped3A_104 : memref<!tpu.dma_semaphore, #tpu.memory_space<semaphore_mem>>)
      %dma_wait3A_109 = arith.constant 0 : i32
      %dma_wait3A_110 = tpu.memref_slice %arg10[%add3A_39, %dma_wait3A_109] : memref<10240x128xf32, #tpu.memory_space<vmem_shared>> -> memref<128x128xf32, #tpu.memory_space<vmem_shared>>
      %dma_wait3A_111 = arith.constant 0 : i32
      %dma_wait3A_112 = tpu.memref_slice %arg10[%add3A_39, %dma_wait3A_111] : memref<10240x128xf32, #tpu.memory_space<vmem_shared>> -> memref<128x128xf32, #tpu.memory_space<vmem_shared>>
      tpu.wait_dma2 semaphore(%run_scoped3A_104 : memref<!tpu.dma_semaphore, #tpu.memory_space<semaphore_mem>>) src(%arg8 : memref<128x128xf32, #tpu.memory_space<vmem>>) dst(%dma_wait3A_112 : memref<128x128xf32, #tpu.memory_space<vmem_shared>>)
      tpu.yield
    }) : () -> ()
    %mul3A_40 = arith.constant 640 : i32
    %mul3A_41 = arith.muli %arg1, %mul3A_40 : i32
    %add3A_42 = arith.constant 512 : i32
    %add3A_43 = arith.addi %mul3A_41, %add3A_42 : i32
    "tpu.region"() ({
      %run_scoped3A_104 = tpu.sem_alloc : memref<!tpu.dma_semaphore, #tpu.memory_space<semaphore_mem>>
      %dma_start3A_105 = arith.constant 0 : i32
      %dma_start3A_106 = tpu.memref_slice %arg10[%add3A_43, %dma_start3A_105] : memref<10240x128xf32, #tpu.memory_space<vmem_shared>> -> memref<128x128xf32, #tpu.memory_space<vmem_shared>>
      %dma_start3A_107 = arith.constant 0 : i32
      %dma_start3A_108 = tpu.memref_slice %arg10[%add3A_43, %dma_start3A_107] : memref<10240x128xf32, #tpu.memory_space<vmem_shared>> -> memref<128x128xf32, #tpu.memory_space<vmem_shared>>
      tpu.enqueue_dma source(%arg8 : memref<128x128xf32, #tpu.memory_space<vmem>>) target(%dma_start3A_108 : memref<128x128xf32, #tpu.memory_space<vmem_shared>>) target_semaphore(%run_scoped3A_104 : memref<!tpu.dma_semaphore, #tpu.memory_space<semaphore_mem>>)
      %dma_wait3A_109 = arith.constant 0 : i32
      %dma_wait3A_110 = tpu.memref_slice %arg10[%add3A_43, %dma_wait3A_109] : memref<10240x128xf32, #tpu.memory_space<vmem_shared>> -> memref<128x128xf32, #tpu.memory_space<vmem_shared>>
      %dma_wait3A_111 = arith.constant 0 : i32
      %dma_wait3A_112 = tpu.memref_slice %arg10[%add3A_43, %dma_wait3A_111] : memref<10240x128xf32, #tpu.memory_space<vmem_shared>> -> memref<128x128xf32, #tpu.memory_space<vmem_shared>>
      tpu.wait_dma2 semaphore(%run_scoped3A_104 : memref<!tpu.dma_semaphore, #tpu.memory_space<semaphore_mem>>) src(%arg8 : memref<128x128xf32, #tpu.memory_space<vmem>>) dst(%dma_wait3A_112 : memref<128x128xf32, #tpu.memory_space<vmem_shared>>)
      tpu.yield
    }) : () -> ()
    %run_scoped3A = arith.constant 0 : i32
    "tpu.region"() ({
      %run_scoped3A_104 = tpu.sem_alloc : memref<!tpu.dma_semaphore, #tpu.memory_space<semaphore_mem>>
      %dma_start3A_105 = arith.constant 0 : i32
      %dma_start3A_106 = arith.constant 0 : i32
      %dma_start3A_107 = tpu.memref_slice %arg6[%run_scoped3A, %dma_start3A_105, %dma_start3A_106] : memref<2x4x128xi32, #tpu.memory_space<vmem>> -> memref<1x4x128xi32, #tpu.memory_space<vmem>>
      %dma_start3A_108 = tpu.memref_squeeze %dma_start3A_107 : memref<1x4x128xi32, #tpu.memory_space<vmem>> -> memref<4x128xi32, #tpu.memory_space<vmem>>
      %dma_start3A_109 = arith.constant 0 : i32
      %dma_start3A_110 = tpu.memref_slice %arg3[%arg0, %mul3A, %dma_start3A_109] : memref<2x1152x128xi32, #tpu.memory_space<hbm>> -> memref<1x4x128xi32, #tpu.memory_space<hbm>>
      %dma_start3A_111 = tpu.memref_squeeze %dma_start3A_110 : memref<1x4x128xi32, #tpu.memory_space<hbm>> -> memref<4x128xi32, #tpu.memory_space<hbm>>
      %dma_start3A_112 = arith.constant 0 : i32
      %dma_start3A_113 = arith.constant 0 : i32
      %dma_start3A_114 = tpu.memref_slice %arg6[%run_scoped3A, %dma_start3A_112, %dma_start3A_113] : memref<2x4x128xi32, #tpu.memory_space<vmem>> -> memref<1x4x128xi32, #tpu.memory_space<vmem>>
      %dma_start3A_115 = tpu.memref_squeeze %dma_start3A_114 : memref<1x4x128xi32, #tpu.memory_space<vmem>> -> memref<4x128xi32, #tpu.memory_space<vmem>>
      %dma_start3A_116 = arith.constant 0 : i32
      %dma_start3A_117 = tpu.memref_slice %arg3[%arg0, %mul3A, %dma_start3A_116] : memref<2x1152x128xi32, #tpu.memory_space<hbm>> -> memref<1x4x128xi32, #tpu.memory_space<hbm>>
      %dma_start3A_118 = tpu.memref_squeeze %dma_start3A_117 : memref<1x4x128xi32, #tpu.memory_space<hbm>> -> memref<4x128xi32, #tpu.memory_space<hbm>>
      tpu.enqueue_dma source(%dma_start3A_118 : memref<4x128xi32, #tpu.memory_space<hbm>>) target(%dma_start3A_115 : memref<4x128xi32, #tpu.memory_space<vmem>>) target_semaphore(%run_scoped3A_104 : memref<!tpu.dma_semaphore, #tpu.memory_space<semaphore_mem>>)
      %dma_wait3A_119 = arith.constant 0 : i32
      %dma_wait3A_120 = arith.constant 0 : i32
      %dma_wait3A_121 = tpu.memref_slice %arg6[%run_scoped3A, %dma_wait3A_119, %dma_wait3A_120] : memref<2x4x128xi32, #tpu.memory_space<vmem>> -> memref<1x4x128xi32, #tpu.memory_space<vmem>>
      %dma_wait3A_122 = tpu.memref_squeeze %dma_wait3A_121 : memref<1x4x128xi32, #tpu.memory_space<vmem>> -> memref<4x128xi32, #tpu.memory_space<vmem>>
      %dma_wait3A_123 = arith.constant 0 : i32
      %dma_wait3A_124 = tpu.memref_slice %arg3[%arg0, %mul3A, %dma_wait3A_123] : memref<2x1152x128xi32, #tpu.memory_space<hbm>> -> memref<1x4x128xi32, #tpu.memory_space<hbm>>
      %dma_wait3A_125 = tpu.memref_squeeze %dma_wait3A_124 : memref<1x4x128xi32, #tpu.memory_space<hbm>> -> memref<4x128xi32, #tpu.memory_space<hbm>>
      %dma_wait3A_126 = arith.constant 0 : i32
      %dma_wait3A_127 = arith.constant 0 : i32
      %dma_wait3A_128 = tpu.memref_slice %arg6[%run_scoped3A, %dma_wait3A_126, %dma_wait3A_127] : memref<2x4x128xi32, #tpu.memory_space<vmem>> -> memref<1x4x128xi32, #tpu.memory_space<vmem>>
      %dma_wait3A_129 = tpu.memref_squeeze %dma_wait3A_128 : memref<1x4x128xi32, #tpu.memory_space<vmem>> -> memref<4x128xi32, #tpu.memory_space<vmem>>
      %dma_wait3A_130 = arith.constant 0 : i32
      %dma_wait3A_131 = tpu.memref_slice %arg3[%arg0, %mul3A, %dma_wait3A_130] : memref<2x1152x128xi32, #tpu.memory_space<hbm>> -> memref<1x4x128xi32, #tpu.memory_space<hbm>>
      %dma_wait3A_132 = tpu.memref_squeeze %dma_wait3A_131 : memref<1x4x128xi32, #tpu.memory_space<hbm>> -> memref<4x128xi32, #tpu.memory_space<hbm>>
      tpu.wait_dma2 semaphore(%run_scoped3A_104 : memref<!tpu.dma_semaphore, #tpu.memory_space<semaphore_mem>>) src(%dma_wait3A_132 : memref<4x128xi32, #tpu.memory_space<hbm>>) dst(%dma_wait3A_129 : memref<4x128xi32, #tpu.memory_space<vmem>>)
      tpu.yield
    }) : () -> ()
    %run_scoped3A_44 = arith.constant 0 : i32
    "tpu.region"() ({
      %run_scoped3A_104 = tpu.sem_alloc : memref<!tpu.dma_semaphore, #tpu.memory_space<semaphore_mem>>
      %dma_start3A_105 = arith.constant 0 : i32
      %dma_start3A_106 = arith.constant 0 : i32
      %dma_start3A_107 = tpu.memref_slice %arg7[%run_scoped3A_44, %dma_start3A_105, %dma_start3A_106] : memref<2x4x128xi32, #tpu.memory_space<vmem>> -> memref<1x4x128xi32, #tpu.memory_space<vmem>>
      %dma_start3A_108 = tpu.memref_squeeze %dma_start3A_107 : memref<1x4x128xi32, #tpu.memory_space<vmem>> -> memref<4x128xi32, #tpu.memory_space<vmem>>
      %dma_start3A_109 = arith.constant 0 : i32
      %dma_start3A_110 = tpu.memref_slice %arg4[%arg0, %mul3A, %dma_start3A_109] : memref<2x1152x128xi32, #tpu.memory_space<hbm>> -> memref<1x4x128xi32, #tpu.memory_space<hbm>>
      %dma_start3A_111 = tpu.memref_squeeze %dma_start3A_110 : memref<1x4x128xi32, #tpu.memory_space<hbm>> -> memref<4x128xi32, #tpu.memory_space<hbm>>
      %dma_start3A_112 = arith.constant 0 : i32
      %dma_start3A_113 = arith.constant 0 : i32
      %dma_start3A_114 = tpu.memref_slice %arg7[%run_scoped3A_44, %dma_start3A_112, %dma_start3A_113] : memref<2x4x128xi32, #tpu.memory_space<vmem>> -> memref<1x4x128xi32, #tpu.memory_space<vmem>>
      %dma_start3A_115 = tpu.memref_squeeze %dma_start3A_114 : memref<1x4x128xi32, #tpu.memory_space<vmem>> -> memref<4x128xi32, #tpu.memory_space<vmem>>
      %dma_start3A_116 = arith.constant 0 : i32
      %dma_start3A_117 = tpu.memref_slice %arg4[%arg0, %mul3A, %dma_start3A_116] : memref<2x1152x128xi32, #tpu.memory_space<hbm>> -> memref<1x4x128xi32, #tpu.memory_space<hbm>>
      %dma_start3A_118 = tpu.memref_squeeze %dma_start3A_117 : memref<1x4x128xi32, #tpu.memory_space<hbm>> -> memref<4x128xi32, #tpu.memory_space<hbm>>
      tpu.enqueue_dma source(%dma_start3A_118 : memref<4x128xi32, #tpu.memory_space<hbm>>) target(%dma_start3A_115 : memref<4x128xi32, #tpu.memory_space<vmem>>) target_semaphore(%run_scoped3A_104 : memref<!tpu.dma_semaphore, #tpu.memory_space<semaphore_mem>>)
      %dma_wait3A_119 = arith.constant 0 : i32
      %dma_wait3A_120 = arith.constant 0 : i32
      %dma_wait3A_121 = tpu.memref_slice %arg7[%run_scoped3A_44, %dma_wait3A_119, %dma_wait3A_120] : memref<2x4x128xi32, #tpu.memory_space<vmem>> -> memref<1x4x128xi32, #tpu.memory_space<vmem>>
      %dma_wait3A_122 = tpu.memref_squeeze %dma_wait3A_121 : memref<1x4x128xi32, #tpu.memory_space<vmem>> -> memref<4x128xi32, #tpu.memory_space<vmem>>
      %dma_wait3A_123 = arith.constant 0 : i32
      %dma_wait3A_124 = tpu.memref_slice %arg4[%arg0, %mul3A, %dma_wait3A_123] : memref<2x1152x128xi32, #tpu.memory_space<hbm>> -> memref<1x4x128xi32, #tpu.memory_space<hbm>>
      %dma_wait3A_125 = tpu.memref_squeeze %dma_wait3A_124 : memref<1x4x128xi32, #tpu.memory_space<hbm>> -> memref<4x128xi32, #tpu.memory_space<hbm>>
      %dma_wait3A_126 = arith.constant 0 : i32
      %dma_wait3A_127 = arith.constant 0 : i32
      %dma_wait3A_128 = tpu.memref_slice %arg7[%run_scoped3A_44, %dma_wait3A_126, %dma_wait3A_127] : memref<2x4x128xi32, #tpu.memory_space<vmem>> -> memref<1x4x128xi32, #tpu.memory_space<vmem>>
      %dma_wait3A_129 = tpu.memref_squeeze %dma_wait3A_128 : memref<1x4x128xi32, #tpu.memory_space<vmem>> -> memref<4x128xi32, #tpu.memory_space<vmem>>
      %dma_wait3A_130 = arith.constant 0 : i32
      %dma_wait3A_131 = tpu.memref_slice %arg4[%arg0, %mul3A, %dma_wait3A_130] : memref<2x1152x128xi32, #tpu.memory_space<hbm>> -> memref<1x4x128xi32, #tpu.memory_space<hbm>>
      %dma_wait3A_132 = tpu.memref_squeeze %dma_wait3A_131 : memref<1x4x128xi32, #tpu.memory_space<hbm>> -> memref<4x128xi32, #tpu.memory_space<hbm>>
      tpu.wait_dma2 semaphore(%run_scoped3A_104 : memref<!tpu.dma_semaphore, #tpu.memory_space<semaphore_mem>>) src(%dma_wait3A_132 : memref<4x128xi32, #tpu.memory_space<hbm>>) dst(%dma_wait3A_129 : memref<4x128xi32, #tpu.memory_space<vmem>>)
      tpu.yield
    }) : () -> ()
    %barrier3A = arith.constant 0 : index
    tpu.barrier barrier_id(%barrier3A)
    %dma_start3A = arith.constant 0 : i32
    %dma_start3A_45 = arith.constant 0 : i32
    %dma_start3A_46 = arith.constant 0 : i32
    %dma_start3A_47 = arith.constant 0 : i32
    %dma_start3A_48 = tpu.memref_slice %arg6[%dma_start3A, %dma_start3A_46, %dma_start3A_47] : memref<2x4x128xi32, #tpu.memory_space<vmem>> -> memref<1x4x128xi32, #tpu.memory_space<vmem>>
    %dma_start3A_49 = tpu.memref_squeeze %dma_start3A_48 : memref<1x4x128xi32, #tpu.memory_space<vmem>> -> memref<4x128xi32, #tpu.memory_space<vmem>>
    %dma_start3A_50 = arith.constant 0 : i32
    %dma_start3A_51 = tpu.memref_slice %dma_start3A_49[%dma_start3A_45, %dma_start3A_50] : memref<4x128xi32, #tpu.memory_space<vmem>> -> memref<1x128xi32, #tpu.memory_space<vmem>>
    %dma_start3A_52 = tpu.memref_squeeze %dma_start3A_51 : memref<1x128xi32, #tpu.memory_space<vmem>> -> memref<128xi32, #tpu.memory_space<vmem>>
    %dma_start3A_53 = arith.constant 0 : i32
    %dma_start3A_54 = arith.constant 0 : i32
    %dma_start3A_55 = tpu.memref_slice %arg2[%dma_start3A_53, %dma_start3A_54] : memref<10000x128xf32, #tpu.memory_space<hbm>> -> memref<10000x128xf32, #tpu.memory_space<hbm>>
    tpu.enqueue_indirect_dma source(%dma_start3A_55 : memref<10000x128xf32, #tpu.memory_space<hbm>>) target(%arg8 : memref<128x128xf32, #tpu.memory_space<vmem>>) offsets(%dma_start3A_52 : memref<128xi32, #tpu.memory_space<vmem>>) semaphore(%arg11 : memref<!tpu.dma_semaphore, #tpu.memory_space<semaphore_mem>>)
    %jit3A_56 = arith.constant 2 : i32
    %div3A_57 = arith.divsi %select_n3A_19, %jit3A_56 : i32
    %sign3A_58 = arith.constant 0 : i32
    %sign3A_59 = arith.cmpi sgt, %select_n3A_19, %sign3A_58 : i32
    %sign3A_60 = arith.extui %sign3A_59 : i1 to i32
    %sign3A_61 = arith.constant 0 : i32
    %sign3A_62 = arith.cmpi slt, %select_n3A_19, %sign3A_61 : i32
    %sign3A_63 = arith.extui %sign3A_62 : i1 to i32
    %sign3A_64 = arith.subi %sign3A_60, %sign3A_63 : i32
    %sign3A_65 = arith.constant 0 : i32
    %sign3A_66 = arith.cmpi sgt, %jit3A_56, %sign3A_65 : i32
    %sign3A_67 = arith.extui %sign3A_66 : i1 to i32
    %sign3A_68 = arith.constant 0 : i32
    %sign3A_69 = arith.cmpi slt, %jit3A_56, %sign3A_68 : i32
    %sign3A_70 = arith.extui %sign3A_69 : i1 to i32
    %sign3A_71 = arith.subi %sign3A_67, %sign3A_70 : i32
    %ne3A_72 = arith.cmpi ne, %sign3A_64, %sign3A_71 : i32
    %rem3A_73 = arith.remsi %select_n3A_19, %jit3A_56 : i32
    %ne3A_74 = arith.constant 0 : i32
    %ne3A_75 = arith.cmpi ne, %rem3A_73, %ne3A_74 : i32
    %and3A_76 = arith.andi %ne3A_72, %ne3A_75 : i1
    %sub3A_77 = arith.constant 1 : i32
    %sub3A_78 = arith.subi %div3A_57, %sub3A_77 : i32
    %select_n3A_79 = arith.select %and3A_76, %sub3A_78, %div3A_57 : i32
    %while3A = arith.constant 0 : i32
    %while3A_80 = arith.subi %select_n3A_79, %while3A : i32
    %while3A_81 = arith.addi %while3A, %while3A_80 : i32
    %while3A_82 = arith.constant 1 : i32
    %while3A_83 = arith.divsi %while3A_80, %while3A_82 : i32
    %while3A_84 = arith.muli %while3A_83, %while3A_82 : i32
    %while3A_85 = arith.addi %while3A, %while3A_84 : i32
    %while3A_86 = arith.constant 1 : i32
    scf.for %while3A_104 = %while3A to %while3A_85 step %while3A_86  : i32 {
      %mul3A_105 = arith.constant 2 : i32
      %mul3A_106 = arith.muli %mul3A_105, %while3A_104 : i32
      %mul3A_107 = arith.constant 4 : i32
      %mul3A_108 = arith.muli %mul3A_106, %mul3A_107 : i32
      %add3A_109 = arith.constant 0 : i32
      %add3A_110 = arith.addi %mul3A_108, %add3A_109 : i32
      %dma_wait3A_111 = arith.constant 0 : i32
      %dma_wait3A_112 = arith.constant 0 : i32
      %dma_wait3A_113 = arith.constant 0 : i32
      %dma_wait3A_114 = arith.constant 0 : i32
      %dma_wait3A_115 = tpu.memref_slice %arg6[%dma_wait3A_111, %dma_wait3A_113, %dma_wait3A_114] : memref<2x4x128xi32, #tpu.memory_space<vmem>> -> memref<1x4x128xi32, #tpu.memory_space<vmem>>
      %dma_wait3A_116 = tpu.memref_squeeze %dma_wait3A_115 : memref<1x4x128xi32, #tpu.memory_space<vmem>> -> memref<4x128xi32, #tpu.memory_space<vmem>>
      %dma_wait3A_117 = arith.constant 0 : i32
      %dma_wait3A_118 = tpu.memref_slice %dma_wait3A_116[%dma_wait3A_112, %dma_wait3A_117] : memref<4x128xi32, #tpu.memory_space<vmem>> -> memref<1x128xi32, #tpu.memory_space<vmem>>
      %dma_wait3A_119 = tpu.memref_squeeze %dma_wait3A_118 : memref<1x128xi32, #tpu.memory_space<vmem>> -> memref<128xi32, #tpu.memory_space<vmem>>
      %dma_wait3A_120 = arith.constant 0 : i32
      %dma_wait3A_121 = arith.constant 0 : i32
      %dma_wait3A_122 = tpu.memref_slice %arg2[%dma_wait3A_120, %dma_wait3A_121] : memref<10000x128xf32, #tpu.memory_space<hbm>> -> memref<10000x128xf32, #tpu.memory_space<hbm>>
      tpu.wait_indirect_dma semaphore(%arg11 : memref<!tpu.dma_semaphore, #tpu.memory_space<semaphore_mem>>) src(%dma_wait3A_122 : memref<10000x128xf32, #tpu.memory_space<hbm>>) dst(%arg8 : memref<128x128xf32, #tpu.memory_space<vmem>>)
      %dma_start3A_123 = arith.constant 0 : i32
      %dma_start3A_124 = arith.constant 0 : i32
      %dma_start3A_125 = arith.constant 0 : i32
      %dma_start3A_126 = arith.constant 0 : i32
      %dma_start3A_127 = tpu.memref_slice %arg7[%dma_start3A_123, %dma_start3A_125, %dma_start3A_126] : memref<2x4x128xi32, #tpu.memory_space<vmem>> -> memref<1x4x128xi32, #tpu.memory_space<vmem>>
      %dma_start3A_128 = tpu.memref_squeeze %dma_start3A_127 : memref<1x4x128xi32, #tpu.memory_space<vmem>> -> memref<4x128xi32, #tpu.memory_space<vmem>>
      %dma_start3A_129 = arith.constant 0 : i32
      %dma_start3A_130 = tpu.memref_slice %dma_start3A_128[%dma_start3A_124, %dma_start3A_129] : memref<4x128xi32, #tpu.memory_space<vmem>> -> memref<1x128xi32, #tpu.memory_space<vmem>>
      %dma_start3A_131 = tpu.memref_squeeze %dma_start3A_130 : memref<1x128xi32, #tpu.memory_space<vmem>> -> memref<128xi32, #tpu.memory_space<vmem>>
      %dma_start3A_132 = arith.constant 0 : i32
      %dma_start3A_133 = arith.constant 0 : i32
      %dma_start3A_134 = tpu.memref_slice %arg10[%dma_start3A_132, %dma_start3A_133] : memref<10240x128xf32, #tpu.memory_space<vmem_shared>> -> memref<10240x128xf32, #tpu.memory_space<vmem_shared>>
      tpu.enqueue_indirect_dma source(%arg8 : memref<128x128xf32, #tpu.memory_space<vmem>>) target(%dma_start3A_134 : memref<10240x128xf32, #tpu.memory_space<vmem_shared>>) offsets(%dma_start3A_131 : memref<128xi32, #tpu.memory_space<vmem>>) semaphore(%arg13 : memref<!tpu.dma_semaphore, #tpu.memory_space<semaphore_mem>>) {add = true}
      %ge3A = arith.constant 1 : i32
      %ge3A_135 = arith.cmpi sge, %add3A_110, %ge3A : i32
      %convert_element_type3A = arith.extui %ge3A_135 : i1 to i32
      %cond3A = arith.constant 0 : i32
      %cond3A_136 = arith.cmpi ne, %convert_element_type3A, %cond3A : i32
      scf.if %cond3A_136 {
        %dma_wait3A_467 = arith.constant 0 : i32
        %dma_wait3A_468 = arith.constant 0 : i32
        %dma_wait3A_469 = arith.constant 0 : i32
        %dma_wait3A_470 = arith.constant 0 : i32
        %dma_wait3A_471 = tpu.memref_slice %arg7[%dma_wait3A_467, %dma_wait3A_469, %dma_wait3A_470] : memref<2x4x128xi32, #tpu.memory_space<vmem>> -> memref<1x4x128xi32, #tpu.memory_space<vmem>>
        %dma_wait3A_472 = tpu.memref_squeeze %dma_wait3A_471 : memref<1x4x128xi32, #tpu.memory_space<vmem>> -> memref<4x128xi32, #tpu.memory_space<vmem>>
        %dma_wait3A_473 = arith.constant 0 : i32
        %dma_wait3A_474 = tpu.memref_slice %dma_wait3A_472[%dma_wait3A_468, %dma_wait3A_473] : memref<4x128xi32, #tpu.memory_space<vmem>> -> memref<1x128xi32, #tpu.memory_space<vmem>>
        %dma_wait3A_475 = tpu.memref_squeeze %dma_wait3A_474 : memref<1x128xi32, #tpu.memory_space<vmem>> -> memref<128xi32, #tpu.memory_space<vmem>>
        %dma_wait3A_476 = arith.constant 0 : i32
        %dma_wait3A_477 = arith.constant 0 : i32
        %dma_wait3A_478 = tpu.memref_slice %arg10[%dma_wait3A_476, %dma_wait3A_477] : memref<10240x128xf32, #tpu.memory_space<vmem_shared>> -> memref<10240x128xf32, #tpu.memory_space<vmem_shared>>
        tpu.wait_indirect_dma semaphore(%arg14 : memref<!tpu.dma_semaphore, #tpu.memory_space<semaphore_mem>>) src(%arg9 : memref<128x128xf32, #tpu.memory_space<vmem>>) dst(%dma_wait3A_478 : memref<10240x128xf32, #tpu.memory_space<vmem_shared>>)
      } else {
      }
      %sub3A_137 = arith.constant 1 : i32
      %sub3A_138 = arith.subi %select_n3A_19, %sub3A_137 : i32
      %lt3A = arith.cmpi slt, %mul3A_106, %sub3A_138 : i32
      %convert_element_type3A_139 = arith.extui %lt3A : i1 to i32
      %cond3A_140 = arith.constant 0 : i32
      %cond3A_141 = arith.cmpi ne, %convert_element_type3A_139, %cond3A_140 : i32
      scf.if %cond3A_141 {
        %add3A_467 = arith.constant 1 : i32
        %add3A_468 = arith.addi %mul3A_106, %add3A_467 : i32
        %mul3A_469 = arith.constant 4 : i32
        %mul3A_470 = arith.muli %add3A_468, %mul3A_469 : i32
        %add3A_471 = arith.addi %mul3A, %mul3A_470 : i32
        %dma_start3A_472 = arith.constant 1 : i32
        %dma_start3A_473 = arith.constant 0 : i32
        %dma_start3A_474 = arith.constant 0 : i32
        %dma_start3A_475 = tpu.memref_slice %arg6[%dma_start3A_472, %dma_start3A_473, %dma_start3A_474] : memref<2x4x128xi32, #tpu.memory_space<vmem>> -> memref<1x4x128xi32, #tpu.memory_space<vmem>>
        %dma_start3A_476 = tpu.memref_squeeze %dma_start3A_475 : memref<1x4x128xi32, #tpu.memory_space<vmem>> -> memref<4x128xi32, #tpu.memory_space<vmem>>
        %dma_start3A_477 = arith.constant 0 : i32
        %dma_start3A_478 = tpu.memref_slice %arg3[%arg0, %add3A_471, %dma_start3A_477] : memref<2x1152x128xi32, #tpu.memory_space<hbm>> -> memref<1x4x128xi32, #tpu.memory_space<hbm>>
        %dma_start3A_479 = tpu.memref_squeeze %dma_start3A_478 : memref<1x4x128xi32, #tpu.memory_space<hbm>> -> memref<4x128xi32, #tpu.memory_space<hbm>>
        %dma_start3A_480 = arith.constant 0 : i32
        %dma_start3A_481 = arith.constant 0 : i32
        %dma_start3A_482 = tpu.memref_slice %arg6[%dma_start3A_472, %dma_start3A_480, %dma_start3A_481] : memref<2x4x128xi32, #tpu.memory_space<vmem>> -> memref<1x4x128xi32, #tpu.memory_space<vmem>>
        %dma_start3A_483 = tpu.memref_squeeze %dma_start3A_482 : memref<1x4x128xi32, #tpu.memory_space<vmem>> -> memref<4x128xi32, #tpu.memory_space<vmem>>
        %dma_start3A_484 = arith.constant 0 : i32
        %dma_start3A_485 = tpu.memref_slice %arg3[%arg0, %add3A_471, %dma_start3A_484] : memref<2x1152x128xi32, #tpu.memory_space<hbm>> -> memref<1x4x128xi32, #tpu.memory_space<hbm>>
        %dma_start3A_486 = tpu.memref_squeeze %dma_start3A_485 : memref<1x4x128xi32, #tpu.memory_space<hbm>> -> memref<4x128xi32, #tpu.memory_space<hbm>>
        tpu.enqueue_dma source(%dma_start3A_486 : memref<4x128xi32, #tpu.memory_space<hbm>>) target(%dma_start3A_483 : memref<4x128xi32, #tpu.memory_space<vmem>>) target_semaphore(%arg15 : memref<!tpu.dma_semaphore, #tpu.memory_space<semaphore_mem>>)
        %dma_start3A_487 = arith.constant 1 : i32
        %dma_start3A_488 = arith.constant 0 : i32
        %dma_start3A_489 = arith.constant 0 : i32
        %dma_start3A_490 = tpu.memref_slice %arg7[%dma_start3A_487, %dma_start3A_488, %dma_start3A_489] : memref<2x4x128xi32, #tpu.memory_space<vmem>> -> memref<1x4x128xi32, #tpu.memory_space<vmem>>
        %dma_start3A_491 = tpu.memref_squeeze %dma_start3A_490 : memref<1x4x128xi32, #tpu.memory_space<vmem>> -> memref<4x128xi32, #tpu.memory_space<vmem>>
        %dma_start3A_492 = arith.constant 0 : i32
        %dma_start3A_493 = tpu.memref_slice %arg4[%arg0, %add3A_471, %dma_start3A_492] : memref<2x1152x128xi32, #tpu.memory_space<hbm>> -> memref<1x4x128xi32, #tpu.memory_space<hbm>>
        %dma_start3A_494 = tpu.memref_squeeze %dma_start3A_493 : memref<1x4x128xi32, #tpu.memory_space<hbm>> -> memref<4x128xi32, #tpu.memory_space<hbm>>
        %dma_start3A_495 = arith.constant 0 : i32
        %dma_start3A_496 = arith.constant 0 : i32
        %dma_start3A_497 = tpu.memref_slice %arg7[%dma_start3A_487, %dma_start3A_495, %dma_start3A_496] : memref<2x4x128xi32, #tpu.memory_space<vmem>> -> memref<1x4x128xi32, #tpu.memory_space<vmem>>
        %dma_start3A_498 = tpu.memref_squeeze %dma_start3A_497 : memref<1x4x128xi32, #tpu.memory_space<vmem>> -> memref<4x128xi32, #tpu.memory_space<vmem>>
        %dma_start3A_499 = arith.constant 0 : i32
        %dma_start3A_500 = tpu.memref_slice %arg4[%arg0, %add3A_471, %dma_start3A_499] : memref<2x1152x128xi32, #tpu.memory_space<hbm>> -> memref<1x4x128xi32, #tpu.memory_space<hbm>>
        %dma_start3A_501 = tpu.memref_squeeze %dma_start3A_500 : memref<1x4x128xi32, #tpu.memory_space<hbm>> -> memref<4x128xi32, #tpu.memory_space<hbm>>
        tpu.enqueue_dma source(%dma_start3A_501 : memref<4x128xi32, #tpu.memory_space<hbm>>) target(%dma_start3A_498 : memref<4x128xi32, #tpu.memory_space<vmem>>) target_semaphore(%arg15 : memref<!tpu.dma_semaphore, #tpu.memory_space<semaphore_mem>>)
      } else {
      }
      %dma_start3A_142 = arith.constant 0 : i32
      %dma_start3A_143 = arith.constant 1 : i32
      %dma_start3A_144 = arith.constant 0 : i32
      %dma_start3A_145 = arith.constant 0 : i32
      %dma_start3A_146 = tpu.memref_slice %arg6[%dma_start3A_142, %dma_start3A_144, %dma_start3A_145] : memref<2x4x128xi32, #tpu.memory_space<vmem>> -> memref<1x4x128xi32, #tpu.memory_space<vmem>>
      %dma_start3A_147 = tpu.memref_squeeze %dma_start3A_146 : memref<1x4x128xi32, #tpu.memory_space<vmem>> -> memref<4x128xi32, #tpu.memory_space<vmem>>
      %dma_start3A_148 = arith.constant 0 : i32
      %dma_start3A_149 = tpu.memref_slice %dma_start3A_147[%dma_start3A_143, %dma_start3A_148] : memref<4x128xi32, #tpu.memory_space<vmem>> -> memref<1x128xi32, #tpu.memory_space<vmem>>
      %dma_start3A_150 = tpu.memref_squeeze %dma_start3A_149 : memref<1x128xi32, #tpu.memory_space<vmem>> -> memref<128xi32, #tpu.memory_space<vmem>>
      %dma_start3A_151 = arith.constant 0 : i32
      %dma_start3A_152 = arith.constant 0 : i32
      %dma_start3A_153 = tpu.memref_slice %arg2[%dma_start3A_151, %dma_start3A_152] : memref<10000x128xf32, #tpu.memory_space<hbm>> -> memref<10000x128xf32, #tpu.memory_space<hbm>>
      tpu.enqueue_indirect_dma source(%dma_start3A_153 : memref<10000x128xf32, #tpu.memory_space<hbm>>) target(%arg9 : memref<128x128xf32, #tpu.memory_space<vmem>>) offsets(%dma_start3A_150 : memref<128xi32, #tpu.memory_space<vmem>>) semaphore(%arg12 : memref<!tpu.dma_semaphore, #tpu.memory_space<semaphore_mem>>)
      %mul3A_154 = arith.constant 4 : i32
      %mul3A_155 = arith.muli %mul3A_106, %mul3A_154 : i32
      %add3A_156 = arith.constant 1 : i32
      %add3A_157 = arith.addi %mul3A_155, %add3A_156 : i32
      %dma_wait3A_158 = arith.constant 0 : i32
      %dma_wait3A_159 = arith.constant 0 : i32
      %dma_wait3A_160 = arith.constant 0 : i32
      %dma_wait3A_161 = arith.constant 0 : i32
      %dma_wait3A_162 = tpu.memref_slice %arg6[%dma_wait3A_158, %dma_wait3A_160, %dma_wait3A_161] : memref<2x4x128xi32, #tpu.memory_space<vmem>> -> memref<1x4x128xi32, #tpu.memory_space<vmem>>
      %dma_wait3A_163 = tpu.memref_squeeze %dma_wait3A_162 : memref<1x4x128xi32, #tpu.memory_space<vmem>> -> memref<4x128xi32, #tpu.memory_space<vmem>>
      %dma_wait3A_164 = arith.constant 0 : i32
      %dma_wait3A_165 = tpu.memref_slice %dma_wait3A_163[%dma_wait3A_159, %dma_wait3A_164] : memref<4x128xi32, #tpu.memory_space<vmem>> -> memref<1x128xi32, #tpu.memory_space<vmem>>
      %dma_wait3A_166 = tpu.memref_squeeze %dma_wait3A_165 : memref<1x128xi32, #tpu.memory_space<vmem>> -> memref<128xi32, #tpu.memory_space<vmem>>
      %dma_wait3A_167 = arith.constant 0 : i32
      %dma_wait3A_168 = arith.constant 0 : i32
      %dma_wait3A_169 = tpu.memref_slice %arg2[%dma_wait3A_167, %dma_wait3A_168] : memref<10000x128xf32, #tpu.memory_space<hbm>> -> memref<10000x128xf32, #tpu.memory_space<hbm>>
      tpu.wait_indirect_dma semaphore(%arg12 : memref<!tpu.dma_semaphore, #tpu.memory_space<semaphore_mem>>) src(%dma_wait3A_169 : memref<10000x128xf32, #tpu.memory_space<hbm>>) dst(%arg9 : memref<128x128xf32, #tpu.memory_space<vmem>>)
      %dma_start3A_170 = arith.constant 0 : i32
      %dma_start3A_171 = arith.constant 1 : i32
      %dma_start3A_172 = arith.constant 0 : i32
      %dma_start3A_173 = arith.constant 0 : i32
      %dma_start3A_174 = tpu.memref_slice %arg7[%dma_start3A_170, %dma_start3A_172, %dma_start3A_173] : memref<2x4x128xi32, #tpu.memory_space<vmem>> -> memref<1x4x128xi32, #tpu.memory_space<vmem>>
      %dma_start3A_175 = tpu.memref_squeeze %dma_start3A_174 : memref<1x4x128xi32, #tpu.memory_space<vmem>> -> memref<4x128xi32, #tpu.memory_space<vmem>>
      %dma_start3A_176 = arith.constant 0 : i32
      %dma_start3A_177 = tpu.memref_slice %dma_start3A_175[%dma_start3A_171, %dma_start3A_176] : memref<4x128xi32, #tpu.memory_space<vmem>> -> memref<1x128xi32, #tpu.memory_space<vmem>>
      %dma_start3A_178 = tpu.memref_squeeze %dma_start3A_177 : memref<1x128xi32, #tpu.memory_space<vmem>> -> memref<128xi32, #tpu.memory_space<vmem>>
      %dma_start3A_179 = arith.constant 0 : i32
      %dma_start3A_180 = arith.constant 0 : i32
      %dma_start3A_181 = tpu.memref_slice %arg10[%dma_start3A_179, %dma_start3A_180] : memref<10240x128xf32, #tpu.memory_space<vmem_shared>> -> memref<10240x128xf32, #tpu.memory_space<vmem_shared>>
      tpu.enqueue_indirect_dma source(%arg9 : memref<128x128xf32, #tpu.memory_space<vmem>>) target(%dma_start3A_181 : memref<10240x128xf32, #tpu.memory_space<vmem_shared>>) offsets(%dma_start3A_178 : memref<128xi32, #tpu.memory_space<vmem>>) semaphore(%arg14 : memref<!tpu.dma_semaphore, #tpu.memory_space<semaphore_mem>>) {add = true}
      %ge3A_182 = arith.constant 1 : i32
      %ge3A_183 = arith.cmpi sge, %add3A_157, %ge3A_182 : i32
      %convert_element_type3A_184 = arith.extui %ge3A_183 : i1 to i32
      %cond3A_185 = arith.constant 0 : i32
      %cond3A_186 = arith.cmpi ne, %convert_element_type3A_184, %cond3A_185 : i32
      scf.if %cond3A_186 {
        %dma_wait3A_467 = arith.constant 0 : i32
        %dma_wait3A_468 = arith.constant 0 : i32
        %dma_wait3A_469 = arith.constant 0 : i32
        %dma_wait3A_470 = arith.constant 0 : i32
        %dma_wait3A_471 = tpu.memref_slice %arg7[%dma_wait3A_467, %dma_wait3A_469, %dma_wait3A_470] : memref<2x4x128xi32, #tpu.memory_space<vmem>> -> memref<1x4x128xi32, #tpu.memory_space<vmem>>
        %dma_wait3A_472 = tpu.memref_squeeze %dma_wait3A_471 : memref<1x4x128xi32, #tpu.memory_space<vmem>> -> memref<4x128xi32, #tpu.memory_space<vmem>>
        %dma_wait3A_473 = arith.constant 0 : i32
        %dma_wait3A_474 = tpu.memref_slice %dma_wait3A_472[%dma_wait3A_468, %dma_wait3A_473] : memref<4x128xi32, #tpu.memory_space<vmem>> -> memref<1x128xi32, #tpu.memory_space<vmem>>
        %dma_wait3A_475 = tpu.memref_squeeze %dma_wait3A_474 : memref<1x128xi32, #tpu.memory_space<vmem>> -> memref<128xi32, #tpu.memory_space<vmem>>
        %dma_wait3A_476 = arith.constant 0 : i32
        %dma_wait3A_477 = arith.constant 0 : i32
        %dma_wait3A_478 = tpu.memref_slice %arg10[%dma_wait3A_476, %dma_wait3A_477] : memref<10240x128xf32, #tpu.memory_space<vmem_shared>> -> memref<10240x128xf32, #tpu.memory_space<vmem_shared>>
        tpu.wait_indirect_dma semaphore(%arg13 : memref<!tpu.dma_semaphore, #tpu.memory_space<semaphore_mem>>) src(%arg8 : memref<128x128xf32, #tpu.memory_space<vmem>>) dst(%dma_wait3A_478 : memref<10240x128xf32, #tpu.memory_space<vmem_shared>>)
      } else {
      }
      %dma_start3A_187 = arith.constant 0 : i32
      %dma_start3A_188 = arith.constant 2 : i32
      %dma_start3A_189 = arith.constant 0 : i32
      %dma_start3A_190 = arith.constant 0 : i32
      %dma_start3A_191 = tpu.memref_slice %arg6[%dma_start3A_187, %dma_start3A_189, %dma_start3A_190] : memref<2x4x128xi32, #tpu.memory_space<vmem>> -> memref<1x4x128xi32, #tpu.memory_space<vmem>>
      %dma_start3A_192 = tpu.memref_squeeze %dma_start3A_191 : memref<1x4x128xi32, #tpu.memory_space<vmem>> -> memref<4x128xi32, #tpu.memory_space<vmem>>
      %dma_start3A_193 = arith.constant 0 : i32
      %dma_start3A_194 = tpu.memref_slice %dma_start3A_192[%dma_start3A_188, %dma_start3A_193] : memref<4x128xi32, #tpu.memory_space<vmem>> -> memref<1x128xi32, #tpu.memory_space<vmem>>
      %dma_start3A_195 = tpu.memref_squeeze %dma_start3A_194 : memref<1x128xi32, #tpu.memory_space<vmem>> -> memref<128xi32, #tpu.memory_space<vmem>>
      %dma_start3A_196 = arith.constant 0 : i32
      %dma_start3A_197 = arith.constant 0 : i32
      %dma_start3A_198 = tpu.memref_slice %arg2[%dma_start3A_196, %dma_start3A_197] : memref<10000x128xf32, #tpu.memory_space<hbm>> -> memref<10000x128xf32, #tpu.memory_space<hbm>>
      tpu.enqueue_indirect_dma source(%dma_start3A_198 : memref<10000x128xf32, #tpu.memory_space<hbm>>) target(%arg8 : memref<128x128xf32, #tpu.memory_space<vmem>>) offsets(%dma_start3A_195 : memref<128xi32, #tpu.memory_space<vmem>>) semaphore(%arg11 : memref<!tpu.dma_semaphore, #tpu.memory_space<semaphore_mem>>)
      %mul3A_199 = arith.constant 4 : i32
      %mul3A_200 = arith.muli %mul3A_106, %mul3A_199 : i32
      %add3A_201 = arith.constant 2 : i32
      %add3A_202 = arith.addi %mul3A_200, %add3A_201 : i32
      %dma_wait3A_203 = arith.constant 0 : i32
      %dma_wait3A_204 = arith.constant 0 : i32
      %dma_wait3A_205 = arith.constant 0 : i32
      %dma_wait3A_206 = arith.constant 0 : i32
      %dma_wait3A_207 = tpu.memref_slice %arg6[%dma_wait3A_203, %dma_wait3A_205, %dma_wait3A_206] : memref<2x4x128xi32, #tpu.memory_space<vmem>> -> memref<1x4x128xi32, #tpu.memory_space<vmem>>
      %dma_wait3A_208 = tpu.memref_squeeze %dma_wait3A_207 : memref<1x4x128xi32, #tpu.memory_space<vmem>> -> memref<4x128xi32, #tpu.memory_space<vmem>>
      %dma_wait3A_209 = arith.constant 0 : i32
      %dma_wait3A_210 = tpu.memref_slice %dma_wait3A_208[%dma_wait3A_204, %dma_wait3A_209] : memref<4x128xi32, #tpu.memory_space<vmem>> -> memref<1x128xi32, #tpu.memory_space<vmem>>
      %dma_wait3A_211 = tpu.memref_squeeze %dma_wait3A_210 : memref<1x128xi32, #tpu.memory_space<vmem>> -> memref<128xi32, #tpu.memory_space<vmem>>
      %dma_wait3A_212 = arith.constant 0 : i32
      %dma_wait3A_213 = arith.constant 0 : i32
      %dma_wait3A_214 = tpu.memref_slice %arg2[%dma_wait3A_212, %dma_wait3A_213] : memref<10000x128xf32, #tpu.memory_space<hbm>> -> memref<10000x128xf32, #tpu.memory_space<hbm>>
      tpu.wait_indirect_dma semaphore(%arg11 : memref<!tpu.dma_semaphore, #tpu.memory_space<semaphore_mem>>) src(%dma_wait3A_214 : memref<10000x128xf32, #tpu.memory_space<hbm>>) dst(%arg8 : memref<128x128xf32, #tpu.memory_space<vmem>>)
      %dma_start3A_215 = arith.constant 0 : i32
      %dma_start3A_216 = arith.constant 2 : i32
      %dma_start3A_217 = arith.constant 0 : i32
      %dma_start3A_218 = arith.constant 0 : i32
      %dma_start3A_219 = tpu.memref_slice %arg7[%dma_start3A_215, %dma_start3A_217, %dma_start3A_218] : memref<2x4x128xi32, #tpu.memory_space<vmem>> -> memref<1x4x128xi32, #tpu.memory_space<vmem>>
      %dma_start3A_220 = tpu.memref_squeeze %dma_start3A_219 : memref<1x4x128xi32, #tpu.memory_space<vmem>> -> memref<4x128xi32, #tpu.memory_space<vmem>>
      %dma_start3A_221 = arith.constant 0 : i32
      %dma_start3A_222 = tpu.memref_slice %dma_start3A_220[%dma_start3A_216, %dma_start3A_221] : memref<4x128xi32, #tpu.memory_space<vmem>> -> memref<1x128xi32, #tpu.memory_space<vmem>>
      %dma_start3A_223 = tpu.memref_squeeze %dma_start3A_222 : memref<1x128xi32, #tpu.memory_space<vmem>> -> memref<128xi32, #tpu.memory_space<vmem>>
      %dma_start3A_224 = arith.constant 0 : i32
      %dma_start3A_225 = arith.constant 0 : i32
      %dma_start3A_226 = tpu.memref_slice %arg10[%dma_start3A_224, %dma_start3A_225] : memref<10240x128xf32, #tpu.memory_space<vmem_shared>> -> memref<10240x128xf32, #tpu.memory_space<vmem_shared>>
      tpu.enqueue_indirect_dma source(%arg8 : memref<128x128xf32, #tpu.memory_space<vmem>>) target(%dma_start3A_226 : memref<10240x128xf32, #tpu.memory_space<vmem_shared>>) offsets(%dma_start3A_223 : memref<128xi32, #tpu.memory_space<vmem>>) semaphore(%arg13 : memref<!tpu.dma_semaphore, #tpu.memory_space<semaphore_mem>>) {add = true}
      %ge3A_227 = arith.constant 1 : i32
      %ge3A_228 = arith.cmpi sge, %add3A_202, %ge3A_227 : i32
      %convert_element_type3A_229 = arith.extui %ge3A_228 : i1 to i32
      %cond3A_230 = arith.constant 0 : i32
      %cond3A_231 = arith.cmpi ne, %convert_element_type3A_229, %cond3A_230 : i32
      scf.if %cond3A_231 {
        %dma_wait3A_467 = arith.constant 0 : i32
        %dma_wait3A_468 = arith.constant 0 : i32
        %dma_wait3A_469 = arith.constant 0 : i32
        %dma_wait3A_470 = arith.constant 0 : i32
        %dma_wait3A_471 = tpu.memref_slice %arg7[%dma_wait3A_467, %dma_wait3A_469, %dma_wait3A_470] : memref<2x4x128xi32, #tpu.memory_space<vmem>> -> memref<1x4x128xi32, #tpu.memory_space<vmem>>
        %dma_wait3A_472 = tpu.memref_squeeze %dma_wait3A_471 : memref<1x4x128xi32, #tpu.memory_space<vmem>> -> memref<4x128xi32, #tpu.memory_space<vmem>>
        %dma_wait3A_473 = arith.constant 0 : i32
        %dma_wait3A_474 = tpu.memref_slice %dma_wait3A_472[%dma_wait3A_468, %dma_wait3A_473] : memref<4x128xi32, #tpu.memory_space<vmem>> -> memref<1x128xi32, #tpu.memory_space<vmem>>
        %dma_wait3A_475 = tpu.memref_squeeze %dma_wait3A_474 : memref<1x128xi32, #tpu.memory_space<vmem>> -> memref<128xi32, #tpu.memory_space<vmem>>
        %dma_wait3A_476 = arith.constant 0 : i32
        %dma_wait3A_477 = arith.constant 0 : i32
        %dma_wait3A_478 = tpu.memref_slice %arg10[%dma_wait3A_476, %dma_wait3A_477] : memref<10240x128xf32, #tpu.memory_space<vmem_shared>> -> memref<10240x128xf32, #tpu.memory_space<vmem_shared>>
        tpu.wait_indirect_dma semaphore(%arg14 : memref<!tpu.dma_semaphore, #tpu.memory_space<semaphore_mem>>) src(%arg9 : memref<128x128xf32, #tpu.memory_space<vmem>>) dst(%dma_wait3A_478 : memref<10240x128xf32, #tpu.memory_space<vmem_shared>>)
      } else {
      }
      %dma_start3A_232 = arith.constant 0 : i32
      %dma_start3A_233 = arith.constant 3 : i32
      %dma_start3A_234 = arith.constant 0 : i32
      %dma_start3A_235 = arith.constant 0 : i32
      %dma_start3A_236 = tpu.memref_slice %arg6[%dma_start3A_232, %dma_start3A_234, %dma_start3A_235] : memref<2x4x128xi32, #tpu.memory_space<vmem>> -> memref<1x4x128xi32, #tpu.memory_space<vmem>>
      %dma_start3A_237 = tpu.memref_squeeze %dma_start3A_236 : memref<1x4x128xi32, #tpu.memory_space<vmem>> -> memref<4x128xi32, #tpu.memory_space<vmem>>
      %dma_start3A_238 = arith.constant 0 : i32
      %dma_start3A_239 = tpu.memref_slice %dma_start3A_237[%dma_start3A_233, %dma_start3A_238] : memref<4x128xi32, #tpu.memory_space<vmem>> -> memref<1x128xi32, #tpu.memory_space<vmem>>
      %dma_start3A_240 = tpu.memref_squeeze %dma_start3A_239 : memref<1x128xi32, #tpu.memory_space<vmem>> -> memref<128xi32, #tpu.memory_space<vmem>>
      %dma_start3A_241 = arith.constant 0 : i32
      %dma_start3A_242 = arith.constant 0 : i32
      %dma_start3A_243 = tpu.memref_slice %arg2[%dma_start3A_241, %dma_start3A_242] : memref<10000x128xf32, #tpu.memory_space<hbm>> -> memref<10000x128xf32, #tpu.memory_space<hbm>>
      tpu.enqueue_indirect_dma source(%dma_start3A_243 : memref<10000x128xf32, #tpu.memory_space<hbm>>) target(%arg9 : memref<128x128xf32, #tpu.memory_space<vmem>>) offsets(%dma_start3A_240 : memref<128xi32, #tpu.memory_space<vmem>>) semaphore(%arg12 : memref<!tpu.dma_semaphore, #tpu.memory_space<semaphore_mem>>)
      %mul3A_244 = arith.constant 4 : i32
      %mul3A_245 = arith.muli %mul3A_106, %mul3A_244 : i32
      %add3A_246 = arith.constant 3 : i32
      %add3A_247 = arith.addi %mul3A_245, %add3A_246 : i32
      %dma_wait3A_248 = arith.constant 0 : i32
      %dma_wait3A_249 = arith.constant 0 : i32
      %dma_wait3A_250 = arith.constant 0 : i32
      %dma_wait3A_251 = arith.constant 0 : i32
      %dma_wait3A_252 = tpu.memref_slice %arg6[%dma_wait3A_248, %dma_wait3A_250, %dma_wait3A_251] : memref<2x4x128xi32, #tpu.memory_space<vmem>> -> memref<1x4x128xi32, #tpu.memory_space<vmem>>
      %dma_wait3A_253 = tpu.memref_squeeze %dma_wait3A_252 : memref<1x4x128xi32, #tpu.memory_space<vmem>> -> memref<4x128xi32, #tpu.memory_space<vmem>>
      %dma_wait3A_254 = arith.constant 0 : i32
      %dma_wait3A_255 = tpu.memref_slice %dma_wait3A_253[%dma_wait3A_249, %dma_wait3A_254] : memref<4x128xi32, #tpu.memory_space<vmem>> -> memref<1x128xi32, #tpu.memory_space<vmem>>
      %dma_wait3A_256 = tpu.memref_squeeze %dma_wait3A_255 : memref<1x128xi32, #tpu.memory_space<vmem>> -> memref<128xi32, #tpu.memory_space<vmem>>
      %dma_wait3A_257 = arith.constant 0 : i32
      %dma_wait3A_258 = arith.constant 0 : i32
      %dma_wait3A_259 = tpu.memref_slice %arg2[%dma_wait3A_257, %dma_wait3A_258] : memref<10000x128xf32, #tpu.memory_space<hbm>> -> memref<10000x128xf32, #tpu.memory_space<hbm>>
      tpu.wait_indirect_dma semaphore(%arg12 : memref<!tpu.dma_semaphore, #tpu.memory_space<semaphore_mem>>) src(%dma_wait3A_259 : memref<10000x128xf32, #tpu.memory_space<hbm>>) dst(%arg9 : memref<128x128xf32, #tpu.memory_space<vmem>>)
      %dma_start3A_260 = arith.constant 0 : i32
      %dma_start3A_261 = arith.constant 3 : i32
      %dma_start3A_262 = arith.constant 0 : i32
      %dma_start3A_263 = arith.constant 0 : i32
      %dma_start3A_264 = tpu.memref_slice %arg7[%dma_start3A_260, %dma_start3A_262, %dma_start3A_263] : memref<2x4x128xi32, #tpu.memory_space<vmem>> -> memref<1x4x128xi32, #tpu.memory_space<vmem>>
      %dma_start3A_265 = tpu.memref_squeeze %dma_start3A_264 : memref<1x4x128xi32, #tpu.memory_space<vmem>> -> memref<4x128xi32, #tpu.memory_space<vmem>>
      %dma_start3A_266 = arith.constant 0 : i32
      %dma_start3A_267 = tpu.memref_slice %dma_start3A_265[%dma_start3A_261, %dma_start3A_266] : memref<4x128xi32, #tpu.memory_space<vmem>> -> memref<1x128xi32, #tpu.memory_space<vmem>>
      %dma_start3A_268 = tpu.memref_squeeze %dma_start3A_267 : memref<1x128xi32, #tpu.memory_space<vmem>> -> memref<128xi32, #tpu.memory_space<vmem>>
      %dma_start3A_269 = arith.constant 0 : i32
      %dma_start3A_270 = arith.constant 0 : i32
      %dma_start3A_271 = tpu.memref_slice %arg10[%dma_start3A_269, %dma_start3A_270] : memref<10240x128xf32, #tpu.memory_space<vmem_shared>> -> memref<10240x128xf32, #tpu.memory_space<vmem_shared>>
      tpu.enqueue_indirect_dma source(%arg9 : memref<128x128xf32, #tpu.memory_space<vmem>>) target(%dma_start3A_271 : memref<10240x128xf32, #tpu.memory_space<vmem_shared>>) offsets(%dma_start3A_268 : memref<128xi32, #tpu.memory_space<vmem>>) semaphore(%arg14 : memref<!tpu.dma_semaphore, #tpu.memory_space<semaphore_mem>>) {add = true}
      %ge3A_272 = arith.constant 1 : i32
      %ge3A_273 = arith.cmpi sge, %add3A_247, %ge3A_272 : i32
      %convert_element_type3A_274 = arith.extui %ge3A_273 : i1 to i32
      %cond3A_275 = arith.constant 0 : i32
      %cond3A_276 = arith.cmpi ne, %convert_element_type3A_274, %cond3A_275 : i32
      scf.if %cond3A_276 {
        %dma_wait3A_467 = arith.constant 0 : i32
        %dma_wait3A_468 = arith.constant 0 : i32
        %dma_wait3A_469 = arith.constant 0 : i32
        %dma_wait3A_470 = arith.constant 0 : i32
        %dma_wait3A_471 = tpu.memref_slice %arg7[%dma_wait3A_467, %dma_wait3A_469, %dma_wait3A_470] : memref<2x4x128xi32, #tpu.memory_space<vmem>> -> memref<1x4x128xi32, #tpu.memory_space<vmem>>
        %dma_wait3A_472 = tpu.memref_squeeze %dma_wait3A_471 : memref<1x4x128xi32, #tpu.memory_space<vmem>> -> memref<4x128xi32, #tpu.memory_space<vmem>>
        %dma_wait3A_473 = arith.constant 0 : i32
        %dma_wait3A_474 = tpu.memref_slice %dma_wait3A_472[%dma_wait3A_468, %dma_wait3A_473] : memref<4x128xi32, #tpu.memory_space<vmem>> -> memref<1x128xi32, #tpu.memory_space<vmem>>
        %dma_wait3A_475 = tpu.memref_squeeze %dma_wait3A_474 : memref<1x128xi32, #tpu.memory_space<vmem>> -> memref<128xi32, #tpu.memory_space<vmem>>
        %dma_wait3A_476 = arith.constant 0 : i32
        %dma_wait3A_477 = arith.constant 0 : i32
        %dma_wait3A_478 = tpu.memref_slice %arg10[%dma_wait3A_476, %dma_wait3A_477] : memref<10240x128xf32, #tpu.memory_space<vmem_shared>> -> memref<10240x128xf32, #tpu.memory_space<vmem_shared>>
        tpu.wait_indirect_dma semaphore(%arg13 : memref<!tpu.dma_semaphore, #tpu.memory_space<semaphore_mem>>) src(%arg8 : memref<128x128xf32, #tpu.memory_space<vmem>>) dst(%dma_wait3A_478 : memref<10240x128xf32, #tpu.memory_space<vmem_shared>>)
      } else {
      }
      %sub3A_277 = arith.constant 1 : i32
      %sub3A_278 = arith.subi %select_n3A_19, %sub3A_277 : i32
      %lt3A_279 = arith.cmpi slt, %mul3A_106, %sub3A_278 : i32
      %convert_element_type3A_280 = arith.extui %lt3A_279 : i1 to i32
      %cond3A_281 = arith.constant 0 : i32
      %cond3A_282 = arith.cmpi ne, %convert_element_type3A_280, %cond3A_281 : i32
      scf.if %cond3A_282 {
        %dma_wait3A_467 = arith.constant 1 : i32
        %dma_wait3A_468 = arith.constant 0 : i32
        %dma_wait3A_469 = arith.constant 0 : i32
        %dma_wait3A_470 = tpu.memref_slice %arg6[%dma_wait3A_467, %dma_wait3A_468, %dma_wait3A_469] : memref<2x4x128xi32, #tpu.memory_space<vmem>> -> memref<1x4x128xi32, #tpu.memory_space<vmem>>
        %dma_wait3A_471 = tpu.memref_squeeze %dma_wait3A_470 : memref<1x4x128xi32, #tpu.memory_space<vmem>> -> memref<4x128xi32, #tpu.memory_space<vmem>>
        %dma_wait3A_472 = arith.constant 0 : i32
        %dma_wait3A_473 = tpu.memref_slice %arg3[%arg0, %mul3A, %dma_wait3A_472] : memref<2x1152x128xi32, #tpu.memory_space<hbm>> -> memref<1x4x128xi32, #tpu.memory_space<hbm>>
        %dma_wait3A_474 = tpu.memref_squeeze %dma_wait3A_473 : memref<1x4x128xi32, #tpu.memory_space<hbm>> -> memref<4x128xi32, #tpu.memory_space<hbm>>
        %dma_wait3A_475 = arith.constant 0 : i32
        %dma_wait3A_476 = arith.constant 0 : i32
        %dma_wait3A_477 = tpu.memref_slice %arg6[%dma_wait3A_467, %dma_wait3A_475, %dma_wait3A_476] : memref<2x4x128xi32, #tpu.memory_space<vmem>> -> memref<1x4x128xi32, #tpu.memory_space<vmem>>
        %dma_wait3A_478 = tpu.memref_squeeze %dma_wait3A_477 : memref<1x4x128xi32, #tpu.memory_space<vmem>> -> memref<4x128xi32, #tpu.memory_space<vmem>>
        %dma_wait3A_479 = arith.constant 0 : i32
        %dma_wait3A_480 = tpu.memref_slice %arg3[%arg0, %mul3A, %dma_wait3A_479] : memref<2x1152x128xi32, #tpu.memory_space<hbm>> -> memref<1x4x128xi32, #tpu.memory_space<hbm>>
        %dma_wait3A_481 = tpu.memref_squeeze %dma_wait3A_480 : memref<1x4x128xi32, #tpu.memory_space<hbm>> -> memref<4x128xi32, #tpu.memory_space<hbm>>
        tpu.wait_dma2 semaphore(%arg15 : memref<!tpu.dma_semaphore, #tpu.memory_space<semaphore_mem>>) src(%dma_wait3A_481 : memref<4x128xi32, #tpu.memory_space<hbm>>) dst(%dma_wait3A_478 : memref<4x128xi32, #tpu.memory_space<vmem>>)
        %dma_wait3A_482 = arith.constant 1 : i32
        %dma_wait3A_483 = arith.constant 0 : i32
        %dma_wait3A_484 = arith.constant 0 : i32
        %dma_wait3A_485 = tpu.memref_slice %arg7[%dma_wait3A_482, %dma_wait3A_483, %dma_wait3A_484] : memref<2x4x128xi32, #tpu.memory_space<vmem>> -> memref<1x4x128xi32, #tpu.memory_space<vmem>>
        %dma_wait3A_486 = tpu.memref_squeeze %dma_wait3A_485 : memref<1x4x128xi32, #tpu.memory_space<vmem>> -> memref<4x128xi32, #tpu.memory_space<vmem>>
        %dma_wait3A_487 = arith.constant 0 : i32
        %dma_wait3A_488 = tpu.memref_slice %arg4[%arg0, %mul3A, %dma_wait3A_487] : memref<2x1152x128xi32, #tpu.memory_space<hbm>> -> memref<1x4x128xi32, #tpu.memory_space<hbm>>
        %dma_wait3A_489 = tpu.memref_squeeze %dma_wait3A_488 : memref<1x4x128xi32, #tpu.memory_space<hbm>> -> memref<4x128xi32, #tpu.memory_space<hbm>>
        %dma_wait3A_490 = arith.constant 0 : i32
        %dma_wait3A_491 = arith.constant 0 : i32
        %dma_wait3A_492 = tpu.memref_slice %arg7[%dma_wait3A_482, %dma_wait3A_490, %dma_wait3A_491] : memref<2x4x128xi32, #tpu.memory_space<vmem>> -> memref<1x4x128xi32, #tpu.memory_space<vmem>>
        %dma_wait3A_493 = tpu.memref_squeeze %dma_wait3A_492 : memref<1x4x128xi32, #tpu.memory_space<vmem>> -> memref<4x128xi32, #tpu.memory_space<vmem>>
        %dma_wait3A_494 = arith.constant 0 : i32
        %dma_wait3A_495 = tpu.memref_slice %arg4[%arg0, %mul3A, %dma_wait3A_494] : memref<2x1152x128xi32, #tpu.memory_space<hbm>> -> memref<1x4x128xi32, #tpu.memory_space<hbm>>
        %dma_wait3A_496 = tpu.memref_squeeze %dma_wait3A_495 : memref<1x4x128xi32, #tpu.memory_space<hbm>> -> memref<4x128xi32, #tpu.memory_space<hbm>>
        tpu.wait_dma2 semaphore(%arg15 : memref<!tpu.dma_semaphore, #tpu.memory_space<semaphore_mem>>) src(%dma_wait3A_496 : memref<4x128xi32, #tpu.memory_space<hbm>>) dst(%dma_wait3A_493 : memref<4x128xi32, #tpu.memory_space<vmem>>)
        %dma_start3A_497 = arith.constant 1 : i32
        %dma_start3A_498 = arith.constant 0 : i32
        %dma_start3A_499 = arith.constant 0 : i32
        %dma_start3A_500 = arith.constant 0 : i32
        %dma_start3A_501 = tpu.memref_slice %arg6[%dma_start3A_497, %dma_start3A_499, %dma_start3A_500] : memref<2x4x128xi32, #tpu.memory_space<vmem>> -> memref<1x4x128xi32, #tpu.memory_space<vmem>>
        %dma_start3A_502 = tpu.memref_squeeze %dma_start3A_501 : memref<1x4x128xi32, #tpu.memory_space<vmem>> -> memref<4x128xi32, #tpu.memory_space<vmem>>
        %dma_start3A_503 = arith.constant 0 : i32
        %dma_start3A_504 = tpu.memref_slice %dma_start3A_502[%dma_start3A_498, %dma_start3A_503] : memref<4x128xi32, #tpu.memory_space<vmem>> -> memref<1x128xi32, #tpu.memory_space<vmem>>
        %dma_start3A_505 = tpu.memref_squeeze %dma_start3A_504 : memref<1x128xi32, #tpu.memory_space<vmem>> -> memref<128xi32, #tpu.memory_space<vmem>>
        %dma_start3A_506 = arith.constant 0 : i32
        %dma_start3A_507 = arith.constant 0 : i32
        %dma_start3A_508 = tpu.memref_slice %arg2[%dma_start3A_506, %dma_start3A_507] : memref<10000x128xf32, #tpu.memory_space<hbm>> -> memref<10000x128xf32, #tpu.memory_space<hbm>>
        tpu.enqueue_indirect_dma source(%dma_start3A_508 : memref<10000x128xf32, #tpu.memory_space<hbm>>) target(%arg8 : memref<128x128xf32, #tpu.memory_space<vmem>>) offsets(%dma_start3A_505 : memref<128xi32, #tpu.memory_space<vmem>>) semaphore(%arg11 : memref<!tpu.dma_semaphore, #tpu.memory_space<semaphore_mem>>)
      } else {
      }
      %mul3A_283 = arith.constant 2 : i32
      %mul3A_284 = arith.muli %mul3A_283, %while3A_104 : i32
      %add3A_285 = arith.constant 1 : i32
      %add3A_286 = arith.addi %mul3A_284, %add3A_285 : i32
      %mul3A_287 = arith.constant 4 : i32
      %mul3A_288 = arith.muli %add3A_286, %mul3A_287 : i32
      %add3A_289 = arith.constant 0 : i32
      %add3A_290 = arith.addi %mul3A_288, %add3A_289 : i32
      %dma_wait3A_291 = arith.constant 0 : i32
      %dma_wait3A_292 = arith.constant 0 : i32
      %dma_wait3A_293 = arith.constant 0 : i32
      %dma_wait3A_294 = arith.constant 0 : i32
      %dma_wait3A_295 = tpu.memref_slice %arg6[%dma_wait3A_291, %dma_wait3A_293, %dma_wait3A_294] : memref<2x4x128xi32, #tpu.memory_space<vmem>> -> memref<1x4x128xi32, #tpu.memory_space<vmem>>
      %dma_wait3A_296 = tpu.memref_squeeze %dma_wait3A_295 : memref<1x4x128xi32, #tpu.memory_space<vmem>> -> memref<4x128xi32, #tpu.memory_space<vmem>>
      %dma_wait3A_297 = arith.constant 0 : i32
      %dma_wait3A_298 = tpu.memref_slice %dma_wait3A_296[%dma_wait3A_292, %dma_wait3A_297] : memref<4x128xi32, #tpu.memory_space<vmem>> -> memref<1x128xi32, #tpu.memory_space<vmem>>
      %dma_wait3A_299 = tpu.memref_squeeze %dma_wait3A_298 : memref<1x128xi32, #tpu.memory_space<vmem>> -> memref<128xi32, #tpu.memory_space<vmem>>
      %dma_wait3A_300 = arith.constant 0 : i32
      %dma_wait3A_301 = arith.constant 0 : i32
      %dma_wait3A_302 = tpu.memref_slice %arg2[%dma_wait3A_300, %dma_wait3A_301] : memref<10000x128xf32, #tpu.memory_space<hbm>> -> memref<10000x128xf32, #tpu.memory_space<hbm>>
      tpu.wait_indirect_dma semaphore(%arg11 : memref<!tpu.dma_semaphore, #tpu.memory_space<semaphore_mem>>) src(%dma_wait3A_302 : memref<10000x128xf32, #tpu.memory_space<hbm>>) dst(%arg8 : memref<128x128xf32, #tpu.memory_space<vmem>>)
      %dma_start3A_303 = arith.constant 1 : i32
      %dma_start3A_304 = arith.constant 0 : i32
      %dma_start3A_305 = arith.constant 0 : i32
      %dma_start3A_306 = arith.constant 0 : i32
      %dma_start3A_307 = tpu.memref_slice %arg7[%dma_start3A_303, %dma_start3A_305, %dma_start3A_306] : memref<2x4x128xi32, #tpu.memory_space<vmem>> -> memref<1x4x128xi32, #tpu.memory_space<vmem>>
      %dma_start3A_308 = tpu.memref_squeeze %dma_start3A_307 : memref<1x4x128xi32, #tpu.memory_space<vmem>> -> memref<4x128xi32, #tpu.memory_space<vmem>>
      %dma_start3A_309 = arith.constant 0 : i32
      %dma_start3A_310 = tpu.memref_slice %dma_start3A_308[%dma_start3A_304, %dma_start3A_309] : memref<4x128xi32, #tpu.memory_space<vmem>> -> memref<1x128xi32, #tpu.memory_space<vmem>>
      %dma_start3A_311 = tpu.memref_squeeze %dma_start3A_310 : memref<1x128xi32, #tpu.memory_space<vmem>> -> memref<128xi32, #tpu.memory_space<vmem>>
      %dma_start3A_312 = arith.constant 0 : i32
      %dma_start3A_313 = arith.constant 0 : i32
      %dma_start3A_314 = tpu.memref_slice %arg10[%dma_start3A_312, %dma_start3A_313] : memref<10240x128xf32, #tpu.memory_space<vmem_shared>> -> memref<10240x128xf32, #tpu.memory_space<vmem_shared>>
      tpu.enqueue_indirect_dma source(%arg8 : memref<128x128xf32, #tpu.memory_space<vmem>>) target(%dma_start3A_314 : memref<10240x128xf32, #tpu.memory_space<vmem_shared>>) offsets(%dma_start3A_311 : memref<128xi32, #tpu.memory_space<vmem>>) semaphore(%arg13 : memref<!tpu.dma_semaphore, #tpu.memory_space<semaphore_mem>>) {add = true}
      %ge3A_315 = arith.constant 1 : i32
      %ge3A_316 = arith.cmpi sge, %add3A_290, %ge3A_315 : i32
      %convert_element_type3A_317 = arith.extui %ge3A_316 : i1 to i32
      %cond3A_318 = arith.constant 0 : i32
      %cond3A_319 = arith.cmpi ne, %convert_element_type3A_317, %cond3A_318 : i32
      scf.if %cond3A_319 {
        %dma_wait3A_467 = arith.constant 0 : i32
        %dma_wait3A_468 = arith.constant 0 : i32
        %dma_wait3A_469 = arith.constant 0 : i32
        %dma_wait3A_470 = arith.constant 0 : i32
        %dma_wait3A_471 = tpu.memref_slice %arg7[%dma_wait3A_467, %dma_wait3A_469, %dma_wait3A_470] : memref<2x4x128xi32, #tpu.memory_space<vmem>> -> memref<1x4x128xi32, #tpu.memory_space<vmem>>
        %dma_wait3A_472 = tpu.memref_squeeze %dma_wait3A_471 : memref<1x4x128xi32, #tpu.memory_space<vmem>> -> memref<4x128xi32, #tpu.memory_space<vmem>>
        %dma_wait3A_473 = arith.constant 0 : i32
        %dma_wait3A_474 = tpu.memref_slice %dma_wait3A_472[%dma_wait3A_468, %dma_wait3A_473] : memref<4x128xi32, #tpu.memory_space<vmem>> -> memref<1x128xi32, #tpu.memory_space<vmem>>
        %dma_wait3A_475 = tpu.memref_squeeze %dma_wait3A_474 : memref<1x128xi32, #tpu.memory_space<vmem>> -> memref<128xi32, #tpu.memory_space<vmem>>
        %dma_wait3A_476 = arith.constant 0 : i32
        %dma_wait3A_477 = arith.constant 0 : i32
        %dma_wait3A_478 = tpu.memref_slice %arg10[%dma_wait3A_476, %dma_wait3A_477] : memref<10240x128xf32, #tpu.memory_space<vmem_shared>> -> memref<10240x128xf32, #tpu.memory_space<vmem_shared>>
        tpu.wait_indirect_dma semaphore(%arg14 : memref<!tpu.dma_semaphore, #tpu.memory_space<semaphore_mem>>) src(%arg9 : memref<128x128xf32, #tpu.memory_space<vmem>>) dst(%dma_wait3A_478 : memref<10240x128xf32, #tpu.memory_space<vmem_shared>>)
      } else {
      }
      %sub3A_320 = arith.constant 1 : i32
      %sub3A_321 = arith.subi %select_n3A_19, %sub3A_320 : i32
      %lt3A_322 = arith.cmpi slt, %add3A_286, %sub3A_321 : i32
      %convert_element_type3A_323 = arith.extui %lt3A_322 : i1 to i32
      %cond3A_324 = arith.constant 0 : i32
      %cond3A_325 = arith.cmpi ne, %convert_element_type3A_323, %cond3A_324 : i32
      scf.if %cond3A_325 {
        %add3A_467 = arith.constant 1 : i32
        %add3A_468 = arith.addi %add3A_286, %add3A_467 : i32
        %mul3A_469 = arith.constant 4 : i32
        %mul3A_470 = arith.muli %add3A_468, %mul3A_469 : i32
        %add3A_471 = arith.addi %mul3A, %mul3A_470 : i32
        %dma_start3A_472 = arith.constant 0 : i32
        %dma_start3A_473 = arith.constant 0 : i32
        %dma_start3A_474 = arith.constant 0 : i32
        %dma_start3A_475 = tpu.memref_slice %arg6[%dma_start3A_472, %dma_start3A_473, %dma_start3A_474] : memref<2x4x128xi32, #tpu.memory_space<vmem>> -> memref<1x4x128xi32, #tpu.memory_space<vmem>>
        %dma_start3A_476 = tpu.memref_squeeze %dma_start3A_475 : memref<1x4x128xi32, #tpu.memory_space<vmem>> -> memref<4x128xi32, #tpu.memory_space<vmem>>
        %dma_start3A_477 = arith.constant 0 : i32
        %dma_start3A_478 = tpu.memref_slice %arg3[%arg0, %add3A_471, %dma_start3A_477] : memref<2x1152x128xi32, #tpu.memory_space<hbm>> -> memref<1x4x128xi32, #tpu.memory_space<hbm>>
        %dma_start3A_479 = tpu.memref_squeeze %dma_start3A_478 : memref<1x4x128xi32, #tpu.memory_space<hbm>> -> memref<4x128xi32, #tpu.memory_space<hbm>>
        %dma_start3A_480 = arith.constant 0 : i32
        %dma_start3A_481 = arith.constant 0 : i32
        %dma_start3A_482 = tpu.memref_slice %arg6[%dma_start3A_472, %dma_start3A_480, %dma_start3A_481] : memref<2x4x128xi32, #tpu.memory_space<vmem>> -> memref<1x4x128xi32, #tpu.memory_space<vmem>>
        %dma_start3A_483 = tpu.memref_squeeze %dma_start3A_482 : memref<1x4x128xi32, #tpu.memory_space<vmem>> -> memref<4x128xi32, #tpu.memory_space<vmem>>
        %dma_start3A_484 = arith.constant 0 : i32
        %dma_start3A_485 = tpu.memref_slice %arg3[%arg0, %add3A_471, %dma_start3A_484] : memref<2x1152x128xi32, #tpu.memory_space<hbm>> -> memref<1x4x128xi32, #tpu.memory_space<hbm>>
        %dma_start3A_486 = tpu.memref_squeeze %dma_start3A_485 : memref<1x4x128xi32, #tpu.memory_space<hbm>> -> memref<4x128xi32, #tpu.memory_space<hbm>>
        tpu.enqueue_dma source(%dma_start3A_486 : memref<4x128xi32, #tpu.memory_space<hbm>>) target(%dma_start3A_483 : memref<4x128xi32, #tpu.memory_space<vmem>>) target_semaphore(%arg15 : memref<!tpu.dma_semaphore, #tpu.memory_space<semaphore_mem>>)
        %dma_start3A_487 = arith.constant 0 : i32
        %dma_start3A_488 = arith.constant 0 : i32
        %dma_start3A_489 = arith.constant 0 : i32
        %dma_start3A_490 = tpu.memref_slice %arg7[%dma_start3A_487, %dma_start3A_488, %dma_start3A_489] : memref<2x4x128xi32, #tpu.memory_space<vmem>> -> memref<1x4x128xi32, #tpu.memory_space<vmem>>
        %dma_start3A_491 = tpu.memref_squeeze %dma_start3A_490 : memref<1x4x128xi32, #tpu.memory_space<vmem>> -> memref<4x128xi32, #tpu.memory_space<vmem>>
        %dma_start3A_492 = arith.constant 0 : i32
        %dma_start3A_493 = tpu.memref_slice %arg4[%arg0, %add3A_471, %dma_start3A_492] : memref<2x1152x128xi32, #tpu.memory_space<hbm>> -> memref<1x4x128xi32, #tpu.memory_space<hbm>>
        %dma_start3A_494 = tpu.memref_squeeze %dma_start3A_493 : memref<1x4x128xi32, #tpu.memory_space<hbm>> -> memref<4x128xi32, #tpu.memory_space<hbm>>
        %dma_start3A_495 = arith.constant 0 : i32
        %dma_start3A_496 = arith.constant 0 : i32
        %dma_start3A_497 = tpu.memref_slice %arg7[%dma_start3A_487, %dma_start3A_495, %dma_start3A_496] : memref<2x4x128xi32, #tpu.memory_space<vmem>> -> memref<1x4x128xi32, #tpu.memory_space<vmem>>
        %dma_start3A_498 = tpu.memref_squeeze %dma_start3A_497 : memref<1x4x128xi32, #tpu.memory_space<vmem>> -> memref<4x128xi32, #tpu.memory_space<vmem>>
        %dma_start3A_499 = arith.constant 0 : i32
        %dma_start3A_500 = tpu.memref_slice %arg4[%arg0, %add3A_471, %dma_start3A_499] : memref<2x1152x128xi32, #tpu.memory_space<hbm>> -> memref<1x4x128xi32, #tpu.memory_space<hbm>>
        %dma_start3A_501 = tpu.memref_squeeze %dma_start3A_500 : memref<1x4x128xi32, #tpu.memory_space<hbm>> -> memref<4x128xi32, #tpu.memory_space<hbm>>
        tpu.enqueue_dma source(%dma_start3A_501 : memref<4x128xi32, #tpu.memory_space<hbm>>) target(%dma_start3A_498 : memref<4x128xi32, #tpu.memory_space<vmem>>) target_semaphore(%arg15 : memref<!tpu.dma_semaphore, #tpu.memory_space<semaphore_mem>>)
      } else {
      }
      %dma_start3A_326 = arith.constant 1 : i32
      %dma_start3A_327 = arith.constant 1 : i32
      %dma_start3A_328 = arith.constant 0 : i32
      %dma_start3A_329 = arith.constant 0 : i32
      %dma_start3A_330 = tpu.memref_slice %arg6[%dma_start3A_326, %dma_start3A_328, %dma_start3A_329] : memref<2x4x128xi32, #tpu.memory_space<vmem>> -> memref<1x4x128xi32, #tpu.memory_space<vmem>>
      %dma_start3A_331 = tpu.memref_squeeze %dma_start3A_330 : memref<1x4x128xi32, #tpu.memory_space<vmem>> -> memref<4x128xi32, #tpu.memory_space<vmem>>
      %dma_start3A_332 = arith.constant 0 : i32
      %dma_start3A_333 = tpu.memref_slice %dma_start3A_331[%dma_start3A_327, %dma_start3A_332] : memref<4x128xi32, #tpu.memory_space<vmem>> -> memref<1x128xi32, #tpu.memory_space<vmem>>
      %dma_start3A_334 = tpu.memref_squeeze %dma_start3A_333 : memref<1x128xi32, #tpu.memory_space<vmem>> -> memref<128xi32, #tpu.memory_space<vmem>>
      %dma_start3A_335 = arith.constant 0 : i32
      %dma_start3A_336 = arith.constant 0 : i32
      %dma_start3A_337 = tpu.memref_slice %arg2[%dma_start3A_335, %dma_start3A_336] : memref<10000x128xf32, #tpu.memory_space<hbm>> -> memref<10000x128xf32, #tpu.memory_space<hbm>>
      tpu.enqueue_indirect_dma source(%dma_start3A_337 : memref<10000x128xf32, #tpu.memory_space<hbm>>) target(%arg9 : memref<128x128xf32, #tpu.memory_space<vmem>>) offsets(%dma_start3A_334 : memref<128xi32, #tpu.memory_space<vmem>>) semaphore(%arg12 : memref<!tpu.dma_semaphore, #tpu.memory_space<semaphore_mem>>)
      %mul3A_338 = arith.constant 4 : i32
      %mul3A_339 = arith.muli %add3A_286, %mul3A_338 : i32
      %add3A_340 = arith.constant 1 : i32
      %add3A_341 = arith.addi %mul3A_339, %add3A_340 : i32
      %dma_wait3A_342 = arith.constant 0 : i32
      %dma_wait3A_343 = arith.constant 0 : i32
      %dma_wait3A_344 = arith.constant 0 : i32
      %dma_wait3A_345 = arith.constant 0 : i32
      %dma_wait3A_346 = tpu.memref_slice %arg6[%dma_wait3A_342, %dma_wait3A_344, %dma_wait3A_345] : memref<2x4x128xi32, #tpu.memory_space<vmem>> -> memref<1x4x128xi32, #tpu.memory_space<vmem>>
      %dma_wait3A_347 = tpu.memref_squeeze %dma_wait3A_346 : memref<1x4x128xi32, #tpu.memory_space<vmem>> -> memref<4x128xi32, #tpu.memory_space<vmem>>
      %dma_wait3A_348 = arith.constant 0 : i32
      %dma_wait3A_349 = tpu.memref_slice %dma_wait3A_347[%dma_wait3A_343, %dma_wait3A_348] : memref<4x128xi32, #tpu.memory_space<vmem>> -> memref<1x128xi32, #tpu.memory_space<vmem>>
      %dma_wait3A_350 = tpu.memref_squeeze %dma_wait3A_349 : memref<1x128xi32, #tpu.memory_space<vmem>> -> memref<128xi32, #tpu.memory_space<vmem>>
      %dma_wait3A_351 = arith.constant 0 : i32
      %dma_wait3A_352 = arith.constant 0 : i32
      %dma_wait3A_353 = tpu.memref_slice %arg2[%dma_wait3A_351, %dma_wait3A_352] : memref<10000x128xf32, #tpu.memory_space<hbm>> -> memref<10000x128xf32, #tpu.memory_space<hbm>>
      tpu.wait_indirect_dma semaphore(%arg12 : memref<!tpu.dma_semaphore, #tpu.memory_space<semaphore_mem>>) src(%dma_wait3A_353 : memref<10000x128xf32, #tpu.memory_space<hbm>>) dst(%arg9 : memref<128x128xf32, #tpu.memory_space<vmem>>)
      %dma_start3A_354 = arith.constant 1 : i32
      %dma_start3A_355 = arith.constant 1 : i32
      %dma_start3A_356 = arith.constant 0 : i32
      %dma_start3A_357 = arith.constant 0 : i32
      %dma_start3A_358 = tpu.memref_slice %arg7[%dma_start3A_354, %dma_start3A_356, %dma_start3A_357] : memref<2x4x128xi32, #tpu.memory_space<vmem>> -> memref<1x4x128xi32, #tpu.memory_space<vmem>>
      %dma_start3A_359 = tpu.memref_squeeze %dma_start3A_358 : memref<1x4x128xi32, #tpu.memory_space<vmem>> -> memref<4x128xi32, #tpu.memory_space<vmem>>
      %dma_start3A_360 = arith.constant 0 : i32
      %dma_start3A_361 = tpu.memref_slice %dma_start3A_359[%dma_start3A_355, %dma_start3A_360] : memref<4x128xi32, #tpu.memory_space<vmem>> -> memref<1x128xi32, #tpu.memory_space<vmem>>
      %dma_start3A_362 = tpu.memref_squeeze %dma_start3A_361 : memref<1x128xi32, #tpu.memory_space<vmem>> -> memref<128xi32, #tpu.memory_space<vmem>>
      %dma_start3A_363 = arith.constant 0 : i32
      %dma_start3A_364 = arith.constant 0 : i32
      %dma_start3A_365 = tpu.memref_slice %arg10[%dma_start3A_363, %dma_start3A_364] : memref<10240x128xf32, #tpu.memory_space<vmem_shared>> -> memref<10240x128xf32, #tpu.memory_space<vmem_shared>>
      tpu.enqueue_indirect_dma source(%arg9 : memref<128x128xf32, #tpu.memory_space<vmem>>) target(%dma_start3A_365 : memref<10240x128xf32, #tpu.memory_space<vmem_shared>>) offsets(%dma_start3A_362 : memref<128xi32, #tpu.memory_space<vmem>>) semaphore(%arg14 : memref<!tpu.dma_semaphore, #tpu.memory_space<semaphore_mem>>) {add = true}
      %ge3A_366 = arith.constant 1 : i32
      %ge3A_367 = arith.cmpi sge, %add3A_341, %ge3A_366 : i32
      %convert_element_type3A_368 = arith.extui %ge3A_367 : i1 to i32
      %cond3A_369 = arith.constant 0 : i32
      %cond3A_370 = arith.cmpi ne, %convert_element_type3A_368, %cond3A_369 : i32
      scf.if %cond3A_370 {
        %dma_wait3A_467 = arith.constant 0 : i32
        %dma_wait3A_468 = arith.constant 0 : i32
        %dma_wait3A_469 = arith.constant 0 : i32
        %dma_wait3A_470 = arith.constant 0 : i32
        %dma_wait3A_471 = tpu.memref_slice %arg7[%dma_wait3A_467, %dma_wait3A_469, %dma_wait3A_470] : memref<2x4x128xi32, #tpu.memory_space<vmem>> -> memref<1x4x128xi32, #tpu.memory_space<vmem>>
        %dma_wait3A_472 = tpu.memref_squeeze %dma_wait3A_471 : memref<1x4x128xi32, #tpu.memory_space<vmem>> -> memref<4x128xi32, #tpu.memory_space<vmem>>
        %dma_wait3A_473 = arith.constant 0 : i32
        %dma_wait3A_474 = tpu.memref_slice %dma_wait3A_472[%dma_wait3A_468, %dma_wait3A_473] : memref<4x128xi32, #tpu.memory_space<vmem>> -> memref<1x128xi32, #tpu.memory_space<vmem>>
        %dma_wait3A_475 = tpu.memref_squeeze %dma_wait3A_474 : memref<1x128xi32, #tpu.memory_space<vmem>> -> memref<128xi32, #tpu.memory_space<vmem>>
        %dma_wait3A_476 = arith.constant 0 : i32
        %dma_wait3A_477 = arith.constant 0 : i32
        %dma_wait3A_478 = tpu.memref_slice %arg10[%dma_wait3A_476, %dma_wait3A_477] : memref<10240x128xf32, #tpu.memory_space<vmem_shared>> -> memref<10240x128xf32, #tpu.memory_space<vmem_shared>>
        tpu.wait_indirect_dma semaphore(%arg13 : memref<!tpu.dma_semaphore, #tpu.memory_space<semaphore_mem>>) src(%arg8 : memref<128x128xf32, #tpu.memory_space<vmem>>) dst(%dma_wait3A_478 : memref<10240x128xf32, #tpu.memory_space<vmem_shared>>)
      } else {
      }
      %dma_start3A_371 = arith.constant 1 : i32
      %dma_start3A_372 = arith.constant 2 : i32
      %dma_start3A_373 = arith.constant 0 : i32
      %dma_start3A_374 = arith.constant 0 : i32
      %dma_start3A_375 = tpu.memref_slice %arg6[%dma_start3A_371, %dma_start3A_373, %dma_start3A_374] : memref<2x4x128xi32, #tpu.memory_space<vmem>> -> memref<1x4x128xi32, #tpu.memory_space<vmem>>
      %dma_start3A_376 = tpu.memref_squeeze %dma_start3A_375 : memref<1x4x128xi32, #tpu.memory_space<vmem>> -> memref<4x128xi32, #tpu.memory_space<vmem>>
      %dma_start3A_377 = arith.constant 0 : i32
      %dma_start3A_378 = tpu.memref_slice %dma_start3A_376[%dma_start3A_372, %dma_start3A_377] : memref<4x128xi32, #tpu.memory_space<vmem>> -> memref<1x128xi32, #tpu.memory_space<vmem>>
      %dma_start3A_379 = tpu.memref_squeeze %dma_start3A_378 : memref<1x128xi32, #tpu.memory_space<vmem>> -> memref<128xi32, #tpu.memory_space<vmem>>
      %dma_start3A_380 = arith.constant 0 : i32
      %dma_start3A_381 = arith.constant 0 : i32
      %dma_start3A_382 = tpu.memref_slice %arg2[%dma_start3A_380, %dma_start3A_381] : memref<10000x128xf32, #tpu.memory_space<hbm>> -> memref<10000x128xf32, #tpu.memory_space<hbm>>
      tpu.enqueue_indirect_dma source(%dma_start3A_382 : memref<10000x128xf32, #tpu.memory_space<hbm>>) target(%arg8 : memref<128x128xf32, #tpu.memory_space<vmem>>) offsets(%dma_start3A_379 : memref<128xi32, #tpu.memory_space<vmem>>) semaphore(%arg11 : memref<!tpu.dma_semaphore, #tpu.memory_space<semaphore_mem>>)
      %mul3A_383 = arith.constant 4 : i32
      %mul3A_384 = arith.muli %add3A_286, %mul3A_383 : i32
      %add3A_385 = arith.constant 2 : i32
      %add3A_386 = arith.addi %mul3A_384, %add3A_385 : i32
      %dma_wait3A_387 = arith.constant 0 : i32
      %dma_wait3A_388 = arith.constant 0 : i32
      %dma_wait3A_389 = arith.constant 0 : i32
      %dma_wait3A_390 = arith.constant 0 : i32
      %dma_wait3A_391 = tpu.memref_slice %arg6[%dma_wait3A_387, %dma_wait3A_389, %dma_wait3A_390] : memref<2x4x128xi32, #tpu.memory_space<vmem>> -> memref<1x4x128xi32, #tpu.memory_space<vmem>>
      %dma_wait3A_392 = tpu.memref_squeeze %dma_wait3A_391 : memref<1x4x128xi32, #tpu.memory_space<vmem>> -> memref<4x128xi32, #tpu.memory_space<vmem>>
      %dma_wait3A_393 = arith.constant 0 : i32
      %dma_wait3A_394 = tpu.memref_slice %dma_wait3A_392[%dma_wait3A_388, %dma_wait3A_393] : memref<4x128xi32, #tpu.memory_space<vmem>> -> memref<1x128xi32, #tpu.memory_space<vmem>>
      %dma_wait3A_395 = tpu.memref_squeeze %dma_wait3A_394 : memref<1x128xi32, #tpu.memory_space<vmem>> -> memref<128xi32, #tpu.memory_space<vmem>>
      %dma_wait3A_396 = arith.constant 0 : i32
      %dma_wait3A_397 = arith.constant 0 : i32
      %dma_wait3A_398 = tpu.memref_slice %arg2[%dma_wait3A_396, %dma_wait3A_397] : memref<10000x128xf32, #tpu.memory_space<hbm>> -> memref<10000x128xf32, #tpu.memory_space<hbm>>
      tpu.wait_indirect_dma semaphore(%arg11 : memref<!tpu.dma_semaphore, #tpu.memory_space<semaphore_mem>>) src(%dma_wait3A_398 : memref<10000x128xf32, #tpu.memory_space<hbm>>) dst(%arg8 : memref<128x128xf32, #tpu.memory_space<vmem>>)
      %dma_start3A_399 = arith.constant 1 : i32
      %dma_start3A_400 = arith.constant 2 : i32
      %dma_start3A_401 = arith.constant 0 : i32
      %dma_start3A_402 = arith.constant 0 : i32
      %dma_start3A_403 = tpu.memref_slice %arg7[%dma_start3A_399, %dma_start3A_401, %dma_start3A_402] : memref<2x4x128xi32, #tpu.memory_space<vmem>> -> memref<1x4x128xi32, #tpu.memory_space<vmem>>
      %dma_start3A_404 = tpu.memref_squeeze %dma_start3A_403 : memref<1x4x128xi32, #tpu.memory_space<vmem>> -> memref<4x128xi32, #tpu.memory_space<vmem>>
      %dma_start3A_405 = arith.constant 0 : i32
      %dma_start3A_406 = tpu.memref_slice %dma_start3A_404[%dma_start3A_400, %dma_start3A_405] : memref<4x128xi32, #tpu.memory_space<vmem>> -> memref<1x128xi32, #tpu.memory_space<vmem>>
      %dma_start3A_407 = tpu.memref_squeeze %dma_start3A_406 : memref<1x128xi32, #tpu.memory_space<vmem>> -> memref<128xi32, #tpu.memory_space<vmem>>
      %dma_start3A_408 = arith.constant 0 : i32
      %dma_start3A_409 = arith.constant 0 : i32
      %dma_start3A_410 = tpu.memref_slice %arg10[%dma_start3A_408, %dma_start3A_409] : memref<10240x128xf32, #tpu.memory_space<vmem_shared>> -> memref<10240x128xf32, #tpu.memory_space<vmem_shared>>
      tpu.enqueue_indirect_dma source(%arg8 : memref<128x128xf32, #tpu.memory_space<vmem>>) target(%dma_start3A_410 : memref<10240x128xf32, #tpu.memory_space<vmem_shared>>) offsets(%dma_start3A_407 : memref<128xi32, #tpu.memory_space<vmem>>) semaphore(%arg13 : memref<!tpu.dma_semaphore, #tpu.memory_space<semaphore_mem>>) {add = true}
      %ge3A_411 = arith.constant 1 : i32
      %ge3A_412 = arith.cmpi sge, %add3A_386, %ge3A_411 : i32
      %convert_element_type3A_413 = arith.extui %ge3A_412 : i1 to i32
      %cond3A_414 = arith.constant 0 : i32
      %cond3A_415 = arith.cmpi ne, %convert_element_type3A_413, %cond3A_414 : i32
      scf.if %cond3A_415 {
        %dma_wait3A_467 = arith.constant 0 : i32
        %dma_wait3A_468 = arith.constant 0 : i32
        %dma_wait3A_469 = arith.constant 0 : i32
        %dma_wait3A_470 = arith.constant 0 : i32
        %dma_wait3A_471 = tpu.memref_slice %arg7[%dma_wait3A_467, %dma_wait3A_469, %dma_wait3A_470] : memref<2x4x128xi32, #tpu.memory_space<vmem>> -> memref<1x4x128xi32, #tpu.memory_space<vmem>>
        %dma_wait3A_472 = tpu.memref_squeeze %dma_wait3A_471 : memref<1x4x128xi32, #tpu.memory_space<vmem>> -> memref<4x128xi32, #tpu.memory_space<vmem>>
        %dma_wait3A_473 = arith.constant 0 : i32
        %dma_wait3A_474 = tpu.memref_slice %dma_wait3A_472[%dma_wait3A_468, %dma_wait3A_473] : memref<4x128xi32, #tpu.memory_space<vmem>> -> memref<1x128xi32, #tpu.memory_space<vmem>>
        %dma_wait3A_475 = tpu.memref_squeeze %dma_wait3A_474 : memref<1x128xi32, #tpu.memory_space<vmem>> -> memref<128xi32, #tpu.memory_space<vmem>>
        %dma_wait3A_476 = arith.constant 0 : i32
        %dma_wait3A_477 = arith.constant 0 : i32
        %dma_wait3A_478 = tpu.memref_slice %arg10[%dma_wait3A_476, %dma_wait3A_477] : memref<10240x128xf32, #tpu.memory_space<vmem_shared>> -> memref<10240x128xf32, #tpu.memory_space<vmem_shared>>
        tpu.wait_indirect_dma semaphore(%arg14 : memref<!tpu.dma_semaphore, #tpu.memory_space<semaphore_mem>>) src(%arg9 : memref<128x128xf32, #tpu.memory_space<vmem>>) dst(%dma_wait3A_478 : memref<10240x128xf32, #tpu.memory_space<vmem_shared>>)
      } else {
      }
      %dma_start3A_416 = arith.constant 1 : i32
      %dma_start3A_417 = arith.constant 3 : i32
      %dma_start3A_418 = arith.constant 0 : i32
      %dma_start3A_419 = arith.constant 0 : i32
      %dma_start3A_420 = tpu.memref_slice %arg6[%dma_start3A_416, %dma_start3A_418, %dma_start3A_419] : memref<2x4x128xi32, #tpu.memory_space<vmem>> -> memref<1x4x128xi32, #tpu.memory_space<vmem>>
      %dma_start3A_421 = tpu.memref_squeeze %dma_start3A_420 : memref<1x4x128xi32, #tpu.memory_space<vmem>> -> memref<4x128xi32, #tpu.memory_space<vmem>>
      %dma_start3A_422 = arith.constant 0 : i32
      %dma_start3A_423 = tpu.memref_slice %dma_start3A_421[%dma_start3A_417, %dma_start3A_422] : memref<4x128xi32, #tpu.memory_space<vmem>> -> memref<1x128xi32, #tpu.memory_space<vmem>>
      %dma_start3A_424 = tpu.memref_squeeze %dma_start3A_423 : memref<1x128xi32, #tpu.memory_space<vmem>> -> memref<128xi32, #tpu.memory_space<vmem>>
      %dma_start3A_425 = arith.constant 0 : i32
      %dma_start3A_426 = arith.constant 0 : i32
      %dma_start3A_427 = tpu.memref_slice %arg2[%dma_start3A_425, %dma_start3A_426] : memref<10000x128xf32, #tpu.memory_space<hbm>> -> memref<10000x128xf32, #tpu.memory_space<hbm>>
      tpu.enqueue_indirect_dma source(%dma_start3A_427 : memref<10000x128xf32, #tpu.memory_space<hbm>>) target(%arg9 : memref<128x128xf32, #tpu.memory_space<vmem>>) offsets(%dma_start3A_424 : memref<128xi32, #tpu.memory_space<vmem>>) semaphore(%arg12 : memref<!tpu.dma_semaphore, #tpu.memory_space<semaphore_mem>>)
      %mul3A_428 = arith.constant 4 : i32
      %mul3A_429 = arith.muli %add3A_286, %mul3A_428 : i32
      %add3A_430 = arith.constant 3 : i32
      %add3A_431 = arith.addi %mul3A_429, %add3A_430 : i32
      %dma_wait3A_432 = arith.constant 0 : i32
      %dma_wait3A_433 = arith.constant 0 : i32
      %dma_wait3A_434 = arith.constant 0 : i32
      %dma_wait3A_435 = arith.constant 0 : i32
      %dma_wait3A_436 = tpu.memref_slice %arg6[%dma_wait3A_432, %dma_wait3A_434, %dma_wait3A_435] : memref<2x4x128xi32, #tpu.memory_space<vmem>> -> memref<1x4x128xi32, #tpu.memory_space<vmem>>
      %dma_wait3A_437 = tpu.memref_squeeze %dma_wait3A_436 : memref<1x4x128xi32, #tpu.memory_space<vmem>> -> memref<4x128xi32, #tpu.memory_space<vmem>>
      %dma_wait3A_438 = arith.constant 0 : i32
      %dma_wait3A_439 = tpu.memref_slice %dma_wait3A_437[%dma_wait3A_433, %dma_wait3A_438] : memref<4x128xi32, #tpu.memory_space<vmem>> -> memref<1x128xi32, #tpu.memory_space<vmem>>
      %dma_wait3A_440 = tpu.memref_squeeze %dma_wait3A_439 : memref<1x128xi32, #tpu.memory_space<vmem>> -> memref<128xi32, #tpu.memory_space<vmem>>
      %dma_wait3A_441 = arith.constant 0 : i32
      %dma_wait3A_442 = arith.constant 0 : i32
      %dma_wait3A_443 = tpu.memref_slice %arg2[%dma_wait3A_441, %dma_wait3A_442] : memref<10000x128xf32, #tpu.memory_space<hbm>> -> memref<10000x128xf32, #tpu.memory_space<hbm>>
      tpu.wait_indirect_dma semaphore(%arg12 : memref<!tpu.dma_semaphore, #tpu.memory_space<semaphore_mem>>) src(%dma_wait3A_443 : memref<10000x128xf32, #tpu.memory_space<hbm>>) dst(%arg9 : memref<128x128xf32, #tpu.memory_space<vmem>>)
      %dma_start3A_444 = arith.constant 1 : i32
      %dma_start3A_445 = arith.constant 3 : i32
      %dma_start3A_446 = arith.constant 0 : i32
      %dma_start3A_447 = arith.constant 0 : i32
      %dma_start3A_448 = tpu.memref_slice %arg7[%dma_start3A_444, %dma_start3A_446, %dma_start3A_447] : memref<2x4x128xi32, #tpu.memory_space<vmem>> -> memref<1x4x128xi32, #tpu.memory_space<vmem>>
      %dma_start3A_449 = tpu.memref_squeeze %dma_start3A_448 : memref<1x4x128xi32, #tpu.memory_space<vmem>> -> memref<4x128xi32, #tpu.memory_space<vmem>>
      %dma_start3A_450 = arith.constant 0 : i32
      %dma_start3A_451 = tpu.memref_slice %dma_start3A_449[%dma_start3A_445, %dma_start3A_450] : memref<4x128xi32, #tpu.memory_space<vmem>> -> memref<1x128xi32, #tpu.memory_space<vmem>>
      %dma_start3A_452 = tpu.memref_squeeze %dma_start3A_451 : memref<1x128xi32, #tpu.memory_space<vmem>> -> memref<128xi32, #tpu.memory_space<vmem>>
      %dma_start3A_453 = arith.constant 0 : i32
      %dma_start3A_454 = arith.constant 0 : i32
      %dma_start3A_455 = tpu.memref_slice %arg10[%dma_start3A_453, %dma_start3A_454] : memref<10240x128xf32, #tpu.memory_space<vmem_shared>> -> memref<10240x128xf32, #tpu.memory_space<vmem_shared>>
      tpu.enqueue_indirect_dma source(%arg9 : memref<128x128xf32, #tpu.memory_space<vmem>>) target(%dma_start3A_455 : memref<10240x128xf32, #tpu.memory_space<vmem_shared>>) offsets(%dma_start3A_452 : memref<128xi32, #tpu.memory_space<vmem>>) semaphore(%arg14 : memref<!tpu.dma_semaphore, #tpu.memory_space<semaphore_mem>>) {add = true}
      %ge3A_456 = arith.constant 1 : i32
      %ge3A_457 = arith.cmpi sge, %add3A_431, %ge3A_456 : i32
      %convert_element_type3A_458 = arith.extui %ge3A_457 : i1 to i32
      %cond3A_459 = arith.constant 0 : i32
      %cond3A_460 = arith.cmpi ne, %convert_element_type3A_458, %cond3A_459 : i32
      scf.if %cond3A_460 {
        %dma_wait3A_467 = arith.constant 0 : i32
        %dma_wait3A_468 = arith.constant 0 : i32
        %dma_wait3A_469 = arith.constant 0 : i32
        %dma_wait3A_470 = arith.constant 0 : i32
        %dma_wait3A_471 = tpu.memref_slice %arg7[%dma_wait3A_467, %dma_wait3A_469, %dma_wait3A_470] : memref<2x4x128xi32, #tpu.memory_space<vmem>> -> memref<1x4x128xi32, #tpu.memory_space<vmem>>
        %dma_wait3A_472 = tpu.memref_squeeze %dma_wait3A_471 : memref<1x4x128xi32, #tpu.memory_space<vmem>> -> memref<4x128xi32, #tpu.memory_space<vmem>>
        %dma_wait3A_473 = arith.constant 0 : i32
        %dma_wait3A_474 = tpu.memref_slice %dma_wait3A_472[%dma_wait3A_468, %dma_wait3A_473] : memref<4x128xi32, #tpu.memory_space<vmem>> -> memref<1x128xi32, #tpu.memory_space<vmem>>
        %dma_wait3A_475 = tpu.memref_squeeze %dma_wait3A_474 : memref<1x128xi32, #tpu.memory_space<vmem>> -> memref<128xi32, #tpu.memory_space<vmem>>
        %dma_wait3A_476 = arith.constant 0 : i32
        %dma_wait3A_477 = arith.constant 0 : i32
        %dma_wait3A_478 = tpu.memref_slice %arg10[%dma_wait3A_476, %dma_wait3A_477] : memref<10240x128xf32, #tpu.memory_space<vmem_shared>> -> memref<10240x128xf32, #tpu.memory_space<vmem_shared>>
        tpu.wait_indirect_dma semaphore(%arg13 : memref<!tpu.dma_semaphore, #tpu.memory_space<semaphore_mem>>) src(%arg8 : memref<128x128xf32, #tpu.memory_space<vmem>>) dst(%dma_wait3A_478 : memref<10240x128xf32, #tpu.memory_space<vmem_shared>>)
      } else {
      }
      %sub3A_461 = arith.constant 1 : i32
      %sub3A_462 = arith.subi %select_n3A_19, %sub3A_461 : i32
      %lt3A_463 = arith.cmpi slt, %add3A_286, %sub3A_462 : i32
      %convert_element_type3A_464 = arith.extui %lt3A_463 : i1 to i32
      %cond3A_465 = arith.constant 0 : i32
      %cond3A_466 = arith.cmpi ne, %convert_element_type3A_464, %cond3A_465 : i32
      scf.if %cond3A_466 {
        %dma_wait3A_467 = arith.constant 0 : i32
        %dma_wait3A_468 = arith.constant 0 : i32
        %dma_wait3A_469 = arith.constant 0 : i32
        %dma_wait3A_470 = tpu.memref_slice %arg6[%dma_wait3A_467, %dma_wait3A_468, %dma_wait3A_469] : memref<2x4x128xi32, #tpu.memory_space<vmem>> -> memref<1x4x128xi32, #tpu.memory_space<vmem>>
        %dma_wait3A_471 = tpu.memref_squeeze %dma_wait3A_470 : memref<1x4x128xi32, #tpu.memory_space<vmem>> -> memref<4x128xi32, #tpu.memory_space<vmem>>
        %dma_wait3A_472 = arith.constant 0 : i32
        %dma_wait3A_473 = tpu.memref_slice %arg3[%arg0, %mul3A, %dma_wait3A_472] : memref<2x1152x128xi32, #tpu.memory_space<hbm>> -> memref<1x4x128xi32, #tpu.memory_space<hbm>>
        %dma_wait3A_474 = tpu.memref_squeeze %dma_wait3A_473 : memref<1x4x128xi32, #tpu.memory_space<hbm>> -> memref<4x128xi32, #tpu.memory_space<hbm>>
        %dma_wait3A_475 = arith.constant 0 : i32
        %dma_wait3A_476 = arith.constant 0 : i32
        %dma_wait3A_477 = tpu.memref_slice %arg6[%dma_wait3A_467, %dma_wait3A_475, %dma_wait3A_476] : memref<2x4x128xi32, #tpu.memory_space<vmem>> -> memref<1x4x128xi32, #tpu.memory_space<vmem>>
        %dma_wait3A_478 = tpu.memref_squeeze %dma_wait3A_477 : memref<1x4x128xi32, #tpu.memory_space<vmem>> -> memref<4x128xi32, #tpu.memory_space<vmem>>
        %dma_wait3A_479 = arith.constant 0 : i32
        %dma_wait3A_480 = tpu.memref_slice %arg3[%arg0, %mul3A, %dma_wait3A_479] : memref<2x1152x128xi32, #tpu.memory_space<hbm>> -> memref<1x4x128xi32, #tpu.memory_space<hbm>>
        %dma_wait3A_481 = tpu.memref_squeeze %dma_wait3A_480 : memref<1x4x128xi32, #tpu.memory_space<hbm>> -> memref<4x128xi32, #tpu.memory_space<hbm>>
        tpu.wait_dma2 semaphore(%arg15 : memref<!tpu.dma_semaphore, #tpu.memory_space<semaphore_mem>>) src(%dma_wait3A_481 : memref<4x128xi32, #tpu.memory_space<hbm>>) dst(%dma_wait3A_478 : memref<4x128xi32, #tpu.memory_space<vmem>>)
        %dma_wait3A_482 = arith.constant 0 : i32
        %dma_wait3A_483 = arith.constant 0 : i32
        %dma_wait3A_484 = arith.constant 0 : i32
        %dma_wait3A_485 = tpu.memref_slice %arg7[%dma_wait3A_482, %dma_wait3A_483, %dma_wait3A_484] : memref<2x4x128xi32, #tpu.memory_space<vmem>> -> memref<1x4x128xi32, #tpu.memory_space<vmem>>
        %dma_wait3A_486 = tpu.memref_squeeze %dma_wait3A_485 : memref<1x4x128xi32, #tpu.memory_space<vmem>> -> memref<4x128xi32, #tpu.memory_space<vmem>>
        %dma_wait3A_487 = arith.constant 0 : i32
        %dma_wait3A_488 = tpu.memref_slice %arg4[%arg0, %mul3A, %dma_wait3A_487] : memref<2x1152x128xi32, #tpu.memory_space<hbm>> -> memref<1x4x128xi32, #tpu.memory_space<hbm>>
        %dma_wait3A_489 = tpu.memref_squeeze %dma_wait3A_488 : memref<1x4x128xi32, #tpu.memory_space<hbm>> -> memref<4x128xi32, #tpu.memory_space<hbm>>
        %dma_wait3A_490 = arith.constant 0 : i32
        %dma_wait3A_491 = arith.constant 0 : i32
        %dma_wait3A_492 = tpu.memref_slice %arg7[%dma_wait3A_482, %dma_wait3A_490, %dma_wait3A_491] : memref<2x4x128xi32, #tpu.memory_space<vmem>> -> memref<1x4x128xi32, #tpu.memory_space<vmem>>
        %dma_wait3A_493 = tpu.memref_squeeze %dma_wait3A_492 : memref<1x4x128xi32, #tpu.memory_space<vmem>> -> memref<4x128xi32, #tpu.memory_space<vmem>>
        %dma_wait3A_494 = arith.constant 0 : i32
        %dma_wait3A_495 = tpu.memref_slice %arg4[%arg0, %mul3A, %dma_wait3A_494] : memref<2x1152x128xi32, #tpu.memory_space<hbm>> -> memref<1x4x128xi32, #tpu.memory_space<hbm>>
        %dma_wait3A_496 = tpu.memref_squeeze %dma_wait3A_495 : memref<1x4x128xi32, #tpu.memory_space<hbm>> -> memref<4x128xi32, #tpu.memory_space<hbm>>
        tpu.wait_dma2 semaphore(%arg15 : memref<!tpu.dma_semaphore, #tpu.memory_space<semaphore_mem>>) src(%dma_wait3A_496 : memref<4x128xi32, #tpu.memory_space<hbm>>) dst(%dma_wait3A_493 : memref<4x128xi32, #tpu.memory_space<vmem>>)
        %dma_start3A_497 = arith.constant 0 : i32
        %dma_start3A_498 = arith.constant 0 : i32
        %dma_start3A_499 = arith.constant 0 : i32
        %dma_start3A_500 = arith.constant 0 : i32
        %dma_start3A_501 = tpu.memref_slice %arg6[%dma_start3A_497, %dma_start3A_499, %dma_start3A_500] : memref<2x4x128xi32, #tpu.memory_space<vmem>> -> memref<1x4x128xi32, #tpu.memory_space<vmem>>
        %dma_start3A_502 = tpu.memref_squeeze %dma_start3A_501 : memref<1x4x128xi32, #tpu.memory_space<vmem>> -> memref<4x128xi32, #tpu.memory_space<vmem>>
        %dma_start3A_503 = arith.constant 0 : i32
        %dma_start3A_504 = tpu.memref_slice %dma_start3A_502[%dma_start3A_498, %dma_start3A_503] : memref<4x128xi32, #tpu.memory_space<vmem>> -> memref<1x128xi32, #tpu.memory_space<vmem>>
        %dma_start3A_505 = tpu.memref_squeeze %dma_start3A_504 : memref<1x128xi32, #tpu.memory_space<vmem>> -> memref<128xi32, #tpu.memory_space<vmem>>
        %dma_start3A_506 = arith.constant 0 : i32
        %dma_start3A_507 = arith.constant 0 : i32
        %dma_start3A_508 = tpu.memref_slice %arg2[%dma_start3A_506, %dma_start3A_507] : memref<10000x128xf32, #tpu.memory_space<hbm>> -> memref<10000x128xf32, #tpu.memory_space<hbm>>
        tpu.enqueue_indirect_dma source(%dma_start3A_508 : memref<10000x128xf32, #tpu.memory_space<hbm>>) target(%arg8 : memref<128x128xf32, #tpu.memory_space<vmem>>) offsets(%dma_start3A_505 : memref<128xi32, #tpu.memory_space<vmem>>) semaphore(%arg11 : memref<!tpu.dma_semaphore, #tpu.memory_space<semaphore_mem>>)
      } else {
      }
    }
    %while3A_87 = arith.constant 1 : i32
    scf.for %while3A_104 = %while3A_85 to %while3A_81 step %while3A_87  : i32 {
      %mul3A_105 = arith.constant 2 : i32
      %mul3A_106 = arith.muli %mul3A_105, %while3A_104 : i32
      %mul3A_107 = arith.constant 4 : i32
      %mul3A_108 = arith.muli %mul3A_106, %mul3A_107 : i32
      %add3A_109 = arith.constant 0 : i32
      %add3A_110 = arith.addi %mul3A_108, %add3A_109 : i32
      %dma_wait3A_111 = arith.constant 0 : i32
      %dma_wait3A_112 = arith.constant 0 : i32
      %dma_wait3A_113 = arith.constant 0 : i32
      %dma_wait3A_114 = arith.constant 0 : i32
      %dma_wait3A_115 = tpu.memref_slice %arg6[%dma_wait3A_111, %dma_wait3A_113, %dma_wait3A_114] : memref<2x4x128xi32, #tpu.memory_space<vmem>> -> memref<1x4x128xi32, #tpu.memory_space<vmem>>
      %dma_wait3A_116 = tpu.memref_squeeze %dma_wait3A_115 : memref<1x4x128xi32, #tpu.memory_space<vmem>> -> memref<4x128xi32, #tpu.memory_space<vmem>>
      %dma_wait3A_117 = arith.constant 0 : i32
      %dma_wait3A_118 = tpu.memref_slice %dma_wait3A_116[%dma_wait3A_112, %dma_wait3A_117] : memref<4x128xi32, #tpu.memory_space<vmem>> -> memref<1x128xi32, #tpu.memory_space<vmem>>
      %dma_wait3A_119 = tpu.memref_squeeze %dma_wait3A_118 : memref<1x128xi32, #tpu.memory_space<vmem>> -> memref<128xi32, #tpu.memory_space<vmem>>
      %dma_wait3A_120 = arith.constant 0 : i32
      %dma_wait3A_121 = arith.constant 0 : i32
      %dma_wait3A_122 = tpu.memref_slice %arg2[%dma_wait3A_120, %dma_wait3A_121] : memref<10000x128xf32, #tpu.memory_space<hbm>> -> memref<10000x128xf32, #tpu.memory_space<hbm>>
      tpu.wait_indirect_dma semaphore(%arg11 : memref<!tpu.dma_semaphore, #tpu.memory_space<semaphore_mem>>) src(%dma_wait3A_122 : memref<10000x128xf32, #tpu.memory_space<hbm>>) dst(%arg8 : memref<128x128xf32, #tpu.memory_space<vmem>>)
      %dma_start3A_123 = arith.constant 0 : i32
      %dma_start3A_124 = arith.constant 0 : i32
      %dma_start3A_125 = arith.constant 0 : i32
      %dma_start3A_126 = arith.constant 0 : i32
      %dma_start3A_127 = tpu.memref_slice %arg7[%dma_start3A_123, %dma_start3A_125, %dma_start3A_126] : memref<2x4x128xi32, #tpu.memory_space<vmem>> -> memref<1x4x128xi32, #tpu.memory_space<vmem>>
      %dma_start3A_128 = tpu.memref_squeeze %dma_start3A_127 : memref<1x4x128xi32, #tpu.memory_space<vmem>> -> memref<4x128xi32, #tpu.memory_space<vmem>>
      %dma_start3A_129 = arith.constant 0 : i32
      %dma_start3A_130 = tpu.memref_slice %dma_start3A_128[%dma_start3A_124, %dma_start3A_129] : memref<4x128xi32, #tpu.memory_space<vmem>> -> memref<1x128xi32, #tpu.memory_space<vmem>>
      %dma_start3A_131 = tpu.memref_squeeze %dma_start3A_130 : memref<1x128xi32, #tpu.memory_space<vmem>> -> memref<128xi32, #tpu.memory_space<vmem>>
      %dma_start3A_132 = arith.constant 0 : i32
      %dma_start3A_133 = arith.constant 0 : i32
      %dma_start3A_134 = tpu.memref_slice %arg10[%dma_start3A_132, %dma_start3A_133] : memref<10240x128xf32, #tpu.memory_space<vmem_shared>> -> memref<10240x128xf32, #tpu.memory_space<vmem_shared>>
      tpu.enqueue_indirect_dma source(%arg8 : memref<128x128xf32, #tpu.memory_space<vmem>>) target(%dma_start3A_134 : memref<10240x128xf32, #tpu.memory_space<vmem_shared>>) offsets(%dma_start3A_131 : memref<128xi32, #tpu.memory_space<vmem>>) semaphore(%arg13 : memref<!tpu.dma_semaphore, #tpu.memory_space<semaphore_mem>>) {add = true}
      %ge3A = arith.constant 1 : i32
      %ge3A_135 = arith.cmpi sge, %add3A_110, %ge3A : i32
      %convert_element_type3A = arith.extui %ge3A_135 : i1 to i32
      %cond3A = arith.constant 0 : i32
      %cond3A_136 = arith.cmpi ne, %convert_element_type3A, %cond3A : i32
      scf.if %cond3A_136 {
        %dma_wait3A_467 = arith.constant 0 : i32
        %dma_wait3A_468 = arith.constant 0 : i32
        %dma_wait3A_469 = arith.constant 0 : i32
        %dma_wait3A_470 = arith.constant 0 : i32
        %dma_wait3A_471 = tpu.memref_slice %arg7[%dma_wait3A_467, %dma_wait3A_469, %dma_wait3A_470] : memref<2x4x128xi32, #tpu.memory_space<vmem>> -> memref<1x4x128xi32, #tpu.memory_space<vmem>>
        %dma_wait3A_472 = tpu.memref_squeeze %dma_wait3A_471 : memref<1x4x128xi32, #tpu.memory_space<vmem>> -> memref<4x128xi32, #tpu.memory_space<vmem>>
        %dma_wait3A_473 = arith.constant 0 : i32
        %dma_wait3A_474 = tpu.memref_slice %dma_wait3A_472[%dma_wait3A_468, %dma_wait3A_473] : memref<4x128xi32, #tpu.memory_space<vmem>> -> memref<1x128xi32, #tpu.memory_space<vmem>>
        %dma_wait3A_475 = tpu.memref_squeeze %dma_wait3A_474 : memref<1x128xi32, #tpu.memory_space<vmem>> -> memref<128xi32, #tpu.memory_space<vmem>>
        %dma_wait3A_476 = arith.constant 0 : i32
        %dma_wait3A_477 = arith.constant 0 : i32
        %dma_wait3A_478 = tpu.memref_slice %arg10[%dma_wait3A_476, %dma_wait3A_477] : memref<10240x128xf32, #tpu.memory_space<vmem_shared>> -> memref<10240x128xf32, #tpu.memory_space<vmem_shared>>
        tpu.wait_indirect_dma semaphore(%arg14 : memref<!tpu.dma_semaphore, #tpu.memory_space<semaphore_mem>>) src(%arg9 : memref<128x128xf32, #tpu.memory_space<vmem>>) dst(%dma_wait3A_478 : memref<10240x128xf32, #tpu.memory_space<vmem_shared>>)
      } else {
      }
      %sub3A_137 = arith.constant 1 : i32
      %sub3A_138 = arith.subi %select_n3A_19, %sub3A_137 : i32
      %lt3A = arith.cmpi slt, %mul3A_106, %sub3A_138 : i32
      %convert_element_type3A_139 = arith.extui %lt3A : i1 to i32
      %cond3A_140 = arith.constant 0 : i32
      %cond3A_141 = arith.cmpi ne, %convert_element_type3A_139, %cond3A_140 : i32
      scf.if %cond3A_141 {
        %add3A_467 = arith.constant 1 : i32
        %add3A_468 = arith.addi %mul3A_106, %add3A_467 : i32
        %mul3A_469 = arith.constant 4 : i32
        %mul3A_470 = arith.muli %add3A_468, %mul3A_469 : i32
        %add3A_471 = arith.addi %mul3A, %mul3A_470 : i32
        %dma_start3A_472 = arith.constant 1 : i32
        %dma_start3A_473 = arith.constant 0 : i32
        %dma_start3A_474 = arith.constant 0 : i32
        %dma_start3A_475 = tpu.memref_slice %arg6[%dma_start3A_472, %dma_start3A_473, %dma_start3A_474] : memref<2x4x128xi32, #tpu.memory_space<vmem>> -> memref<1x4x128xi32, #tpu.memory_space<vmem>>
        %dma_start3A_476 = tpu.memref_squeeze %dma_start3A_475 : memref<1x4x128xi32, #tpu.memory_space<vmem>> -> memref<4x128xi32, #tpu.memory_space<vmem>>
        %dma_start3A_477 = arith.constant 0 : i32
        %dma_start3A_478 = tpu.memref_slice %arg3[%arg0, %add3A_471, %dma_start3A_477] : memref<2x1152x128xi32, #tpu.memory_space<hbm>> -> memref<1x4x128xi32, #tpu.memory_space<hbm>>
        %dma_start3A_479 = tpu.memref_squeeze %dma_start3A_478 : memref<1x4x128xi32, #tpu.memory_space<hbm>> -> memref<4x128xi32, #tpu.memory_space<hbm>>
        %dma_start3A_480 = arith.constant 0 : i32
        %dma_start3A_481 = arith.constant 0 : i32
        %dma_start3A_482 = tpu.memref_slice %arg6[%dma_start3A_472, %dma_start3A_480, %dma_start3A_481] : memref<2x4x128xi32, #tpu.memory_space<vmem>> -> memref<1x4x128xi32, #tpu.memory_space<vmem>>
        %dma_start3A_483 = tpu.memref_squeeze %dma_start3A_482 : memref<1x4x128xi32, #tpu.memory_space<vmem>> -> memref<4x128xi32, #tpu.memory_space<vmem>>
        %dma_start3A_484 = arith.constant 0 : i32
        %dma_start3A_485 = tpu.memref_slice %arg3[%arg0, %add3A_471, %dma_start3A_484] : memref<2x1152x128xi32, #tpu.memory_space<hbm>> -> memref<1x4x128xi32, #tpu.memory_space<hbm>>
        %dma_start3A_486 = tpu.memref_squeeze %dma_start3A_485 : memref<1x4x128xi32, #tpu.memory_space<hbm>> -> memref<4x128xi32, #tpu.memory_space<hbm>>
        tpu.enqueue_dma source(%dma_start3A_486 : memref<4x128xi32, #tpu.memory_space<hbm>>) target(%dma_start3A_483 : memref<4x128xi32, #tpu.memory_space<vmem>>) target_semaphore(%arg15 : memref<!tpu.dma_semaphore, #tpu.memory_space<semaphore_mem>>)
        %dma_start3A_487 = arith.constant 1 : i32
        %dma_start3A_488 = arith.constant 0 : i32
        %dma_start3A_489 = arith.constant 0 : i32
        %dma_start3A_490 = tpu.memref_slice %arg7[%dma_start3A_487, %dma_start3A_488, %dma_start3A_489] : memref<2x4x128xi32, #tpu.memory_space<vmem>> -> memref<1x4x128xi32, #tpu.memory_space<vmem>>
        %dma_start3A_491 = tpu.memref_squeeze %dma_start3A_490 : memref<1x4x128xi32, #tpu.memory_space<vmem>> -> memref<4x128xi32, #tpu.memory_space<vmem>>
        %dma_start3A_492 = arith.constant 0 : i32
        %dma_start3A_493 = tpu.memref_slice %arg4[%arg0, %add3A_471, %dma_start3A_492] : memref<2x1152x128xi32, #tpu.memory_space<hbm>> -> memref<1x4x128xi32, #tpu.memory_space<hbm>>
        %dma_start3A_494 = tpu.memref_squeeze %dma_start3A_493 : memref<1x4x128xi32, #tpu.memory_space<hbm>> -> memref<4x128xi32, #tpu.memory_space<hbm>>
        %dma_start3A_495 = arith.constant 0 : i32
        %dma_start3A_496 = arith.constant 0 : i32
        %dma_start3A_497 = tpu.memref_slice %arg7[%dma_start3A_487, %dma_start3A_495, %dma_start3A_496] : memref<2x4x128xi32, #tpu.memory_space<vmem>> -> memref<1x4x128xi32, #tpu.memory_space<vmem>>
        %dma_start3A_498 = tpu.memref_squeeze %dma_start3A_497 : memref<1x4x128xi32, #tpu.memory_space<vmem>> -> memref<4x128xi32, #tpu.memory_space<vmem>>
        %dma_start3A_499 = arith.constant 0 : i32
        %dma_start3A_500 = tpu.memref_slice %arg4[%arg0, %add3A_471, %dma_start3A_499] : memref<2x1152x128xi32, #tpu.memory_space<hbm>> -> memref<1x4x128xi32, #tpu.memory_space<hbm>>
        %dma_start3A_501 = tpu.memref_squeeze %dma_start3A_500 : memref<1x4x128xi32, #tpu.memory_space<hbm>> -> memref<4x128xi32, #tpu.memory_space<hbm>>
        tpu.enqueue_dma source(%dma_start3A_501 : memref<4x128xi32, #tpu.memory_space<hbm>>) target(%dma_start3A_498 : memref<4x128xi32, #tpu.memory_space<vmem>>) target_semaphore(%arg15 : memref<!tpu.dma_semaphore, #tpu.memory_space<semaphore_mem>>)
      } else {
      }
      %dma_start3A_142 = arith.constant 0 : i32
      %dma_start3A_143 = arith.constant 1 : i32
      %dma_start3A_144 = arith.constant 0 : i32
      %dma_start3A_145 = arith.constant 0 : i32
      %dma_start3A_146 = tpu.memref_slice %arg6[%dma_start3A_142, %dma_start3A_144, %dma_start3A_145] : memref<2x4x128xi32, #tpu.memory_space<vmem>> -> memref<1x4x128xi32, #tpu.memory_space<vmem>>
      %dma_start3A_147 = tpu.memref_squeeze %dma_start3A_146 : memref<1x4x128xi32, #tpu.memory_space<vmem>> -> memref<4x128xi32, #tpu.memory_space<vmem>>
      %dma_start3A_148 = arith.constant 0 : i32
      %dma_start3A_149 = tpu.memref_slice %dma_start3A_147[%dma_start3A_143, %dma_start3A_148] : memref<4x128xi32, #tpu.memory_space<vmem>> -> memref<1x128xi32, #tpu.memory_space<vmem>>
      %dma_start3A_150 = tpu.memref_squeeze %dma_start3A_149 : memref<1x128xi32, #tpu.memory_space<vmem>> -> memref<128xi32, #tpu.memory_space<vmem>>
      %dma_start3A_151 = arith.constant 0 : i32
      %dma_start3A_152 = arith.constant 0 : i32
      %dma_start3A_153 = tpu.memref_slice %arg2[%dma_start3A_151, %dma_start3A_152] : memref<10000x128xf32, #tpu.memory_space<hbm>> -> memref<10000x128xf32, #tpu.memory_space<hbm>>
      tpu.enqueue_indirect_dma source(%dma_start3A_153 : memref<10000x128xf32, #tpu.memory_space<hbm>>) target(%arg9 : memref<128x128xf32, #tpu.memory_space<vmem>>) offsets(%dma_start3A_150 : memref<128xi32, #tpu.memory_space<vmem>>) semaphore(%arg12 : memref<!tpu.dma_semaphore, #tpu.memory_space<semaphore_mem>>)
      %mul3A_154 = arith.constant 4 : i32
      %mul3A_155 = arith.muli %mul3A_106, %mul3A_154 : i32
      %add3A_156 = arith.constant 1 : i32
      %add3A_157 = arith.addi %mul3A_155, %add3A_156 : i32
      %dma_wait3A_158 = arith.constant 0 : i32
      %dma_wait3A_159 = arith.constant 0 : i32
      %dma_wait3A_160 = arith.constant 0 : i32
      %dma_wait3A_161 = arith.constant 0 : i32
      %dma_wait3A_162 = tpu.memref_slice %arg6[%dma_wait3A_158, %dma_wait3A_160, %dma_wait3A_161] : memref<2x4x128xi32, #tpu.memory_space<vmem>> -> memref<1x4x128xi32, #tpu.memory_space<vmem>>
      %dma_wait3A_163 = tpu.memref_squeeze %dma_wait3A_162 : memref<1x4x128xi32, #tpu.memory_space<vmem>> -> memref<4x128xi32, #tpu.memory_space<vmem>>
      %dma_wait3A_164 = arith.constant 0 : i32
      %dma_wait3A_165 = tpu.memref_slice %dma_wait3A_163[%dma_wait3A_159, %dma_wait3A_164] : memref<4x128xi32, #tpu.memory_space<vmem>> -> memref<1x128xi32, #tpu.memory_space<vmem>>
      %dma_wait3A_166 = tpu.memref_squeeze %dma_wait3A_165 : memref<1x128xi32, #tpu.memory_space<vmem>> -> memref<128xi32, #tpu.memory_space<vmem>>
      %dma_wait3A_167 = arith.constant 0 : i32
      %dma_wait3A_168 = arith.constant 0 : i32
      %dma_wait3A_169 = tpu.memref_slice %arg2[%dma_wait3A_167, %dma_wait3A_168] : memref<10000x128xf32, #tpu.memory_space<hbm>> -> memref<10000x128xf32, #tpu.memory_space<hbm>>
      tpu.wait_indirect_dma semaphore(%arg12 : memref<!tpu.dma_semaphore, #tpu.memory_space<semaphore_mem>>) src(%dma_wait3A_169 : memref<10000x128xf32, #tpu.memory_space<hbm>>) dst(%arg9 : memref<128x128xf32, #tpu.memory_space<vmem>>)
      %dma_start3A_170 = arith.constant 0 : i32
      %dma_start3A_171 = arith.constant 1 : i32
      %dma_start3A_172 = arith.constant 0 : i32
      %dma_start3A_173 = arith.constant 0 : i32
      %dma_start3A_174 = tpu.memref_slice %arg7[%dma_start3A_170, %dma_start3A_172, %dma_start3A_173] : memref<2x4x128xi32, #tpu.memory_space<vmem>> -> memref<1x4x128xi32, #tpu.memory_space<vmem>>
      %dma_start3A_175 = tpu.memref_squeeze %dma_start3A_174 : memref<1x4x128xi32, #tpu.memory_space<vmem>> -> memref<4x128xi32, #tpu.memory_space<vmem>>
      %dma_start3A_176 = arith.constant 0 : i32
      %dma_start3A_177 = tpu.memref_slice %dma_start3A_175[%dma_start3A_171, %dma_start3A_176] : memref<4x128xi32, #tpu.memory_space<vmem>> -> memref<1x128xi32, #tpu.memory_space<vmem>>
      %dma_start3A_178 = tpu.memref_squeeze %dma_start3A_177 : memref<1x128xi32, #tpu.memory_space<vmem>> -> memref<128xi32, #tpu.memory_space<vmem>>
      %dma_start3A_179 = arith.constant 0 : i32
      %dma_start3A_180 = arith.constant 0 : i32
      %dma_start3A_181 = tpu.memref_slice %arg10[%dma_start3A_179, %dma_start3A_180] : memref<10240x128xf32, #tpu.memory_space<vmem_shared>> -> memref<10240x128xf32, #tpu.memory_space<vmem_shared>>
      tpu.enqueue_indirect_dma source(%arg9 : memref<128x128xf32, #tpu.memory_space<vmem>>) target(%dma_start3A_181 : memref<10240x128xf32, #tpu.memory_space<vmem_shared>>) offsets(%dma_start3A_178 : memref<128xi32, #tpu.memory_space<vmem>>) semaphore(%arg14 : memref<!tpu.dma_semaphore, #tpu.memory_space<semaphore_mem>>) {add = true}
      %ge3A_182 = arith.constant 1 : i32
      %ge3A_183 = arith.cmpi sge, %add3A_157, %ge3A_182 : i32
      %convert_element_type3A_184 = arith.extui %ge3A_183 : i1 to i32
      %cond3A_185 = arith.constant 0 : i32
      %cond3A_186 = arith.cmpi ne, %convert_element_type3A_184, %cond3A_185 : i32
      scf.if %cond3A_186 {
        %dma_wait3A_467 = arith.constant 0 : i32
        %dma_wait3A_468 = arith.constant 0 : i32
        %dma_wait3A_469 = arith.constant 0 : i32
        %dma_wait3A_470 = arith.constant 0 : i32
        %dma_wait3A_471 = tpu.memref_slice %arg7[%dma_wait3A_467, %dma_wait3A_469, %dma_wait3A_470] : memref<2x4x128xi32, #tpu.memory_space<vmem>> -> memref<1x4x128xi32, #tpu.memory_space<vmem>>
        %dma_wait3A_472 = tpu.memref_squeeze %dma_wait3A_471 : memref<1x4x128xi32, #tpu.memory_space<vmem>> -> memref<4x128xi32, #tpu.memory_space<vmem>>
        %dma_wait3A_473 = arith.constant 0 : i32
        %dma_wait3A_474 = tpu.memref_slice %dma_wait3A_472[%dma_wait3A_468, %dma_wait3A_473] : memref<4x128xi32, #tpu.memory_space<vmem>> -> memref<1x128xi32, #tpu.memory_space<vmem>>
        %dma_wait3A_475 = tpu.memref_squeeze %dma_wait3A_474 : memref<1x128xi32, #tpu.memory_space<vmem>> -> memref<128xi32, #tpu.memory_space<vmem>>
        %dma_wait3A_476 = arith.constant 0 : i32
        %dma_wait3A_477 = arith.constant 0 : i32
        %dma_wait3A_478 = tpu.memref_slice %arg10[%dma_wait3A_476, %dma_wait3A_477] : memref<10240x128xf32, #tpu.memory_space<vmem_shared>> -> memref<10240x128xf32, #tpu.memory_space<vmem_shared>>
        tpu.wait_indirect_dma semaphore(%arg13 : memref<!tpu.dma_semaphore, #tpu.memory_space<semaphore_mem>>) src(%arg8 : memref<128x128xf32, #tpu.memory_space<vmem>>) dst(%dma_wait3A_478 : memref<10240x128xf32, #tpu.memory_space<vmem_shared>>)
      } else {
      }
      %dma_start3A_187 = arith.constant 0 : i32
      %dma_start3A_188 = arith.constant 2 : i32
      %dma_start3A_189 = arith.constant 0 : i32
      %dma_start3A_190 = arith.constant 0 : i32
      %dma_start3A_191 = tpu.memref_slice %arg6[%dma_start3A_187, %dma_start3A_189, %dma_start3A_190] : memref<2x4x128xi32, #tpu.memory_space<vmem>> -> memref<1x4x128xi32, #tpu.memory_space<vmem>>
      %dma_start3A_192 = tpu.memref_squeeze %dma_start3A_191 : memref<1x4x128xi32, #tpu.memory_space<vmem>> -> memref<4x128xi32, #tpu.memory_space<vmem>>
      %dma_start3A_193 = arith.constant 0 : i32
      %dma_start3A_194 = tpu.memref_slice %dma_start3A_192[%dma_start3A_188, %dma_start3A_193] : memref<4x128xi32, #tpu.memory_space<vmem>> -> memref<1x128xi32, #tpu.memory_space<vmem>>
      %dma_start3A_195 = tpu.memref_squeeze %dma_start3A_194 : memref<1x128xi32, #tpu.memory_space<vmem>> -> memref<128xi32, #tpu.memory_space<vmem>>
      %dma_start3A_196 = arith.constant 0 : i32
      %dma_start3A_197 = arith.constant 0 : i32
      %dma_start3A_198 = tpu.memref_slice %arg2[%dma_start3A_196, %dma_start3A_197] : memref<10000x128xf32, #tpu.memory_space<hbm>> -> memref<10000x128xf32, #tpu.memory_space<hbm>>
      tpu.enqueue_indirect_dma source(%dma_start3A_198 : memref<10000x128xf32, #tpu.memory_space<hbm>>) target(%arg8 : memref<128x128xf32, #tpu.memory_space<vmem>>) offsets(%dma_start3A_195 : memref<128xi32, #tpu.memory_space<vmem>>) semaphore(%arg11 : memref<!tpu.dma_semaphore, #tpu.memory_space<semaphore_mem>>)
      %mul3A_199 = arith.constant 4 : i32
      %mul3A_200 = arith.muli %mul3A_106, %mul3A_199 : i32
      %add3A_201 = arith.constant 2 : i32
      %add3A_202 = arith.addi %mul3A_200, %add3A_201 : i32
      %dma_wait3A_203 = arith.constant 0 : i32
      %dma_wait3A_204 = arith.constant 0 : i32
      %dma_wait3A_205 = arith.constant 0 : i32
      %dma_wait3A_206 = arith.constant 0 : i32
      %dma_wait3A_207 = tpu.memref_slice %arg6[%dma_wait3A_203, %dma_wait3A_205, %dma_wait3A_206] : memref<2x4x128xi32, #tpu.memory_space<vmem>> -> memref<1x4x128xi32, #tpu.memory_space<vmem>>
      %dma_wait3A_208 = tpu.memref_squeeze %dma_wait3A_207 : memref<1x4x128xi32, #tpu.memory_space<vmem>> -> memref<4x128xi32, #tpu.memory_space<vmem>>
      %dma_wait3A_209 = arith.constant 0 : i32
      %dma_wait3A_210 = tpu.memref_slice %dma_wait3A_208[%dma_wait3A_204, %dma_wait3A_209] : memref<4x128xi32, #tpu.memory_space<vmem>> -> memref<1x128xi32, #tpu.memory_space<vmem>>
      %dma_wait3A_211 = tpu.memref_squeeze %dma_wait3A_210 : memref<1x128xi32, #tpu.memory_space<vmem>> -> memref<128xi32, #tpu.memory_space<vmem>>
      %dma_wait3A_212 = arith.constant 0 : i32
      %dma_wait3A_213 = arith.constant 0 : i32
      %dma_wait3A_214 = tpu.memref_slice %arg2[%dma_wait3A_212, %dma_wait3A_213] : memref<10000x128xf32, #tpu.memory_space<hbm>> -> memref<10000x128xf32, #tpu.memory_space<hbm>>
      tpu.wait_indirect_dma semaphore(%arg11 : memref<!tpu.dma_semaphore, #tpu.memory_space<semaphore_mem>>) src(%dma_wait3A_214 : memref<10000x128xf32, #tpu.memory_space<hbm>>) dst(%arg8 : memref<128x128xf32, #tpu.memory_space<vmem>>)
      %dma_start3A_215 = arith.constant 0 : i32
      %dma_start3A_216 = arith.constant 2 : i32
      %dma_start3A_217 = arith.constant 0 : i32
      %dma_start3A_218 = arith.constant 0 : i32
      %dma_start3A_219 = tpu.memref_slice %arg7[%dma_start3A_215, %dma_start3A_217, %dma_start3A_218] : memref<2x4x128xi32, #tpu.memory_space<vmem>> -> memref<1x4x128xi32, #tpu.memory_space<vmem>>
      %dma_start3A_220 = tpu.memref_squeeze %dma_start3A_219 : memref<1x4x128xi32, #tpu.memory_space<vmem>> -> memref<4x128xi32, #tpu.memory_space<vmem>>
      %dma_start3A_221 = arith.constant 0 : i32
      %dma_start3A_222 = tpu.memref_slice %dma_start3A_220[%dma_start3A_216, %dma_start3A_221] : memref<4x128xi32, #tpu.memory_space<vmem>> -> memref<1x128xi32, #tpu.memory_space<vmem>>
      %dma_start3A_223 = tpu.memref_squeeze %dma_start3A_222 : memref<1x128xi32, #tpu.memory_space<vmem>> -> memref<128xi32, #tpu.memory_space<vmem>>
      %dma_start3A_224 = arith.constant 0 : i32
      %dma_start3A_225 = arith.constant 0 : i32
      %dma_start3A_226 = tpu.memref_slice %arg10[%dma_start3A_224, %dma_start3A_225] : memref<10240x128xf32, #tpu.memory_space<vmem_shared>> -> memref<10240x128xf32, #tpu.memory_space<vmem_shared>>
      tpu.enqueue_indirect_dma source(%arg8 : memref<128x128xf32, #tpu.memory_space<vmem>>) target(%dma_start3A_226 : memref<10240x128xf32, #tpu.memory_space<vmem_shared>>) offsets(%dma_start3A_223 : memref<128xi32, #tpu.memory_space<vmem>>) semaphore(%arg13 : memref<!tpu.dma_semaphore, #tpu.memory_space<semaphore_mem>>) {add = true}
      %ge3A_227 = arith.constant 1 : i32
      %ge3A_228 = arith.cmpi sge, %add3A_202, %ge3A_227 : i32
      %convert_element_type3A_229 = arith.extui %ge3A_228 : i1 to i32
      %cond3A_230 = arith.constant 0 : i32
      %cond3A_231 = arith.cmpi ne, %convert_element_type3A_229, %cond3A_230 : i32
      scf.if %cond3A_231 {
        %dma_wait3A_467 = arith.constant 0 : i32
        %dma_wait3A_468 = arith.constant 0 : i32
        %dma_wait3A_469 = arith.constant 0 : i32
        %dma_wait3A_470 = arith.constant 0 : i32
        %dma_wait3A_471 = tpu.memref_slice %arg7[%dma_wait3A_467, %dma_wait3A_469, %dma_wait3A_470] : memref<2x4x128xi32, #tpu.memory_space<vmem>> -> memref<1x4x128xi32, #tpu.memory_space<vmem>>
        %dma_wait3A_472 = tpu.memref_squeeze %dma_wait3A_471 : memref<1x4x128xi32, #tpu.memory_space<vmem>> -> memref<4x128xi32, #tpu.memory_space<vmem>>
        %dma_wait3A_473 = arith.constant 0 : i32
        %dma_wait3A_474 = tpu.memref_slice %dma_wait3A_472[%dma_wait3A_468, %dma_wait3A_473] : memref<4x128xi32, #tpu.memory_space<vmem>> -> memref<1x128xi32, #tpu.memory_space<vmem>>
        %dma_wait3A_475 = tpu.memref_squeeze %dma_wait3A_474 : memref<1x128xi32, #tpu.memory_space<vmem>> -> memref<128xi32, #tpu.memory_space<vmem>>
        %dma_wait3A_476 = arith.constant 0 : i32
        %dma_wait3A_477 = arith.constant 0 : i32
        %dma_wait3A_478 = tpu.memref_slice %arg10[%dma_wait3A_476, %dma_wait3A_477] : memref<10240x128xf32, #tpu.memory_space<vmem_shared>> -> memref<10240x128xf32, #tpu.memory_space<vmem_shared>>
        tpu.wait_indirect_dma semaphore(%arg14 : memref<!tpu.dma_semaphore, #tpu.memory_space<semaphore_mem>>) src(%arg9 : memref<128x128xf32, #tpu.memory_space<vmem>>) dst(%dma_wait3A_478 : memref<10240x128xf32, #tpu.memory_space<vmem_shared>>)
      } else {
      }
      %dma_start3A_232 = arith.constant 0 : i32
      %dma_start3A_233 = arith.constant 3 : i32
      %dma_start3A_234 = arith.constant 0 : i32
      %dma_start3A_235 = arith.constant 0 : i32
      %dma_start3A_236 = tpu.memref_slice %arg6[%dma_start3A_232, %dma_start3A_234, %dma_start3A_235] : memref<2x4x128xi32, #tpu.memory_space<vmem>> -> memref<1x4x128xi32, #tpu.memory_space<vmem>>
      %dma_start3A_237 = tpu.memref_squeeze %dma_start3A_236 : memref<1x4x128xi32, #tpu.memory_space<vmem>> -> memref<4x128xi32, #tpu.memory_space<vmem>>
      %dma_start3A_238 = arith.constant 0 : i32
      %dma_start3A_239 = tpu.memref_slice %dma_start3A_237[%dma_start3A_233, %dma_start3A_238] : memref<4x128xi32, #tpu.memory_space<vmem>> -> memref<1x128xi32, #tpu.memory_space<vmem>>
      %dma_start3A_240 = tpu.memref_squeeze %dma_start3A_239 : memref<1x128xi32, #tpu.memory_space<vmem>> -> memref<128xi32, #tpu.memory_space<vmem>>
      %dma_start3A_241 = arith.constant 0 : i32
      %dma_start3A_242 = arith.constant 0 : i32
      %dma_start3A_243 = tpu.memref_slice %arg2[%dma_start3A_241, %dma_start3A_242] : memref<10000x128xf32, #tpu.memory_space<hbm>> -> memref<10000x128xf32, #tpu.memory_space<hbm>>
      tpu.enqueue_indirect_dma source(%dma_start3A_243 : memref<10000x128xf32, #tpu.memory_space<hbm>>) target(%arg9 : memref<128x128xf32, #tpu.memory_space<vmem>>) offsets(%dma_start3A_240 : memref<128xi32, #tpu.memory_space<vmem>>) semaphore(%arg12 : memref<!tpu.dma_semaphore, #tpu.memory_space<semaphore_mem>>)
      %mul3A_244 = arith.constant 4 : i32
      %mul3A_245 = arith.muli %mul3A_106, %mul3A_244 : i32
      %add3A_246 = arith.constant 3 : i32
      %add3A_247 = arith.addi %mul3A_245, %add3A_246 : i32
      %dma_wait3A_248 = arith.constant 0 : i32
      %dma_wait3A_249 = arith.constant 0 : i32
      %dma_wait3A_250 = arith.constant 0 : i32
      %dma_wait3A_251 = arith.constant 0 : i32
      %dma_wait3A_252 = tpu.memref_slice %arg6[%dma_wait3A_248, %dma_wait3A_250, %dma_wait3A_251] : memref<2x4x128xi32, #tpu.memory_space<vmem>> -> memref<1x4x128xi32, #tpu.memory_space<vmem>>
      %dma_wait3A_253 = tpu.memref_squeeze %dma_wait3A_252 : memref<1x4x128xi32, #tpu.memory_space<vmem>> -> memref<4x128xi32, #tpu.memory_space<vmem>>
      %dma_wait3A_254 = arith.constant 0 : i32
      %dma_wait3A_255 = tpu.memref_slice %dma_wait3A_253[%dma_wait3A_249, %dma_wait3A_254] : memref<4x128xi32, #tpu.memory_space<vmem>> -> memref<1x128xi32, #tpu.memory_space<vmem>>
      %dma_wait3A_256 = tpu.memref_squeeze %dma_wait3A_255 : memref<1x128xi32, #tpu.memory_space<vmem>> -> memref<128xi32, #tpu.memory_space<vmem>>
      %dma_wait3A_257 = arith.constant 0 : i32
      %dma_wait3A_258 = arith.constant 0 : i32
      %dma_wait3A_259 = tpu.memref_slice %arg2[%dma_wait3A_257, %dma_wait3A_258] : memref<10000x128xf32, #tpu.memory_space<hbm>> -> memref<10000x128xf32, #tpu.memory_space<hbm>>
      tpu.wait_indirect_dma semaphore(%arg12 : memref<!tpu.dma_semaphore, #tpu.memory_space<semaphore_mem>>) src(%dma_wait3A_259 : memref<10000x128xf32, #tpu.memory_space<hbm>>) dst(%arg9 : memref<128x128xf32, #tpu.memory_space<vmem>>)
      %dma_start3A_260 = arith.constant 0 : i32
      %dma_start3A_261 = arith.constant 3 : i32
      %dma_start3A_262 = arith.constant 0 : i32
      %dma_start3A_263 = arith.constant 0 : i32
      %dma_start3A_264 = tpu.memref_slice %arg7[%dma_start3A_260, %dma_start3A_262, %dma_start3A_263] : memref<2x4x128xi32, #tpu.memory_space<vmem>> -> memref<1x4x128xi32, #tpu.memory_space<vmem>>
      %dma_start3A_265 = tpu.memref_squeeze %dma_start3A_264 : memref<1x4x128xi32, #tpu.memory_space<vmem>> -> memref<4x128xi32, #tpu.memory_space<vmem>>
      %dma_start3A_266 = arith.constant 0 : i32
      %dma_start3A_267 = tpu.memref_slice %dma_start3A_265[%dma_start3A_261, %dma_start3A_266] : memref<4x128xi32, #tpu.memory_space<vmem>> -> memref<1x128xi32, #tpu.memory_space<vmem>>
      %dma_start3A_268 = tpu.memref_squeeze %dma_start3A_267 : memref<1x128xi32, #tpu.memory_space<vmem>> -> memref<128xi32, #tpu.memory_space<vmem>>
      %dma_start3A_269 = arith.constant 0 : i32
      %dma_start3A_270 = arith.constant 0 : i32
      %dma_start3A_271 = tpu.memref_slice %arg10[%dma_start3A_269, %dma_start3A_270] : memref<10240x128xf32, #tpu.memory_space<vmem_shared>> -> memref<10240x128xf32, #tpu.memory_space<vmem_shared>>
      tpu.enqueue_indirect_dma source(%arg9 : memref<128x128xf32, #tpu.memory_space<vmem>>) target(%dma_start3A_271 : memref<10240x128xf32, #tpu.memory_space<vmem_shared>>) offsets(%dma_start3A_268 : memref<128xi32, #tpu.memory_space<vmem>>) semaphore(%arg14 : memref<!tpu.dma_semaphore, #tpu.memory_space<semaphore_mem>>) {add = true}
      %ge3A_272 = arith.constant 1 : i32
      %ge3A_273 = arith.cmpi sge, %add3A_247, %ge3A_272 : i32
      %convert_element_type3A_274 = arith.extui %ge3A_273 : i1 to i32
      %cond3A_275 = arith.constant 0 : i32
      %cond3A_276 = arith.cmpi ne, %convert_element_type3A_274, %cond3A_275 : i32
      scf.if %cond3A_276 {
        %dma_wait3A_467 = arith.constant 0 : i32
        %dma_wait3A_468 = arith.constant 0 : i32
        %dma_wait3A_469 = arith.constant 0 : i32
        %dma_wait3A_470 = arith.constant 0 : i32
        %dma_wait3A_471 = tpu.memref_slice %arg7[%dma_wait3A_467, %dma_wait3A_469, %dma_wait3A_470] : memref<2x4x128xi32, #tpu.memory_space<vmem>> -> memref<1x4x128xi32, #tpu.memory_space<vmem>>
        %dma_wait3A_472 = tpu.memref_squeeze %dma_wait3A_471 : memref<1x4x128xi32, #tpu.memory_space<vmem>> -> memref<4x128xi32, #tpu.memory_space<vmem>>
        %dma_wait3A_473 = arith.constant 0 : i32
        %dma_wait3A_474 = tpu.memref_slice %dma_wait3A_472[%dma_wait3A_468, %dma_wait3A_473] : memref<4x128xi32, #tpu.memory_space<vmem>> -> memref<1x128xi32, #tpu.memory_space<vmem>>
        %dma_wait3A_475 = tpu.memref_squeeze %dma_wait3A_474 : memref<1x128xi32, #tpu.memory_space<vmem>> -> memref<128xi32, #tpu.memory_space<vmem>>
        %dma_wait3A_476 = arith.constant 0 : i32
        %dma_wait3A_477 = arith.constant 0 : i32
        %dma_wait3A_478 = tpu.memref_slice %arg10[%dma_wait3A_476, %dma_wait3A_477] : memref<10240x128xf32, #tpu.memory_space<vmem_shared>> -> memref<10240x128xf32, #tpu.memory_space<vmem_shared>>
        tpu.wait_indirect_dma semaphore(%arg13 : memref<!tpu.dma_semaphore, #tpu.memory_space<semaphore_mem>>) src(%arg8 : memref<128x128xf32, #tpu.memory_space<vmem>>) dst(%dma_wait3A_478 : memref<10240x128xf32, #tpu.memory_space<vmem_shared>>)
      } else {
      }
      %sub3A_277 = arith.constant 1 : i32
      %sub3A_278 = arith.subi %select_n3A_19, %sub3A_277 : i32
      %lt3A_279 = arith.cmpi slt, %mul3A_106, %sub3A_278 : i32
      %convert_element_type3A_280 = arith.extui %lt3A_279 : i1 to i32
      %cond3A_281 = arith.constant 0 : i32
      %cond3A_282 = arith.cmpi ne, %convert_element_type3A_280, %cond3A_281 : i32
      scf.if %cond3A_282 {
        %dma_wait3A_467 = arith.constant 1 : i32
        %dma_wait3A_468 = arith.constant 0 : i32
        %dma_wait3A_469 = arith.constant 0 : i32
        %dma_wait3A_470 = tpu.memref_slice %arg6[%dma_wait3A_467, %dma_wait3A_468, %dma_wait3A_469] : memref<2x4x128xi32, #tpu.memory_space<vmem>> -> memref<1x4x128xi32, #tpu.memory_space<vmem>>
        %dma_wait3A_471 = tpu.memref_squeeze %dma_wait3A_470 : memref<1x4x128xi32, #tpu.memory_space<vmem>> -> memref<4x128xi32, #tpu.memory_space<vmem>>
        %dma_wait3A_472 = arith.constant 0 : i32
        %dma_wait3A_473 = tpu.memref_slice %arg3[%arg0, %mul3A, %dma_wait3A_472] : memref<2x1152x128xi32, #tpu.memory_space<hbm>> -> memref<1x4x128xi32, #tpu.memory_space<hbm>>
        %dma_wait3A_474 = tpu.memref_squeeze %dma_wait3A_473 : memref<1x4x128xi32, #tpu.memory_space<hbm>> -> memref<4x128xi32, #tpu.memory_space<hbm>>
        %dma_wait3A_475 = arith.constant 0 : i32
        %dma_wait3A_476 = arith.constant 0 : i32
        %dma_wait3A_477 = tpu.memref_slice %arg6[%dma_wait3A_467, %dma_wait3A_475, %dma_wait3A_476] : memref<2x4x128xi32, #tpu.memory_space<vmem>> -> memref<1x4x128xi32, #tpu.memory_space<vmem>>
        %dma_wait3A_478 = tpu.memref_squeeze %dma_wait3A_477 : memref<1x4x128xi32, #tpu.memory_space<vmem>> -> memref<4x128xi32, #tpu.memory_space<vmem>>
        %dma_wait3A_479 = arith.constant 0 : i32
        %dma_wait3A_480 = tpu.memref_slice %arg3[%arg0, %mul3A, %dma_wait3A_479] : memref<2x1152x128xi32, #tpu.memory_space<hbm>> -> memref<1x4x128xi32, #tpu.memory_space<hbm>>
        %dma_wait3A_481 = tpu.memref_squeeze %dma_wait3A_480 : memref<1x4x128xi32, #tpu.memory_space<hbm>> -> memref<4x128xi32, #tpu.memory_space<hbm>>
        tpu.wait_dma2 semaphore(%arg15 : memref<!tpu.dma_semaphore, #tpu.memory_space<semaphore_mem>>) src(%dma_wait3A_481 : memref<4x128xi32, #tpu.memory_space<hbm>>) dst(%dma_wait3A_478 : memref<4x128xi32, #tpu.memory_space<vmem>>)
        %dma_wait3A_482 = arith.constant 1 : i32
        %dma_wait3A_483 = arith.constant 0 : i32
        %dma_wait3A_484 = arith.constant 0 : i32
        %dma_wait3A_485 = tpu.memref_slice %arg7[%dma_wait3A_482, %dma_wait3A_483, %dma_wait3A_484] : memref<2x4x128xi32, #tpu.memory_space<vmem>> -> memref<1x4x128xi32, #tpu.memory_space<vmem>>
        %dma_wait3A_486 = tpu.memref_squeeze %dma_wait3A_485 : memref<1x4x128xi32, #tpu.memory_space<vmem>> -> memref<4x128xi32, #tpu.memory_space<vmem>>
        %dma_wait3A_487 = arith.constant 0 : i32
        %dma_wait3A_488 = tpu.memref_slice %arg4[%arg0, %mul3A, %dma_wait3A_487] : memref<2x1152x128xi32, #tpu.memory_space<hbm>> -> memref<1x4x128xi32, #tpu.memory_space<hbm>>
        %dma_wait3A_489 = tpu.memref_squeeze %dma_wait3A_488 : memref<1x4x128xi32, #tpu.memory_space<hbm>> -> memref<4x128xi32, #tpu.memory_space<hbm>>
        %dma_wait3A_490 = arith.constant 0 : i32
        %dma_wait3A_491 = arith.constant 0 : i32
        %dma_wait3A_492 = tpu.memref_slice %arg7[%dma_wait3A_482, %dma_wait3A_490, %dma_wait3A_491] : memref<2x4x128xi32, #tpu.memory_space<vmem>> -> memref<1x4x128xi32, #tpu.memory_space<vmem>>
        %dma_wait3A_493 = tpu.memref_squeeze %dma_wait3A_492 : memref<1x4x128xi32, #tpu.memory_space<vmem>> -> memref<4x128xi32, #tpu.memory_space<vmem>>
        %dma_wait3A_494 = arith.constant 0 : i32
        %dma_wait3A_495 = tpu.memref_slice %arg4[%arg0, %mul3A, %dma_wait3A_494] : memref<2x1152x128xi32, #tpu.memory_space<hbm>> -> memref<1x4x128xi32, #tpu.memory_space<hbm>>
        %dma_wait3A_496 = tpu.memref_squeeze %dma_wait3A_495 : memref<1x4x128xi32, #tpu.memory_space<hbm>> -> memref<4x128xi32, #tpu.memory_space<hbm>>
        tpu.wait_dma2 semaphore(%arg15 : memref<!tpu.dma_semaphore, #tpu.memory_space<semaphore_mem>>) src(%dma_wait3A_496 : memref<4x128xi32, #tpu.memory_space<hbm>>) dst(%dma_wait3A_493 : memref<4x128xi32, #tpu.memory_space<vmem>>)
        %dma_start3A_497 = arith.constant 1 : i32
        %dma_start3A_498 = arith.constant 0 : i32
        %dma_start3A_499 = arith.constant 0 : i32
        %dma_start3A_500 = arith.constant 0 : i32
        %dma_start3A_501 = tpu.memref_slice %arg6[%dma_start3A_497, %dma_start3A_499, %dma_start3A_500] : memref<2x4x128xi32, #tpu.memory_space<vmem>> -> memref<1x4x128xi32, #tpu.memory_space<vmem>>
        %dma_start3A_502 = tpu.memref_squeeze %dma_start3A_501 : memref<1x4x128xi32, #tpu.memory_space<vmem>> -> memref<4x128xi32, #tpu.memory_space<vmem>>
        %dma_start3A_503 = arith.constant 0 : i32
        %dma_start3A_504 = tpu.memref_slice %dma_start3A_502[%dma_start3A_498, %dma_start3A_503] : memref<4x128xi32, #tpu.memory_space<vmem>> -> memref<1x128xi32, #tpu.memory_space<vmem>>
        %dma_start3A_505 = tpu.memref_squeeze %dma_start3A_504 : memref<1x128xi32, #tpu.memory_space<vmem>> -> memref<128xi32, #tpu.memory_space<vmem>>
        %dma_start3A_506 = arith.constant 0 : i32
        %dma_start3A_507 = arith.constant 0 : i32
        %dma_start3A_508 = tpu.memref_slice %arg2[%dma_start3A_506, %dma_start3A_507] : memref<10000x128xf32, #tpu.memory_space<hbm>> -> memref<10000x128xf32, #tpu.memory_space<hbm>>
        tpu.enqueue_indirect_dma source(%dma_start3A_508 : memref<10000x128xf32, #tpu.memory_space<hbm>>) target(%arg8 : memref<128x128xf32, #tpu.memory_space<vmem>>) offsets(%dma_start3A_505 : memref<128xi32, #tpu.memory_space<vmem>>) semaphore(%arg11 : memref<!tpu.dma_semaphore, #tpu.memory_space<semaphore_mem>>)
      } else {
      }
      %mul3A_283 = arith.constant 2 : i32
      %mul3A_284 = arith.muli %mul3A_283, %while3A_104 : i32
      %add3A_285 = arith.constant 1 : i32
      %add3A_286 = arith.addi %mul3A_284, %add3A_285 : i32
      %mul3A_287 = arith.constant 4 : i32
      %mul3A_288 = arith.muli %add3A_286, %mul3A_287 : i32
      %add3A_289 = arith.constant 0 : i32
      %add3A_290 = arith.addi %mul3A_288, %add3A_289 : i32
      %dma_wait3A_291 = arith.constant 0 : i32
      %dma_wait3A_292 = arith.constant 0 : i32
      %dma_wait3A_293 = arith.constant 0 : i32
      %dma_wait3A_294 = arith.constant 0 : i32
      %dma_wait3A_295 = tpu.memref_slice %arg6[%dma_wait3A_291, %dma_wait3A_293, %dma_wait3A_294] : memref<2x4x128xi32, #tpu.memory_space<vmem>> -> memref<1x4x128xi32, #tpu.memory_space<vmem>>
      %dma_wait3A_296 = tpu.memref_squeeze %dma_wait3A_295 : memref<1x4x128xi32, #tpu.memory_space<vmem>> -> memref<4x128xi32, #tpu.memory_space<vmem>>
      %dma_wait3A_297 = arith.constant 0 : i32
      %dma_wait3A_298 = tpu.memref_slice %dma_wait3A_296[%dma_wait3A_292, %dma_wait3A_297] : memref<4x128xi32, #tpu.memory_space<vmem>> -> memref<1x128xi32, #tpu.memory_space<vmem>>
      %dma_wait3A_299 = tpu.memref_squeeze %dma_wait3A_298 : memref<1x128xi32, #tpu.memory_space<vmem>> -> memref<128xi32, #tpu.memory_space<vmem>>
      %dma_wait3A_300 = arith.constant 0 : i32
      %dma_wait3A_301 = arith.constant 0 : i32
      %dma_wait3A_302 = tpu.memref_slice %arg2[%dma_wait3A_300, %dma_wait3A_301] : memref<10000x128xf32, #tpu.memory_space<hbm>> -> memref<10000x128xf32, #tpu.memory_space<hbm>>
      tpu.wait_indirect_dma semaphore(%arg11 : memref<!tpu.dma_semaphore, #tpu.memory_space<semaphore_mem>>) src(%dma_wait3A_302 : memref<10000x128xf32, #tpu.memory_space<hbm>>) dst(%arg8 : memref<128x128xf32, #tpu.memory_space<vmem>>)
      %dma_start3A_303 = arith.constant 1 : i32
      %dma_start3A_304 = arith.constant 0 : i32
      %dma_start3A_305 = arith.constant 0 : i32
      %dma_start3A_306 = arith.constant 0 : i32
      %dma_start3A_307 = tpu.memref_slice %arg7[%dma_start3A_303, %dma_start3A_305, %dma_start3A_306] : memref<2x4x128xi32, #tpu.memory_space<vmem>> -> memref<1x4x128xi32, #tpu.memory_space<vmem>>
      %dma_start3A_308 = tpu.memref_squeeze %dma_start3A_307 : memref<1x4x128xi32, #tpu.memory_space<vmem>> -> memref<4x128xi32, #tpu.memory_space<vmem>>
      %dma_start3A_309 = arith.constant 0 : i32
      %dma_start3A_310 = tpu.memref_slice %dma_start3A_308[%dma_start3A_304, %dma_start3A_309] : memref<4x128xi32, #tpu.memory_space<vmem>> -> memref<1x128xi32, #tpu.memory_space<vmem>>
      %dma_start3A_311 = tpu.memref_squeeze %dma_start3A_310 : memref<1x128xi32, #tpu.memory_space<vmem>> -> memref<128xi32, #tpu.memory_space<vmem>>
      %dma_start3A_312 = arith.constant 0 : i32
      %dma_start3A_313 = arith.constant 0 : i32
      %dma_start3A_314 = tpu.memref_slice %arg10[%dma_start3A_312, %dma_start3A_313] : memref<10240x128xf32, #tpu.memory_space<vmem_shared>> -> memref<10240x128xf32, #tpu.memory_space<vmem_shared>>
      tpu.enqueue_indirect_dma source(%arg8 : memref<128x128xf32, #tpu.memory_space<vmem>>) target(%dma_start3A_314 : memref<10240x128xf32, #tpu.memory_space<vmem_shared>>) offsets(%dma_start3A_311 : memref<128xi32, #tpu.memory_space<vmem>>) semaphore(%arg13 : memref<!tpu.dma_semaphore, #tpu.memory_space<semaphore_mem>>) {add = true}
      %ge3A_315 = arith.constant 1 : i32
      %ge3A_316 = arith.cmpi sge, %add3A_290, %ge3A_315 : i32
      %convert_element_type3A_317 = arith.extui %ge3A_316 : i1 to i32
      %cond3A_318 = arith.constant 0 : i32
      %cond3A_319 = arith.cmpi ne, %convert_element_type3A_317, %cond3A_318 : i32
      scf.if %cond3A_319 {
        %dma_wait3A_467 = arith.constant 0 : i32
        %dma_wait3A_468 = arith.constant 0 : i32
        %dma_wait3A_469 = arith.constant 0 : i32
        %dma_wait3A_470 = arith.constant 0 : i32
        %dma_wait3A_471 = tpu.memref_slice %arg7[%dma_wait3A_467, %dma_wait3A_469, %dma_wait3A_470] : memref<2x4x128xi32, #tpu.memory_space<vmem>> -> memref<1x4x128xi32, #tpu.memory_space<vmem>>
        %dma_wait3A_472 = tpu.memref_squeeze %dma_wait3A_471 : memref<1x4x128xi32, #tpu.memory_space<vmem>> -> memref<4x128xi32, #tpu.memory_space<vmem>>
        %dma_wait3A_473 = arith.constant 0 : i32
        %dma_wait3A_474 = tpu.memref_slice %dma_wait3A_472[%dma_wait3A_468, %dma_wait3A_473] : memref<4x128xi32, #tpu.memory_space<vmem>> -> memref<1x128xi32, #tpu.memory_space<vmem>>
        %dma_wait3A_475 = tpu.memref_squeeze %dma_wait3A_474 : memref<1x128xi32, #tpu.memory_space<vmem>> -> memref<128xi32, #tpu.memory_space<vmem>>
        %dma_wait3A_476 = arith.constant 0 : i32
        %dma_wait3A_477 = arith.constant 0 : i32
        %dma_wait3A_478 = tpu.memref_slice %arg10[%dma_wait3A_476, %dma_wait3A_477] : memref<10240x128xf32, #tpu.memory_space<vmem_shared>> -> memref<10240x128xf32, #tpu.memory_space<vmem_shared>>
        tpu.wait_indirect_dma semaphore(%arg14 : memref<!tpu.dma_semaphore, #tpu.memory_space<semaphore_mem>>) src(%arg9 : memref<128x128xf32, #tpu.memory_space<vmem>>) dst(%dma_wait3A_478 : memref<10240x128xf32, #tpu.memory_space<vmem_shared>>)
      } else {
      }
      %sub3A_320 = arith.constant 1 : i32
      %sub3A_321 = arith.subi %select_n3A_19, %sub3A_320 : i32
      %lt3A_322 = arith.cmpi slt, %add3A_286, %sub3A_321 : i32
      %convert_element_type3A_323 = arith.extui %lt3A_322 : i1 to i32
      %cond3A_324 = arith.constant 0 : i32
      %cond3A_325 = arith.cmpi ne, %convert_element_type3A_323, %cond3A_324 : i32
      scf.if %cond3A_325 {
        %add3A_467 = arith.constant 1 : i32
        %add3A_468 = arith.addi %add3A_286, %add3A_467 : i32
        %mul3A_469 = arith.constant 4 : i32
        %mul3A_470 = arith.muli %add3A_468, %mul3A_469 : i32
        %add3A_471 = arith.addi %mul3A, %mul3A_470 : i32
        %dma_start3A_472 = arith.constant 0 : i32
        %dma_start3A_473 = arith.constant 0 : i32
        %dma_start3A_474 = arith.constant 0 : i32
        %dma_start3A_475 = tpu.memref_slice %arg6[%dma_start3A_472, %dma_start3A_473, %dma_start3A_474] : memref<2x4x128xi32, #tpu.memory_space<vmem>> -> memref<1x4x128xi32, #tpu.memory_space<vmem>>
        %dma_start3A_476 = tpu.memref_squeeze %dma_start3A_475 : memref<1x4x128xi32, #tpu.memory_space<vmem>> -> memref<4x128xi32, #tpu.memory_space<vmem>>
        %dma_start3A_477 = arith.constant 0 : i32
        %dma_start3A_478 = tpu.memref_slice %arg3[%arg0, %add3A_471, %dma_start3A_477] : memref<2x1152x128xi32, #tpu.memory_space<hbm>> -> memref<1x4x128xi32, #tpu.memory_space<hbm>>
        %dma_start3A_479 = tpu.memref_squeeze %dma_start3A_478 : memref<1x4x128xi32, #tpu.memory_space<hbm>> -> memref<4x128xi32, #tpu.memory_space<hbm>>
        %dma_start3A_480 = arith.constant 0 : i32
        %dma_start3A_481 = arith.constant 0 : i32
        %dma_start3A_482 = tpu.memref_slice %arg6[%dma_start3A_472, %dma_start3A_480, %dma_start3A_481] : memref<2x4x128xi32, #tpu.memory_space<vmem>> -> memref<1x4x128xi32, #tpu.memory_space<vmem>>
        %dma_start3A_483 = tpu.memref_squeeze %dma_start3A_482 : memref<1x4x128xi32, #tpu.memory_space<vmem>> -> memref<4x128xi32, #tpu.memory_space<vmem>>
        %dma_start3A_484 = arith.constant 0 : i32
        %dma_start3A_485 = tpu.memref_slice %arg3[%arg0, %add3A_471, %dma_start3A_484] : memref<2x1152x128xi32, #tpu.memory_space<hbm>> -> memref<1x4x128xi32, #tpu.memory_space<hbm>>
        %dma_start3A_486 = tpu.memref_squeeze %dma_start3A_485 : memref<1x4x128xi32, #tpu.memory_space<hbm>> -> memref<4x128xi32, #tpu.memory_space<hbm>>
        tpu.enqueue_dma source(%dma_start3A_486 : memref<4x128xi32, #tpu.memory_space<hbm>>) target(%dma_start3A_483 : memref<4x128xi32, #tpu.memory_space<vmem>>) target_semaphore(%arg15 : memref<!tpu.dma_semaphore, #tpu.memory_space<semaphore_mem>>)
        %dma_start3A_487 = arith.constant 0 : i32
        %dma_start3A_488 = arith.constant 0 : i32
        %dma_start3A_489 = arith.constant 0 : i32
        %dma_start3A_490 = tpu.memref_slice %arg7[%dma_start3A_487, %dma_start3A_488, %dma_start3A_489] : memref<2x4x128xi32, #tpu.memory_space<vmem>> -> memref<1x4x128xi32, #tpu.memory_space<vmem>>
        %dma_start3A_491 = tpu.memref_squeeze %dma_start3A_490 : memref<1x4x128xi32, #tpu.memory_space<vmem>> -> memref<4x128xi32, #tpu.memory_space<vmem>>
        %dma_start3A_492 = arith.constant 0 : i32
        %dma_start3A_493 = tpu.memref_slice %arg4[%arg0, %add3A_471, %dma_start3A_492] : memref<2x1152x128xi32, #tpu.memory_space<hbm>> -> memref<1x4x128xi32, #tpu.memory_space<hbm>>
        %dma_start3A_494 = tpu.memref_squeeze %dma_start3A_493 : memref<1x4x128xi32, #tpu.memory_space<hbm>> -> memref<4x128xi32, #tpu.memory_space<hbm>>
        %dma_start3A_495 = arith.constant 0 : i32
        %dma_start3A_496 = arith.constant 0 : i32
        %dma_start3A_497 = tpu.memref_slice %arg7[%dma_start3A_487, %dma_start3A_495, %dma_start3A_496] : memref<2x4x128xi32, #tpu.memory_space<vmem>> -> memref<1x4x128xi32, #tpu.memory_space<vmem>>
        %dma_start3A_498 = tpu.memref_squeeze %dma_start3A_497 : memref<1x4x128xi32, #tpu.memory_space<vmem>> -> memref<4x128xi32, #tpu.memory_space<vmem>>
        %dma_start3A_499 = arith.constant 0 : i32
        %dma_start3A_500 = tpu.memref_slice %arg4[%arg0, %add3A_471, %dma_start3A_499] : memref<2x1152x128xi32, #tpu.memory_space<hbm>> -> memref<1x4x128xi32, #tpu.memory_space<hbm>>
        %dma_start3A_501 = tpu.memref_squeeze %dma_start3A_500 : memref<1x4x128xi32, #tpu.memory_space<hbm>> -> memref<4x128xi32, #tpu.memory_space<hbm>>
        tpu.enqueue_dma source(%dma_start3A_501 : memref<4x128xi32, #tpu.memory_space<hbm>>) target(%dma_start3A_498 : memref<4x128xi32, #tpu.memory_space<vmem>>) target_semaphore(%arg15 : memref<!tpu.dma_semaphore, #tpu.memory_space<semaphore_mem>>)
      } else {
      }
      %dma_start3A_326 = arith.constant 1 : i32
      %dma_start3A_327 = arith.constant 1 : i32
      %dma_start3A_328 = arith.constant 0 : i32
      %dma_start3A_329 = arith.constant 0 : i32
      %dma_start3A_330 = tpu.memref_slice %arg6[%dma_start3A_326, %dma_start3A_328, %dma_start3A_329] : memref<2x4x128xi32, #tpu.memory_space<vmem>> -> memref<1x4x128xi32, #tpu.memory_space<vmem>>
      %dma_start3A_331 = tpu.memref_squeeze %dma_start3A_330 : memref<1x4x128xi32, #tpu.memory_space<vmem>> -> memref<4x128xi32, #tpu.memory_space<vmem>>
      %dma_start3A_332 = arith.constant 0 : i32
      %dma_start3A_333 = tpu.memref_slice %dma_start3A_331[%dma_start3A_327, %dma_start3A_332] : memref<4x128xi32, #tpu.memory_space<vmem>> -> memref<1x128xi32, #tpu.memory_space<vmem>>
      %dma_start3A_334 = tpu.memref_squeeze %dma_start3A_333 : memref<1x128xi32, #tpu.memory_space<vmem>> -> memref<128xi32, #tpu.memory_space<vmem>>
      %dma_start3A_335 = arith.constant 0 : i32
      %dma_start3A_336 = arith.constant 0 : i32
      %dma_start3A_337 = tpu.memref_slice %arg2[%dma_start3A_335, %dma_start3A_336] : memref<10000x128xf32, #tpu.memory_space<hbm>> -> memref<10000x128xf32, #tpu.memory_space<hbm>>
      tpu.enqueue_indirect_dma source(%dma_start3A_337 : memref<10000x128xf32, #tpu.memory_space<hbm>>) target(%arg9 : memref<128x128xf32, #tpu.memory_space<vmem>>) offsets(%dma_start3A_334 : memref<128xi32, #tpu.memory_space<vmem>>) semaphore(%arg12 : memref<!tpu.dma_semaphore, #tpu.memory_space<semaphore_mem>>)
      %mul3A_338 = arith.constant 4 : i32
      %mul3A_339 = arith.muli %add3A_286, %mul3A_338 : i32
      %add3A_340 = arith.constant 1 : i32
      %add3A_341 = arith.addi %mul3A_339, %add3A_340 : i32
      %dma_wait3A_342 = arith.constant 0 : i32
      %dma_wait3A_343 = arith.constant 0 : i32
      %dma_wait3A_344 = arith.constant 0 : i32
      %dma_wait3A_345 = arith.constant 0 : i32
      %dma_wait3A_346 = tpu.memref_slice %arg6[%dma_wait3A_342, %dma_wait3A_344, %dma_wait3A_345] : memref<2x4x128xi32, #tpu.memory_space<vmem>> -> memref<1x4x128xi32, #tpu.memory_space<vmem>>
      %dma_wait3A_347 = tpu.memref_squeeze %dma_wait3A_346 : memref<1x4x128xi32, #tpu.memory_space<vmem>> -> memref<4x128xi32, #tpu.memory_space<vmem>>
      %dma_wait3A_348 = arith.constant 0 : i32
      %dma_wait3A_349 = tpu.memref_slice %dma_wait3A_347[%dma_wait3A_343, %dma_wait3A_348] : memref<4x128xi32, #tpu.memory_space<vmem>> -> memref<1x128xi32, #tpu.memory_space<vmem>>
      %dma_wait3A_350 = tpu.memref_squeeze %dma_wait3A_349 : memref<1x128xi32, #tpu.memory_space<vmem>> -> memref<128xi32, #tpu.memory_space<vmem>>
      %dma_wait3A_351 = arith.constant 0 : i32
      %dma_wait3A_352 = arith.constant 0 : i32
      %dma_wait3A_353 = tpu.memref_slice %arg2[%dma_wait3A_351, %dma_wait3A_352] : memref<10000x128xf32, #tpu.memory_space<hbm>> -> memref<10000x128xf32, #tpu.memory_space<hbm>>
      tpu.wait_indirect_dma semaphore(%arg12 : memref<!tpu.dma_semaphore, #tpu.memory_space<semaphore_mem>>) src(%dma_wait3A_353 : memref<10000x128xf32, #tpu.memory_space<hbm>>) dst(%arg9 : memref<128x128xf32, #tpu.memory_space<vmem>>)
      %dma_start3A_354 = arith.constant 1 : i32
      %dma_start3A_355 = arith.constant 1 : i32
      %dma_start3A_356 = arith.constant 0 : i32
      %dma_start3A_357 = arith.constant 0 : i32
      %dma_start3A_358 = tpu.memref_slice %arg7[%dma_start3A_354, %dma_start3A_356, %dma_start3A_357] : memref<2x4x128xi32, #tpu.memory_space<vmem>> -> memref<1x4x128xi32, #tpu.memory_space<vmem>>
      %dma_start3A_359 = tpu.memref_squeeze %dma_start3A_358 : memref<1x4x128xi32, #tpu.memory_space<vmem>> -> memref<4x128xi32, #tpu.memory_space<vmem>>
      %dma_start3A_360 = arith.constant 0 : i32
      %dma_start3A_361 = tpu.memref_slice %dma_start3A_359[%dma_start3A_355, %dma_start3A_360] : memref<4x128xi32, #tpu.memory_space<vmem>> -> memref<1x128xi32, #tpu.memory_space<vmem>>
      %dma_start3A_362 = tpu.memref_squeeze %dma_start3A_361 : memref<1x128xi32, #tpu.memory_space<vmem>> -> memref<128xi32, #tpu.memory_space<vmem>>
      %dma_start3A_363 = arith.constant 0 : i32
      %dma_start3A_364 = arith.constant 0 : i32
      %dma_start3A_365 = tpu.memref_slice %arg10[%dma_start3A_363, %dma_start3A_364] : memref<10240x128xf32, #tpu.memory_space<vmem_shared>> -> memref<10240x128xf32, #tpu.memory_space<vmem_shared>>
      tpu.enqueue_indirect_dma source(%arg9 : memref<128x128xf32, #tpu.memory_space<vmem>>) target(%dma_start3A_365 : memref<10240x128xf32, #tpu.memory_space<vmem_shared>>) offsets(%dma_start3A_362 : memref<128xi32, #tpu.memory_space<vmem>>) semaphore(%arg14 : memref<!tpu.dma_semaphore, #tpu.memory_space<semaphore_mem>>) {add = true}
      %ge3A_366 = arith.constant 1 : i32
      %ge3A_367 = arith.cmpi sge, %add3A_341, %ge3A_366 : i32
      %convert_element_type3A_368 = arith.extui %ge3A_367 : i1 to i32
      %cond3A_369 = arith.constant 0 : i32
      %cond3A_370 = arith.cmpi ne, %convert_element_type3A_368, %cond3A_369 : i32
      scf.if %cond3A_370 {
        %dma_wait3A_467 = arith.constant 0 : i32
        %dma_wait3A_468 = arith.constant 0 : i32
        %dma_wait3A_469 = arith.constant 0 : i32
        %dma_wait3A_470 = arith.constant 0 : i32
        %dma_wait3A_471 = tpu.memref_slice %arg7[%dma_wait3A_467, %dma_wait3A_469, %dma_wait3A_470] : memref<2x4x128xi32, #tpu.memory_space<vmem>> -> memref<1x4x128xi32, #tpu.memory_space<vmem>>
        %dma_wait3A_472 = tpu.memref_squeeze %dma_wait3A_471 : memref<1x4x128xi32, #tpu.memory_space<vmem>> -> memref<4x128xi32, #tpu.memory_space<vmem>>
        %dma_wait3A_473 = arith.constant 0 : i32
        %dma_wait3A_474 = tpu.memref_slice %dma_wait3A_472[%dma_wait3A_468, %dma_wait3A_473] : memref<4x128xi32, #tpu.memory_space<vmem>> -> memref<1x128xi32, #tpu.memory_space<vmem>>
        %dma_wait3A_475 = tpu.memref_squeeze %dma_wait3A_474 : memref<1x128xi32, #tpu.memory_space<vmem>> -> memref<128xi32, #tpu.memory_space<vmem>>
        %dma_wait3A_476 = arith.constant 0 : i32
        %dma_wait3A_477 = arith.constant 0 : i32
        %dma_wait3A_478 = tpu.memref_slice %arg10[%dma_wait3A_476, %dma_wait3A_477] : memref<10240x128xf32, #tpu.memory_space<vmem_shared>> -> memref<10240x128xf32, #tpu.memory_space<vmem_shared>>
        tpu.wait_indirect_dma semaphore(%arg13 : memref<!tpu.dma_semaphore, #tpu.memory_space<semaphore_mem>>) src(%arg8 : memref<128x128xf32, #tpu.memory_space<vmem>>) dst(%dma_wait3A_478 : memref<10240x128xf32, #tpu.memory_space<vmem_shared>>)
      } else {
      }
      %dma_start3A_371 = arith.constant 1 : i32
      %dma_start3A_372 = arith.constant 2 : i32
      %dma_start3A_373 = arith.constant 0 : i32
      %dma_start3A_374 = arith.constant 0 : i32
      %dma_start3A_375 = tpu.memref_slice %arg6[%dma_start3A_371, %dma_start3A_373, %dma_start3A_374] : memref<2x4x128xi32, #tpu.memory_space<vmem>> -> memref<1x4x128xi32, #tpu.memory_space<vmem>>
      %dma_start3A_376 = tpu.memref_squeeze %dma_start3A_375 : memref<1x4x128xi32, #tpu.memory_space<vmem>> -> memref<4x128xi32, #tpu.memory_space<vmem>>
      %dma_start3A_377 = arith.constant 0 : i32
      %dma_start3A_378 = tpu.memref_slice %dma_start3A_376[%dma_start3A_372, %dma_start3A_377] : memref<4x128xi32, #tpu.memory_space<vmem>> -> memref<1x128xi32, #tpu.memory_space<vmem>>
      %dma_start3A_379 = tpu.memref_squeeze %dma_start3A_378 : memref<1x128xi32, #tpu.memory_space<vmem>> -> memref<128xi32, #tpu.memory_space<vmem>>
      %dma_start3A_380 = arith.constant 0 : i32
      %dma_start3A_381 = arith.constant 0 : i32
      %dma_start3A_382 = tpu.memref_slice %arg2[%dma_start3A_380, %dma_start3A_381] : memref<10000x128xf32, #tpu.memory_space<hbm>> -> memref<10000x128xf32, #tpu.memory_space<hbm>>
      tpu.enqueue_indirect_dma source(%dma_start3A_382 : memref<10000x128xf32, #tpu.memory_space<hbm>>) target(%arg8 : memref<128x128xf32, #tpu.memory_space<vmem>>) offsets(%dma_start3A_379 : memref<128xi32, #tpu.memory_space<vmem>>) semaphore(%arg11 : memref<!tpu.dma_semaphore, #tpu.memory_space<semaphore_mem>>)
      %mul3A_383 = arith.constant 4 : i32
      %mul3A_384 = arith.muli %add3A_286, %mul3A_383 : i32
      %add3A_385 = arith.constant 2 : i32
      %add3A_386 = arith.addi %mul3A_384, %add3A_385 : i32
      %dma_wait3A_387 = arith.constant 0 : i32
      %dma_wait3A_388 = arith.constant 0 : i32
      %dma_wait3A_389 = arith.constant 0 : i32
      %dma_wait3A_390 = arith.constant 0 : i32
      %dma_wait3A_391 = tpu.memref_slice %arg6[%dma_wait3A_387, %dma_wait3A_389, %dma_wait3A_390] : memref<2x4x128xi32, #tpu.memory_space<vmem>> -> memref<1x4x128xi32, #tpu.memory_space<vmem>>
      %dma_wait3A_392 = tpu.memref_squeeze %dma_wait3A_391 : memref<1x4x128xi32, #tpu.memory_space<vmem>> -> memref<4x128xi32, #tpu.memory_space<vmem>>
      %dma_wait3A_393 = arith.constant 0 : i32
      %dma_wait3A_394 = tpu.memref_slice %dma_wait3A_392[%dma_wait3A_388, %dma_wait3A_393] : memref<4x128xi32, #tpu.memory_space<vmem>> -> memref<1x128xi32, #tpu.memory_space<vmem>>
      %dma_wait3A_395 = tpu.memref_squeeze %dma_wait3A_394 : memref<1x128xi32, #tpu.memory_space<vmem>> -> memref<128xi32, #tpu.memory_space<vmem>>
      %dma_wait3A_396 = arith.constant 0 : i32
      %dma_wait3A_397 = arith.constant 0 : i32
      %dma_wait3A_398 = tpu.memref_slice %arg2[%dma_wait3A_396, %dma_wait3A_397] : memref<10000x128xf32, #tpu.memory_space<hbm>> -> memref<10000x128xf32, #tpu.memory_space<hbm>>
      tpu.wait_indirect_dma semaphore(%arg11 : memref<!tpu.dma_semaphore, #tpu.memory_space<semaphore_mem>>) src(%dma_wait3A_398 : memref<10000x128xf32, #tpu.memory_space<hbm>>) dst(%arg8 : memref<128x128xf32, #tpu.memory_space<vmem>>)
      %dma_start3A_399 = arith.constant 1 : i32
      %dma_start3A_400 = arith.constant 2 : i32
      %dma_start3A_401 = arith.constant 0 : i32
      %dma_start3A_402 = arith.constant 0 : i32
      %dma_start3A_403 = tpu.memref_slice %arg7[%dma_start3A_399, %dma_start3A_401, %dma_start3A_402] : memref<2x4x128xi32, #tpu.memory_space<vmem>> -> memref<1x4x128xi32, #tpu.memory_space<vmem>>
      %dma_start3A_404 = tpu.memref_squeeze %dma_start3A_403 : memref<1x4x128xi32, #tpu.memory_space<vmem>> -> memref<4x128xi32, #tpu.memory_space<vmem>>
      %dma_start3A_405 = arith.constant 0 : i32
      %dma_start3A_406 = tpu.memref_slice %dma_start3A_404[%dma_start3A_400, %dma_start3A_405] : memref<4x128xi32, #tpu.memory_space<vmem>> -> memref<1x128xi32, #tpu.memory_space<vmem>>
      %dma_start3A_407 = tpu.memref_squeeze %dma_start3A_406 : memref<1x128xi32, #tpu.memory_space<vmem>> -> memref<128xi32, #tpu.memory_space<vmem>>
      %dma_start3A_408 = arith.constant 0 : i32
      %dma_start3A_409 = arith.constant 0 : i32
      %dma_start3A_410 = tpu.memref_slice %arg10[%dma_start3A_408, %dma_start3A_409] : memref<10240x128xf32, #tpu.memory_space<vmem_shared>> -> memref<10240x128xf32, #tpu.memory_space<vmem_shared>>
      tpu.enqueue_indirect_dma source(%arg8 : memref<128x128xf32, #tpu.memory_space<vmem>>) target(%dma_start3A_410 : memref<10240x128xf32, #tpu.memory_space<vmem_shared>>) offsets(%dma_start3A_407 : memref<128xi32, #tpu.memory_space<vmem>>) semaphore(%arg13 : memref<!tpu.dma_semaphore, #tpu.memory_space<semaphore_mem>>) {add = true}
      %ge3A_411 = arith.constant 1 : i32
      %ge3A_412 = arith.cmpi sge, %add3A_386, %ge3A_411 : i32
      %convert_element_type3A_413 = arith.extui %ge3A_412 : i1 to i32
      %cond3A_414 = arith.constant 0 : i32
      %cond3A_415 = arith.cmpi ne, %convert_element_type3A_413, %cond3A_414 : i32
      scf.if %cond3A_415 {
        %dma_wait3A_467 = arith.constant 0 : i32
        %dma_wait3A_468 = arith.constant 0 : i32
        %dma_wait3A_469 = arith.constant 0 : i32
        %dma_wait3A_470 = arith.constant 0 : i32
        %dma_wait3A_471 = tpu.memref_slice %arg7[%dma_wait3A_467, %dma_wait3A_469, %dma_wait3A_470] : memref<2x4x128xi32, #tpu.memory_space<vmem>> -> memref<1x4x128xi32, #tpu.memory_space<vmem>>
        %dma_wait3A_472 = tpu.memref_squeeze %dma_wait3A_471 : memref<1x4x128xi32, #tpu.memory_space<vmem>> -> memref<4x128xi32, #tpu.memory_space<vmem>>
        %dma_wait3A_473 = arith.constant 0 : i32
        %dma_wait3A_474 = tpu.memref_slice %dma_wait3A_472[%dma_wait3A_468, %dma_wait3A_473] : memref<4x128xi32, #tpu.memory_space<vmem>> -> memref<1x128xi32, #tpu.memory_space<vmem>>
        %dma_wait3A_475 = tpu.memref_squeeze %dma_wait3A_474 : memref<1x128xi32, #tpu.memory_space<vmem>> -> memref<128xi32, #tpu.memory_space<vmem>>
        %dma_wait3A_476 = arith.constant 0 : i32
        %dma_wait3A_477 = arith.constant 0 : i32
        %dma_wait3A_478 = tpu.memref_slice %arg10[%dma_wait3A_476, %dma_wait3A_477] : memref<10240x128xf32, #tpu.memory_space<vmem_shared>> -> memref<10240x128xf32, #tpu.memory_space<vmem_shared>>
        tpu.wait_indirect_dma semaphore(%arg14 : memref<!tpu.dma_semaphore, #tpu.memory_space<semaphore_mem>>) src(%arg9 : memref<128x128xf32, #tpu.memory_space<vmem>>) dst(%dma_wait3A_478 : memref<10240x128xf32, #tpu.memory_space<vmem_shared>>)
      } else {
      }
      %dma_start3A_416 = arith.constant 1 : i32
      %dma_start3A_417 = arith.constant 3 : i32
      %dma_start3A_418 = arith.constant 0 : i32
      %dma_start3A_419 = arith.constant 0 : i32
      %dma_start3A_420 = tpu.memref_slice %arg6[%dma_start3A_416, %dma_start3A_418, %dma_start3A_419] : memref<2x4x128xi32, #tpu.memory_space<vmem>> -> memref<1x4x128xi32, #tpu.memory_space<vmem>>
      %dma_start3A_421 = tpu.memref_squeeze %dma_start3A_420 : memref<1x4x128xi32, #tpu.memory_space<vmem>> -> memref<4x128xi32, #tpu.memory_space<vmem>>
      %dma_start3A_422 = arith.constant 0 : i32
      %dma_start3A_423 = tpu.memref_slice %dma_start3A_421[%dma_start3A_417, %dma_start3A_422] : memref<4x128xi32, #tpu.memory_space<vmem>> -> memref<1x128xi32, #tpu.memory_space<vmem>>
      %dma_start3A_424 = tpu.memref_squeeze %dma_start3A_423 : memref<1x128xi32, #tpu.memory_space<vmem>> -> memref<128xi32, #tpu.memory_space<vmem>>
      %dma_start3A_425 = arith.constant 0 : i32
      %dma_start3A_426 = arith.constant 0 : i32
      %dma_start3A_427 = tpu.memref_slice %arg2[%dma_start3A_425, %dma_start3A_426] : memref<10000x128xf32, #tpu.memory_space<hbm>> -> memref<10000x128xf32, #tpu.memory_space<hbm>>
      tpu.enqueue_indirect_dma source(%dma_start3A_427 : memref<10000x128xf32, #tpu.memory_space<hbm>>) target(%arg9 : memref<128x128xf32, #tpu.memory_space<vmem>>) offsets(%dma_start3A_424 : memref<128xi32, #tpu.memory_space<vmem>>) semaphore(%arg12 : memref<!tpu.dma_semaphore, #tpu.memory_space<semaphore_mem>>)
      %mul3A_428 = arith.constant 4 : i32
      %mul3A_429 = arith.muli %add3A_286, %mul3A_428 : i32
      %add3A_430 = arith.constant 3 : i32
      %add3A_431 = arith.addi %mul3A_429, %add3A_430 : i32
      %dma_wait3A_432 = arith.constant 0 : i32
      %dma_wait3A_433 = arith.constant 0 : i32
      %dma_wait3A_434 = arith.constant 0 : i32
      %dma_wait3A_435 = arith.constant 0 : i32
      %dma_wait3A_436 = tpu.memref_slice %arg6[%dma_wait3A_432, %dma_wait3A_434, %dma_wait3A_435] : memref<2x4x128xi32, #tpu.memory_space<vmem>> -> memref<1x4x128xi32, #tpu.memory_space<vmem>>
      %dma_wait3A_437 = tpu.memref_squeeze %dma_wait3A_436 : memref<1x4x128xi32, #tpu.memory_space<vmem>> -> memref<4x128xi32, #tpu.memory_space<vmem>>
      %dma_wait3A_438 = arith.constant 0 : i32
      %dma_wait3A_439 = tpu.memref_slice %dma_wait3A_437[%dma_wait3A_433, %dma_wait3A_438] : memref<4x128xi32, #tpu.memory_space<vmem>> -> memref<1x128xi32, #tpu.memory_space<vmem>>
      %dma_wait3A_440 = tpu.memref_squeeze %dma_wait3A_439 : memref<1x128xi32, #tpu.memory_space<vmem>> -> memref<128xi32, #tpu.memory_space<vmem>>
      %dma_wait3A_441 = arith.constant 0 : i32
      %dma_wait3A_442 = arith.constant 0 : i32
      %dma_wait3A_443 = tpu.memref_slice %arg2[%dma_wait3A_441, %dma_wait3A_442] : memref<10000x128xf32, #tpu.memory_space<hbm>> -> memref<10000x128xf32, #tpu.memory_space<hbm>>
      tpu.wait_indirect_dma semaphore(%arg12 : memref<!tpu.dma_semaphore, #tpu.memory_space<semaphore_mem>>) src(%dma_wait3A_443 : memref<10000x128xf32, #tpu.memory_space<hbm>>) dst(%arg9 : memref<128x128xf32, #tpu.memory_space<vmem>>)
      %dma_start3A_444 = arith.constant 1 : i32
      %dma_start3A_445 = arith.constant 3 : i32
      %dma_start3A_446 = arith.constant 0 : i32
      %dma_start3A_447 = arith.constant 0 : i32
      %dma_start3A_448 = tpu.memref_slice %arg7[%dma_start3A_444, %dma_start3A_446, %dma_start3A_447] : memref<2x4x128xi32, #tpu.memory_space<vmem>> -> memref<1x4x128xi32, #tpu.memory_space<vmem>>
      %dma_start3A_449 = tpu.memref_squeeze %dma_start3A_448 : memref<1x4x128xi32, #tpu.memory_space<vmem>> -> memref<4x128xi32, #tpu.memory_space<vmem>>
      %dma_start3A_450 = arith.constant 0 : i32
      %dma_start3A_451 = tpu.memref_slice %dma_start3A_449[%dma_start3A_445, %dma_start3A_450] : memref<4x128xi32, #tpu.memory_space<vmem>> -> memref<1x128xi32, #tpu.memory_space<vmem>>
      %dma_start3A_452 = tpu.memref_squeeze %dma_start3A_451 : memref<1x128xi32, #tpu.memory_space<vmem>> -> memref<128xi32, #tpu.memory_space<vmem>>
      %dma_start3A_453 = arith.constant 0 : i32
      %dma_start3A_454 = arith.constant 0 : i32
      %dma_start3A_455 = tpu.memref_slice %arg10[%dma_start3A_453, %dma_start3A_454] : memref<10240x128xf32, #tpu.memory_space<vmem_shared>> -> memref<10240x128xf32, #tpu.memory_space<vmem_shared>>
      tpu.enqueue_indirect_dma source(%arg9 : memref<128x128xf32, #tpu.memory_space<vmem>>) target(%dma_start3A_455 : memref<10240x128xf32, #tpu.memory_space<vmem_shared>>) offsets(%dma_start3A_452 : memref<128xi32, #tpu.memory_space<vmem>>) semaphore(%arg14 : memref<!tpu.dma_semaphore, #tpu.memory_space<semaphore_mem>>) {add = true}
      %ge3A_456 = arith.constant 1 : i32
      %ge3A_457 = arith.cmpi sge, %add3A_431, %ge3A_456 : i32
      %convert_element_type3A_458 = arith.extui %ge3A_457 : i1 to i32
      %cond3A_459 = arith.constant 0 : i32
      %cond3A_460 = arith.cmpi ne, %convert_element_type3A_458, %cond3A_459 : i32
      scf.if %cond3A_460 {
        %dma_wait3A_467 = arith.constant 0 : i32
        %dma_wait3A_468 = arith.constant 0 : i32
        %dma_wait3A_469 = arith.constant 0 : i32
        %dma_wait3A_470 = arith.constant 0 : i32
        %dma_wait3A_471 = tpu.memref_slice %arg7[%dma_wait3A_467, %dma_wait3A_469, %dma_wait3A_470] : memref<2x4x128xi32, #tpu.memory_space<vmem>> -> memref<1x4x128xi32, #tpu.memory_space<vmem>>
        %dma_wait3A_472 = tpu.memref_squeeze %dma_wait3A_471 : memref<1x4x128xi32, #tpu.memory_space<vmem>> -> memref<4x128xi32, #tpu.memory_space<vmem>>
        %dma_wait3A_473 = arith.constant 0 : i32
        %dma_wait3A_474 = tpu.memref_slice %dma_wait3A_472[%dma_wait3A_468, %dma_wait3A_473] : memref<4x128xi32, #tpu.memory_space<vmem>> -> memref<1x128xi32, #tpu.memory_space<vmem>>
        %dma_wait3A_475 = tpu.memref_squeeze %dma_wait3A_474 : memref<1x128xi32, #tpu.memory_space<vmem>> -> memref<128xi32, #tpu.memory_space<vmem>>
        %dma_wait3A_476 = arith.constant 0 : i32
        %dma_wait3A_477 = arith.constant 0 : i32
        %dma_wait3A_478 = tpu.memref_slice %arg10[%dma_wait3A_476, %dma_wait3A_477] : memref<10240x128xf32, #tpu.memory_space<vmem_shared>> -> memref<10240x128xf32, #tpu.memory_space<vmem_shared>>
        tpu.wait_indirect_dma semaphore(%arg13 : memref<!tpu.dma_semaphore, #tpu.memory_space<semaphore_mem>>) src(%arg8 : memref<128x128xf32, #tpu.memory_space<vmem>>) dst(%dma_wait3A_478 : memref<10240x128xf32, #tpu.memory_space<vmem_shared>>)
      } else {
      }
      %sub3A_461 = arith.constant 1 : i32
      %sub3A_462 = arith.subi %select_n3A_19, %sub3A_461 : i32
      %lt3A_463 = arith.cmpi slt, %add3A_286, %sub3A_462 : i32
      %convert_element_type3A_464 = arith.extui %lt3A_463 : i1 to i32
      %cond3A_465 = arith.constant 0 : i32
      %cond3A_466 = arith.cmpi ne, %convert_element_type3A_464, %cond3A_465 : i32
      scf.if %cond3A_466 {
        %dma_wait3A_467 = arith.constant 0 : i32
        %dma_wait3A_468 = arith.constant 0 : i32
        %dma_wait3A_469 = arith.constant 0 : i32
        %dma_wait3A_470 = tpu.memref_slice %arg6[%dma_wait3A_467, %dma_wait3A_468, %dma_wait3A_469] : memref<2x4x128xi32, #tpu.memory_space<vmem>> -> memref<1x4x128xi32, #tpu.memory_space<vmem>>
        %dma_wait3A_471 = tpu.memref_squeeze %dma_wait3A_470 : memref<1x4x128xi32, #tpu.memory_space<vmem>> -> memref<4x128xi32, #tpu.memory_space<vmem>>
        %dma_wait3A_472 = arith.constant 0 : i32
        %dma_wait3A_473 = tpu.memref_slice %arg3[%arg0, %mul3A, %dma_wait3A_472] : memref<2x1152x128xi32, #tpu.memory_space<hbm>> -> memref<1x4x128xi32, #tpu.memory_space<hbm>>
        %dma_wait3A_474 = tpu.memref_squeeze %dma_wait3A_473 : memref<1x4x128xi32, #tpu.memory_space<hbm>> -> memref<4x128xi32, #tpu.memory_space<hbm>>
        %dma_wait3A_475 = arith.constant 0 : i32
        %dma_wait3A_476 = arith.constant 0 : i32
        %dma_wait3A_477 = tpu.memref_slice %arg6[%dma_wait3A_467, %dma_wait3A_475, %dma_wait3A_476] : memref<2x4x128xi32, #tpu.memory_space<vmem>> -> memref<1x4x128xi32, #tpu.memory_space<vmem>>
        %dma_wait3A_478 = tpu.memref_squeeze %dma_wait3A_477 : memref<1x4x128xi32, #tpu.memory_space<vmem>> -> memref<4x128xi32, #tpu.memory_space<vmem>>
        %dma_wait3A_479 = arith.constant 0 : i32
        %dma_wait3A_480 = tpu.memref_slice %arg3[%arg0, %mul3A, %dma_wait3A_479] : memref<2x1152x128xi32, #tpu.memory_space<hbm>> -> memref<1x4x128xi32, #tpu.memory_space<hbm>>
        %dma_wait3A_481 = tpu.memref_squeeze %dma_wait3A_480 : memref<1x4x128xi32, #tpu.memory_space<hbm>> -> memref<4x128xi32, #tpu.memory_space<hbm>>
        tpu.wait_dma2 semaphore(%arg15 : memref<!tpu.dma_semaphore, #tpu.memory_space<semaphore_mem>>) src(%dma_wait3A_481 : memref<4x128xi32, #tpu.memory_space<hbm>>) dst(%dma_wait3A_478 : memref<4x128xi32, #tpu.memory_space<vmem>>)
        %dma_wait3A_482 = arith.constant 0 : i32
        %dma_wait3A_483 = arith.constant 0 : i32
        %dma_wait3A_484 = arith.constant 0 : i32
        %dma_wait3A_485 = tpu.memref_slice %arg7[%dma_wait3A_482, %dma_wait3A_483, %dma_wait3A_484] : memref<2x4x128xi32, #tpu.memory_space<vmem>> -> memref<1x4x128xi32, #tpu.memory_space<vmem>>
        %dma_wait3A_486 = tpu.memref_squeeze %dma_wait3A_485 : memref<1x4x128xi32, #tpu.memory_space<vmem>> -> memref<4x128xi32, #tpu.memory_space<vmem>>
        %dma_wait3A_487 = arith.constant 0 : i32
        %dma_wait3A_488 = tpu.memref_slice %arg4[%arg0, %mul3A, %dma_wait3A_487] : memref<2x1152x128xi32, #tpu.memory_space<hbm>> -> memref<1x4x128xi32, #tpu.memory_space<hbm>>
        %dma_wait3A_489 = tpu.memref_squeeze %dma_wait3A_488 : memref<1x4x128xi32, #tpu.memory_space<hbm>> -> memref<4x128xi32, #tpu.memory_space<hbm>>
        %dma_wait3A_490 = arith.constant 0 : i32
        %dma_wait3A_491 = arith.constant 0 : i32
        %dma_wait3A_492 = tpu.memref_slice %arg7[%dma_wait3A_482, %dma_wait3A_490, %dma_wait3A_491] : memref<2x4x128xi32, #tpu.memory_space<vmem>> -> memref<1x4x128xi32, #tpu.memory_space<vmem>>
        %dma_wait3A_493 = tpu.memref_squeeze %dma_wait3A_492 : memref<1x4x128xi32, #tpu.memory_space<vmem>> -> memref<4x128xi32, #tpu.memory_space<vmem>>
        %dma_wait3A_494 = arith.constant 0 : i32
        %dma_wait3A_495 = tpu.memref_slice %arg4[%arg0, %mul3A, %dma_wait3A_494] : memref<2x1152x128xi32, #tpu.memory_space<hbm>> -> memref<1x4x128xi32, #tpu.memory_space<hbm>>
        %dma_wait3A_496 = tpu.memref_squeeze %dma_wait3A_495 : memref<1x4x128xi32, #tpu.memory_space<hbm>> -> memref<4x128xi32, #tpu.memory_space<hbm>>
        tpu.wait_dma2 semaphore(%arg15 : memref<!tpu.dma_semaphore, #tpu.memory_space<semaphore_mem>>) src(%dma_wait3A_496 : memref<4x128xi32, #tpu.memory_space<hbm>>) dst(%dma_wait3A_493 : memref<4x128xi32, #tpu.memory_space<vmem>>)
        %dma_start3A_497 = arith.constant 0 : i32
        %dma_start3A_498 = arith.constant 0 : i32
        %dma_start3A_499 = arith.constant 0 : i32
        %dma_start3A_500 = arith.constant 0 : i32
        %dma_start3A_501 = tpu.memref_slice %arg6[%dma_start3A_497, %dma_start3A_499, %dma_start3A_500] : memref<2x4x128xi32, #tpu.memory_space<vmem>> -> memref<1x4x128xi32, #tpu.memory_space<vmem>>
        %dma_start3A_502 = tpu.memref_squeeze %dma_start3A_501 : memref<1x4x128xi32, #tpu.memory_space<vmem>> -> memref<4x128xi32, #tpu.memory_space<vmem>>
        %dma_start3A_503 = arith.constant 0 : i32
        %dma_start3A_504 = tpu.memref_slice %dma_start3A_502[%dma_start3A_498, %dma_start3A_503] : memref<4x128xi32, #tpu.memory_space<vmem>> -> memref<1x128xi32, #tpu.memory_space<vmem>>
        %dma_start3A_505 = tpu.memref_squeeze %dma_start3A_504 : memref<1x128xi32, #tpu.memory_space<vmem>> -> memref<128xi32, #tpu.memory_space<vmem>>
        %dma_start3A_506 = arith.constant 0 : i32
        %dma_start3A_507 = arith.constant 0 : i32
        %dma_start3A_508 = tpu.memref_slice %arg2[%dma_start3A_506, %dma_start3A_507] : memref<10000x128xf32, #tpu.memory_space<hbm>> -> memref<10000x128xf32, #tpu.memory_space<hbm>>
        tpu.enqueue_indirect_dma source(%dma_start3A_508 : memref<10000x128xf32, #tpu.memory_space<hbm>>) target(%arg8 : memref<128x128xf32, #tpu.memory_space<vmem>>) offsets(%dma_start3A_505 : memref<128xi32, #tpu.memory_space<vmem>>) semaphore(%arg11 : memref<!tpu.dma_semaphore, #tpu.memory_space<semaphore_mem>>)
      } else {
      }
    }
    %dma_wait3A = arith.constant 0 : i32
    %dma_wait3A_88 = arith.constant 0 : i32
    %dma_wait3A_89 = arith.constant 0 : i32
    %dma_wait3A_90 = arith.constant 0 : i32
    %dma_wait3A_91 = tpu.memref_slice %arg7[%dma_wait3A, %dma_wait3A_89, %dma_wait3A_90] : memref<2x4x128xi32, #tpu.memory_space<vmem>> -> memref<1x4x128xi32, #tpu.memory_space<vmem>>
    %dma_wait3A_92 = tpu.memref_squeeze %dma_wait3A_91 : memref<1x4x128xi32, #tpu.memory_space<vmem>> -> memref<4x128xi32, #tpu.memory_space<vmem>>
    %dma_wait3A_93 = arith.constant 0 : i32
    %dma_wait3A_94 = tpu.memref_slice %dma_wait3A_92[%dma_wait3A_88, %dma_wait3A_93] : memref<4x128xi32, #tpu.memory_space<vmem>> -> memref<1x128xi32, #tpu.memory_space<vmem>>
    %dma_wait3A_95 = tpu.memref_squeeze %dma_wait3A_94 : memref<1x128xi32, #tpu.memory_space<vmem>> -> memref<128xi32, #tpu.memory_space<vmem>>
    %dma_wait3A_96 = arith.constant 0 : i32
    %dma_wait3A_97 = arith.constant 0 : i32
    %dma_wait3A_98 = tpu.memref_slice %arg10[%dma_wait3A_96, %dma_wait3A_97] : memref<10240x128xf32, #tpu.memory_space<vmem_shared>> -> memref<10240x128xf32, #tpu.memory_space<vmem_shared>>
    tpu.wait_indirect_dma semaphore(%arg14 : memref<!tpu.dma_semaphore, #tpu.memory_space<semaphore_mem>>) src(%arg9 : memref<128x128xf32, #tpu.memory_space<vmem>>) dst(%dma_wait3A_98 : memref<10240x128xf32, #tpu.memory_space<vmem_shared>>)
    %barrier3A_99 = arith.constant 0 : index
    tpu.barrier barrier_id(%barrier3A_99)
    %mul3A_100 = arith.constant 640 : i32
    %mul3A_101 = arith.muli %arg1, %mul3A_100 : i32
    %mul3A_102 = arith.constant 640 : i32
    %mul3A_103 = arith.muli %arg1, %mul3A_102 : i32
    "tpu.region"() ({
      %run_scoped3A_104 = tpu.sem_alloc : memref<!tpu.dma_semaphore, #tpu.memory_space<semaphore_mem>>
      %dma_start3A_105 = arith.constant 0 : i32
      %dma_start3A_106 = tpu.memref_slice %arg5[%arg0, %mul3A_103, %dma_start3A_105] : memref<2x10240x128xf32, #tpu.memory_space<hbm>> -> memref<1x640x128xf32, #tpu.memory_space<hbm>>
      %dma_start3A_107 = tpu.memref_squeeze %dma_start3A_106 : memref<1x640x128xf32, #tpu.memory_space<hbm>> -> memref<640x128xf32, #tpu.memory_space<hbm>>
      %dma_start3A_108 = arith.constant 0 : i32
      %dma_start3A_109 = tpu.memref_slice %arg10[%mul3A_101, %dma_start3A_108] : memref<10240x128xf32, #tpu.memory_space<vmem_shared>> -> memref<640x128xf32, #tpu.memory_space<vmem_shared>>
      tpu.enqueue_dma source(%dma_start3A_109 : memref<640x128xf32, #tpu.memory_space<vmem_shared>>) target(%dma_start3A_107 : memref<640x128xf32, #tpu.memory_space<hbm>>) target_semaphore(%run_scoped3A_104 : memref<!tpu.dma_semaphore, #tpu.memory_space<semaphore_mem>>)
      %dma_wait3A_110 = arith.constant 0 : i32
      %dma_wait3A_111 = tpu.memref_slice %arg5[%arg0, %mul3A_103, %dma_wait3A_110] : memref<2x10240x128xf32, #tpu.memory_space<hbm>> -> memref<1x640x128xf32, #tpu.memory_space<hbm>>
      %dma_wait3A_112 = tpu.memref_squeeze %dma_wait3A_111 : memref<1x640x128xf32, #tpu.memory_space<hbm>> -> memref<640x128xf32, #tpu.memory_space<hbm>>
      %dma_wait3A_113 = arith.constant 0 : i32
      %dma_wait3A_114 = tpu.memref_slice %arg10[%mul3A_101, %dma_wait3A_113] : memref<10240x128xf32, #tpu.memory_space<vmem_shared>> -> memref<640x128xf32, #tpu.memory_space<vmem_shared>>
      tpu.wait_dma2 semaphore(%run_scoped3A_104 : memref<!tpu.dma_semaphore, #tpu.memory_space<semaphore_mem>>) src(%dma_wait3A_114 : memref<640x128xf32, #tpu.memory_space<vmem_shared>>) dst(%dma_wait3A_112 : memref<640x128xf32, #tpu.memory_space<hbm>>)
      tpu.yield
    }) : () -> ()
    return
  }
}

module attributes {stable_mosaic.version = 14 : i64} {
  func.func @body(%arg0: i32, %arg1: i32, %arg2: memref<1000x256xf32, #tpu.memory_space<vmem>>, %arg3: memref<256x128xf32, #tpu.memory_space<vmem>>, %arg4: memref<1000x128xf32, #tpu.memory_space<vmem>>) attributes {dimension_semantics = [#tpu.dimension_semantics<arbitrary>, #tpu.dimension_semantics<arbitrary>], iteration_bounds = array<i64: 2, 10>, scalar_prefetch = 0 : i64, scratch_operands = 0 : i64, tpu.core_type = #tpu.core_type<tc>, window_params = [{transform_indices = @transform_0, window_bounds = array<i64: 1000, 256>}, {transform_indices = @transform_1, window_bounds = array<i64: 256, 128>}, {transform_indices = @transform_2, window_bounds = array<i64: 1000, 128>}]} {
    %get3A = arith.constant 0 : index
    %get3A_0 = arith.constant 0 : index
    %get3A_1 = vector.load %arg2[%get3A, %get3A_0] : memref<1000x256xf32, #tpu.memory_space<vmem>>, vector<1000x256xf32>
    %get3A_2 = arith.constant 0 : index
    %get3A_3 = arith.constant 0 : index
    %get3A_4 = vector.load %arg3[%get3A_2, %get3A_3] : memref<256x128xf32, #tpu.memory_space<vmem>>, vector<256x128xf32>
    %dot_general3A = arith.constant dense<0.000000e+00> : vector<1000x128xf32>
    %dot_general3A_5 = tpu.matmul %get3A_1, %get3A_4, %dot_general3A {dimension_numbers = #tpu.dot_dimension_numbers<[1], [0], [0], [1], [0, 0, 1, 1], [], []>, transpose_lhs_hint = false} : vector<1000x256xf32>, vector<256x128xf32>, vector<1000x128xf32> -> vector<1000x128xf32>
    %swap3A = arith.constant 0 : index
    %swap3A_6 = arith.constant 0 : index
    %swap3A_7 = vector.load %arg4[%swap3A, %swap3A_6] : memref<1000x128xf32, #tpu.memory_space<vmem>>, vector<1000x128xf32>
    tpu.vector_store %arg4[%swap3A, %swap3A_6], %dot_general3A_5 {strides = array<i32>} : memref<1000x128xf32, #tpu.memory_space<vmem>>, vector<1000x128xf32>,
    return
  }
  func.func @transform_0(%arg0: i32, %arg1: i32) -> (i32, i32) {
    %c0_i32 = arith.constant 0 : i32
    %c0_i32_0 = arith.constant 0 : i32
    return %arg1, %c0_i32 : i32, i32
  }
  func.func @transform_1(%arg0: i32, %arg1: i32) -> (i32, i32) {
    %c0_i32 = arith.constant 0 : i32
    %c0_i32_0 = arith.constant 0 : i32
    return %c0_i32, %arg0 : i32, i32
  }
  func.func @transform_2(%arg0: i32, %arg1: i32) -> (i32, i32) {
    %mul3A = arith.constant 10 : i32
    %mul3A_0 = arith.muli %arg0, %mul3A : i32
    %add3A = arith.addi %mul3A_0, %arg1 : i32
    %c0_i32 = arith.constant 0 : i32
    %c0_i32_1 = arith.constant 0 : i32
    return %add3A, %c0_i32 : i32, i32
  }
}

module attributes {stable_mosaic.version = 14 : i64} {
  func.func @body(%arg0: memref<2x10240x128xf32, #tpu.memory_space<vmem>>, %arg1: memref<1x128xf32, #tpu.memory_space<vmem>>, %arg2: memref<1x128xf32, #tpu.memory_space<vmem>>, %arg3: memref<1x128xf32, #tpu.memory_space<vmem>>, %arg4: memref<10000x128xf32, #tpu.memory_space<vmem>>) attributes {dimension_semantics = [], scalar_prefetch = 0 : i64, scratch_operands = 0 : i64, tpu.core_type = #tpu.core_type<tc>} {
    %get3A = arith.constant 0 : index
    %get3A_0 = arith.constant 0 : index
    %get3A_1 = arith.constant 0 : index
    %get3A_2 = vector.load %arg0[%get3A, %get3A_0, %get3A_1] : memref<2x10240x128xf32, #tpu.memory_space<vmem>>, vector<1x10000x128xf32>
    %get3A_3 = vector.shape_cast %get3A_2 : vector<1x10000x128xf32> to vector<10000x128xf32>
    %get3A_4 = arith.constant 1 : index
    %get3A_5 = arith.constant 0 : index
    %get3A_6 = arith.constant 0 : index
    %get3A_7 = vector.load %arg0[%get3A_4, %get3A_5, %get3A_6] : memref<2x10240x128xf32, #tpu.memory_space<vmem>>, vector<1x10000x128xf32>
    %get3A_8 = vector.shape_cast %get3A_7 : vector<1x10000x128xf32> to vector<10000x128xf32>
    %add3A = arith.addf %get3A_3, %get3A_8 : vector<10000x128xf32>
    %get3A_9 = arith.constant 0 : index
    %get3A_10 = arith.constant 0 : index
    %get3A_11 = vector.load %arg1[%get3A_9, %get3A_10] : memref<1x128xf32, #tpu.memory_space<vmem>>, vector<1x128xf32>
    %add3A_12 = vector.broadcast %get3A_11 : vector<1x128xf32> to vector<10000x128xf32>
    %add3A_13 = arith.addf %add3A, %add3A_12 : vector<10000x128xf32>
    %reduce_sum3A = arith.constant dense<0.000000e+00> : vector<128xf32>
    %reduce_sum3A_14 = vector.multi_reduction <add>, %add3A_13, %reduce_sum3A [0] : vector<10000x128xf32> to vector<128xf32>
    %broadcast_in_dim3A = vector.shape_cast %reduce_sum3A_14 : vector<128xf32> to vector<1x128xf32>
    %div3A = arith.constant 1.000000e+04 : f32
    %div3A_15 = vector.broadcast %div3A : f32 to vector<1x128xf32>
    %div3A_16 = arith.divf %broadcast_in_dim3A, %div3A_15 : vector<1x128xf32>
    %sub3A = vector.broadcast %div3A_16 : vector<1x128xf32> to vector<10000x128xf32>
    %sub3A_17 = arith.subf %add3A_13, %sub3A : vector<10000x128xf32>
    %mul3A = arith.mulf %sub3A_17, %sub3A_17 : vector<10000x128xf32>
    %reduce_sum3A_18 = arith.constant dense<0.000000e+00> : vector<128xf32>
    %reduce_sum3A_19 = vector.multi_reduction <add>, %mul3A, %reduce_sum3A_18 [0] : vector<10000x128xf32> to vector<128xf32>
    %broadcast_in_dim3A_20 = vector.shape_cast %reduce_sum3A_19 : vector<128xf32> to vector<1x128xf32>
    %div3A_21 = arith.constant 1.000000e+04 : f32
    %div3A_22 = vector.broadcast %div3A_21 : f32 to vector<1x128xf32>
    %div3A_23 = arith.divf %broadcast_in_dim3A_20, %div3A_22 : vector<1x128xf32>
    %add3A_24 = arith.constant 9.99999974E-6 : f32
    %add3A_25 = vector.broadcast %add3A_24 : f32 to vector<1x128xf32>
    %add3A_26 = arith.addf %div3A_23, %add3A_25 : vector<1x128xf32>
    %rsqrt3A = math.rsqrt %add3A_26 : vector<1x128xf32>
    %mul3A_27 = vector.broadcast %rsqrt3A : vector<1x128xf32> to vector<10000x128xf32>
    %mul3A_28 = arith.mulf %sub3A_17, %mul3A_27 : vector<10000x128xf32>
    %get3A_29 = arith.constant 0 : index
    %get3A_30 = arith.constant 0 : index
    %get3A_31 = vector.load %arg2[%get3A_29, %get3A_30] : memref<1x128xf32, #tpu.memory_space<vmem>>, vector<1x128xf32>
    %mul3A_32 = vector.broadcast %get3A_31 : vector<1x128xf32> to vector<10000x128xf32>
    %mul3A_33 = arith.mulf %mul3A_28, %mul3A_32 : vector<10000x128xf32>
    %get3A_34 = arith.constant 0 : index
    %get3A_35 = arith.constant 0 : index
    %get3A_36 = vector.load %arg3[%get3A_34, %get3A_35] : memref<1x128xf32, #tpu.memory_space<vmem>>, vector<1x128xf32>
    %add3A_37 = vector.broadcast %get3A_36 : vector<1x128xf32> to vector<10000x128xf32>
    %add3A_38 = arith.addf %mul3A_33, %add3A_37 : vector<10000x128xf32>
    %swap3A = arith.constant 0 : index
    %swap3A_39 = arith.constant 0 : index
    %swap3A_40 = vector.load %arg4[%swap3A, %swap3A_39] : memref<10000x128xf32, #tpu.memory_space<vmem>>, vector<10000x128xf32>
    tpu.vector_store %arg4[%swap3A, %swap3A_39], %add3A_38 {strides = array<i32>} : memref<10000x128xf32, #tpu.memory_space<vmem>>, vector<10000x128xf32>,
    return
  }
}

module attributes {stable_mosaic.version = 14 : i64} {
  func.func @body(%arg0: memref<2x10240x128xf32, #tpu.memory_space<vmem>>, %arg1: memref<1x256xf32, #tpu.memory_space<vmem>>, %arg2: memref<1x256xf32, #tpu.memory_space<vmem>>, %arg3: memref<1x256xf32, #tpu.memory_space<vmem>>, %arg4: memref<256x128xf32, #tpu.memory_space<vmem>>, %arg5: memref<10000x128xf32, #tpu.memory_space<vmem>>) attributes {dimension_semantics = [], scalar_prefetch = 0 : i64, scratch_operands = 0 : i64, tpu.core_type = #tpu.core_type<tc>} {
    %get3A = arith.constant 0 : index
    %get3A_0 = arith.constant 0 : index
    %get3A_1 = arith.constant 0 : index
    %get3A_2 = vector.load %arg0[%get3A, %get3A_0, %get3A_1] : memref<2x10240x128xf32, #tpu.memory_space<vmem>>, vector<1x10000x128xf32>
    %get3A_3 = vector.shape_cast %get3A_2 : vector<1x10000x128xf32> to vector<10000x128xf32>
    %get3A_4 = arith.constant 1 : index
    %get3A_5 = arith.constant 0 : index
    %get3A_6 = arith.constant 0 : index
    %get3A_7 = vector.load %arg0[%get3A_4, %get3A_5, %get3A_6] : memref<2x10240x128xf32, #tpu.memory_space<vmem>>, vector<1x10000x128xf32>
    %get3A_8 = vector.shape_cast %get3A_7 : vector<1x10000x128xf32> to vector<10000x128xf32>
    %concatenate3A = tpu.concatenate %get3A_3, %get3A_8 in 1 : vector<10000x128xf32>, vector<10000x128xf32> -> vector<10000x256xf32>
    %get3A_9 = arith.constant 0 : index
    %get3A_10 = arith.constant 0 : index
    %get3A_11 = vector.load %arg1[%get3A_9, %get3A_10] : memref<1x256xf32, #tpu.memory_space<vmem>>, vector<1x256xf32>
    %add3A = vector.broadcast %get3A_11 : vector<1x256xf32> to vector<10000x256xf32>
    %add3A_12 = arith.addf %concatenate3A, %add3A : vector<10000x256xf32>
    %reduce_sum3A = arith.constant dense<0.000000e+00> : vector<256xf32>
    %reduce_sum3A_13 = vector.multi_reduction <add>, %add3A_12, %reduce_sum3A [0] : vector<10000x256xf32> to vector<256xf32>
    %broadcast_in_dim3A = vector.shape_cast %reduce_sum3A_13 : vector<256xf32> to vector<1x256xf32>
    %div3A = arith.constant 1.000000e+04 : f32
    %div3A_14 = vector.broadcast %div3A : f32 to vector<1x256xf32>
    %div3A_15 = arith.divf %broadcast_in_dim3A, %div3A_14 : vector<1x256xf32>
    %sub3A = vector.broadcast %div3A_15 : vector<1x256xf32> to vector<10000x256xf32>
    %sub3A_16 = arith.subf %add3A_12, %sub3A : vector<10000x256xf32>
    %mul3A = arith.mulf %sub3A_16, %sub3A_16 : vector<10000x256xf32>
    %reduce_sum3A_17 = arith.constant dense<0.000000e+00> : vector<256xf32>
    %reduce_sum3A_18 = vector.multi_reduction <add>, %mul3A, %reduce_sum3A_17 [0] : vector<10000x256xf32> to vector<256xf32>
    %broadcast_in_dim3A_19 = vector.shape_cast %reduce_sum3A_18 : vector<256xf32> to vector<1x256xf32>
    %div3A_20 = arith.constant 1.000000e+04 : f32
    %div3A_21 = vector.broadcast %div3A_20 : f32 to vector<1x256xf32>
    %div3A_22 = arith.divf %broadcast_in_dim3A_19, %div3A_21 : vector<1x256xf32>
    %add3A_23 = arith.constant 9.99999974E-6 : f32
    %add3A_24 = vector.broadcast %add3A_23 : f32 to vector<1x256xf32>
    %add3A_25 = arith.addf %div3A_22, %add3A_24 : vector<1x256xf32>
    %rsqrt3A = math.rsqrt %add3A_25 : vector<1x256xf32>
    %mul3A_26 = vector.broadcast %rsqrt3A : vector<1x256xf32> to vector<10000x256xf32>
    %mul3A_27 = arith.mulf %sub3A_16, %mul3A_26 : vector<10000x256xf32>
    %get3A_28 = arith.constant 0 : index
    %get3A_29 = arith.constant 0 : index
    %get3A_30 = vector.load %arg2[%get3A_28, %get3A_29] : memref<1x256xf32, #tpu.memory_space<vmem>>, vector<1x256xf32>
    %mul3A_31 = vector.broadcast %get3A_30 : vector<1x256xf32> to vector<10000x256xf32>
    %mul3A_32 = arith.mulf %mul3A_27, %mul3A_31 : vector<10000x256xf32>
    %get3A_33 = arith.constant 0 : index
    %get3A_34 = arith.constant 0 : index
    %get3A_35 = vector.load %arg3[%get3A_33, %get3A_34] : memref<1x256xf32, #tpu.memory_space<vmem>>, vector<1x256xf32>
    %add3A_36 = vector.broadcast %get3A_35 : vector<1x256xf32> to vector<10000x256xf32>
    %add3A_37 = arith.addf %mul3A_32, %add3A_36 : vector<10000x256xf32>
    %get3A_38 = arith.constant 0 : index
    %get3A_39 = arith.constant 0 : index
    %get3A_40 = vector.load %arg4[%get3A_38, %get3A_39] : memref<256x128xf32, #tpu.memory_space<vmem>>, vector<256x128xf32>
    %dot_general3A = arith.constant dense<0.000000e+00> : vector<10000x128xf32>
    %dot_general3A_41 = tpu.matmul %add3A_37, %get3A_40, %dot_general3A {dimension_numbers = #tpu.dot_dimension_numbers<[1], [0], [0], [1], [0, 0, 1, 1], [], []>, transpose_lhs_hint = false} : vector<10000x256xf32>, vector<256x128xf32>, vector<10000x128xf32> -> vector<10000x128xf32>
    %swap3A = arith.constant 0 : index
    %swap3A_42 = arith.constant 0 : index
    %swap3A_43 = vector.load %arg5[%swap3A, %swap3A_42] : memref<10000x128xf32, #tpu.memory_space<vmem>>, vector<10000x128xf32>
    tpu.vector_store %arg5[%swap3A, %swap3A_42], %dot_general3A_41 {strides = array<i32>} : memref<10000x128xf32, #tpu.memory_space<vmem>>, vector<10000x128xf32>,
    return
  }
}

</mosaic_0001>

<sc_bundles>
// kernel: kernel.10.cloned.1.call-start
scs
__scs_entry_jumppad:
0x0: {  	(pc) =	sbr.rel $0x88, $3  }
0x1: {  	(tag) =	ssettag $0x0;
	lr =	simm.s32 $0x1  }
0x2: {  	[smem:$0x3F97] =	sst lr;
	_ =	strace $0xD0000000  }
0x3: {  	_ = 	snop  }
0x4: {  	_ = 	snop  }
0x5: {  	_ = 	snop  }
0x6: {  	_ = 	snop  }
0x7: {  	_ = 	snop  }
__scs_overlays_trampoline_lowered:
0x8: {  	[smem:$0x3FA6] =	sst s0  }
0x9: {  	[smem:$0x3FA7] =	sst s1  }
0xa: {  	[smem:$0x3FA8] =	sst s2  }
0xb: {  	[smem:$0x3FA9] =	sst s3  }
0xc: {  	[smem:$0x3FAA] =	sst s4  }
0xd: {  	[smem:$0x3FAB] =	sst s5  }
0xe: {  	[smem:$0x3FAC] =	sst s6  }
0xf: {  	[smem:$0x3FAD] =	sst s7  }
0x10: {  	[smem:$0x3FAE] =	sst s8  }
0x11: {  	[smem:$0x3FAF] =	sst s9;
	s0 =	simm.s32 @!p0 $0x0  }
0x12: {  	s1 =	sld [smem:$0x3F95];
	s0 =	simm.s32 @p0 $0x1  }
0x13: {  	[smem:$0x3FB0] =	sst s0;
	s0 =	simm.s32 @!p1 $0x0  }
0x14: {  	s2 =	sld [smem:$0x3F94];
	s0 =	simm.s32 @p1 $0x1  }
0x15: {  	[smem:$0x3FB1] =	sst s0;
	s0 =	simm.s32 @!p2 $0x0  }
0x16: {  	s3 =	sld [smem:$0x3FDB];
	s0 =	simm.s32 @p2 $0x1  }
0x17: {  	s4 =	simm.s32 $0x1BF5;
	[smem:$0x3FB3] =	sst s0  }
0x18: {  	s0 =	sld [smem:$0x3F96];
	_ =	swait.ge [sflag:s4], $0x0  }
0x19: {  	s7 =	sld [smem:$0x3F97]  }
0x1a: {  	s8 =	sadd.s32 $0xFFFFE003, lr  }
0x1b: {  	s9 =	sadd.s32 $0xFFFFFEF7, lr;
	s5 =	simm.s32 $0xFFFFFFFF;
	p2 =	slt.u32 s8, $0xFFFFF086  }
0x1c: {  	p1 =	slt.u32 s9, $0xF7A;
	s5 =	simm.s32 @!p2 $0x0  }
0x1d: {  	s5 =	simm.s32 @p1 $0x1;
	p0 =	seq.s32 s7, s2  }
0x1e: {  	s7 =	smul.u32 @!p0 $0xF7A, s2;
	p2 =	seq.s32 @!p0 s5, $0x0  }
0x1f: {  	s9 =	smul.u32 $0xF7A, s1;
	s8 =	simm.s32 @!p0 $0x1BF5;
	p2 =	por !p2, p0  }
0x20: {  	[sflag:s8] =	ssyncset.s32 @!p0 $0xFFFFF086;
	s6 =	sadd.s32 @!p0 s3, s7;
	s7 =	simm.s32 @!p0 $0x108  }
0x21: {  	s3 =	sadd.s32 s3, s9;
	s6 =	sadd.s32 @!p0 $0x88, s6;
	s7 =	simm.s32 @p2 $0x1082  }
0x22: {  	[simem:s7], [sflag:s8] =	dma.local @!p0 [hbm:s6], $0xF7A  }
0x23: {  	s9 =	sor.u32 $0xD0000000, s2;
	s6 =	simm.s32 $0x108;
	_ =	swait.ge @!p0 [sflag:s8], $0x0  }
0x24: {  	s3 =	sadd.s32 $0x88, s3;
	s6 =	simm.s32 @!p1 $0x1082;
	[sflag:s4] =	ssyncset.s32 $0xFFFFF086  }
0x25: {  	[simem:s6], [sflag:s4] =	dma.local [hbm:s3], $0xF7A  }
0x26: {  	[smem:$0x3F97] =	sst s1;
	(tag) =	ssettag s2;
	_ =	strace s9  }
0x27: {  	s1 =	sld [smem:$0x3FA7]  }
0x28: {  	s2 =	sld [smem:$0x3FA8]  }
0x29: {  	s4 =	sld [smem:$0x3FAA]  }
0x2a: {  	p0 =	seq.s32 s5, $0x0;
	s5 =	sld [smem:$0x3FAB]  }
0x2b: {  	s6 =	sld [smem:$0x3FAC]  }
0x2c: {  	s7 =	sld [smem:$0x3FAD]  }
0x2d: {  	s3 =	simm.s32 $0x108;
	s8 =	sld [smem:$0x3FAE]  }
0x2e: {  	s3 =	simm.s32 @!p0 $0x1082;
	s9 =	sld [smem:$0x3FAF]  }
0x2f: {  	lr =	sadd.s32 s0, s3;
	s0 =	sld [smem:$0x3FA6]  }
0x30: {  	s3 =	sld [smem:$0x3FA9]  }
0x31: {  	[smem:$0x3FB2] =	sst s10  }
0x32: {  	s10 =	sld [smem:$0x3FB0];
	_ =	sdelay $0x3  }
0x33: {  	p0 =	seq.s32 s10, $0x1;
	s10 =	sld [smem:$0x3FB2];
	_ =	sdelay $0x3  }
0x34: {  	[smem:$0x3FB2] =	sst s10  }
0x35: {  	s10 =	sld [smem:$0x3FB1];
	_ =	sdelay $0x3  }
0x36: {  	p1 =	seq.s32 s10, $0x1;
	s10 =	sld [smem:$0x3FB2];
	_ =	sdelay $0x3  }
0x37: {  	[smem:$0x3FB2] =	sst s10  }
0x38: {  	s10 =	sld [smem:$0x3FB3]  }
0x39: {  	_ = 	snop;
	(pc) =	sbr.ind lr, $3  }
0x3a: {  	_ = 	snop  }
0x3b: {  	_ = 	snop  }
0x3c: {  	p2 =	seq.s32 s10, $0x1;
	s10 =	sld [smem:$0x3FB2]  }
0x3d: {  	_ =	shalt  }
0x3e: {  	_ =	shalt  }
0x3f: {  	_ =	shalt  }
0x40: {  	_ =	shalt  }
0x41: {  	_ =	shalt  }
0x42: {  	_ =	shalt  }
0x43: {  	_ =	shalt  }
0x44: {  	_ =	shalt  }
0x45: {  	_ =	shalt  }
0x46: {  	_ =	shalt  }
0x47: {  	_ =	shalt  }
0x48: {  	_ =	shalt  }
0x49: {  	_ =	shalt  }
0x4a: {  	_ =	shalt  }
0x4b: {  	_ =	shalt  }
0x4c: {  	_ =	shalt  }
0x4d: {  	_ =	shalt  }
0x4e: {  	_ =	shalt  }
0x4f: {  	_ =	shalt  }
0x50: {  	_ =	shalt  }
0x51: {  	_ =	shalt  }
0x52: {  	_ =	shalt  }
0x53: {  	_ =	shalt  }
0x54: {  	_ =	shalt  }
0x55: {  	_ =	shalt  }
0x56: {  	_ =	shalt  }
0x57: {  	_ =	shalt  }
0x58: {  	_ =	shalt  }
0x59: {  	_ =	shalt  }
0x5a: {  	_ =	shalt  }
0x5b: {  	_ =	shalt  }
0x5c: {  	_ =	shalt  }
0x5d: {  	_ =	shalt  }
0x5e: {  	_ =	shalt  }
0x5f: {  	_ =	shalt  }
0x60: {  	_ =	shalt  }
0x61: {  	_ =	shalt  }
0x62: {  	_ =	shalt  }
0x63: {  	_ =	shalt  }
0x64: {  	_ =	shalt  }
0x65: {  	_ =	shalt  }
0x66: {  	_ =	shalt  }
0x67: {  	_ =	shalt  }
0x68: {  	_ =	shalt  }
0x69: {  	_ =	shalt  }
0x6a: {  	_ =	shalt  }
0x6b: {  	_ =	shalt  }
0x6c: {  	_ =	shalt  }
0x6d: {  	_ =	shalt  }
0x6e: {  	_ =	shalt  }
0x6f: {  	_ =	shalt  }
0x70: {  	_ =	shalt  }
0x71: {  	_ =	shalt  }
0x72: {  	_ =	shalt  }
0x73: {  	_ =	shalt  }
0x74: {  	_ =	shalt  }
0x75: {  	_ =	shalt  }
0x76: {  	_ =	shalt  }
0x77: {  	_ =	shalt  }
0x78: {  	_ =	shalt  }
0x79: {  	_ =	shalt  }
0x7a: {  	_ =	shalt  }
0x7b: {  	_ =	shalt  }
0x7c: {  	_ =	shalt  }
0x7d: {  	_ =	shalt  }
0x7e: {  	_ =	shalt  }
0x7f: {  	_ =	shalt  }
0x80: {  	_ =	shalt  }
0x81: {  	_ =	shalt  }
0x82: {  	_ =	shalt  }
0x83: {  	_ =	shalt  }
0x84: {  	_ =	shalt  }
0x85: {  	_ =	shalt  }
0x86: {  	_ =	shalt  }
0x87: {  	_ =	shalt  }
.Lfunc_end0:
.L_simem_size_0:
called_computation.1_lowered:
.L_overlay_start_0:
0x88: {  	s2 =	sld [smem:$0x3FD9]  }
0x89: {  	s3 =	sld [smem:$0x3FFE];
	_ =	sdelay $0x1  }
0x8a: {  	s1 =	srdreg.scid  }
0x8b: {  	s0 =	sand.u32 $0x1, s1  }
0x8c: {  	s17 =	sshll.u32 s0, $0xA;
	s2 =	sadd.s32 s3, s2  }
0x8d: {  	s2 =	sadd.s32 s2, s17  }
0x8e: {  	[smem:$0x3FBE] =	sst s2  }
0x8f: {  	_ = 	snop  }
0x90: {  	s2 =	sld [smem:$0x3FD0];
	(tm) =	ssettm $0x1  }
0x91: {  	s18 =	sld [smem:$0x3FFB];
	_ =	sdelay $0x3  }
0x92: {  	_ =	strace s18  }
0x93: {  	s3 =	sld [smem:$0x3FFC];
	_ =	sdelay $0x3  }
0x94: {  	_ =	strace s3  }
0x95: {  	s3 =	sld [smem:$0x3FFD];
	_ =	sdelay $0x3  }
0x96: {  	_ =	strace s3  }
0x97: {  	_ =	strace $0x8FFFFFFF  }
0x98: {  	s19 =	sld [smem:$0x3FDB];
	_ =	sdelay $0x1  }
0x99: {  	s4 =	simm.s32 $_scs_section_size  }
0x9a: {  	s5 =	simm.s32 $_size__tile_overlayer_lowered;
	s6 =	simm.s32 $_tile_overlayer_lowered  }
0x9b: {  	s22 =	simm.s32 $0x1BFF;
	s21 =	sshll.u32 s6, $0x1;
	s3 =	sadd.s32 s4, s19  }
0x9c: {  	s7 =	simm.s32 $0x0;
	s20 =	sshll.u32 s5, $0x1;
	s5 =	sadd.s32 s21, s3  }
0x9d: {  	[timem:s7], [sflag:s22] =	dma.local [hbm:s5], s20  }
0x9e: {  	_ =	swait.ge [sflag:s22], s20  }
0x9f: {  	s4 =	ssub.s32 $0x0, s20;
	[sflag:s22] =	ssyncset.done $0x0  }
0xa0: {  	[sflag:s22] =	ssyncadd.s32 s4;
	_ =	sdelay $0x1  }
0xa1: {  	s23 =	simm.s32 $0x1B8B  }
0xa2: {  	_ =	swait.ge [sflag:s23], $0x1  }
0xa3: {  	[sflag:s23] =	ssyncset.done $0x0  }
0xa4: {  	s25 =	simm.s32 $0x1B8E;
	s24 =	sld [smem:$0x3FFE];
	[sflag:s23] =	ssyncadd.s32 $0xFFFFFFFF  }
0xa5: {  	s26 =	simm.s32 $execute0_lowered;
	[smem:$0x3FD2] =	sst s25  }
0xa6: {  	s5 =	sshll.u32 s26, $0x1;
	_ =	strace $0x80000049;
	[dreg:$0x1] =	wrdreg $0xFFFFFFFF  }
0xa7: {  	s28 =	simm.s32 $_size_execute0_lowered;
	s3 =	sadd.s32 s3, s5;
	[dreg:$0x0] =	wrdreg $0x0  }
0xa8: {  	s5 =	sshll.u32 s28, $0x1;
	[dreg:$0x2] =	wrdreg s3  }
0xa9: {  	[dreg:$0x3] =	wrdreg s5  }
0xaa: {  	[dreg:$0x4] =	wrdreg $0xC0  }
0xab: {  	_ =	task [dreg:s7], $0x5FFFF  }
0xac: {  	[dreg:$0x1] =	wrdreg $0xFFFFFFFF  }
0xad: {  	[dreg:$0x0] =	wrdreg $0x60  }
0xae: {  	[dreg:$0x2] =	wrdreg s2  }
0xaf: {  	[dreg:$0x3] =	wrdreg s24  }
0xb0: {  	[dreg:$0x4] =	wrdreg $0x88000  }
0xb1: {  	[dreg:$0x5] =	wrdreg $0x9  }
0xb2: {  	_ =	task.clear_ibuf [dreg:s7], $0x6FFFF;
	_ =	strace $0x90000049  }
0xb3: {  	s29 =	simm.s32 $0x9;
	_ =	strace $0x8000004B  }
0xb4: {  	_ =	swait.ge [sflag:s29], $0x1  }
0xb5: {  	[sflag:s29] =	ssyncadd.s32 $0xFFFFFFFF  }
0xb6: {  	_ =	strace $0x9000004B  }
0xb7: {  	_ =	sfence  }
0xb8: {  	s30 =	sld [smem:$0x0];
	_ =	sdelay $0x2  }
0xb9: {  	s31 =	sshll.u32 s1, $0xD;
	s1 =	sshrl.u32 s1, $0x2  }
0xba: {  	s3 =	sand.u32 $0x4000, s31;
	s1 =	sadd.s32 s1, s30  }
0xbb: {  	s0 =	sor.u32 s3, s0;
	s1 =	sshll.u32 s1, $0x11  }
0xbc: {  	s0 =	sor.u32 s1, s0  }
0xbd: {  	s0 =	sadd.s32 $0x8F2B, s0  }
0xbe: {  	[sflag:s0] =	ssyncadd.remote.s32 $0x1  }
0xbf: {  	_ =	sfence.sel $0xFFFF  }
0xc0: {  	[dreg:$0x0] =	wrdreg $0xFFFFFFFF;
	(pc) =	sbr.abs _section_cstart, $3  }
0xc1: {  	[dreg:$0x1] =	wrdreg $0xFFFFFFFF  }
0xc2: {  	_ =	task.clear_ibuf [dreg:s7], $0x2FFFF;
	_ =	strace $0x9FFFFFFF  }
0xc3: {  	(tm) =	ssettm $0x7FFFFFFF  }
tec
execute0_lowered:
.L_overlay_start_1:
0x0: {  	(tag) =	ssettag $0x1  }
0x1: {  	s1 =	rddreg [dreg:$0x0]  }
0x2: {  	s7 =	rddreg [dreg:$0x1]  }
0x3: {  	s2 =	rddreg [dreg:$0x2];
	s4 =	simm.s32 $0x0;
	s3 =	srdreg.scid  }
0x4: {  	s0 =	stileid.u32;
	s11 =	simm.s32 $0x48;
	s17 =	simm.s32 $0x480  }
0x5: {  	s29 =	simm.s32 $0x100;
	s30 =	simm.s32 $0x500;
	s31 =	simm.s32 $0x180  }
0x6: {  	s18 =	simm.s32 $0x580;
	s19 =	simm.s32 $0x600;
	[smem:$0x7FF] =	sst s4  }
0x7: {  	s20 =	simm.s32 $0x280;
	_ =	strace $0x8000004A;
	[dreg:$0x9] =	wrdreg s17  }
0x8: {  	s21 =	simm.s32 $0x680;
	s8 =	sand.u32 $0x1, s3;
	[dreg:$0xa] =	wrdreg s29  }
0x9: {  	s10 =	smul.u32 $0x14000, s0;
	s5 =	sadd.s32 $0xAA200, s7;
	[dreg:$0xb] =	wrdreg s30  }
0xa: {  	s6 =	sadd.s32 $0xB3200, s7;
	s24 =	smul.u32 $0x50000, s0;
	[dreg:$0xc] =	wrdreg s31  }
0xb: {  	s9 =	smul.u32 $0x140000, s8;
	p0 =	seq.s32 s8, $0x0;
	[dreg:$0xd] =	wrdreg s18  }
0xc: {  	s22 =	ssub.s32 $0x2, s8;
	s8 =	smul.u32 $0x24000, s8;
	[dreg:$0xe] =	wrdreg s19  }
0xd: {  	s17 =	simm.s32 $0x800;
	s18 =	simm.s32 $0x6;
	[dreg:$0xf] =	wrdreg s20  }
0xe: {  	s19 =	simm.s32 $0x400;
	s20 =	simm.s32 $0x80;
	[dreg:$0x10] =	wrdreg s21  }
0xf: {  	s21 =	simm.s32 $0x1;
	s11 =	simm.s32 @!p0 $0x8;
	s23 =	sshrl.u32 s22, $0x1  }
0x10: {  	s9 =	sadd.s32 s10, s9;
	s12 =	smul.u32 s0, s11;
	s15 =	ssub.s32 s22, s23  }
0x11: {  	s25 =	sshrl.u32 s11, $0x2;
	s11 =	sshll.u32 s11, $0x4;
	s22 =	simm.s32 $0x300  }
0x12: {  	s23 =	simm.s32 $0x700;
	s9 =	sshrl.u32 s9, $0x3;
	[dreg:$0x6] =	wrdreg s11  }
0x13: {  	s26 =	sadd.s32 $0xFFFFFFFF, s25;
	s10 =	sadd.s32 $0xFFFFFFFE, s25;
	[dreg:$0x11] =	wrdreg s22  }
0x14: {  	s15 =	smax.u32 s15, $0x1;
	s22 =	simm.s32 $0x4800;
	[dreg:$0x12] =	wrdreg s23  }
0x15: {  	s23 =	simm.s32 $0x2;
	s25 =	simm.s32 $0x780;
	[dreg:$0x4] =	wrdreg s26  }
0x16: {  	s14 =	sadd.s32 s9, s7;
	s9 =	sshrl.u32 s24, $0x2;
	[dreg:$0x5] =	wrdreg s10  }
0x17: {  	s12 =	sshll.u32 s12, $0x7;
	s24 =	simm.s32 $0x380;
	[dreg:$0x14] =	wrdreg s25  }
0x18: {  	s25 =	simm.s32 $0x4;
	s7 =	sadd.s32 s9, s2;
	s16 =	sadd.s32 s8, s12  }
0x19: {  	s14 =	sadd.s32 $0x2000, s14;
	[dreg:$0x13] =	wrdreg s24;
	s12 =	sshrl.u32 s16, $0x3  }
0x1a: {  	s24 =	simm.s32 $0x3;
	s8 =	sadd.s32 $0x4000, s7;
	s9 =	sadd.s32 s5, s12  }
0x1b: {  	s11 =	sadd.s32 $0x8000, s7;
	s10 =	sadd.s32 s6, s12;
	s28 =	sadd.s32 $0x40, s9  }
0x1c: {  	s16 =	sadd.s32 $0x400, s16;
	s13 =	sadd.s32 $0x40, s10;
	[dreg:$0x7] =	wrdreg s28  }
0x1d: {  	v0 =	vimm.f32 $0.0e+00;
	s12 =	sadd.s32 $0xC000, s7;
	[dreg:$0x8] =	wrdreg s13;
	s13 =	sadd.s32 $0x10000, s7  }
.LBB2_1:
0x1e: {  	s26 =	simm.s32 $0x0;
	s28 =	simm.s32 $0x200  }
.LBB2_2:
0x1f: {  	p0 =	sne.s32 s28, $0xFE00;
	[tilespmem:s26+$0x870] =	vst v0  }
0x20: {  	[tilespmem:s26+$0x800] =	vst v0  }
0x21: {  	[tilespmem:s26+$0x810] =	vst v0  }
.Ltmp0:
0x22: {  	[tilespmem:s26+$0x820] =	vst v0;
	(pc) =	sbr.rel @p0 .LBB2_2-.Ltmp0, $4  }
0x23: {  	[tilespmem:s26+$0x830] =	vst v0  }
0x24: {  	[tilespmem:s26+$0x840] =	vst v0  }
0x25: {  	[tilespmem:s26+$0x850] =	vst v0  }
0x26: {  	[tilespmem:s26+$0x860] =	vst v0;
	s26 =	sshra.s32 s28, $0x2;
	s28 =	sadd.s32 $0x200, s28  }
0x27: {  	[tilespmem:s26+$0x870] =	vst v0  }
0x28: {  	[tilespmem:s26+$0x800] =	vst v0  }
0x29: {  	[tilespmem:s26+$0x810] =	vst v0  }
0x2a: {  	[tilespmem:s26+$0x820] =	vst v0  }
0x2b: {  	[tilespmem:s26+$0x830] =	vst v0  }
0x2c: {  	[tilespmem:s26+$0x840] =	vst v0  }
0x2d: {  	[tilespmem:s26+$0x850] =	vst v0  }
0x2e: {  	[tilespmem:s26+$0x860] =	vst v0  }
0x2f: {  	[spmem:s7] =	stream.linear.scatter [tilespmem:s17], [sflag:$0x6], $0x4000, $0x38;
	[tilespmem:$0x1C800] =	vst v63  }
0x30: {  	_ =	swait.ge [sflag:s18], $0x4000  }
0x31: {  	[sflag:s18] =	ssyncset.done $0x0  }
0x32: {  	[sflag:s18] =	ssyncadd.s32 $0xFFFFC000  }
0x33: {  	[spmem:s8] =	stream.linear.scatter [tilespmem:s17], [sflag:$0x6], $0x4000, $0x38;
	[tilespmem:$0x1C800] =	vst v63  }
0x34: {  	_ =	swait.ge [sflag:s18], $0x4000  }
0x35: {  	[sflag:s18] =	ssyncset.done $0x0  }
0x36: {  	[sflag:s18] =	ssyncadd.s32 $0xFFFFC000  }
0x37: {  	[spmem:s11] =	stream.linear.scatter [tilespmem:s17], [sflag:$0x6], $0x4000, $0x38;
	[tilespmem:$0x1C800] =	vst v63  }
0x38: {  	_ =	swait.ge [sflag:s18], $0x4000  }
0x39: {  	[sflag:s18] =	ssyncset.done $0x0  }
0x3a: {  	[sflag:s18] =	ssyncadd.s32 $0xFFFFC000  }
0x3b: {  	[spmem:s12] =	stream.linear.scatter [tilespmem:s17], [sflag:$0x6], $0x4000, $0x38;
	[tilespmem:$0x1C800] =	vst v63  }
0x3c: {  	_ =	swait.ge [sflag:s18], $0x4000  }
0x3d: {  	[sflag:s18] =	ssyncset.done $0x0  }
0x3e: {  	[sflag:s18] =	ssyncadd.s32 $0xFFFFC000  }
0x3f: {  	[spmem:s13] =	stream.linear.scatter [tilespmem:s17], [sflag:$0x6], $0x4000, $0x38;
	[tilespmem:$0x1C800] =	vst v63  }
0x40: {  	_ =	swait.ge [sflag:s18], $0x4000  }
0x41: {  	[sflag:s18] =	ssyncset.done $0x0  }
0x42: {  	s26 =	simm.s32 $0x0;
	[sflag:s18] =	ssyncadd.s32 $0xFFFFC000  }
0x43: {  	[tilespmem:s26], [sflag:$0x6] =	stream.linear.gather [hbm4b:s9+s26], $0x200, $0x38;
	[tilespmem:$0x1C800] =	vst v63  }
0x44: {  	_ =	swait.ge [sflag:s18], $0x200  }
0x45: {  	[sflag:s18] =	ssyncset.done $0x0  }
0x46: {  	[sflag:s18] =	ssyncadd.s32 $0xFFFFFE00  }
0x47: {  	[tilespmem:s19], [sflag:$0x6] =	stream.linear.gather [hbm4b:s10+s26], $0x200, $0x38;
	[tilespmem:$0x1C800] =	vst v63  }
0x48: {  	_ =	swait.ge [sflag:s18], $0x200  }
0x49: {  	[sflag:s18] =	ssyncset.done $0x0  }
0x4a: {  	[sflag:s18] =	ssyncadd.s32 $0xFFFFFE00  }
0x4b: {  	s28 =	smov.u32 s16;
	s29 =	simm.s32 $0x0;
	[bflag:$0x0] =	sbarrier.arrive $0xFFFF  }
0x4c: {  	[tilespmem:s17], [sflag:$0x1] =	stream.indirect.gather [hbm4b:s1+s20], $0x80, s26, s20, $0xb8;
	[tilespmem:$0x1C800] =	vst v63  }
.LBB2_4:
0x4d: {  	_ =	swait.ge [sflag:s21], $0x4000  }
0x4e: {  	p0 =	seq.s32 s29, $0x0;
	[sflag:s21] =	ssyncset.done $0x0  }
0x4f: {  	s30 =	simm.s32 @!p0 $0x4;
	[sflag:s21] =	ssyncadd.s32 $0xFFFFC000  }
0x50: {  	[spmem:s2] =	stream.indirect.scatter.add.f32 [tilespmem:s17], [sflag:$0x3], $0x80, s19, s20, $0xb8;
	[tilespmem:$0x1C800] =	vst v63  }
0x51: {  	_ =	swait.ge @!p0 [sflag:s30], $0x4000  }
0x52: {  	s31 =	rddreg [dreg:$0x4]  }
0x53: {  	s0 =	rddreg [dreg:$0x7];
	[sflag:s30] =	ssyncset.done @!p0 $0x0  }
0x54: {  	[sflag:s30] =	ssyncadd.s32 @!p0 $0xFFFFC000;
	p0 =	sge.u32 s26, s31;
	s30 =	rddreg [dreg:$0x8]  }
0x55: {  	s0 =	sadd.s32 @!p0 s29, s0;
	s31 =	simm.s32 @!p0 $0x0;
	s3 =	simm.s32 @!p0 $0x200  }
0x56: {  	[tilespmem:s3], [sflag:$0x5] =	stream.linear.gather @!p0 [hbm4b:s0+s31], $0x200, $0x38;
	[tilespmem:$0x1C800] =	vst v63  }
0x57: {  	s0 =	sadd.s32 @!p0 s29, s30;
	s30 =	simm.s32 @!p0 $0x600  }
0x58: {  	[tilespmem:s30], [sflag:$0x5] =	stream.linear.gather @!p0 [hbm4b:s0+s31], $0x200, $0x38;
	[tilespmem:$0x1C800] =	vst v63  }
0x59: {  	_ = 	snop  }
0x5a: {  	[tilespmem:s22], [sflag:$0x2] =	stream.indirect.gather [hbm4b:s1+s20], $0x80, s20, s20, $0xb8;
	[tilespmem:$0x1C800] =	vst v63  }
0x5b: {  	_ =	swait.ge [sflag:s23], $0x4000  }
0x5c: {  	[sflag:s23] =	ssyncset.done $0x0  }
0x5d: {  	s31 =	rddreg [dreg:$0x9];
	[sflag:s23] =	ssyncadd.s32 $0xFFFFC000  }
0x5e: {  	[spmem:s2] =	stream.indirect.scatter.add.f32 [tilespmem:s22], [sflag:$0x4], $0x80, s31, s20, $0xb8;
	[tilespmem:$0x1C800] =	vst v63  }
0x5f: {  	_ =	swait.ge [sflag:s24], $0x4000  }
0x60: {  	[sflag:s24] =	ssyncset.done $0x0  }
0x61: {  	s30 =	rddreg [dreg:$0xa];
	[sflag:s24] =	ssyncadd.s32 $0xFFFFC000  }
0x62: {  	[tilespmem:s17], [sflag:$0x1] =	stream.indirect.gather [hbm4b:s1+s20], $0x80, s30, s20, $0xb8;
	[tilespmem:$0x1C800] =	vst v63  }
0x63: {  	_ =	swait.ge [sflag:s21], $0x4000  }
0x64: {  	[sflag:s21] =	ssyncset.done $0x0  }
0x65: {  	s31 =	rddreg [dreg:$0xb];
	[sflag:s21] =	ssyncadd.s32 $0xFFFFC000  }
0x66: {  	[spmem:s2] =	stream.indirect.scatter.add.f32 [tilespmem:s17], [sflag:$0x3], $0x80, s31, s20, $0xb8;
	[tilespmem:$0x1C800] =	vst v63  }
0x67: {  	_ =	swait.ge [sflag:s25], $0x4000  }
0x68: {  	[sflag:s25] =	ssyncset.done $0x0  }
0x69: {  	s30 =	rddreg [dreg:$0xc];
	[sflag:s25] =	ssyncadd.s32 $0xFFFFC000  }
0x6a: {  	[tilespmem:s22], [sflag:$0x2] =	stream.indirect.gather [hbm4b:s1+s20], $0x80, s30, s20, $0xb8;
	[tilespmem:$0x1C800] =	vst v63  }
0x6b: {  	_ =	swait.ge [sflag:s23], $0x4000  }
0x6c: {  	[sflag:s23] =	ssyncset.done $0x0  }
0x6d: {  	s31 =	rddreg [dreg:$0xd];
	[sflag:s23] =	ssyncadd.s32 $0xFFFFC000  }
0x6e: {  	[spmem:s2] =	stream.indirect.scatter.add.f32 [tilespmem:s22], [sflag:$0x4], $0x80, s31, s20, $0xb8;
	[tilespmem:$0x1C800] =	vst v63  }
0x6f: {  	_ =	swait.ge [sflag:s24], $0x4000  }
0x70: {  	[sflag:s24] =	ssyncset.done $0x0  }
0x71: {  	s0 =	simm.s32 @!p0 $0x5;
	[sflag:s24] =	ssyncadd.s32 $0xFFFFC000  }
0x72: {  	_ =	swait.ge @!p0 [sflag:s0], $0x200  }
0x73: {  	[sflag:s0] =	ssyncset.done @!p0 $0x0  }
0x74: {  	[sflag:s0] =	ssyncadd.s32 @!p0 $0xFFFFFE00  }
0x75: {  	_ =	swait.ge @!p0 [sflag:s0], $0x200  }
0x76: {  	[sflag:s0] =	ssyncset.done @!p0 $0x0  }
0x77: {  	s30 =	simm.s32 @!p0 $0x800;
	[sflag:s0] =	ssyncadd.s32 @!p0 $0xFFFFFE00;
	s0 =	simm.s32 @!p0 $0x80  }
0x78: {  	[tilespmem:s30], [sflag:$0x1] =	stream.indirect.gather @!p0 [hbm4b:s1+s0], $0x80, s3, s0, $0xb8;
	[tilespmem:$0x1C800] =	vst v63  }
0x79: {  	_ =	swait.ge [sflag:s21], $0x4000  }
0x7a: {  	[sflag:s21] =	ssyncset.done $0x0  }
0x7b: {  	s3 =	rddreg [dreg:$0xe];
	[sflag:s21] =	ssyncadd.s32 $0xFFFFC000  }
0x7c: {  	[spmem:s2] =	stream.indirect.scatter.add.f32 [tilespmem:s17], [sflag:$0x3], $0x80, s3, s20, $0xb8;
	[tilespmem:$0x1C800] =	vst v63  }
0x7d: {  	_ =	swait.ge [sflag:s25], $0x4000  }
0x7e: {  	s30 =	rddreg [dreg:$0x5]  }
0x7f: {  	p0 =	sge.u32 s26, s30  }
0x80: {  	[sflag:s25] =	ssyncset.done $0x0;
	s0 =	sshrl.u32 @!p0 s28, $0x3  }
0x81: {  	[sflag:s25] =	ssyncadd.s32 $0xFFFFC000;
	s30 =	simm.s32 @!p0 $0x0;
	s3 =	sadd.s32 @!p0 s5, s0  }
0x82: {  	[tilespmem:s30], [sflag:$0x5] =	stream.linear.gather @!p0 [hbm4b:s3+s30], $0x200, $0x38;
	[tilespmem:$0x1C800] =	vst v63  }
0x83: {  	s0 =	sadd.s32 @!p0 s6, s0;
	s3 =	simm.s32 @!p0 $0x400  }
0x84: {  	[tilespmem:s3], [sflag:$0x5] =	stream.linear.gather @!p0 [hbm4b:s0+s30], $0x200, $0x38;
	[tilespmem:$0x1C800] =	vst v63  }
0x85: {  	s31 =	rddreg [dreg:$0xf]  }
0x86: {  	[tilespmem:s22], [sflag:$0x2] =	stream.indirect.gather [hbm4b:s1+s20], $0x80, s31, s20, $0xb8;
	[tilespmem:$0x1C800] =	vst v63  }
0x87: {  	_ =	swait.ge [sflag:s23], $0x4000  }
0x88: {  	[sflag:s23] =	ssyncset.done $0x0  }
0x89: {  	s31 =	rddreg [dreg:$0x10];
	[sflag:s23] =	ssyncadd.s32 $0xFFFFC000  }
0x8a: {  	[spmem:s2] =	stream.indirect.scatter.add.f32 [tilespmem:s22], [sflag:$0x4], $0x80, s31, s20, $0xb8;
	[tilespmem:$0x1C800] =	vst v63  }
0x8b: {  	_ =	swait.ge [sflag:s24], $0x4000  }
0x8c: {  	[sflag:s24] =	ssyncset.done $0x0  }
0x8d: {  	s3 =	rddreg [dreg:$0x11];
	[sflag:s24] =	ssyncadd.s32 $0xFFFFC000  }
0x8e: {  	[tilespmem:s17], [sflag:$0x1] =	stream.indirect.gather [hbm4b:s1+s20], $0x80, s3, s20, $0xb8;
	[tilespmem:$0x1C800] =	vst v63  }
0x8f: {  	_ =	swait.ge [sflag:s21], $0x4000  }
0x90: {  	[sflag:s21] =	ssyncset.done $0x0  }
0x91: {  	s31 =	rddreg [dreg:$0x12];
	[sflag:s21] =	ssyncadd.s32 $0xFFFFC000  }
0x92: {  	[spmem:s2] =	stream.indirect.scatter.add.f32 [tilespmem:s17], [sflag:$0x3], $0x80, s31, s20, $0xb8;
	[tilespmem:$0x1C800] =	vst v63  }
0x93: {  	_ =	swait.ge [sflag:s25], $0x4000  }
0x94: {  	[sflag:s25] =	ssyncset.done $0x0  }
0x95: {  	s3 =	rddreg [dreg:$0x13];
	[sflag:s25] =	ssyncadd.s32 $0xFFFFC000  }
0x96: {  	[tilespmem:s22], [sflag:$0x2] =	stream.indirect.gather [hbm4b:s1+s20], $0x80, s3, s20, $0xb8;
	[tilespmem:$0x1C800] =	vst v63  }
0x97: {  	_ =	swait.ge [sflag:s23], $0x4000  }
0x98: {  	[sflag:s23] =	ssyncset.done $0x0  }
0x99: {  	s31 =	rddreg [dreg:$0x14];
	[sflag:s23] =	ssyncadd.s32 $0xFFFFC000  }
0x9a: {  	[spmem:s2] =	stream.indirect.scatter.add.f32 [tilespmem:s22], [sflag:$0x4], $0x80, s31, s20, $0xb8;
	[tilespmem:$0x1C800] =	vst v63  }
0x9b: {  	_ =	swait.ge [sflag:s24], $0x4000  }
0x9c: {  	[sflag:s24] =	ssyncset.done $0x0  }
0x9d: {  	s0 =	simm.s32 @!p0 $0x5;
	[sflag:s24] =	ssyncadd.s32 $0xFFFFC000  }
0x9e: {  	_ =	swait.ge @!p0 [sflag:s0], $0x200  }
0x9f: {  	[sflag:s0] =	ssyncset.done @!p0 $0x0  }
0xa0: {  	[sflag:s0] =	ssyncadd.s32 @!p0 $0xFFFFFE00  }
0xa1: {  	_ =	swait.ge @!p0 [sflag:s0], $0x200  }
0xa2: {  	s29 =	sadd.s32 $0x80, s29;
	s3 =	simm.s32 @!p0 $0x800;
	[sflag:s0] =	ssyncset.done @!p0 $0x0  }
0xa3: {  	s31 =	rddreg [dreg:$0x6];
	[sflag:s0] =	ssyncadd.s32 @!p0 $0xFFFFFE00;
	s0 =	simm.s32 @!p0 $0x80  }
0xa4: {  	[tilespmem:s3], [sflag:$0x1] =	stream.indirect.gather @!p0 [hbm4b:s1+s0], $0x80, s30, s0, $0xb8;
	[tilespmem:$0x1C800] =	vst v63  }
0xa5: {  	p0 =	sne.s32 s31, s29  }
.Ltmp1:
0xa6: {  	_ = 	snop;
	(pc) =	sbr.rel @p0 .LBB2_4-.Ltmp1, $2  }
0xa7: {  	_ =	sdelay $0x2  }
0xa8: {  	s26 =	sadd.s32 $0x2, s26;
	s28 =	sadd.s32 $0x400, s28  }
0xa9: {  	_ =	swait.ge [sflag:s25], $0x4000;
	s0 =	stileid.u32  }
0xaa: {  	s3 =	sshrl.u32 s7, $0x3;
	s4 =	sadd.s32 $0x1, s4;
	[sflag:s25] =	ssyncset.done $0x0  }
0xab: {  	s0 =	sshll.u32 s0, $0x6;
	p0 =	sne.s32 s4, s15;
	[sflag:s25] =	ssyncadd.s32 $0xFFFFC000  }
.Ltmp2:
0xac: {  	s0 =	sor.u32 $0x1C06, s0;
	[bflag:$0x0] =	sbarrier.arrive $0xFFFF;
	(pc) =	sbr.rel @p0 .LBB2_1-.Ltmp2, $4  }
0xad: {  	[hbm:s14], [sflag:s0] =	dma.local [spmem:s3], $0x2800  }
0xae: {  	_ =	swait.ge [sflag:s18], $0x2800  }
0xaf: {  	[sflag:s18] =	ssyncset.done $0x0  }
0xb0: {  	[sflag:s18] =	ssyncadd.s32 $0xFFFFD800  }
0xb1: {  	_ =	sfence.sel $0x180000  }
0xb2: {  	[bflag:$0x0] =	sbarrier.arrive $0xFFFF  }
0xb3: {  	_ =	strace $0x9000004A  }
0xb4: {  	s0 =	stileid.u32;
	[bflag:$0x2] =	sbarrier.arrive $0xFFFF  }
0xb5: {  	p0 =	sne.s32 s0, $0x0;
	s0 =	rddreg [dreg:$0x3]  }
0xb6: {  	s0 =	sadd.s32 @!p0 $0x100000, s0  }
0xb7: {  	[sflag:s0] =	ssyncadd.tile.s32 @!p0 $0x1;
	_ =	shalt  }
.Lfunc_end2:
_tile_overlayer_lowered:
.L_overlay_start_2:
0xb8: {  	(tag) =	ssettag $0x2  }
0xb9: {  	s0 =	rddreg [dreg:$0x0];
	s2 =	stileid.u32  }
0xba: {  	s1 =	rddreg [dreg:$0x1];
	p0 =	sne.s32 s2, $0x0  }
0xbb: {  	s3 =	rddreg [dreg:$0x2];
	[bflag:$0x3] =	sbarrier.arrive $0xFFFF;
	s2 =	simm.s32 @!p0 $0x1C06  }
0xbc: {  	[timem:s3], [sflag:s2] =	dma.local @!p0 [hbm:s0], s1  }
0xbd: {  	s0 =	simm.s32 @!p0 $0x6  }
0xbe: {  	_ =	swait.ge @!p0 [sflag:s0], s1  }
0xbf: {  	s1 =	ssub.s32 @!p0 $0x0, s1;
	[sflag:s0] =	ssyncset.done @!p0 $0x0  }
0xc0: {  	[sflag:s0] =	ssyncadd.s32 @!p0 s1  }
0xc1: {  	[bflag:$0x3] =	sbarrier.arrive $0xFFFF  }
0xc2: {  	_ =	shalt  }

// kernel: kernel.7.cloned.1.call-start
scs
__scs_entry_jumppad:
0x0: {  	(pc) =	sbr.rel $0x88, $3  }
0x1: {  	(tag) =	ssettag $0x0;
	lr =	simm.s32 $0x1  }
0x2: {  	[smem:$0x3F97] =	sst lr;
	_ =	strace $0xD0000000  }
0x3: {  	_ = 	snop  }
0x4: {  	_ = 	snop  }
0x5: {  	_ = 	snop  }
0x6: {  	_ = 	snop  }
0x7: {  	_ = 	snop  }
__scs_overlays_trampoline_lowered:
0x8: {  	[smem:$0x3FA6] =	sst s0  }
0x9: {  	[smem:$0x3FA7] =	sst s1  }
0xa: {  	[smem:$0x3FA8] =	sst s2  }
0xb: {  	[smem:$0x3FA9] =	sst s3  }
0xc: {  	[smem:$0x3FAA] =	sst s4  }
0xd: {  	[smem:$0x3FAB] =	sst s5  }
0xe: {  	[smem:$0x3FAC] =	sst s6  }
0xf: {  	[smem:$0x3FAD] =	sst s7  }
0x10: {  	[smem:$0x3FAE] =	sst s8  }
0x11: {  	[smem:$0x3FAF] =	sst s9;
	s0 =	simm.s32 @!p0 $0x0  }
0x12: {  	s1 =	sld [smem:$0x3F95];
	s0 =	simm.s32 @p0 $0x1  }
0x13: {  	[smem:$0x3FB0] =	sst s0;
	s0 =	simm.s32 @!p1 $0x0  }
0x14: {  	s2 =	sld [smem:$0x3F94];
	s0 =	simm.s32 @p1 $0x1  }
0x15: {  	[smem:$0x3FB1] =	sst s0;
	s0 =	simm.s32 @!p2 $0x0  }
0x16: {  	s3 =	sld [smem:$0x3FDB];
	s0 =	simm.s32 @p2 $0x1  }
0x17: {  	s4 =	simm.s32 $0x1BF5;
	[smem:$0x3FB3] =	sst s0  }
0x18: {  	s0 =	sld [smem:$0x3F96];
	_ =	swait.ge [sflag:s4], $0x0  }
0x19: {  	s7 =	sld [smem:$0x3F97]  }
0x1a: {  	s8 =	sadd.s32 $0xFFFFE003, lr  }
0x1b: {  	s9 =	sadd.s32 $0xFFFFFEF7, lr;
	s5 =	simm.s32 $0xFFFFFFFF;
	p2 =	slt.u32 s8, $0xFFFFF086  }
0x1c: {  	p1 =	slt.u32 s9, $0xF7A;
	s5 =	simm.s32 @!p2 $0x0  }
0x1d: {  	s5 =	simm.s32 @p1 $0x1;
	p0 =	seq.s32 s7, s2  }
0x1e: {  	s7 =	smul.u32 @!p0 $0xF7A, s2;
	p2 =	seq.s32 @!p0 s5, $0x0  }
0x1f: {  	s9 =	smul.u32 $0xF7A, s1;
	s8 =	simm.s32 @!p0 $0x1BF5;
	p2 =	por !p2, p0  }
0x20: {  	[sflag:s8] =	ssyncset.s32 @!p0 $0xFFFFF086;
	s6 =	sadd.s32 @!p0 s3, s7;
	s7 =	simm.s32 @!p0 $0x108  }
0x21: {  	s3 =	sadd.s32 s3, s9;
	s6 =	sadd.s32 @!p0 $0x88, s6;
	s7 =	simm.s32 @p2 $0x1082  }
0x22: {  	[simem:s7], [sflag:s8] =	dma.local @!p0 [hbm:s6], $0xF7A  }
0x23: {  	s9 =	sor.u32 $0xD0000000, s2;
	s6 =	simm.s32 $0x108;
	_ =	swait.ge @!p0 [sflag:s8], $0x0  }
0x24: {  	s3 =	sadd.s32 $0x88, s3;
	s6 =	simm.s32 @!p1 $0x1082;
	[sflag:s4] =	ssyncset.s32 $0xFFFFF086  }
0x25: {  	[simem:s6], [sflag:s4] =	dma.local [hbm:s3], $0xF7A  }
0x26: {  	[smem:$0x3F97] =	sst s1;
	(tag) =	ssettag s2;
	_ =	strace s9  }
0x27: {  	s1 =	sld [smem:$0x3FA7]  }
0x28: {  	s2 =	sld [smem:$0x3FA8]  }
0x29: {  	s4 =	sld [smem:$0x3FAA]  }
0x2a: {  	p0 =	seq.s32 s5, $0x0;
	s5 =	sld [smem:$0x3FAB]  }
0x2b: {  	s6 =	sld [smem:$0x3FAC]  }
0x2c: {  	s7 =	sld [smem:$0x3FAD]  }
0x2d: {  	s3 =	simm.s32 $0x108;
	s8 =	sld [smem:$0x3FAE]  }
0x2e: {  	s3 =	simm.s32 @!p0 $0x1082;
	s9 =	sld [smem:$0x3FAF]  }
0x2f: {  	lr =	sadd.s32 s0, s3;
	s0 =	sld [smem:$0x3FA6]  }
0x30: {  	s3 =	sld [smem:$0x3FA9]  }
0x31: {  	[smem:$0x3FB2] =	sst s10  }
0x32: {  	s10 =	sld [smem:$0x3FB0];
	_ =	sdelay $0x3  }
0x33: {  	p0 =	seq.s32 s10, $0x1;
	s10 =	sld [smem:$0x3FB2];
	_ =	sdelay $0x3  }
0x34: {  	[smem:$0x3FB2] =	sst s10  }
0x35: {  	s10 =	sld [smem:$0x3FB1];
	_ =	sdelay $0x3  }
0x36: {  	p1 =	seq.s32 s10, $0x1;
	s10 =	sld [smem:$0x3FB2];
	_ =	sdelay $0x3  }
0x37: {  	[smem:$0x3FB2] =	sst s10  }
0x38: {  	s10 =	sld [smem:$0x3FB3]  }
0x39: {  	_ = 	snop;
	(pc) =	sbr.ind lr, $3  }
0x3a: {  	_ = 	snop  }
0x3b: {  	_ = 	snop  }
0x3c: {  	p2 =	seq.s32 s10, $0x1;
	s10 =	sld [smem:$0x3FB2]  }
0x3d: {  	_ =	shalt  }
0x3e: {  	_ =	shalt  }
0x3f: {  	_ =	shalt  }
0x40: {  	_ =	shalt  }
0x41: {  	_ =	shalt  }
0x42: {  	_ =	shalt  }
0x43: {  	_ =	shalt  }
0x44: {  	_ =	shalt  }
0x45: {  	_ =	shalt  }
0x46: {  	_ =	shalt  }
0x47: {  	_ =	shalt  }
0x48: {  	_ =	shalt  }
0x49: {  	_ =	shalt  }
0x4a: {  	_ =	shalt  }
0x4b: {  	_ =	shalt  }
0x4c: {  	_ =	shalt  }
0x4d: {  	_ =	shalt  }
0x4e: {  	_ =	shalt  }
0x4f: {  	_ =	shalt  }
0x50: {  	_ =	shalt  }
0x51: {  	_ =	shalt  }
0x52: {  	_ =	shalt  }
0x53: {  	_ =	shalt  }
0x54: {  	_ =	shalt  }
0x55: {  	_ =	shalt  }
0x56: {  	_ =	shalt  }
0x57: {  	_ =	shalt  }
0x58: {  	_ =	shalt  }
0x59: {  	_ =	shalt  }
0x5a: {  	_ =	shalt  }
0x5b: {  	_ =	shalt  }
0x5c: {  	_ =	shalt  }
0x5d: {  	_ =	shalt  }
0x5e: {  	_ =	shalt  }
0x5f: {  	_ =	shalt  }
0x60: {  	_ =	shalt  }
0x61: {  	_ =	shalt  }
0x62: {  	_ =	shalt  }
0x63: {  	_ =	shalt  }
0x64: {  	_ =	shalt  }
0x65: {  	_ =	shalt  }
0x66: {  	_ =	shalt  }
0x67: {  	_ =	shalt  }
0x68: {  	_ =	shalt  }
0x69: {  	_ =	shalt  }
0x6a: {  	_ =	shalt  }
0x6b: {  	_ =	shalt  }
0x6c: {  	_ =	shalt  }
0x6d: {  	_ =	shalt  }
0x6e: {  	_ =	shalt  }
0x6f: {  	_ =	shalt  }
0x70: {  	_ =	shalt  }
0x71: {  	_ =	shalt  }
0x72: {  	_ =	shalt  }
0x73: {  	_ =	shalt  }
0x74: {  	_ =	shalt  }
0x75: {  	_ =	shalt  }
0x76: {  	_ =	shalt  }
0x77: {  	_ =	shalt  }
0x78: {  	_ =	shalt  }
0x79: {  	_ =	shalt  }
0x7a: {  	_ =	shalt  }
0x7b: {  	_ =	shalt  }
0x7c: {  	_ =	shalt  }
0x7d: {  	_ =	shalt  }
0x7e: {  	_ =	shalt  }
0x7f: {  	_ =	shalt  }
0x80: {  	_ =	shalt  }
0x81: {  	_ =	shalt  }
0x82: {  	_ =	shalt  }
0x83: {  	_ =	shalt  }
0x84: {  	_ =	shalt  }
0x85: {  	_ =	shalt  }
0x86: {  	_ =	shalt  }
0x87: {  	_ =	shalt  }
.Lfunc_end0:
.L_simem_size_0:
called_computation_lowered:
.L_overlay_start_0:
0x88: {  	s2 =	sld [smem:$0x3FD9]  }
0x89: {  	s3 =	sld [smem:$0x3FFE];
	_ =	sdelay $0x1  }
0x8a: {  	s1 =	srdreg.scid  }
0x8b: {  	s0 =	sand.u32 $0x1, s1  }
0x8c: {  	s17 =	sshll.u32 s0, $0xA;
	s2 =	sadd.s32 s3, s2  }
0x8d: {  	s2 =	sadd.s32 s2, s17  }
0x8e: {  	[smem:$0x3FBE] =	sst s2  }
0x8f: {  	_ = 	snop  }
0x90: {  	s2 =	sld [smem:$0x3FD0];
	(tm) =	ssettm $0x1  }
0x91: {  	s18 =	sld [smem:$0x3FFB];
	_ =	sdelay $0x3  }
0x92: {  	_ =	strace s18  }
0x93: {  	s3 =	sld [smem:$0x3FFC];
	_ =	sdelay $0x3  }
0x94: {  	_ =	strace s3  }
0x95: {  	s3 =	sld [smem:$0x3FFD];
	_ =	sdelay $0x3  }
0x96: {  	_ =	strace s3  }
0x97: {  	_ =	strace $0x8FFFFFFF  }
0x98: {  	s19 =	sld [smem:$0x3FDB];
	_ =	sdelay $0x1  }
0x99: {  	s4 =	simm.s32 $_scs_section_size  }
0x9a: {  	s5 =	simm.s32 $_size__tile_overlayer_lowered;
	s6 =	simm.s32 $_tile_overlayer_lowered  }
0x9b: {  	s22 =	simm.s32 $0x1BFF;
	s21 =	sshll.u32 s6, $0x1;
	s3 =	sadd.s32 s4, s19  }
0x9c: {  	s7 =	simm.s32 $0x0;
	s20 =	sshll.u32 s5, $0x1;
	s5 =	sadd.s32 s21, s3  }
0x9d: {  	[timem:s7], [sflag:s22] =	dma.local [hbm:s5], s20  }
0x9e: {  	_ =	swait.ge [sflag:s22], s20  }
0x9f: {  	s4 =	ssub.s32 $0x0, s20;
	[sflag:s22] =	ssyncset.done $0x0  }
0xa0: {  	[sflag:s22] =	ssyncadd.s32 s4;
	_ =	sdelay $0x1  }
0xa1: {  	s23 =	simm.s32 $0x1B8B  }
0xa2: {  	_ =	swait.ge [sflag:s23], $0x1  }
0xa3: {  	[sflag:s23] =	ssyncset.done $0x0  }
0xa4: {  	s25 =	simm.s32 $0x1B8E;
	s24 =	sld [smem:$0x3FFE];
	[sflag:s23] =	ssyncadd.s32 $0xFFFFFFFF  }
0xa5: {  	s26 =	simm.s32 $execute0_lowered;
	[smem:$0x3FD2] =	sst s25  }
0xa6: {  	s5 =	sshll.u32 s26, $0x1;
	_ =	strace $0x80000046;
	[dreg:$0x1] =	wrdreg $0xFFFFFFFF  }
0xa7: {  	s28 =	simm.s32 $_size_execute0_lowered;
	s3 =	sadd.s32 s3, s5;
	[dreg:$0x0] =	wrdreg $0x0  }
0xa8: {  	s5 =	sshll.u32 s28, $0x1;
	[dreg:$0x2] =	wrdreg s3  }
0xa9: {  	[dreg:$0x3] =	wrdreg s5  }
0xaa: {  	[dreg:$0x4] =	wrdreg $0xC0  }
0xab: {  	_ =	task [dreg:s7], $0x5FFFF  }
0xac: {  	[dreg:$0x1] =	wrdreg $0xFFFFFFFF  }
0xad: {  	[dreg:$0x0] =	wrdreg $0x60  }
0xae: {  	[dreg:$0x2] =	wrdreg s24  }
0xaf: {  	[dreg:$0x3] =	wrdreg s2  }
0xb0: {  	[dreg:$0x4] =	wrdreg $0x88000  }
0xb1: {  	[dreg:$0x5] =	wrdreg $0x9  }
0xb2: {  	_ =	task.clear_ibuf [dreg:s7], $0x6FFFF;
	_ =	strace $0x90000046  }
0xb3: {  	s29 =	simm.s32 $0x9;
	_ =	strace $0x80000048  }
0xb4: {  	_ =	swait.ge [sflag:s29], $0x1  }
0xb5: {  	[sflag:s29] =	ssyncadd.s32 $0xFFFFFFFF  }
0xb6: {  	_ =	strace $0x90000048  }
0xb7: {  	_ =	sfence  }
0xb8: {  	s30 =	sld [smem:$0x0];
	_ =	sdelay $0x2  }
0xb9: {  	s31 =	sshll.u32 s1, $0xD;
	s1 =	sshrl.u32 s1, $0x2  }
0xba: {  	s3 =	sand.u32 $0x4000, s31;
	s1 =	sadd.s32 s1, s30  }
0xbb: {  	s0 =	sor.u32 s3, s0;
	s1 =	sshll.u32 s1, $0x11  }
0xbc: {  	s0 =	sor.u32 s1, s0  }
0xbd: {  	s0 =	sadd.s32 $0x8F2B, s0  }
0xbe: {  	[sflag:s0] =	ssyncadd.remote.s32 $0x1  }
0xbf: {  	_ =	sfence.sel $0xFFFF  }
0xc0: {  	[dreg:$0x0] =	wrdreg $0xFFFFFFFF;
	(pc) =	sbr.abs _section_cstart, $3  }
0xc1: {  	[dreg:$0x1] =	wrdreg $0xFFFFFFFF  }
0xc2: {  	_ =	task.clear_ibuf [dreg:s7], $0x2FFFF;
	_ =	strace $0x9FFFFFFF  }
0xc3: {  	(tm) =	ssettm $0x7FFFFFFF  }
tec
execute0_lowered:
.L_overlay_start_1:
0x0: {  	(tag) =	ssettag $0x1  }
0x1: {  	s0 =	rddreg [dreg:$0x0]  }
0x2: {  	s1 =	rddreg [dreg:$0x1];
	s3 =	srdreg.scid  }
0x3: {  	s2 =	rddreg [dreg:$0x2];
	s9 =	stileid.u32  }
0x4: {  	s21 =	simm.s32 $0x480;
	s22 =	simm.s32 $0x100;
	s23 =	simm.s32 $0x500  }
0x5: {  	s24 =	simm.s32 $0x180;
	s25 =	simm.s32 $0x580;
	s6 =	smul.u32 $0x14000, s9  }
0x6: {  	s26 =	simm.s32 $0x280;
	s28 =	simm.s32 $0x300;
	s7 =	smul.u32 $0x50000, s9  }
0x7: {  	s29 =	simm.s32 $0x700;
	s5 =	sand.u32 $0x1, s3;
	s9 =	smul.u32 $0x2800, s9  }
0x8: {  	s30 =	simm.s32 $0x380;
	s3 =	simm.s32 $0x0;
	s4 =	smul.u32 $0x140000, s5  }
0x9: {  	s31 =	simm.s32 $0x780;
	[smem:$0x7FF] =	sst s3;
	s8 =	smul.u32 $0x28000, s5  }
0xa: {  	s5 =	ssub.s32 $0x2, s5;
	_ =	strace $0x80000047;
	[dreg:$0x8] =	wrdreg s21  }
0xb: {  	s10 =	sadd.s32 $0x2000, s0;
	s12 =	sshrl.u32 s5, $0x1;
	[dreg:$0x9] =	wrdreg s22  }
0xc: {  	s7 =	sshrl.u32 s7, $0x2;
	s21 =	simm.s32 $0x4800;
	[dreg:$0xa] =	wrdreg s23  }
0xd: {  	s22 =	simm.s32 $0x2;
	[dreg:$0xb] =	wrdreg s24;
	s6 =	sadd.s32 s6, s4  }
0xe: {  	[dreg:$0xc] =	wrdreg s25;
	s4 =	sadd.s32 $0xC000, s0;
	s6 =	sshrl.u32 s6, $0x3  }
0xf: {  	s0 =	sadd.s32 s6, s0;
	s6 =	ssub.s32 s5, s12;
	s5 =	sadd.s32 s7, s2  }
0x10: {  	[dreg:$0xd] =	wrdreg s26;
	s8 =	sadd.s32 s9, s8;
	s14 =	sadd.s32 $0x4000, s5  }
0x11: {  	s13 =	sor.u32 $0x400, s8;
	s15 =	sadd.s32 $0x8000, s5;
	[dreg:$0xe] =	wrdreg s14  }
0x12: {  	s7 =	sshrl.u32 s13, $0x3;
	s16 =	sadd.s32 $0xC000, s5;
	[dreg:$0xf] =	wrdreg s15  }
0x13: {  	s8 =	sshrl.u32 s8, $0x3;
	s11 =	sadd.s32 s7, s10;
	[dreg:$0x10] =	wrdreg s16  }
0x14: {  	s9 =	sadd.s32 s1, s8;
	s1 =	sadd.s32 s7, s1;
	[dreg:$0x4] =	wrdreg s11  }
0x15: {  	s23 =	simm.s32 $0x3;
	s18 =	sadd.s32 $0x10000, s5;
	[dreg:$0x5] =	wrdreg s1  }
0x16: {  	s24 =	simm.s32 $0x4;
	s17 =	sadd.s32 $0x40, s9;
	[dreg:$0x11] =	wrdreg s18  }
0x17: {  	s25 =	simm.s32 $0x5;
	s0 =	sadd.s32 $0x5A200, s0;
	[dreg:$0x6] =	wrdreg s17  }
0x18: {  	s10 =	sadd.s32 s10, s8;
	s20 =	smax.u32 s6, $0x1;
	[dreg:$0x12] =	wrdreg s0  }
0x19: {  	s26 =	simm.s32 $0x680;
	s19 =	sadd.s32 $0x40, s10;
	[dreg:$0x13] =	wrdreg s20  }
0x1a: {  	s14 =	simm.s32 $0x800;
	s15 =	simm.s32 $0x6;
	s16 =	simm.s32 $0x400  }
0x1b: {  	s17 =	simm.s32 $0x80;
	s18 =	simm.s32 $0x1;
	s20 =	simm.s32 $0x600  }
0x1c: {  	v0 =	vimm.f32 $0.0e+00;
	s0 =	simm.s32 $0x0;
	[dreg:$0x7] =	wrdreg s19;
	s19 =	simm.s32 $0x200  }
.LBB2_1:
0x1d: {  	s1 =	simm.s32 $0x0;
	s6 =	simm.s32 $0x200  }
.LBB2_2:
0x1e: {  	p0 =	sne.s32 s6, $0xFE00;
	[tilespmem:s1+$0x870] =	vst v0  }
0x1f: {  	[tilespmem:s1+$0x800] =	vst v0  }
0x20: {  	[tilespmem:s1+$0x810] =	vst v0  }
.Ltmp0:
0x21: {  	[tilespmem:s1+$0x820] =	vst v0;
	(pc) =	sbr.rel @p0 .LBB2_2-.Ltmp0, $4  }
0x22: {  	[tilespmem:s1+$0x830] =	vst v0  }
0x23: {  	[tilespmem:s1+$0x840] =	vst v0  }
0x24: {  	[tilespmem:s1+$0x850] =	vst v0  }
0x25: {  	[tilespmem:s1+$0x860] =	vst v0;
	s1 =	sshra.s32 s6, $0x2;
	s6 =	sadd.s32 $0x200, s6  }
0x26: {  	[tilespmem:s1+$0x870] =	vst v0  }
0x27: {  	[tilespmem:s1+$0x800] =	vst v0  }
0x28: {  	[tilespmem:s1+$0x810] =	vst v0  }
0x29: {  	[tilespmem:s1+$0x820] =	vst v0  }
0x2a: {  	[tilespmem:s1+$0x830] =	vst v0  }
0x2b: {  	[tilespmem:s1+$0x840] =	vst v0  }
0x2c: {  	[tilespmem:s1+$0x850] =	vst v0  }
0x2d: {  	[tilespmem:s1+$0x860] =	vst v0  }
0x2e: {  	[spmem:s5] =	stream.linear.scatter [tilespmem:s14], [sflag:$0x6], $0x4000, $0x38;
	[tilespmem:$0x1C800] =	vst v63  }
0x2f: {  	_ =	swait.ge [sflag:s15], $0x4000  }
0x30: {  	[sflag:s15] =	ssyncset.done $0x0  }
0x31: {  	s13 =	rddreg [dreg:$0xe];
	[sflag:s15] =	ssyncadd.s32 $0xFFFFC000  }
0x32: {  	[spmem:s13] =	stream.linear.scatter [tilespmem:s14], [sflag:$0x6], $0x4000, $0x38;
	[tilespmem:$0x1C800] =	vst v63  }
0x33: {  	_ =	swait.ge [sflag:s15], $0x4000  }
0x34: {  	[sflag:s15] =	ssyncset.done $0x0  }
0x35: {  	s6 =	rddreg [dreg:$0xf];
	[sflag:s15] =	ssyncadd.s32 $0xFFFFC000  }
0x36: {  	[spmem:s6] =	stream.linear.scatter [tilespmem:s14], [sflag:$0x6], $0x4000, $0x38;
	[tilespmem:$0x1C800] =	vst v63  }
0x37: {  	_ =	swait.ge [sflag:s15], $0x4000  }
0x38: {  	[sflag:s15] =	ssyncset.done $0x0  }
0x39: {  	s7 =	rddreg [dreg:$0x10];
	[sflag:s15] =	ssyncadd.s32 $0xFFFFC000  }
0x3a: {  	[spmem:s7] =	stream.linear.scatter [tilespmem:s14], [sflag:$0x6], $0x4000, $0x38;
	[tilespmem:$0x1C800] =	vst v63  }
0x3b: {  	_ =	swait.ge [sflag:s15], $0x4000  }
0x3c: {  	[sflag:s15] =	ssyncset.done $0x0  }
0x3d: {  	s8 =	rddreg [dreg:$0x11];
	[sflag:s15] =	ssyncadd.s32 $0xFFFFC000  }
0x3e: {  	[spmem:s8] =	stream.linear.scatter [tilespmem:s14], [sflag:$0x6], $0x4000, $0x38;
	[tilespmem:$0x1C800] =	vst v63  }
0x3f: {  	_ =	swait.ge [sflag:s15], $0x4000  }
0x40: {  	[sflag:s15] =	ssyncset.done $0x0  }
0x41: {  	s1 =	simm.s32 $0x0;
	[sflag:s15] =	ssyncadd.s32 $0xFFFFC000  }
0x42: {  	[tilespmem:s1], [sflag:$0x6] =	stream.linear.gather [hbm4b:s9+s1], $0x200, $0x38;
	[tilespmem:$0x1C800] =	vst v63  }
0x43: {  	_ =	swait.ge [sflag:s15], $0x200  }
0x44: {  	[sflag:s15] =	ssyncset.done $0x0  }
0x45: {  	[sflag:s15] =	ssyncadd.s32 $0xFFFFFE00  }
0x46: {  	[tilespmem:s16], [sflag:$0x6] =	stream.linear.gather [hbm4b:s10+s1], $0x200, $0x38;
	[tilespmem:$0x1C800] =	vst v63  }
0x47: {  	_ =	swait.ge [sflag:s15], $0x200  }
0x48: {  	[sflag:s15] =	ssyncset.done $0x0  }
0x49: {  	[sflag:s15] =	ssyncadd.s32 $0xFFFFFE00  }
0x4a: {  	[bflag:$0x0] =	sbarrier.arrive $0xFFFF  }
0x4b: {  	[tilespmem:s14], [sflag:$0x1] =	stream.indirect.gather [hbm4b:s4+s17], $0x80, s1, s17, $0xb8;
	[tilespmem:$0x1C800] =	vst v63  }
0x4c: {  	_ =	swait.ge [sflag:s18], $0x4000  }
0x4d: {  	p0 =	por $0x1, $0x1;
	[sflag:s18] =	ssyncset.done $0x0  }
0x4e: {  	s6 =	simm.s32 @!p0 $0x4;
	[sflag:s18] =	ssyncadd.s32 $0xFFFFC000  }
0x4f: {  	[spmem:s2] =	stream.indirect.scatter.add.f32 [tilespmem:s14], [sflag:$0x3], $0x80, s16, s17, $0xb8;
	[tilespmem:$0x1C800] =	vst v63  }
0x50: {  	_ =	swait.ge @!p0 [sflag:s6], $0x4000  }
0x51: {  	s7 =	rddreg [dreg:$0x6];
	[sflag:s6] =	ssyncset.done @!p0 $0x0  }
0x52: {  	s8 =	rddreg [dreg:$0x7];
	[sflag:s6] =	ssyncadd.s32 @!p0 $0xFFFFC000;
	s11 =	sadd.s32 $0x0, s7  }
0x53: {  	[tilespmem:s19], [sflag:$0x5] =	stream.linear.gather [hbm4b:s11+s3], $0x200, $0x38;
	[tilespmem:$0x1C800] =	vst v63  }
0x54: {  	s12 =	sadd.s32 $0x0, s8  }
0x55: {  	[tilespmem:s20], [sflag:$0x5] =	stream.linear.gather [hbm4b:s12+s3], $0x200, $0x38;
	[tilespmem:$0x1C800] =	vst v63  }
0x56: {  	_ = 	snop  }
0x57: {  	[tilespmem:s21], [sflag:$0x2] =	stream.indirect.gather [hbm4b:s4+s17], $0x80, s17, s17, $0xb8;
	[tilespmem:$0x1C800] =	vst v63  }
0x58: {  	_ =	swait.ge [sflag:s22], $0x4000  }
0x59: {  	[sflag:s22] =	ssyncset.done $0x0  }
0x5a: {  	s13 =	rddreg [dreg:$0x8];
	[sflag:s22] =	ssyncadd.s32 $0xFFFFC000  }
0x5b: {  	[spmem:s2] =	stream.indirect.scatter.add.f32 [tilespmem:s21], [sflag:$0x4], $0x80, s13, s17, $0xb8;
	[tilespmem:$0x1C800] =	vst v63  }
0x5c: {  	_ =	swait.ge [sflag:s23], $0x4000  }
0x5d: {  	[sflag:s23] =	ssyncset.done $0x0  }
0x5e: {  	s7 =	rddreg [dreg:$0x9];
	[sflag:s23] =	ssyncadd.s32 $0xFFFFC000  }
0x5f: {  	[tilespmem:s14], [sflag:$0x1] =	stream.indirect.gather [hbm4b:s4+s17], $0x80, s7, s17, $0xb8;
	[tilespmem:$0x1C800] =	vst v63  }
0x60: {  	_ =	swait.ge [sflag:s18], $0x4000  }
0x61: {  	[sflag:s18] =	ssyncset.done $0x0  }
0x62: {  	s8 =	rddreg [dreg:$0xa];
	[sflag:s18] =	ssyncadd.s32 $0xFFFFC000  }
0x63: {  	[spmem:s2] =	stream.indirect.scatter.add.f32 [tilespmem:s14], [sflag:$0x3], $0x80, s8, s17, $0xb8;
	[tilespmem:$0x1C800] =	vst v63  }
0x64: {  	_ =	swait.ge [sflag:s24], $0x4000  }
0x65: {  	[sflag:s24] =	ssyncset.done $0x0  }
0x66: {  	s11 =	rddreg [dreg:$0xb];
	[sflag:s24] =	ssyncadd.s32 $0xFFFFC000  }
0x67: {  	[tilespmem:s21], [sflag:$0x2] =	stream.indirect.gather [hbm4b:s4+s17], $0x80, s11, s17, $0xb8;
	[tilespmem:$0x1C800] =	vst v63  }
0x68: {  	_ =	swait.ge [sflag:s22], $0x4000  }
0x69: {  	[sflag:s22] =	ssyncset.done $0x0  }
0x6a: {  	s12 =	rddreg [dreg:$0xc];
	[sflag:s22] =	ssyncadd.s32 $0xFFFFC000  }
0x6b: {  	[spmem:s2] =	stream.indirect.scatter.add.f32 [tilespmem:s21], [sflag:$0x4], $0x80, s12, s17, $0xb8;
	[tilespmem:$0x1C800] =	vst v63  }
0x6c: {  	_ =	swait.ge [sflag:s23], $0x4000  }
0x6d: {  	[sflag:s23] =	ssyncset.done $0x0  }
0x6e: {  	[sflag:s23] =	ssyncadd.s32 $0xFFFFC000  }
0x6f: {  	_ =	swait.ge [sflag:s25], $0x200  }
0x70: {  	[sflag:s25] =	ssyncset.done $0x0  }
0x71: {  	[sflag:s25] =	ssyncadd.s32 $0xFFFFFE00  }
0x72: {  	_ =	swait.ge [sflag:s25], $0x200  }
0x73: {  	[sflag:s25] =	ssyncset.done $0x0  }
0x74: {  	[sflag:s25] =	ssyncadd.s32 $0xFFFFFE00  }
0x75: {  	[tilespmem:s14], [sflag:$0x1] =	stream.indirect.gather [hbm4b:s4+s17], $0x80, s19, s17, $0xb8;
	[tilespmem:$0x1C800] =	vst v63  }
0x76: {  	_ =	swait.ge [sflag:s18], $0x4000  }
0x77: {  	[sflag:s18] =	ssyncset.done $0x0  }
0x78: {  	[sflag:s18] =	ssyncadd.s32 $0xFFFFC000  }
0x79: {  	[spmem:s2] =	stream.indirect.scatter.add.f32 [tilespmem:s14], [sflag:$0x3], $0x80, s20, s17, $0xb8;
	[tilespmem:$0x1C800] =	vst v63  }
0x7a: {  	p1 =	por $0x0, $0x0;
	_ =	swait.ge [sflag:s24], $0x4000  }
0x7b: {  	s8 =	simm.s32 @!p1 $0x0;
	s6 =	rddreg [dreg:$0x5];
	[sflag:s24] =	ssyncset.done $0x0  }
0x7c: {  	s7 =	rddreg [dreg:$0x4];
	[sflag:s24] =	ssyncadd.s32 $0xFFFFC000;
	s6 =	sadd.s32 @!p1 $0x0, s6  }
0x7d: {  	[tilespmem:s8], [sflag:$0x5] =	stream.linear.gather @!p1 [hbm4b:s6+s8], $0x200, $0x38;
	[tilespmem:$0x1C800] =	vst v63  }
0x7e: {  	s11 =	simm.s32 @!p1 $0x400;
	s7 =	sadd.s32 @!p1 $0x0, s7  }
0x7f: {  	[tilespmem:s11], [sflag:$0x5] =	stream.linear.gather @!p1 [hbm4b:s7+s8], $0x200, $0x38;
	[tilespmem:$0x1C800] =	vst v63  }
0x80: {  	s13 =	rddreg [dreg:$0xd]  }
0x81: {  	[tilespmem:s21], [sflag:$0x2] =	stream.indirect.gather [hbm4b:s4+s17], $0x80, s13, s17, $0xb8;
	[tilespmem:$0x1C800] =	vst v63  }
0x82: {  	_ =	swait.ge [sflag:s22], $0x4000  }
0x83: {  	[sflag:s22] =	ssyncset.done $0x0  }
0x84: {  	[sflag:s22] =	ssyncadd.s32 $0xFFFFC000  }
0x85: {  	[spmem:s2] =	stream.indirect.scatter.add.f32 [tilespmem:s21], [sflag:$0x4], $0x80, s26, s17, $0xb8;
	[tilespmem:$0x1C800] =	vst v63  }
0x86: {  	_ =	swait.ge [sflag:s23], $0x4000  }
0x87: {  	[sflag:s23] =	ssyncset.done $0x0  }
0x88: {  	[sflag:s23] =	ssyncadd.s32 $0xFFFFC000  }
0x89: {  	[tilespmem:s14], [sflag:$0x1] =	stream.indirect.gather [hbm4b:s4+s17], $0x80, s28, s17, $0xb8;
	[tilespmem:$0x1C800] =	vst v63  }
0x8a: {  	_ =	swait.ge [sflag:s18], $0x4000  }
0x8b: {  	[sflag:s18] =	ssyncset.done $0x0  }
0x8c: {  	[sflag:s18] =	ssyncadd.s32 $0xFFFFC000  }
0x8d: {  	[spmem:s2] =	stream.indirect.scatter.add.f32 [tilespmem:s14], [sflag:$0x3], $0x80, s29, s17, $0xb8;
	[tilespmem:$0x1C800] =	vst v63  }
0x8e: {  	_ =	swait.ge [sflag:s24], $0x4000  }
0x8f: {  	[sflag:s24] =	ssyncset.done $0x0  }
0x90: {  	[sflag:s24] =	ssyncadd.s32 $0xFFFFC000  }
0x91: {  	[tilespmem:s21], [sflag:$0x2] =	stream.indirect.gather [hbm4b:s4+s17], $0x80, s30, s17, $0xb8;
	[tilespmem:$0x1C800] =	vst v63  }
0x92: {  	_ =	swait.ge [sflag:s22], $0x4000  }
0x93: {  	[sflag:s22] =	ssyncset.done $0x0  }
0x94: {  	[sflag:s22] =	ssyncadd.s32 $0xFFFFC000  }
0x95: {  	[spmem:s2] =	stream.indirect.scatter.add.f32 [tilespmem:s21], [sflag:$0x4], $0x80, s31, s17, $0xb8;
	[tilespmem:$0x1C800] =	vst v63  }
0x96: {  	_ =	swait.ge [sflag:s23], $0x4000  }
0x97: {  	[sflag:s23] =	ssyncset.done $0x0  }
0x98: {  	s7 =	simm.s32 @!p1 $0x5;
	[sflag:s23] =	ssyncadd.s32 $0xFFFFC000  }
0x99: {  	_ =	swait.ge @!p1 [sflag:s7], $0x200  }
0x9a: {  	[sflag:s7] =	ssyncset.done @!p1 $0x0  }
0x9b: {  	[sflag:s7] =	ssyncadd.s32 @!p1 $0xFFFFFE00  }
0x9c: {  	s12 =	simm.s32 @!p1 $0x800;
	_ =	swait.ge @!p1 [sflag:s7], $0x200  }
0x9d: {  	s6 =	simm.s32 $0x80;
	s11 =	simm.s32 @!p1 $0x80;
	[sflag:s7] =	ssyncset.done @!p1 $0x0  }
.LBB2_4:
0x9e: {  	[sflag:s7] =	ssyncadd.s32 @!p1 $0xFFFFFE00  }
0x9f: {  	[tilespmem:s12], [sflag:$0x1] =	stream.indirect.gather @!p1 [hbm4b:s4+s11], $0x80, s8, s11, $0xb8;
	[tilespmem:$0x1C800] =	vst v63  }
0xa0: {  	s7 =	smov.u32 s6;
	_ =	swait.ge [sflag:s18], $0x4000  }
0xa1: {  	p1 =	seq.s32 s7, $0x0;
	[sflag:s18] =	ssyncset.done $0x0  }
0xa2: {  	s8 =	simm.s32 @!p1 $0x4;
	[sflag:s18] =	ssyncadd.s32 $0xFFFFC000  }
0xa3: {  	[spmem:s2] =	stream.indirect.scatter.add.f32 [tilespmem:s14], [sflag:$0x3], $0x80, s16, s17, $0xb8;
	[tilespmem:$0x1C800] =	vst v63  }
0xa4: {  	_ =	swait.ge @!p1 [sflag:s8], $0x4000  }
0xa5: {  	s13 =	rddreg [dreg:$0x6];
	[sflag:s8] =	ssyncset.done @!p1 $0x0  }
0xa6: {  	s12 =	rddreg [dreg:$0x7];
	[sflag:s8] =	ssyncadd.s32 @!p1 $0xFFFFC000;
	s13 =	sadd.s32 s7, s13  }
0xa7: {  	[tilespmem:s19], [sflag:$0x5] =	stream.linear.gather [hbm4b:s13+s3], $0x200, $0x38;
	[tilespmem:$0x1C800] =	vst v63  }
0xa8: {  	s11 =	sadd.s32 s7, s12  }
0xa9: {  	[tilespmem:s20], [sflag:$0x5] =	stream.linear.gather [hbm4b:s11+s3], $0x200, $0x38;
	[tilespmem:$0x1C800] =	vst v63  }
0xaa: {  	_ = 	snop  }
0xab: {  	[tilespmem:s21], [sflag:$0x2] =	stream.indirect.gather [hbm4b:s4+s17], $0x80, s17, s17, $0xb8;
	[tilespmem:$0x1C800] =	vst v63  }
0xac: {  	_ =	swait.ge [sflag:s22], $0x4000  }
0xad: {  	[sflag:s22] =	ssyncset.done $0x0  }
0xae: {  	s12 =	rddreg [dreg:$0x8];
	[sflag:s22] =	ssyncadd.s32 $0xFFFFC000  }
0xaf: {  	[spmem:s2] =	stream.indirect.scatter.add.f32 [tilespmem:s21], [sflag:$0x4], $0x80, s12, s17, $0xb8;
	[tilespmem:$0x1C800] =	vst v63  }
0xb0: {  	_ =	swait.ge [sflag:s23], $0x4000  }
0xb1: {  	[sflag:s23] =	ssyncset.done $0x0  }
0xb2: {  	s13 =	rddreg [dreg:$0x9];
	[sflag:s23] =	ssyncadd.s32 $0xFFFFC000  }
0xb3: {  	[tilespmem:s14], [sflag:$0x1] =	stream.indirect.gather [hbm4b:s4+s17], $0x80, s13, s17, $0xb8;
	[tilespmem:$0x1C800] =	vst v63  }
0xb4: {  	_ =	swait.ge [sflag:s18], $0x4000  }
0xb5: {  	[sflag:s18] =	ssyncset.done $0x0  }
0xb6: {  	s11 =	rddreg [dreg:$0xa];
	[sflag:s18] =	ssyncadd.s32 $0xFFFFC000  }
0xb7: {  	[spmem:s2] =	stream.indirect.scatter.add.f32 [tilespmem:s14], [sflag:$0x3], $0x80, s11, s17, $0xb8;
	[tilespmem:$0x1C800] =	vst v63  }
0xb8: {  	_ =	swait.ge [sflag:s24], $0x4000  }
0xb9: {  	[sflag:s24] =	ssyncset.done $0x0  }
0xba: {  	s12 =	rddreg [dreg:$0xb];
	[sflag:s24] =	ssyncadd.s32 $0xFFFFC000  }
0xbb: {  	[tilespmem:s21], [sflag:$0x2] =	stream.indirect.gather [hbm4b:s4+s17], $0x80, s12, s17, $0xb8;
	[tilespmem:$0x1C800] =	vst v63  }
0xbc: {  	_ =	swait.ge [sflag:s22], $0x4000  }
0xbd: {  	[sflag:s22] =	ssyncset.done $0x0  }
0xbe: {  	s13 =	rddreg [dreg:$0xc];
	[sflag:s22] =	ssyncadd.s32 $0xFFFFC000  }
0xbf: {  	[spmem:s2] =	stream.indirect.scatter.add.f32 [tilespmem:s21], [sflag:$0x4], $0x80, s13, s17, $0xb8;
	[tilespmem:$0x1C800] =	vst v63  }
0xc0: {  	_ =	swait.ge [sflag:s23], $0x4000  }
0xc1: {  	[sflag:s23] =	ssyncset.done $0x0  }
0xc2: {  	[sflag:s23] =	ssyncadd.s32 $0xFFFFC000  }
0xc3: {  	_ =	swait.ge [sflag:s25], $0x200  }
0xc4: {  	[sflag:s25] =	ssyncset.done $0x0  }
0xc5: {  	[sflag:s25] =	ssyncadd.s32 $0xFFFFFE00  }
0xc6: {  	_ =	swait.ge [sflag:s25], $0x200  }
0xc7: {  	[sflag:s25] =	ssyncset.done $0x0  }
0xc8: {  	[sflag:s25] =	ssyncadd.s32 $0xFFFFFE00  }
0xc9: {  	[tilespmem:s14], [sflag:$0x1] =	stream.indirect.gather [hbm4b:s4+s17], $0x80, s19, s17, $0xb8;
	[tilespmem:$0x1C800] =	vst v63  }
0xca: {  	_ =	swait.ge [sflag:s18], $0x4000  }
0xcb: {  	[sflag:s18] =	ssyncset.done $0x0  }
0xcc: {  	[sflag:s18] =	ssyncadd.s32 $0xFFFFC000  }
0xcd: {  	[spmem:s2] =	stream.indirect.scatter.add.f32 [tilespmem:s14], [sflag:$0x3], $0x80, s20, s17, $0xb8;
	[tilespmem:$0x1C800] =	vst v63  }
0xce: {  	_ =	swait.ge [sflag:s24], $0x4000  }
0xcf: {  	s1 =	sadd.s32 $0x1, s1;
	s8 =	rddreg [dreg:$0x5]  }
0xd0: {  	p1 =	sgt.u32 s1, $0x8;
	[sflag:s24] =	ssyncset.done $0x0;
	s11 =	rddreg [dreg:$0x4]  }
0xd1: {  	[sflag:s24] =	ssyncadd.s32 $0xFFFFC000;
	s12 =	sadd.s32 @!p1 s7, s8;
	s8 =	simm.s32 @!p1 $0x0  }
0xd2: {  	[tilespmem:s8], [sflag:$0x5] =	stream.linear.gather @!p1 [hbm4b:s12+s8], $0x200, $0x38;
	[tilespmem:$0x1C800] =	vst v63  }
0xd3: {  	s7 =	sadd.s32 @!p1 s7, s11;
	s11 =	simm.s32 @!p1 $0x400  }
0xd4: {  	[tilespmem:s11], [sflag:$0x5] =	stream.linear.gather @!p1 [hbm4b:s7+s8], $0x200, $0x38;
	[tilespmem:$0x1C800] =	vst v63  }
0xd5: {  	s13 =	rddreg [dreg:$0xd]  }
0xd6: {  	[tilespmem:s21], [sflag:$0x2] =	stream.indirect.gather [hbm4b:s4+s17], $0x80, s13, s17, $0xb8;
	[tilespmem:$0x1C800] =	vst v63  }
0xd7: {  	_ =	swait.ge [sflag:s22], $0x4000  }
0xd8: {  	[sflag:s22] =	ssyncset.done $0x0  }
0xd9: {  	[sflag:s22] =	ssyncadd.s32 $0xFFFFC000  }
0xda: {  	[spmem:s2] =	stream.indirect.scatter.add.f32 [tilespmem:s21], [sflag:$0x4], $0x80, s26, s17, $0xb8;
	[tilespmem:$0x1C800] =	vst v63  }
0xdb: {  	_ =	swait.ge [sflag:s23], $0x4000  }
0xdc: {  	[sflag:s23] =	ssyncset.done $0x0  }
0xdd: {  	[sflag:s23] =	ssyncadd.s32 $0xFFFFC000  }
0xde: {  	[tilespmem:s14], [sflag:$0x1] =	stream.indirect.gather [hbm4b:s4+s17], $0x80, s28, s17, $0xb8;
	[tilespmem:$0x1C800] =	vst v63  }
0xdf: {  	_ =	swait.ge [sflag:s18], $0x4000  }
0xe0: {  	[sflag:s18] =	ssyncset.done $0x0  }
0xe1: {  	[sflag:s18] =	ssyncadd.s32 $0xFFFFC000  }
0xe2: {  	[spmem:s2] =	stream.indirect.scatter.add.f32 [tilespmem:s14], [sflag:$0x3], $0x80, s29, s17, $0xb8;
	[tilespmem:$0x1C800] =	vst v63  }
0xe3: {  	_ =	swait.ge [sflag:s24], $0x4000  }
0xe4: {  	[sflag:s24] =	ssyncset.done $0x0  }
0xe5: {  	[sflag:s24] =	ssyncadd.s32 $0xFFFFC000  }
0xe6: {  	[tilespmem:s21], [sflag:$0x2] =	stream.indirect.gather [hbm4b:s4+s17], $0x80, s30, s17, $0xb8;
	[tilespmem:$0x1C800] =	vst v63  }
0xe7: {  	_ =	swait.ge [sflag:s22], $0x4000  }
0xe8: {  	[sflag:s22] =	ssyncset.done $0x0  }
0xe9: {  	[sflag:s22] =	ssyncadd.s32 $0xFFFFC000  }
0xea: {  	[spmem:s2] =	stream.indirect.scatter.add.f32 [tilespmem:s21], [sflag:$0x4], $0x80, s31, s17, $0xb8;
	[tilespmem:$0x1C800] =	vst v63  }
0xeb: {  	_ =	swait.ge [sflag:s23], $0x4000  }
0xec: {  	s6 =	sadd.s32 $0x80, s6;
	[sflag:s23] =	ssyncset.done $0x0  }
0xed: {  	p0 =	sne.s32 s6, $0x500;
	s7 =	simm.s32 @!p1 $0x5;
	[sflag:s23] =	ssyncadd.s32 $0xFFFFC000  }
.Ltmp1:
0xee: {  	_ =	swait.ge @!p1 [sflag:s7], $0x200;
	(pc) =	sbr.rel @p0 .LBB2_4-.Ltmp1, $4  }
0xef: {  	[sflag:s7] =	ssyncset.done @!p1 $0x0  }
0xf0: {  	[sflag:s7] =	ssyncadd.s32 @!p1 $0xFFFFFE00  }
0xf1: {  	_ =	swait.ge @!p1 [sflag:s7], $0x200  }
0xf2: {  	s12 =	simm.s32 @!p1 $0x800;
	s11 =	simm.s32 @!p1 $0x80;
	[sflag:s7] =	ssyncset.done @!p1 $0x0  }
0xf3: {  	[sflag:s7] =	ssyncadd.s32 @!p1 $0xFFFFFE00  }
0xf4: {  	[tilespmem:s12], [sflag:$0x1] =	stream.indirect.gather @!p1 [hbm4b:s4+s11], $0x80, s8, s11, $0xb8;
	[tilespmem:$0x1C800] =	vst v63  }
0xf5: {  	_ =	swait.ge [sflag:s24], $0x4000  }
0xf6: {  	[sflag:s24] =	ssyncset.done $0x0  }
0xf7: {  	s1 =	stileid.u32;
	[sflag:s24] =	ssyncadd.s32 $0xFFFFC000  }
0xf8: {  	s1 =	sshll.u32 s1, $0x6;
	[bflag:$0x0] =	sbarrier.arrive $0xFFFF  }
0xf9: {  	s6 =	sshrl.u32 s5, $0x3;
	s1 =	sor.u32 $0x1C06, s1;
	s12 =	rddreg [dreg:$0x12]  }
0xfa: {  	[hbm:s12], [sflag:s1] =	dma.local [spmem:s6], $0x2800  }
0xfb: {  	_ =	swait.ge [sflag:s15], $0x2800  }
0xfc: {  	s0 =	sadd.s32 $0x1, s0;
	s13 =	rddreg [dreg:$0x13]  }
0xfd: {  	p0 =	sne.s32 s0, s13  }
.Ltmp2:
0xfe: {  	_ = 	snop;
	(pc) =	sbr.rel @p0 .LBB2_1-.Ltmp2, $3  }
0xff: {  	_ =	sdelay $0x1  }
0x100: {  	[sflag:s15] =	ssyncset.done $0x0  }
0x101: {  	[sflag:s15] =	ssyncadd.s32 $0xFFFFD800  }
0x102: {  	_ =	sfence.sel $0x180000  }
0x103: {  	[bflag:$0x0] =	sbarrier.arrive $0xFFFF  }
0x104: {  	_ =	strace $0x90000047  }
0x105: {  	s0 =	stileid.u32;
	[bflag:$0x2] =	sbarrier.arrive $0xFFFF  }
0x106: {  	p0 =	sne.s32 s0, $0x0;
	s0 =	rddreg [dreg:$0x3]  }
0x107: {  	s0 =	sadd.s32 @!p0 $0x100000, s0  }
0x108: {  	[sflag:s0] =	ssyncadd.tile.s32 @!p0 $0x1;
	_ =	shalt  }
.Lfunc_end2:
_tile_overlayer_lowered:
.L_overlay_start_2:
0x109: {  	(tag) =	ssettag $0x2  }
0x10a: {  	s0 =	rddreg [dreg:$0x0];
	s2 =	stileid.u32  }
0x10b: {  	s1 =	rddreg [dreg:$0x1];
	p0 =	sne.s32 s2, $0x0  }
0x10c: {  	s3 =	rddreg [dreg:$0x2];
	[bflag:$0x3] =	sbarrier.arrive $0xFFFF;
	s2 =	simm.s32 @!p0 $0x1C06  }
0x10d: {  	[timem:s3], [sflag:s2] =	dma.local @!p0 [hbm:s0], s1  }
0x10e: {  	s0 =	simm.s32 @!p0 $0x6  }
0x10f: {  	_ =	swait.ge @!p0 [sflag:s0], s1  }
0x110: {  	s1 =	ssub.s32 @!p0 $0x0, s1;
	[sflag:s0] =	ssyncset.done @!p0 $0x0  }
0x111: {  	[sflag:s0] =	ssyncadd.s32 @!p0 s1  }
0x112: {  	[bflag:$0x3] =	sbarrier.arrive $0xFFFF  }
0x113: {  	_ =	shalt  }

</sc_bundles>
